<compile_context>
chip_gen: v7x
topology: tpu7x:2x2x1
jax: 0.10.2.dev20260603
libtpu: 0.0.44.dev20260713+nightly
codegen_flags: <defaults>
</compile_context>

<pallas_src>
import functools

import jax
import jax.numpy as jnp
from jax import lax
from jax.experimental import pallas as pl
from jax.experimental.pallas import tpu as pltpu
from jax.experimental.pallas import tpu_sc as plsc

_NC = 2
_NS = 16
_NW = _NC * _NS
_K = 80
_KC = 128
_L = 16
_SH = 14


def _sc_mesh():
    return plsc.VectorSubcoreMesh(core_axis_name="c", subcore_axis_name="s")


def _sc_params():
    return pltpu.CompilerParams(needs_layout_passes=False)


def _row_split(n):
    ch = (n // _NS) // 8 * 8
    tail = n - _NS * ch
    assert ch % 8 == 0 and tail % 8 == 0 and tail >= 0
    return ch, tail


def _make_part(E, N):
    epw = E // _NW
    nj = epw // _K
    half = N // 2
    cap = epw + _KC
    assert epw * _NW == E and nj * _K == epw and cap % 8 == 0
    assert N < (1 << _SH) and half % 8 == 0

    out_types = (
        jax.ShapeDtypeStruct((2 * _NW * cap,), jnp.int32),
        jax.ShapeDtypeStruct((_NW * _L,), jnp.int32),
    )

    @functools.partial(
        pl.kernel,
        out_type=out_types,
        mesh=_sc_mesh(),
        compiler_params=_sc_params(),
        scratch_types=[
            pltpu.VMEM((nj, _K), jnp.int32),
            pltpu.VMEM((nj, _K), jnp.int32),
            pltpu.VMEM((cap,), jnp.int32),
            pltpu.VMEM((cap,), jnp.int32),
            pltpu.VMEM((_L,), jnp.int32),
        ],
    )
    def part_k(src_hbm, dst_hbm, pk_hbm, cnt_hbm, sbuf, dbuf, pa, pb, cnt_v):
        c = lax.axis_index("c")
        s = lax.axis_index("s")
        wid = s * _NC + c
        pltpu.sync_copy(src_hbm.at[wid], sbuf)
        pltpu.sync_copy(dst_hbm.at[wid], dbuf)

        pad_pk = lax.iota(jnp.int32, _L) * 577 + (half << _SH)

        def pre(i, carry):
            o = pl.multiple_of(i * _L, 8)
            pa[pl.ds(o, _L)] = pad_pk
            pb[pl.ds(o, _L)] = pad_pk
            return carry

        lax.fori_loop(0, cap // _L, pre, 0)

        def body(j, carry):
            offa, offb = carry
            for k in range(_K // _L):
                sv = sbuf[j, pl.ds(k * _L, _L)]
                dv = dbuf[j, pl.ds(k * _L, _L)]
                ma = dv < half
                mb = jnp.logical_not(ma)
                mai = ma.astype(jnp.int32)
                mbi = mb.astype(jnp.int32)
                ia = offa + plsc.cumsum(mai) - mai
                ib = offb + plsc.cumsum(mbi) - mbi
                dl = jnp.where(ma, dv, dv - half)
                pk = sv | (dl << _SH)
                plsc.store_scatter(pa, [ia], pk, mask=ma)
                plsc.store_scatter(pb, [ib], pk, mask=mb)
                na = jnp.sum(mai)
                offa = offa + na
                offb = offb + (_L - na)
            return offa, offb

        offa, offb = lax.fori_loop(0, nj, body, (0, 0))

        pltpu.sync_copy(pa, pk_hbm.at[pl.ds(wid * cap, cap)])
        pltpu.sync_copy(pb, pk_hbm.at[pl.ds((_NW + wid) * cap, cap)])
        io = lax.iota(jnp.int32, _L)
        cnt_v[...] = jnp.where(io == 0, offa, jnp.where(io == 1, offb, 0))
        pltpu.sync_copy(cnt_v, cnt_hbm.at[pl.ds(wid * _L, _L)])

    return part_k


def _make_scatter(E, N, D):
    epw = E // _NW
    half = N // 2
    cap = epw + _KC
    nacc = half + 8
    ach, atail = _row_split(half)
    mask14 = (1 << _SH) - 1

    @functools.partial(
        pl.kernel,
        out_type=jax.ShapeDtypeStruct((N, D), jnp.float32),
        mesh=_sc_mesh(),
        compiler_params=_sc_params(),
        scratch_types=[
            pltpu.VMEM((cap,), jnp.int32),
            pltpu.VMEM((_KC,), jnp.int32),
            pltpu.VMEM((_KC,), jnp.int32),
            pltpu.VMEM((_KC,), jnp.int32),
            pltpu.VMEM((_KC,), jnp.int32),
            pltpu.VMEM((_KC, D), jnp.float32),
            pltpu.VMEM((_KC, D), jnp.float32),
            pltpu.VMEM((_L,), jnp.int32),
            pltpu.VMEM((_L,), jnp.int32),
            pltpu.VMEM_SHARED((nacc, D), jnp.float32),
            pltpu.SemaphoreType.DMA,
            pltpu.SemaphoreType.DMA,
        ],
    )
    def scat_k(y_hbm, pk_hbm, cnt_hbm, f_hbm, zeros_hbm, out_hbm, pkreg,
               si0, di0, si1, di1, rows0, rows1, cnt_v, f_v, acc_sh,
               sem0, sem1):
        c = lax.axis_index("c")
        s = lax.axis_index("s")
        row0 = pl.multiple_of(s * ach, 8)
        pltpu.sync_copy(zeros_hbm, acc_sh.at[pl.ds(row0, ach)])

        @pl.when(s == _NS - 1)
        def _zt():
            pltpu.sync_copy(zeros_hbm.at[pl.ds(0, atail)],
                            acc_sh.at[pl.ds(half - atail, atail)])

        pltpu.sync_copy(f_hbm, f_v)
        isdeg = f_v[...][0]

        @pl.when(isdeg != 0)
        def _fill_ones():
            one16 = jnp.full((_L,), 1.0, jnp.float32)

            def fill(j, carry):
                for kk in range(D // _L):
                    rows0[j, pl.ds(kk * _L, _L)] = one16
                return carry

            lax.fori_loop(0, _KC, fill, 0)

        plsc.subcore_barrier()

        def unpack(i, si, di):
            for k in range(_KC // _L):
                pk = pkreg[pl.ds(i * _KC + k * _L, _L)]
                si[pl.ds(k * _L, _L)] = pk & mask14
                di[pl.ds(k * _L, _L)] = lax.shift_right_logical(pk, _SH)

        for r in range(2):
            w = 2 * s + r
            pltpu.sync_copy(cnt_hbm.at[pl.ds(w * _L, _L)], cnt_v)
            cvec = cnt_v[...]
            cnt = jnp.where(c == 0, cvec[0], cvec[1])
            nch = lax.div(cnt + (_KC - 1), _KC)
            regbase = pl.multiple_of((c * _NW + w) * cap, 8)
            pltpu.sync_copy(pk_hbm.at[pl.ds(regbase, cap)], pkreg)

            @pl.when(isdeg != 0)
            def _deg_loop():
                def dbody(i, carry):
                    unpack(i, si0, di0)
                    pltpu.sync_copy(rows0, acc_sh.at[di0], add=True)
                    return carry

                lax.fori_loop(0, nch, dbody, 0)

            @pl.when(isdeg == 0)
            def _main_loop():
                @pl.when(nch > 0)
                def _prime():
                    unpack(0, si0, di0)
                    pltpu.async_copy(y_hbm.at[si0], rows0, sem0)

                def pbody(i2, carry):
                    i0 = 2 * i2
                    i1 = i0 + 1

                    @pl.when(i1 < nch)
                    def _g1():
                        unpack(i1, si1, di1)
                        pltpu.async_copy(y_hbm.at[si1], rows1, sem1)

                    @pl.when(i0 < nch)
                    def _s0():
                        pltpu.make_async_copy(y_hbm.at[si0], rows0,
                                              sem0).wait()
                        pltpu.sync_copy(rows0, acc_sh.at[di0], add=True)

                    @pl.when(i0 + 2 < nch)
                    def _g0():
                        unpack(i0 + 2, si0, di0)
                        pltpu.async_copy(y_hbm.at[si0], rows0, sem0)

                    @pl.when(i1 < nch)
                    def _s1():
                        pltpu.make_async_copy(y_hbm.at[si1], rows1,
                                              sem1).wait()
                        pltpu.sync_copy(rows1, acc_sh.at[di1], add=True)

                    return carry

                lax.fori_loop(0, lax.div(nch + 1, 2), pbody, 0)

        plsc.subcore_barrier()
        out0 = pl.multiple_of(c * half + s * ach, 8)
        pltpu.sync_copy(acc_sh.at[pl.ds(row0, ach)],
                        out_hbm.at[pl.ds(out0, ach)])

        @pl.when(s == _NS - 1)
        def _ct():
            pltpu.sync_copy(acc_sh.at[pl.ds(half - atail, atail)],
                            out_hbm.at[pl.ds(c * half + half - atail, atail)])

    return scat_k


_R = 1000


def _dinv_block(degp_ref):
    return lax.rsqrt(degp_ref[...][:, 0:1] + 1.0)


def _tc_linear_body(h_ref, w_ref, degp_ref, fdeg_ref, y_ref):
    dinv = _dinv_block(degp_ref)
    y = jnp.dot(h_ref[...], w_ref[...],
                preferred_element_type=jnp.float32,
                precision=lax.Precision.HIGHEST) * dinv
    y_ref[...] = jnp.where(fdeg_ref[...] > 0.0, 1.0, y)


def _tc_post_body(acc_ref, y_ref, degp_ref, h_ref, b_ref, frelu_ref,
                  fdeg_ref, hn_ref, degn_ref):
    dinv = _dinv_block(degp_ref)
    hp = dinv * (acc_ref[...] + y_ref[...]) + b_ref[...]
    hp = jnp.where(frelu_ref[...] > 0.0, jnp.maximum(hp, 0.0), hp)
    isdeg = fdeg_ref[...] > 0.0
    hn_ref[...] = jnp.where(isdeg, h_ref[...], hp)
    degn_ref[...] = jnp.where(isdeg, acc_ref[...], degp_ref[...])


def _tc_head_body(h_ref, wc_ref, bc_ref, out_ref):
    out_ref[...] = jnp.dot(h_ref[...], wc_ref[...],
                           preferred_element_type=jnp.float32,
                           precision=lax.Precision.HIGHEST) + bc_ref[...]


def _row_spec(D):
    return pl.BlockSpec((_R, D), lambda i: (i, 0))


def _full_spec(shape):
    nd = len(shape)
    return pl.BlockSpec(shape, lambda i, _nd=nd: (0,) * _nd)


def _tc_linear(h, W, degp, fdeg):
    N, D = h.shape
    return pl.pallas_call(
        _tc_linear_body,
        grid=(N // _R,),
        in_specs=[_row_spec(D), _full_spec((D, D)), _row_spec(D),
                  _full_spec((1, D))],
        out_specs=_row_spec(D),
        out_shape=jax.ShapeDtypeStruct((N, D), jnp.float32),
    )(h, W, degp, fdeg)


def _tc_post(acc, y, degp, h, b, frelu, fdeg):
    N, D = y.shape
    return pl.pallas_call(
        _tc_post_body,
        grid=(N // _R,),
        in_specs=[_row_spec(D), _row_spec(D), _row_spec(D), _row_spec(D),
                  _full_spec((1, D)), _full_spec((1, D)), _full_spec((1, D))],
        out_specs=[_row_spec(D), _row_spec(D)],
        out_shape=[jax.ShapeDtypeStruct((N, D), jnp.float32),
                   jax.ShapeDtypeStruct((N, D), jnp.float32)],
    )(acc, y, degp, h, b, frelu, fdeg)


def _tc_head(h, Wc, bc):
    N, D = h.shape
    return pl.pallas_call(
        _tc_head_body,
        grid=(N // _R,),
        in_specs=[_row_spec(D), _full_spec((D, D)), _full_spec((1, D))],
        out_specs=_row_spec(D),
        out_shape=jax.ShapeDtypeStruct((N, D), jnp.float32),
    )(h, Wc, bc)


def kernel(x, edge_index, W1, b1, W2, b2, Wc, bc):
    N, D = x.shape
    E = edge_index.shape[1]
    epw = E // _NW
    src3 = edge_index[0].reshape(_NW, epw // _K, _K)
    dst3 = edge_index[1].reshape(_NW, epw // _K, _K)
    ach, _ = _row_split(N // 2)

    part_fn = _make_part(E, N)
    scat_fn = _make_scatter(E, N, D)

    zacc = jnp.zeros((ach, D), jnp.float32)
    pk, cnts = part_fn(src3, dst3)

    one_row = jnp.ones((1, D), jnp.float32)
    zero_row = jnp.zeros((1, D), jnp.float32)
    w_st = jnp.stack([W1, W1, W2])
    b_st = jnp.stack([zero_row, b1.reshape(1, D), b2.reshape(1, D)])
    frelu_st = jnp.stack([zero_row, one_row, zero_row])
    fdeg_st = jnp.stack([one_row, zero_row, zero_row])
    fsc_st = jnp.stack([jnp.ones((_L,), jnp.int32),
                        jnp.zeros((_L,), jnp.int32),
                        jnp.zeros((_L,), jnp.int32)])

    def step(carry, xs):
        h, degp = carry
        W, b, frelu, fdeg, fsc = xs
        y = _tc_linear(h, W, degp, fdeg)
        acc = scat_fn(y, pk, cnts, fsc, zacc)
        hn, degn = _tc_post(acc, y, degp, h, b, frelu, fdeg)
        return (hn, degn), None

    degp0 = jnp.zeros((N, D), jnp.float32)
    (h, _), _ = lax.scan(step, (x, degp0),
                         (w_st, b_st, frelu_st, fdeg_st, fsc_st))
    out = _tc_head(h, Wc, bc.reshape(1, D))
    return (h, out)

# --- scband reference (transcript-rebuilt; emitter-appended) ---
"""Pipeline reference for scband-gcl-9251359556274 (READ-ONLY COPY).

The authoritative reference and input builder live on the scoring server;
editing this copy changes nothing except your own understanding.
"""

import jax, jax.numpy as jnp
import numpy as np

N = 10000
E = 320000
D = 128


def _gcn_conv(x, src, dst, W, b, n):
    # x' = D^{-1/2} (A + I) D^{-1/2} X W + b  (PyG GCNConv default: add self loops, symmetric norm)
    x = x @ W
    loop = jnp.arange(n, dtype=src.dtype)
    src2 = jnp.concatenate([src, loop])
    dst2 = jnp.concatenate([dst, loop])
    deg = jax.ops.segment_sum(jnp.ones(src2.shape, dtype=x.dtype), dst2, num_segments=n)
    dinv = jnp.where(deg > 0, 1.0 / jnp.sqrt(deg), 0.0)
    norm = dinv[src2] * dinv[dst2]
    msg = x[src2] * norm[:, None]
    out = jax.ops.segment_sum(msg, dst2, num_segments=n)
    return out + b


def setup_inputs(seed: int = 0):
    key = jax.random.key(seed)
    ks = jax.random.split(key, 8)
    s = 1.0 / np.sqrt(D)
    inp = {
        "x": jax.random.normal(ks[0], (N, D), dtype=jnp.float32),
        "edge_index": jax.random.randint(ks[1], (2, E), 0, N, dtype=jnp.int32),
        "W1": jax.random.uniform(ks[2], (D, D), dtype=jnp.float32, minval=-s, maxval=s),
        "b1": jnp.zeros((D,), dtype=jnp.float32),
        "W2": jax.random.uniform(ks[3], (D, D), dtype=jnp.float32, minval=-s, maxval=s),
        "b2": jnp.zeros((D,), dtype=jnp.float32),
        "Wc": jax.random.uniform(ks[4], (D, D), dtype=jnp.float32, minval=-s, maxval=s),
        "bc": jax.random.uniform(ks[5], (D,), dtype=jnp.float32, minval=-s, maxval=s),
    }
    return inp


def reference(x, edge_index, W1, b1, W2, b2, Wc, bc):
    src = edge_index[0]
    dst = edge_index[1]
    h = _gcn_conv(x, src, dst, W1, b1, N)
    h = jax.nn.relu(h)
    h = _gcn_conv(h, src, dst, W2, b2, N)
    out = h @ Wc + bc
    return (h, out)

if __name__ == "__main__":
    import jax
    _d = setup_inputs()
    print(jax.jit(kernel)(*tuple(_d.values())))

</pallas_src>

<mosaic_0001>
#map = affine_map<(d0, d1) -> (0, 0)>
#map1 = affine_map<(d0, d1) -> (0)>
module attributes {stable_mosaic.version = 14 : i64} {
  func.func @scat_k(%arg0: i32, %arg1: i32, %arg2: memref<10000x128xf32, #tpu.memory_space<hbm>>, %arg3: memref<648192xi32, #tpu.memory_space<hbm>>, %arg4: memref<512xi32, #tpu.memory_space<hbm>>, %arg5: memref<16xi32, #tpu.memory_space<hbm>>, %arg6: memref<312x128xf32, #tpu.memory_space<hbm>>, %arg7: memref<10000x128xf32, #tpu.memory_space<hbm>>, %arg8: memref<10128xi32, #tpu.memory_space<vmem>>, %arg9: memref<128xi32, #tpu.memory_space<vmem>>, %arg10: memref<128xi32, #tpu.memory_space<vmem>>, %arg11: memref<128xi32, #tpu.memory_space<vmem>>, %arg12: memref<128xi32, #tpu.memory_space<vmem>>, %arg13: memref<128x128xf32, #tpu.memory_space<vmem>>, %arg14: memref<128x128xf32, #tpu.memory_space<vmem>>, %arg15: memref<16xi32, #tpu.memory_space<vmem>>, %arg16: memref<16xi32, #tpu.memory_space<vmem>>, %arg17: memref<5008x128xf32, #tpu.memory_space<vmem_shared>>, %arg18: memref<!tpu.dma_semaphore, #tpu.memory_space<semaphore_mem>>, %arg19: memref<!tpu.dma_semaphore, #tpu.memory_space<semaphore_mem>>) attributes {dimension_semantics = [#tpu.dimension_semantics<core_parallel>, #tpu.dimension_semantics<subcore_parallel>], iteration_bounds = array<i64: 2, 16>, scalar_prefetch = 0 : i64, scratch_operands = 12 : i64, tpu.core_type = #tpu.core_type<sc_vector_subcore>, window_params = [{transform_indices = #map}, {transform_indices = #map1}, {transform_indices = #map1}, {transform_indices = #map1}, {transform_indices = #map}, {transform_indices = #map}]} {
    %mul3A = arith.constant 312 : i32
    %mul3A_0 = arith.muli %arg1, %mul3A : i32
    %multiple_of3A = tpu.assume_multiple %mul3A_0, 8 : i32
    "tpu.region"() ({
      %run_scoped3A = tpu.sem_alloc : memref<!tpu.dma_semaphore, #tpu.memory_space<semaphore_mem>>
      %dma_start3A = arith.constant 0 : i32
      %dma_start3A_87 = tpu.memref_slice %arg17[%multiple_of3A, %dma_start3A] : memref<5008x128xf32, #tpu.memory_space<vmem_shared>> -> memref<312x128xf32, #tpu.memory_space<vmem_shared>>
      tpu.enqueue_dma source(%arg6 : memref<312x128xf32, #tpu.memory_space<hbm>>) target(%dma_start3A_87 : memref<312x128xf32, #tpu.memory_space<vmem_shared>>) target_semaphore(%run_scoped3A : memref<!tpu.dma_semaphore, #tpu.memory_space<semaphore_mem>>)
      %dma_wait3A = arith.constant 0 : i32
      %dma_wait3A_88 = tpu.memref_slice %arg17[%multiple_of3A, %dma_wait3A] : memref<5008x128xf32, #tpu.memory_space<vmem_shared>> -> memref<312x128xf32, #tpu.memory_space<vmem_shared>>
      tpu.wait_dma2 semaphore(%run_scoped3A : memref<!tpu.dma_semaphore, #tpu.memory_space<semaphore_mem>>) src(%arg6 : memref<312x128xf32, #tpu.memory_space<hbm>>) dst(%dma_wait3A_88 : memref<312x128xf32, #tpu.memory_space<vmem_shared>>)
      tpu.yield
    }) : () -> ()
    %eq3A = arith.constant 15 : i32
    %eq3A_1 = arith.cmpi eq, %arg1, %eq3A : i32
    %convert_element_type3A = arith.extui %eq3A_1 : i1 to i32
    %cond3A = arith.constant 0 : i32
    %cond3A_2 = arith.cmpi ne, %convert_element_type3A, %cond3A : i32
    scf.if %cond3A_2 {
      "tpu.region"() ({
        %run_scoped3A = tpu.sem_alloc : memref<!tpu.dma_semaphore, #tpu.memory_space<semaphore_mem>>
        %dma_start3A = arith.constant 4992 : i32
        %dma_start3A_87 = arith.constant 0 : i32
        %dma_start3A_88 = tpu.memref_slice %arg17[%dma_start3A, %dma_start3A_87] : memref<5008x128xf32, #tpu.memory_space<vmem_shared>> -> memref<8x128xf32, #tpu.memory_space<vmem_shared>>
        %dma_start3A_89 = arith.constant 0 : i32
        %dma_start3A_90 = arith.constant 0 : i32
        %dma_start3A_91 = tpu.memref_slice %arg6[%dma_start3A_89, %dma_start3A_90] : memref<312x128xf32, #tpu.memory_space<hbm>> -> memref<8x128xf32, #tpu.memory_space<hbm>>
        tpu.enqueue_dma source(%dma_start3A_91 : memref<8x128xf32, #tpu.memory_space<hbm>>) target(%dma_start3A_88 : memref<8x128xf32, #tpu.memory_space<vmem_shared>>) target_semaphore(%run_scoped3A : memref<!tpu.dma_semaphore, #tpu.memory_space<semaphore_mem>>)
        %dma_wait3A = arith.constant 4992 : i32
        %dma_wait3A_92 = arith.constant 0 : i32
        %dma_wait3A_93 = tpu.memref_slice %arg17[%dma_wait3A, %dma_wait3A_92] : memref<5008x128xf32, #tpu.memory_space<vmem_shared>> -> memref<8x128xf32, #tpu.memory_space<vmem_shared>>
        %dma_wait3A_94 = arith.constant 0 : i32
        %dma_wait3A_95 = arith.constant 0 : i32
        %dma_wait3A_96 = tpu.memref_slice %arg6[%dma_wait3A_94, %dma_wait3A_95] : memref<312x128xf32, #tpu.memory_space<hbm>> -> memref<8x128xf32, #tpu.memory_space<hbm>>
        tpu.wait_dma2 semaphore(%run_scoped3A : memref<!tpu.dma_semaphore, #tpu.memory_space<semaphore_mem>>) src(%dma_wait3A_96 : memref<8x128xf32, #tpu.memory_space<hbm>>) dst(%dma_wait3A_93 : memref<8x128xf32, #tpu.memory_space<vmem_shared>>)
        tpu.yield
      }) : () -> ()
    } else {
    }
    "tpu.region"() ({
      %run_scoped3A = tpu.sem_alloc : memref<!tpu.dma_semaphore, #tpu.memory_space<semaphore_mem>>
      tpu.enqueue_dma source(%arg5 : memref<16xi32, #tpu.memory_space<hbm>>) target(%arg16 : memref<16xi32, #tpu.memory_space<vmem>>) target_semaphore(%run_scoped3A : memref<!tpu.dma_semaphore, #tpu.memory_space<semaphore_mem>>)
      tpu.wait_dma2 semaphore(%run_scoped3A : memref<!tpu.dma_semaphore, #tpu.memory_space<semaphore_mem>>) src(%arg5 : memref<16xi32, #tpu.memory_space<hbm>>) dst(%arg16 : memref<16xi32, #tpu.memory_space<vmem>>)
      tpu.yield
    }) : () -> ()
    %get3A = arith.constant 0 : index
    %get3A_3 = tpu.vector_load %arg16[%get3A] {strides = array<i32>} : memref<16xi32, #tpu.memory_space<vmem>>, vector<16xi32>,
    %slice3A = vector.extract_strided_slice %get3A_3 {offsets = [0], sizes = [1], strides = [1]} : vector<16xi32> to vector<1xi32>
    %squeeze3A = vector.extract %slice3A[0] : i32 from vector<1xi32>
    %ne3A = arith.constant 0 : i32
    %ne3A_4 = arith.cmpi ne, %squeeze3A, %ne3A : i32
    %convert_element_type3A_5 = arith.extui %ne3A_4 : i1 to i32
    %cond3A_6 = arith.constant 0 : i32
    %cond3A_7 = arith.cmpi ne, %convert_element_type3A_5, %cond3A_6 : i32
    scf.if %cond3A_7 {
      %broadcast_in_dim3A = arith.constant 1.000000e+00 : f32
      %broadcast_in_dim3A_87 = vector.broadcast %broadcast_in_dim3A : f32 to vector<16xf32>
      %scan3A = arith.constant 0 : i32
      %scan3A_88 = arith.constant 0 : i32
      %scan3A_89 = arith.constant 128 : i32
      %scan3A_90 = arith.addi %scan3A_88, %scan3A_89 : i32
      %scan3A_91 = arith.constant 1 : i32
      scf.for %scan3A_93 = %scan3A_88 to %scan3A_90 step %scan3A_91  : i32 {
        %swap3A = arith.index_cast %scan3A_93 : i32 to index
        %swap3A_94 = arith.constant 0 : index
        %swap3A_95 = tpu.vector_load %arg13[%swap3A, %swap3A_94] {strides = array<i32>} : memref<128x128xf32, #tpu.memory_space<vmem>>, vector<16xf32>,
        tpu.vector_store %arg13[%swap3A, %swap3A_94], %broadcast_in_dim3A_87 {strides = array<i32>} : memref<128x128xf32, #tpu.memory_space<vmem>>, vector<16xf32>,
        %swap3A_96 = arith.index_cast %scan3A_93 : i32 to index
        %swap3A_97 = arith.constant 16 : index
        %swap3A_98 = tpu.vector_load %arg13[%swap3A_96, %swap3A_97] {strides = array<i32>} : memref<128x128xf32, #tpu.memory_space<vmem>>, vector<16xf32>,
        tpu.vector_store %arg13[%swap3A_96, %swap3A_97], %broadcast_in_dim3A_87 {strides = array<i32>} : memref<128x128xf32, #tpu.memory_space<vmem>>, vector<16xf32>,
        %swap3A_99 = arith.index_cast %scan3A_93 : i32 to index
        %swap3A_100 = arith.constant 32 : index
        %swap3A_101 = tpu.vector_load %arg13[%swap3A_99, %swap3A_100] {strides = array<i32>} : memref<128x128xf32, #tpu.memory_space<vmem>>, vector<16xf32>,
        tpu.vector_store %arg13[%swap3A_99, %swap3A_100], %broadcast_in_dim3A_87 {strides = array<i32>} : memref<128x128xf32, #tpu.memory_space<vmem>>, vector<16xf32>,
        %swap3A_102 = arith.index_cast %scan3A_93 : i32 to index
        %swap3A_103 = arith.constant 48 : index
        %swap3A_104 = tpu.vector_load %arg13[%swap3A_102, %swap3A_103] {strides = array<i32>} : memref<128x128xf32, #tpu.memory_space<vmem>>, vector<16xf32>,
        tpu.vector_store %arg13[%swap3A_102, %swap3A_103], %broadcast_in_dim3A_87 {strides = array<i32>} : memref<128x128xf32, #tpu.memory_space<vmem>>, vector<16xf32>,
        %swap3A_105 = arith.index_cast %scan3A_93 : i32 to index
        %swap3A_106 = arith.constant 64 : index
        %swap3A_107 = tpu.vector_load %arg13[%swap3A_105, %swap3A_106] {strides = array<i32>} : memref<128x128xf32, #tpu.memory_space<vmem>>, vector<16xf32>,
        tpu.vector_store %arg13[%swap3A_105, %swap3A_106], %broadcast_in_dim3A_87 {strides = array<i32>} : memref<128x128xf32, #tpu.memory_space<vmem>>, vector<16xf32>,
        %swap3A_108 = arith.index_cast %scan3A_93 : i32 to index
        %swap3A_109 = arith.constant 80 : index
        %swap3A_110 = tpu.vector_load %arg13[%swap3A_108, %swap3A_109] {strides = array<i32>} : memref<128x128xf32, #tpu.memory_space<vmem>>, vector<16xf32>,
        tpu.vector_store %arg13[%swap3A_108, %swap3A_109], %broadcast_in_dim3A_87 {strides = array<i32>} : memref<128x128xf32, #tpu.memory_space<vmem>>, vector<16xf32>,
        %swap3A_111 = arith.index_cast %scan3A_93 : i32 to index
        %swap3A_112 = arith.constant 96 : index
        %swap3A_113 = tpu.vector_load %arg13[%swap3A_111, %swap3A_112] {strides = array<i32>} : memref<128x128xf32, #tpu.memory_space<vmem>>, vector<16xf32>,
        tpu.vector_store %arg13[%swap3A_111, %swap3A_112], %broadcast_in_dim3A_87 {strides = array<i32>} : memref<128x128xf32, #tpu.memory_space<vmem>>, vector<16xf32>,
        %swap3A_114 = arith.index_cast %scan3A_93 : i32 to index
        %swap3A_115 = arith.constant 112 : index
        %swap3A_116 = tpu.vector_load %arg13[%swap3A_114, %swap3A_115] {strides = array<i32>} : memref<128x128xf32, #tpu.memory_space<vmem>>, vector<16xf32>,
        tpu.vector_store %arg13[%swap3A_114, %swap3A_115], %broadcast_in_dim3A_87 {strides = array<i32>} : memref<128x128xf32, #tpu.memory_space<vmem>>, vector<16xf32>,
      }
      %scan3A_92 = arith.constant 128 : i32
    } else {
    }
    %barrier3A = arith.constant 0 : index
    tpu.barrier barrier_id(%barrier3A)
    %mul3A_8 = arith.constant 2 : i32
    %mul3A_9 = arith.muli %mul3A_8, %arg1 : i32
    %add3A = arith.constant 0 : i32
    %add3A_10 = arith.addi %mul3A_9, %add3A : i32
    %mul3A_11 = arith.constant 16 : i32
    %mul3A_12 = arith.muli %add3A_10, %mul3A_11 : i32
    "tpu.region"() ({
      %run_scoped3A = tpu.sem_alloc : memref<!tpu.dma_semaphore, #tpu.memory_space<semaphore_mem>>
      %dma_start3A = tpu.memref_slice %arg4[%mul3A_12] : memref<512xi32, #tpu.memory_space<hbm>> -> memref<16xi32, #tpu.memory_space<hbm>>
      %dma_start3A_87 = tpu.memref_slice %arg4[%mul3A_12] : memref<512xi32, #tpu.memory_space<hbm>> -> memref<16xi32, #tpu.memory_space<hbm>>
      tpu.enqueue_dma source(%dma_start3A_87 : memref<16xi32, #tpu.memory_space<hbm>>) target(%arg15 : memref<16xi32, #tpu.memory_space<vmem>>) target_semaphore(%run_scoped3A : memref<!tpu.dma_semaphore, #tpu.memory_space<semaphore_mem>>)
      %dma_wait3A = tpu.memref_slice %arg4[%mul3A_12] : memref<512xi32, #tpu.memory_space<hbm>> -> memref<16xi32, #tpu.memory_space<hbm>>
      %dma_wait3A_88 = tpu.memref_slice %arg4[%mul3A_12] : memref<512xi32, #tpu.memory_space<hbm>> -> memref<16xi32, #tpu.memory_space<hbm>>
      tpu.wait_dma2 semaphore(%run_scoped3A : memref<!tpu.dma_semaphore, #tpu.memory_space<semaphore_mem>>) src(%dma_wait3A_88 : memref<16xi32, #tpu.memory_space<hbm>>) dst(%arg15 : memref<16xi32, #tpu.memory_space<vmem>>)
      tpu.yield
    }) : () -> ()
    %get3A_13 = arith.constant 0 : index
    %get3A_14 = tpu.vector_load %arg15[%get3A_13] {strides = array<i32>} : memref<16xi32, #tpu.memory_space<vmem>>, vector<16xi32>,
    %eq3A_15 = arith.constant 0 : i32
    %eq3A_16 = arith.cmpi eq, %arg0, %eq3A_15 : i32
    %slice3A_17 = vector.extract_strided_slice %get3A_14 {offsets = [0], sizes = [1], strides = [1]} : vector<16xi32> to vector<1xi32>
    %squeeze3A_18 = vector.extract %slice3A_17[0] : i32 from vector<1xi32>
    %slice3A_19 = vector.extract_strided_slice %get3A_14 {offsets = [1], sizes = [1], strides = [1]} : vector<16xi32> to vector<1xi32>
    %squeeze3A_20 = vector.extract %slice3A_19[0] : i32 from vector<1xi32>
    %select_n3A = arith.select %eq3A_16, %squeeze3A_18, %squeeze3A_20 : i32
    %add3A_21 = arith.constant 127 : i32
    %add3A_22 = arith.addi %select_n3A, %add3A_21 : i32
    %div3A = arith.constant 128 : i32
    %div3A_23 = arith.divsi %add3A_22, %div3A : i32
    %mul3A_24 = arith.constant 32 : i32
    %mul3A_25 = arith.muli %arg0, %mul3A_24 : i32
    %add3A_26 = arith.addi %mul3A_25, %add3A_10 : i32
    %mul3A_27 = arith.constant 10128 : i32
    %mul3A_28 = arith.muli %add3A_26, %mul3A_27 : i32
    %multiple_of3A_29 = tpu.assume_multiple %mul3A_28, 8 : i32
    "tpu.region"() ({
      %run_scoped3A = tpu.sem_alloc : memref<!tpu.dma_semaphore, #tpu.memory_space<semaphore_mem>>
      %dma_start3A = tpu.memref_slice %arg3[%multiple_of3A_29] : memref<648192xi32, #tpu.memory_space<hbm>> -> memref<10128xi32, #tpu.memory_space<hbm>>
      %dma_start3A_87 = tpu.memref_slice %arg3[%multiple_of3A_29] : memref<648192xi32, #tpu.memory_space<hbm>> -> memref<10128xi32, #tpu.memory_space<hbm>>
      tpu.enqueue_dma source(%dma_start3A_87 : memref<10128xi32, #tpu.memory_space<hbm>>) target(%arg8 : memref<10128xi32, #tpu.memory_space<vmem>>) target_semaphore(%run_scoped3A : memref<!tpu.dma_semaphore, #tpu.memory_space<semaphore_mem>>)
      %dma_wait3A = tpu.memref_slice %arg3[%multiple_of3A_29] : memref<648192xi32, #tpu.memory_space<hbm>> -> memref<10128xi32, #tpu.memory_space<hbm>>
      %dma_wait3A_88 = tpu.memref_slice %arg3[%multiple_of3A_29] : memref<648192xi32, #tpu.memory_space<hbm>> -> memref<10128xi32, #tpu.memory_space<hbm>>
      tpu.wait_dma2 semaphore(%run_scoped3A : memref<!tpu.dma_semaphore, #tpu.memory_space<semaphore_mem>>) src(%dma_wait3A_88 : memref<10128xi32, #tpu.memory_space<hbm>>) dst(%arg8 : memref<10128xi32, #tpu.memory_space<vmem>>)
      tpu.yield
    }) : () -> ()
    %ne3A_30 = arith.constant 0 : i32
    %ne3A_31 = arith.cmpi ne, %squeeze3A, %ne3A_30 : i32
    %convert_element_type3A_32 = arith.extui %ne3A_31 : i1 to i32
    %cond3A_33 = arith.constant 0 : i32
    %cond3A_34 = arith.cmpi ne, %convert_element_type3A_32, %cond3A_33 : i32
    scf.if %cond3A_34 {
      %while3A = arith.constant 0 : i32
      %while3A_87 = arith.constant 0 : i32
      %while3A_88 = arith.subi %div3A_23, %while3A_87 : i32
      %while3A_89 = arith.addi %while3A_87, %while3A_88 : i32
      %while3A_90 = arith.constant 1 : i32
      %while3A_91 = arith.divsi %while3A_88, %while3A_90 : i32
      %while3A_92 = arith.muli %while3A_91, %while3A_90 : i32
      %while3A_93 = arith.addi %while3A_87, %while3A_92 : i32
      %while3A_94 = arith.constant 1 : i32
      scf.for %while3A_96 = %while3A_87 to %while3A_93 step %while3A_94  : i32 {
        %mul3A_97 = arith.constant 128 : i32
        %mul3A_98 = arith.muli %while3A_96, %mul3A_97 : i32
        %add3A_99 = arith.constant 0 : i32
        %add3A_100 = arith.addi %mul3A_98, %add3A_99 : i32
        %get3A_101 = arith.index_cast %add3A_100 : i32 to index
        %get3A_102 = tpu.vector_load %arg8[%get3A_101] {strides = array<i32>} : memref<10128xi32, #tpu.memory_space<vmem>>, vector<16xi32>,
        %and3A = arith.constant 16383 : i32
        %and3A_103 = vector.broadcast %and3A : i32 to vector<16xi32>
        %and3A_104 = arith.andi %get3A_102, %and3A_103 : vector<16xi32>
        %swap3A = arith.constant 0 : index
        %swap3A_105 = tpu.vector_load %arg9[%swap3A] {strides = array<i32>} : memref<128xi32, #tpu.memory_space<vmem>>, vector<16xi32>,
        tpu.vector_store %arg9[%swap3A], %and3A_104 {strides = array<i32>} : memref<128xi32, #tpu.memory_space<vmem>>, vector<16xi32>,
        %shift_right_logical3A = arith.constant 14 : i32
        %shift_right_logical3A_106 = vector.broadcast %shift_right_logical3A : i32 to vector<16xi32>
        %shift_right_logical3A_107 = arith.shrui %get3A_102, %shift_right_logical3A_106 : vector<16xi32>
        %swap3A_108 = arith.constant 0 : index
        %swap3A_109 = tpu.vector_load %arg10[%swap3A_108] {strides = array<i32>} : memref<128xi32, #tpu.memory_space<vmem>>, vector<16xi32>,
        tpu.vector_store %arg10[%swap3A_108], %shift_right_logical3A_107 {strides = array<i32>} : memref<128xi32, #tpu.memory_space<vmem>>, vector<16xi32>,
        %mul3A_110 = arith.constant 128 : i32
        %mul3A_111 = arith.muli %while3A_96, %mul3A_110 : i32
        %add3A_112 = arith.constant 16 : i32
        %add3A_113 = arith.addi %mul3A_111, %add3A_112 : i32
        %get3A_114 = arith.index_cast %add3A_113 : i32 to index
        %get3A_115 = tpu.vector_load %arg8[%get3A_114] {strides = array<i32>} : memref<10128xi32, #tpu.memory_space<vmem>>, vector<16xi32>,
        %and3A_116 = arith.constant 16383 : i32
        %and3A_117 = vector.broadcast %and3A_116 : i32 to vector<16xi32>
        %and3A_118 = arith.andi %get3A_115, %and3A_117 : vector<16xi32>
        %swap3A_119 = arith.constant 16 : index
        %swap3A_120 = tpu.vector_load %arg9[%swap3A_119] {strides = array<i32>} : memref<128xi32, #tpu.memory_space<vmem>>, vector<16xi32>,
        tpu.vector_store %arg9[%swap3A_119], %and3A_118 {strides = array<i32>} : memref<128xi32, #tpu.memory_space<vmem>>, vector<16xi32>,
        %shift_right_logical3A_121 = arith.constant 14 : i32
        %shift_right_logical3A_122 = vector.broadcast %shift_right_logical3A_121 : i32 to vector<16xi32>
        %shift_right_logical3A_123 = arith.shrui %get3A_115, %shift_right_logical3A_122 : vector<16xi32>
        %swap3A_124 = arith.constant 16 : index
        %swap3A_125 = tpu.vector_load %arg10[%swap3A_124] {strides = array<i32>} : memref<128xi32, #tpu.memory_space<vmem>>, vector<16xi32>,
        tpu.vector_store %arg10[%swap3A_124], %shift_right_logical3A_123 {strides = array<i32>} : memref<128xi32, #tpu.memory_space<vmem>>, vector<16xi32>,
        %mul3A_126 = arith.constant 128 : i32
        %mul3A_127 = arith.muli %while3A_96, %mul3A_126 : i32
        %add3A_128 = arith.constant 32 : i32
        %add3A_129 = arith.addi %mul3A_127, %add3A_128 : i32
        %get3A_130 = arith.index_cast %add3A_129 : i32 to index
        %get3A_131 = tpu.vector_load %arg8[%get3A_130] {strides = array<i32>} : memref<10128xi32, #tpu.memory_space<vmem>>, vector<16xi32>,
        %and3A_132 = arith.constant 16383 : i32
        %and3A_133 = vector.broadcast %and3A_132 : i32 to vector<16xi32>
        %and3A_134 = arith.andi %get3A_131, %and3A_133 : vector<16xi32>
        %swap3A_135 = arith.constant 32 : index
        %swap3A_136 = tpu.vector_load %arg9[%swap3A_135] {strides = array<i32>} : memref<128xi32, #tpu.memory_space<vmem>>, vector<16xi32>,
        tpu.vector_store %arg9[%swap3A_135], %and3A_134 {strides = array<i32>} : memref<128xi32, #tpu.memory_space<vmem>>, vector<16xi32>,
        %shift_right_logical3A_137 = arith.constant 14 : i32
        %shift_right_logical3A_138 = vector.broadcast %shift_right_logical3A_137 : i32 to vector<16xi32>
        %shift_right_logical3A_139 = arith.shrui %get3A_131, %shift_right_logical3A_138 : vector<16xi32>
        %swap3A_140 = arith.constant 32 : index
        %swap3A_141 = tpu.vector_load %arg10[%swap3A_140] {strides = array<i32>} : memref<128xi32, #tpu.memory_space<vmem>>, vector<16xi32>,
        tpu.vector_store %arg10[%swap3A_140], %shift_right_logical3A_139 {strides = array<i32>} : memref<128xi32, #tpu.memory_space<vmem>>, vector<16xi32>,
        %mul3A_142 = arith.constant 128 : i32
        %mul3A_143 = arith.muli %while3A_96, %mul3A_142 : i32
        %add3A_144 = arith.constant 48 : i32
        %add3A_145 = arith.addi %mul3A_143, %add3A_144 : i32
        %get3A_146 = arith.index_cast %add3A_145 : i32 to index
        %get3A_147 = tpu.vector_load %arg8[%get3A_146] {strides = array<i32>} : memref<10128xi32, #tpu.memory_space<vmem>>, vector<16xi32>,
        %and3A_148 = arith.constant 16383 : i32
        %and3A_149 = vector.broadcast %and3A_148 : i32 to vector<16xi32>
        %and3A_150 = arith.andi %get3A_147, %and3A_149 : vector<16xi32>
        %swap3A_151 = arith.constant 48 : index
        %swap3A_152 = tpu.vector_load %arg9[%swap3A_151] {strides = array<i32>} : memref<128xi32, #tpu.memory_space<vmem>>, vector<16xi32>,
        tpu.vector_store %arg9[%swap3A_151], %and3A_150 {strides = array<i32>} : memref<128xi32, #tpu.memory_space<vmem>>, vector<16xi32>,
        %shift_right_logical3A_153 = arith.constant 14 : i32
        %shift_right_logical3A_154 = vector.broadcast %shift_right_logical3A_153 : i32 to vector<16xi32>
        %shift_right_logical3A_155 = arith.shrui %get3A_147, %shift_right_logical3A_154 : vector<16xi32>
        %swap3A_156 = arith.constant 48 : index
        %swap3A_157 = tpu.vector_load %arg10[%swap3A_156] {strides = array<i32>} : memref<128xi32, #tpu.memory_space<vmem>>, vector<16xi32>,
        tpu.vector_store %arg10[%swap3A_156], %shift_right_logical3A_155 {strides = array<i32>} : memref<128xi32, #tpu.memory_space<vmem>>, vector<16xi32>,
        %mul3A_158 = arith.constant 128 : i32
        %mul3A_159 = arith.muli %while3A_96, %mul3A_158 : i32
        %add3A_160 = arith.constant 64 : i32
        %add3A_161 = arith.addi %mul3A_159, %add3A_160 : i32
        %get3A_162 = arith.index_cast %add3A_161 : i32 to index
        %get3A_163 = tpu.vector_load %arg8[%get3A_162] {strides = array<i32>} : memref<10128xi32, #tpu.memory_space<vmem>>, vector<16xi32>,
        %and3A_164 = arith.constant 16383 : i32
        %and3A_165 = vector.broadcast %and3A_164 : i32 to vector<16xi32>
        %and3A_166 = arith.andi %get3A_163, %and3A_165 : vector<16xi32>
        %swap3A_167 = arith.constant 64 : index
        %swap3A_168 = tpu.vector_load %arg9[%swap3A_167] {strides = array<i32>} : memref<128xi32, #tpu.memory_space<vmem>>, vector<16xi32>,
        tpu.vector_store %arg9[%swap3A_167], %and3A_166 {strides = array<i32>} : memref<128xi32, #tpu.memory_space<vmem>>, vector<16xi32>,
        %shift_right_logical3A_169 = arith.constant 14 : i32
        %shift_right_logical3A_170 = vector.broadcast %shift_right_logical3A_169 : i32 to vector<16xi32>
        %shift_right_logical3A_171 = arith.shrui %get3A_163, %shift_right_logical3A_170 : vector<16xi32>
        %swap3A_172 = arith.constant 64 : index
        %swap3A_173 = tpu.vector_load %arg10[%swap3A_172] {strides = array<i32>} : memref<128xi32, #tpu.memory_space<vmem>>, vector<16xi32>,
        tpu.vector_store %arg10[%swap3A_172], %shift_right_logical3A_171 {strides = array<i32>} : memref<128xi32, #tpu.memory_space<vmem>>, vector<16xi32>,
        %mul3A_174 = arith.constant 128 : i32
        %mul3A_175 = arith.muli %while3A_96, %mul3A_174 : i32
        %add3A_176 = arith.constant 80 : i32
        %add3A_177 = arith.addi %mul3A_175, %add3A_176 : i32
        %get3A_178 = arith.index_cast %add3A_177 : i32 to index
        %get3A_179 = tpu.vector_load %arg8[%get3A_178] {strides = array<i32>} : memref<10128xi32, #tpu.memory_space<vmem>>, vector<16xi32>,
        %and3A_180 = arith.constant 16383 : i32
        %and3A_181 = vector.broadcast %and3A_180 : i32 to vector<16xi32>
        %and3A_182 = arith.andi %get3A_179, %and3A_181 : vector<16xi32>
        %swap3A_183 = arith.constant 80 : index
        %swap3A_184 = tpu.vector_load %arg9[%swap3A_183] {strides = array<i32>} : memref<128xi32, #tpu.memory_space<vmem>>, vector<16xi32>,
        tpu.vector_store %arg9[%swap3A_183], %and3A_182 {strides = array<i32>} : memref<128xi32, #tpu.memory_space<vmem>>, vector<16xi32>,
        %shift_right_logical3A_185 = arith.constant 14 : i32
        %shift_right_logical3A_186 = vector.broadcast %shift_right_logical3A_185 : i32 to vector<16xi32>
        %shift_right_logical3A_187 = arith.shrui %get3A_179, %shift_right_logical3A_186 : vector<16xi32>
        %swap3A_188 = arith.constant 80 : index
        %swap3A_189 = tpu.vector_load %arg10[%swap3A_188] {strides = array<i32>} : memref<128xi32, #tpu.memory_space<vmem>>, vector<16xi32>,
        tpu.vector_store %arg10[%swap3A_188], %shift_right_logical3A_187 {strides = array<i32>} : memref<128xi32, #tpu.memory_space<vmem>>, vector<16xi32>,
        %mul3A_190 = arith.constant 128 : i32
        %mul3A_191 = arith.muli %while3A_96, %mul3A_190 : i32
        %add3A_192 = arith.constant 96 : i32
        %add3A_193 = arith.addi %mul3A_191, %add3A_192 : i32
        %get3A_194 = arith.index_cast %add3A_193 : i32 to index
        %get3A_195 = tpu.vector_load %arg8[%get3A_194] {strides = array<i32>} : memref<10128xi32, #tpu.memory_space<vmem>>, vector<16xi32>,
        %and3A_196 = arith.constant 16383 : i32
        %and3A_197 = vector.broadcast %and3A_196 : i32 to vector<16xi32>
        %and3A_198 = arith.andi %get3A_195, %and3A_197 : vector<16xi32>
        %swap3A_199 = arith.constant 96 : index
        %swap3A_200 = tpu.vector_load %arg9[%swap3A_199] {strides = array<i32>} : memref<128xi32, #tpu.memory_space<vmem>>, vector<16xi32>,
        tpu.vector_store %arg9[%swap3A_199], %and3A_198 {strides = array<i32>} : memref<128xi32, #tpu.memory_space<vmem>>, vector<16xi32>,
        %shift_right_logical3A_201 = arith.constant 14 : i32
        %shift_right_logical3A_202 = vector.broadcast %shift_right_logical3A_201 : i32 to vector<16xi32>
        %shift_right_logical3A_203 = arith.shrui %get3A_195, %shift_right_logical3A_202 : vector<16xi32>
        %swap3A_204 = arith.constant 96 : index
        %swap3A_205 = tpu.vector_load %arg10[%swap3A_204] {strides = array<i32>} : memref<128xi32, #tpu.memory_space<vmem>>, vector<16xi32>,
        tpu.vector_store %arg10[%swap3A_204], %shift_right_logical3A_203 {strides = array<i32>} : memref<128xi32, #tpu.memory_space<vmem>>, vector<16xi32>,
        %mul3A_206 = arith.constant 128 : i32
        %mul3A_207 = arith.muli %while3A_96, %mul3A_206 : i32
        %add3A_208 = arith.constant 112 : i32
        %add3A_209 = arith.addi %mul3A_207, %add3A_208 : i32
        %get3A_210 = arith.index_cast %add3A_209 : i32 to index
        %get3A_211 = tpu.vector_load %arg8[%get3A_210] {strides = array<i32>} : memref<10128xi32, #tpu.memory_space<vmem>>, vector<16xi32>,
        %and3A_212 = arith.constant 16383 : i32
        %and3A_213 = vector.broadcast %and3A_212 : i32 to vector<16xi32>
        %and3A_214 = arith.andi %get3A_211, %and3A_213 : vector<16xi32>
        %swap3A_215 = arith.constant 112 : index
        %swap3A_216 = tpu.vector_load %arg9[%swap3A_215] {strides = array<i32>} : memref<128xi32, #tpu.memory_space<vmem>>, vector<16xi32>,
        tpu.vector_store %arg9[%swap3A_215], %and3A_214 {strides = array<i32>} : memref<128xi32, #tpu.memory_space<vmem>>, vector<16xi32>,
        %shift_right_logical3A_217 = arith.constant 14 : i32
        %shift_right_logical3A_218 = vector.broadcast %shift_right_logical3A_217 : i32 to vector<16xi32>
        %shift_right_logical3A_219 = arith.shrui %get3A_211, %shift_right_logical3A_218 : vector<16xi32>
        %swap3A_220 = arith.constant 112 : index
        %swap3A_221 = tpu.vector_load %arg10[%swap3A_220] {strides = array<i32>} : memref<128xi32, #tpu.memory_space<vmem>>, vector<16xi32>,
        tpu.vector_store %arg10[%swap3A_220], %shift_right_logical3A_219 {strides = array<i32>} : memref<128xi32, #tpu.memory_space<vmem>>, vector<16xi32>,
        "tpu.region"() ({
          %run_scoped3A = tpu.sem_alloc : memref<!tpu.dma_semaphore, #tpu.memory_space<semaphore_mem>>
          %dma_start3A = arith.constant 0 : i32
          %dma_start3A_222 = arith.constant 0 : i32
          %dma_start3A_223 = tpu.memref_slice %arg17[%dma_start3A, %dma_start3A_222] : memref<5008x128xf32, #tpu.memory_space<vmem_shared>> -> memref<5008x128xf32, #tpu.memory_space<vmem_shared>>
          tpu.enqueue_indirect_dma source(%arg13 : memref<128x128xf32, #tpu.memory_space<vmem>>) target(%dma_start3A_223 : memref<5008x128xf32, #tpu.memory_space<vmem_shared>>) offsets(%arg10 : memref<128xi32, #tpu.memory_space<vmem>>) semaphore(%run_scoped3A : memref<!tpu.dma_semaphore, #tpu.memory_space<semaphore_mem>>) {add = true}
          %dma_wait3A = arith.constant 0 : i32
          %dma_wait3A_224 = arith.constant 0 : i32
          %dma_wait3A_225 = tpu.memref_slice %arg17[%dma_wait3A, %dma_wait3A_224] : memref<5008x128xf32, #tpu.memory_space<vmem_shared>> -> memref<5008x128xf32, #tpu.memory_space<vmem_shared>>
          tpu.wait_indirect_dma semaphore(%run_scoped3A : memref<!tpu.dma_semaphore, #tpu.memory_space<semaphore_mem>>) src(%arg13 : memref<128x128xf32, #tpu.memory_space<vmem>>) dst(%dma_wait3A_225 : memref<5008x128xf32, #tpu.memory_space<vmem_shared>>)
          tpu.yield
        }) : () -> ()
      }
      %while3A_95 = arith.constant 1 : i32
      scf.for %while3A_96 = %while3A_93 to %while3A_89 step %while3A_95  : i32 {
        %mul3A_97 = arith.constant 128 : i32
        %mul3A_98 = arith.muli %while3A_96, %mul3A_97 : i32
        %add3A_99 = arith.constant 0 : i32
        %add3A_100 = arith.addi %mul3A_98, %add3A_99 : i32
        %get3A_101 = arith.index_cast %add3A_100 : i32 to index
        %get3A_102 = tpu.vector_load %arg8[%get3A_101] {strides = array<i32>} : memref<10128xi32, #tpu.memory_space<vmem>>, vector<16xi32>,
        %and3A = arith.constant 16383 : i32
        %and3A_103 = vector.broadcast %and3A : i32 to vector<16xi32>
        %and3A_104 = arith.andi %get3A_102, %and3A_103 : vector<16xi32>
        %swap3A = arith.constant 0 : index
        %swap3A_105 = tpu.vector_load %arg9[%swap3A] {strides = array<i32>} : memref<128xi32, #tpu.memory_space<vmem>>, vector<16xi32>,
        tpu.vector_store %arg9[%swap3A], %and3A_104 {strides = array<i32>} : memref<128xi32, #tpu.memory_space<vmem>>, vector<16xi32>,
        %shift_right_logical3A = arith.constant 14 : i32
        %shift_right_logical3A_106 = vector.broadcast %shift_right_logical3A : i32 to vector<16xi32>
        %shift_right_logical3A_107 = arith.shrui %get3A_102, %shift_right_logical3A_106 : vector<16xi32>
        %swap3A_108 = arith.constant 0 : index
        %swap3A_109 = tpu.vector_load %arg10[%swap3A_108] {strides = array<i32>} : memref<128xi32, #tpu.memory_space<vmem>>, vector<16xi32>,
        tpu.vector_store %arg10[%swap3A_108], %shift_right_logical3A_107 {strides = array<i32>} : memref<128xi32, #tpu.memory_space<vmem>>, vector<16xi32>,
        %mul3A_110 = arith.constant 128 : i32
        %mul3A_111 = arith.muli %while3A_96, %mul3A_110 : i32
        %add3A_112 = arith.constant 16 : i32
        %add3A_113 = arith.addi %mul3A_111, %add3A_112 : i32
        %get3A_114 = arith.index_cast %add3A_113 : i32 to index
        %get3A_115 = tpu.vector_load %arg8[%get3A_114] {strides = array<i32>} : memref<10128xi32, #tpu.memory_space<vmem>>, vector<16xi32>,
        %and3A_116 = arith.constant 16383 : i32
        %and3A_117 = vector.broadcast %and3A_116 : i32 to vector<16xi32>
        %and3A_118 = arith.andi %get3A_115, %and3A_117 : vector<16xi32>
        %swap3A_119 = arith.constant 16 : index
        %swap3A_120 = tpu.vector_load %arg9[%swap3A_119] {strides = array<i32>} : memref<128xi32, #tpu.memory_space<vmem>>, vector<16xi32>,
        tpu.vector_store %arg9[%swap3A_119], %and3A_118 {strides = array<i32>} : memref<128xi32, #tpu.memory_space<vmem>>, vector<16xi32>,
        %shift_right_logical3A_121 = arith.constant 14 : i32
        %shift_right_logical3A_122 = vector.broadcast %shift_right_logical3A_121 : i32 to vector<16xi32>
        %shift_right_logical3A_123 = arith.shrui %get3A_115, %shift_right_logical3A_122 : vector<16xi32>
        %swap3A_124 = arith.constant 16 : index
        %swap3A_125 = tpu.vector_load %arg10[%swap3A_124] {strides = array<i32>} : memref<128xi32, #tpu.memory_space<vmem>>, vector<16xi32>,
        tpu.vector_store %arg10[%swap3A_124], %shift_right_logical3A_123 {strides = array<i32>} : memref<128xi32, #tpu.memory_space<vmem>>, vector<16xi32>,
        %mul3A_126 = arith.constant 128 : i32
        %mul3A_127 = arith.muli %while3A_96, %mul3A_126 : i32
        %add3A_128 = arith.constant 32 : i32
        %add3A_129 = arith.addi %mul3A_127, %add3A_128 : i32
        %get3A_130 = arith.index_cast %add3A_129 : i32 to index
        %get3A_131 = tpu.vector_load %arg8[%get3A_130] {strides = array<i32>} : memref<10128xi32, #tpu.memory_space<vmem>>, vector<16xi32>,
        %and3A_132 = arith.constant 16383 : i32
        %and3A_133 = vector.broadcast %and3A_132 : i32 to vector<16xi32>
        %and3A_134 = arith.andi %get3A_131, %and3A_133 : vector<16xi32>
        %swap3A_135 = arith.constant 32 : index
        %swap3A_136 = tpu.vector_load %arg9[%swap3A_135] {strides = array<i32>} : memref<128xi32, #tpu.memory_space<vmem>>, vector<16xi32>,
        tpu.vector_store %arg9[%swap3A_135], %and3A_134 {strides = array<i32>} : memref<128xi32, #tpu.memory_space<vmem>>, vector<16xi32>,
        %shift_right_logical3A_137 = arith.constant 14 : i32
        %shift_right_logical3A_138 = vector.broadcast %shift_right_logical3A_137 : i32 to vector<16xi32>
        %shift_right_logical3A_139 = arith.shrui %get3A_131, %shift_right_logical3A_138 : vector<16xi32>
        %swap3A_140 = arith.constant 32 : index
        %swap3A_141 = tpu.vector_load %arg10[%swap3A_140] {strides = array<i32>} : memref<128xi32, #tpu.memory_space<vmem>>, vector<16xi32>,
        tpu.vector_store %arg10[%swap3A_140], %shift_right_logical3A_139 {strides = array<i32>} : memref<128xi32, #tpu.memory_space<vmem>>, vector<16xi32>,
        %mul3A_142 = arith.constant 128 : i32
        %mul3A_143 = arith.muli %while3A_96, %mul3A_142 : i32
        %add3A_144 = arith.constant 48 : i32
        %add3A_145 = arith.addi %mul3A_143, %add3A_144 : i32
        %get3A_146 = arith.index_cast %add3A_145 : i32 to index
        %get3A_147 = tpu.vector_load %arg8[%get3A_146] {strides = array<i32>} : memref<10128xi32, #tpu.memory_space<vmem>>, vector<16xi32>,
        %and3A_148 = arith.constant 16383 : i32
        %and3A_149 = vector.broadcast %and3A_148 : i32 to vector<16xi32>
        %and3A_150 = arith.andi %get3A_147, %and3A_149 : vector<16xi32>
        %swap3A_151 = arith.constant 48 : index
        %swap3A_152 = tpu.vector_load %arg9[%swap3A_151] {strides = array<i32>} : memref<128xi32, #tpu.memory_space<vmem>>, vector<16xi32>,
        tpu.vector_store %arg9[%swap3A_151], %and3A_150 {strides = array<i32>} : memref<128xi32, #tpu.memory_space<vmem>>, vector<16xi32>,
        %shift_right_logical3A_153 = arith.constant 14 : i32
        %shift_right_logical3A_154 = vector.broadcast %shift_right_logical3A_153 : i32 to vector<16xi32>
        %shift_right_logical3A_155 = arith.shrui %get3A_147, %shift_right_logical3A_154 : vector<16xi32>
        %swap3A_156 = arith.constant 48 : index
        %swap3A_157 = tpu.vector_load %arg10[%swap3A_156] {strides = array<i32>} : memref<128xi32, #tpu.memory_space<vmem>>, vector<16xi32>,
        tpu.vector_store %arg10[%swap3A_156], %shift_right_logical3A_155 {strides = array<i32>} : memref<128xi32, #tpu.memory_space<vmem>>, vector<16xi32>,
        %mul3A_158 = arith.constant 128 : i32
        %mul3A_159 = arith.muli %while3A_96, %mul3A_158 : i32
        %add3A_160 = arith.constant 64 : i32
        %add3A_161 = arith.addi %mul3A_159, %add3A_160 : i32
        %get3A_162 = arith.index_cast %add3A_161 : i32 to index
        %get3A_163 = tpu.vector_load %arg8[%get3A_162] {strides = array<i32>} : memref<10128xi32, #tpu.memory_space<vmem>>, vector<16xi32>,
        %and3A_164 = arith.constant 16383 : i32
        %and3A_165 = vector.broadcast %and3A_164 : i32 to vector<16xi32>
        %and3A_166 = arith.andi %get3A_163, %and3A_165 : vector<16xi32>
        %swap3A_167 = arith.constant 64 : index
        %swap3A_168 = tpu.vector_load %arg9[%swap3A_167] {strides = array<i32>} : memref<128xi32, #tpu.memory_space<vmem>>, vector<16xi32>,
        tpu.vector_store %arg9[%swap3A_167], %and3A_166 {strides = array<i32>} : memref<128xi32, #tpu.memory_space<vmem>>, vector<16xi32>,
        %shift_right_logical3A_169 = arith.constant 14 : i32
        %shift_right_logical3A_170 = vector.broadcast %shift_right_logical3A_169 : i32 to vector<16xi32>
        %shift_right_logical3A_171 = arith.shrui %get3A_163, %shift_right_logical3A_170 : vector<16xi32>
        %swap3A_172 = arith.constant 64 : index
        %swap3A_173 = tpu.vector_load %arg10[%swap3A_172] {strides = array<i32>} : memref<128xi32, #tpu.memory_space<vmem>>, vector<16xi32>,
        tpu.vector_store %arg10[%swap3A_172], %shift_right_logical3A_171 {strides = array<i32>} : memref<128xi32, #tpu.memory_space<vmem>>, vector<16xi32>,
        %mul3A_174 = arith.constant 128 : i32
        %mul3A_175 = arith.muli %while3A_96, %mul3A_174 : i32
        %add3A_176 = arith.constant 80 : i32
        %add3A_177 = arith.addi %mul3A_175, %add3A_176 : i32
        %get3A_178 = arith.index_cast %add3A_177 : i32 to index
        %get3A_179 = tpu.vector_load %arg8[%get3A_178] {strides = array<i32>} : memref<10128xi32, #tpu.memory_space<vmem>>, vector<16xi32>,
        %and3A_180 = arith.constant 16383 : i32
        %and3A_181 = vector.broadcast %and3A_180 : i32 to vector<16xi32>
        %and3A_182 = arith.andi %get3A_179, %and3A_181 : vector<16xi32>
        %swap3A_183 = arith.constant 80 : index
        %swap3A_184 = tpu.vector_load %arg9[%swap3A_183] {strides = array<i32>} : memref<128xi32, #tpu.memory_space<vmem>>, vector<16xi32>,
        tpu.vector_store %arg9[%swap3A_183], %and3A_182 {strides = array<i32>} : memref<128xi32, #tpu.memory_space<vmem>>, vector<16xi32>,
        %shift_right_logical3A_185 = arith.constant 14 : i32
        %shift_right_logical3A_186 = vector.broadcast %shift_right_logical3A_185 : i32 to vector<16xi32>
        %shift_right_logical3A_187 = arith.shrui %get3A_179, %shift_right_logical3A_186 : vector<16xi32>
        %swap3A_188 = arith.constant 80 : index
        %swap3A_189 = tpu.vector_load %arg10[%swap3A_188] {strides = array<i32>} : memref<128xi32, #tpu.memory_space<vmem>>, vector<16xi32>,
        tpu.vector_store %arg10[%swap3A_188], %shift_right_logical3A_187 {strides = array<i32>} : memref<128xi32, #tpu.memory_space<vmem>>, vector<16xi32>,
        %mul3A_190 = arith.constant 128 : i32
        %mul3A_191 = arith.muli %while3A_96, %mul3A_190 : i32
        %add3A_192 = arith.constant 96 : i32
        %add3A_193 = arith.addi %mul3A_191, %add3A_192 : i32
        %get3A_194 = arith.index_cast %add3A_193 : i32 to index
        %get3A_195 = tpu.vector_load %arg8[%get3A_194] {strides = array<i32>} : memref<10128xi32, #tpu.memory_space<vmem>>, vector<16xi32>,
        %and3A_196 = arith.constant 16383 : i32
        %and3A_197 = vector.broadcast %and3A_196 : i32 to vector<16xi32>
        %and3A_198 = arith.andi %get3A_195, %and3A_197 : vector<16xi32>
        %swap3A_199 = arith.constant 96 : index
        %swap3A_200 = tpu.vector_load %arg9[%swap3A_199] {strides = array<i32>} : memref<128xi32, #tpu.memory_space<vmem>>, vector<16xi32>,
        tpu.vector_store %arg9[%swap3A_199], %and3A_198 {strides = array<i32>} : memref<128xi32, #tpu.memory_space<vmem>>, vector<16xi32>,
        %shift_right_logical3A_201 = arith.constant 14 : i32
        %shift_right_logical3A_202 = vector.broadcast %shift_right_logical3A_201 : i32 to vector<16xi32>
        %shift_right_logical3A_203 = arith.shrui %get3A_195, %shift_right_logical3A_202 : vector<16xi32>
        %swap3A_204 = arith.constant 96 : index
        %swap3A_205 = tpu.vector_load %arg10[%swap3A_204] {strides = array<i32>} : memref<128xi32, #tpu.memory_space<vmem>>, vector<16xi32>,
        tpu.vector_store %arg10[%swap3A_204], %shift_right_logical3A_203 {strides = array<i32>} : memref<128xi32, #tpu.memory_space<vmem>>, vector<16xi32>,
        %mul3A_206 = arith.constant 128 : i32
        %mul3A_207 = arith.muli %while3A_96, %mul3A_206 : i32
        %add3A_208 = arith.constant 112 : i32
        %add3A_209 = arith.addi %mul3A_207, %add3A_208 : i32
        %get3A_210 = arith.index_cast %add3A_209 : i32 to index
        %get3A_211 = tpu.vector_load %arg8[%get3A_210] {strides = array<i32>} : memref<10128xi32, #tpu.memory_space<vmem>>, vector<16xi32>,
        %and3A_212 = arith.constant 16383 : i32
        %and3A_213 = vector.broadcast %and3A_212 : i32 to vector<16xi32>
        %and3A_214 = arith.andi %get3A_211, %and3A_213 : vector<16xi32>
        %swap3A_215 = arith.constant 112 : index
        %swap3A_216 = tpu.vector_load %arg9[%swap3A_215] {strides = array<i32>} : memref<128xi32, #tpu.memory_space<vmem>>, vector<16xi32>,
        tpu.vector_store %arg9[%swap3A_215], %and3A_214 {strides = array<i32>} : memref<128xi32, #tpu.memory_space<vmem>>, vector<16xi32>,
        %shift_right_logical3A_217 = arith.constant 14 : i32
        %shift_right_logical3A_218 = vector.broadcast %shift_right_logical3A_217 : i32 to vector<16xi32>
        %shift_right_logical3A_219 = arith.shrui %get3A_211, %shift_right_logical3A_218 : vector<16xi32>
        %swap3A_220 = arith.constant 112 : index
        %swap3A_221 = tpu.vector_load %arg10[%swap3A_220] {strides = array<i32>} : memref<128xi32, #tpu.memory_space<vmem>>, vector<16xi32>,
        tpu.vector_store %arg10[%swap3A_220], %shift_right_logical3A_219 {strides = array<i32>} : memref<128xi32, #tpu.memory_space<vmem>>, vector<16xi32>,
        "tpu.region"() ({
          %run_scoped3A = tpu.sem_alloc : memref<!tpu.dma_semaphore, #tpu.memory_space<semaphore_mem>>
          %dma_start3A = arith.constant 0 : i32
          %dma_start3A_222 = arith.constant 0 : i32
          %dma_start3A_223 = tpu.memref_slice %arg17[%dma_start3A, %dma_start3A_222] : memref<5008x128xf32, #tpu.memory_space<vmem_shared>> -> memref<5008x128xf32, #tpu.memory_space<vmem_shared>>
          tpu.enqueue_indirect_dma source(%arg13 : memref<128x128xf32, #tpu.memory_space<vmem>>) target(%dma_start3A_223 : memref<5008x128xf32, #tpu.memory_space<vmem_shared>>) offsets(%arg10 : memref<128xi32, #tpu.memory_space<vmem>>) semaphore(%run_scoped3A : memref<!tpu.dma_semaphore, #tpu.memory_space<semaphore_mem>>) {add = true}
          %dma_wait3A = arith.constant 0 : i32
          %dma_wait3A_224 = arith.constant 0 : i32
          %dma_wait3A_225 = tpu.memref_slice %arg17[%dma_wait3A, %dma_wait3A_224] : memref<5008x128xf32, #tpu.memory_space<vmem_shared>> -> memref<5008x128xf32, #tpu.memory_space<vmem_shared>>
          tpu.wait_indirect_dma semaphore(%run_scoped3A : memref<!tpu.dma_semaphore, #tpu.memory_space<semaphore_mem>>) src(%arg13 : memref<128x128xf32, #tpu.memory_space<vmem>>) dst(%dma_wait3A_225 : memref<5008x128xf32, #tpu.memory_space<vmem_shared>>)
          tpu.yield
        }) : () -> ()
      }
    } else {
    }
    %eq3A_35 = arith.constant 0 : i32
    %eq3A_36 = arith.cmpi eq, %squeeze3A, %eq3A_35 : i32
    %convert_element_type3A_37 = arith.extui %eq3A_36 : i1 to i32
    %cond3A_38 = arith.constant 0 : i32
    %cond3A_39 = arith.cmpi ne, %convert_element_type3A_37, %cond3A_38 : i32
    scf.if %cond3A_39 {
      %gt3A = arith.constant 0 : i32
      %gt3A_87 = arith.cmpi sgt, %div3A_23, %gt3A : i32
      %convert_element_type3A_88 = arith.extui %gt3A_87 : i1 to i32
      %cond3A_89 = arith.constant 0 : i32
      %cond3A_90 = arith.cmpi ne, %convert_element_type3A_88, %cond3A_89 : i32
      scf.if %cond3A_90 {
        %get3A_104 = arith.constant 0 : index
        %get3A_105 = tpu.vector_load %arg8[%get3A_104] {strides = array<i32>} : memref<10128xi32, #tpu.memory_space<vmem>>, vector<16xi32>,
        %and3A = arith.constant 16383 : i32
        %and3A_106 = vector.broadcast %and3A : i32 to vector<16xi32>
        %and3A_107 = arith.andi %get3A_105, %and3A_106 : vector<16xi32>
        %swap3A = arith.constant 0 : index
        %swap3A_108 = tpu.vector_load %arg9[%swap3A] {strides = array<i32>} : memref<128xi32, #tpu.memory_space<vmem>>, vector<16xi32>,
        tpu.vector_store %arg9[%swap3A], %and3A_107 {strides = array<i32>} : memref<128xi32, #tpu.memory_space<vmem>>, vector<16xi32>,
        %shift_right_logical3A = arith.constant 14 : i32
        %shift_right_logical3A_109 = vector.broadcast %shift_right_logical3A : i32 to vector<16xi32>
        %shift_right_logical3A_110 = arith.shrui %get3A_105, %shift_right_logical3A_109 : vector<16xi32>
        %swap3A_111 = arith.constant 0 : index
        %swap3A_112 = tpu.vector_load %arg10[%swap3A_111] {strides = array<i32>} : memref<128xi32, #tpu.memory_space<vmem>>, vector<16xi32>,
        tpu.vector_store %arg10[%swap3A_111], %shift_right_logical3A_110 {strides = array<i32>} : memref<128xi32, #tpu.memory_space<vmem>>, vector<16xi32>,
        %get3A_113 = arith.constant 16 : index
        %get3A_114 = tpu.vector_load %arg8[%get3A_113] {strides = array<i32>} : memref<10128xi32, #tpu.memory_space<vmem>>, vector<16xi32>,
        %and3A_115 = arith.constant 16383 : i32
        %and3A_116 = vector.broadcast %and3A_115 : i32 to vector<16xi32>
        %and3A_117 = arith.andi %get3A_114, %and3A_116 : vector<16xi32>
        %swap3A_118 = arith.constant 16 : index
        %swap3A_119 = tpu.vector_load %arg9[%swap3A_118] {strides = array<i32>} : memref<128xi32, #tpu.memory_space<vmem>>, vector<16xi32>,
        tpu.vector_store %arg9[%swap3A_118], %and3A_117 {strides = array<i32>} : memref<128xi32, #tpu.memory_space<vmem>>, vector<16xi32>,
        %shift_right_logical3A_120 = arith.constant 14 : i32
        %shift_right_logical3A_121 = vector.broadcast %shift_right_logical3A_120 : i32 to vector<16xi32>
        %shift_right_logical3A_122 = arith.shrui %get3A_114, %shift_right_logical3A_121 : vector<16xi32>
        %swap3A_123 = arith.constant 16 : index
        %swap3A_124 = tpu.vector_load %arg10[%swap3A_123] {strides = array<i32>} : memref<128xi32, #tpu.memory_space<vmem>>, vector<16xi32>,
        tpu.vector_store %arg10[%swap3A_123], %shift_right_logical3A_122 {strides = array<i32>} : memref<128xi32, #tpu.memory_space<vmem>>, vector<16xi32>,
        %get3A_125 = arith.constant 32 : index
        %get3A_126 = tpu.vector_load %arg8[%get3A_125] {strides = array<i32>} : memref<10128xi32, #tpu.memory_space<vmem>>, vector<16xi32>,
        %and3A_127 = arith.constant 16383 : i32
        %and3A_128 = vector.broadcast %and3A_127 : i32 to vector<16xi32>
        %and3A_129 = arith.andi %get3A_126, %and3A_128 : vector<16xi32>
        %swap3A_130 = arith.constant 32 : index
        %swap3A_131 = tpu.vector_load %arg9[%swap3A_130] {strides = array<i32>} : memref<128xi32, #tpu.memory_space<vmem>>, vector<16xi32>,
        tpu.vector_store %arg9[%swap3A_130], %and3A_129 {strides = array<i32>} : memref<128xi32, #tpu.memory_space<vmem>>, vector<16xi32>,
        %shift_right_logical3A_132 = arith.constant 14 : i32
        %shift_right_logical3A_133 = vector.broadcast %shift_right_logical3A_132 : i32 to vector<16xi32>
        %shift_right_logical3A_134 = arith.shrui %get3A_126, %shift_right_logical3A_133 : vector<16xi32>
        %swap3A_135 = arith.constant 32 : index
        %swap3A_136 = tpu.vector_load %arg10[%swap3A_135] {strides = array<i32>} : memref<128xi32, #tpu.memory_space<vmem>>, vector<16xi32>,
        tpu.vector_store %arg10[%swap3A_135], %shift_right_logical3A_134 {strides = array<i32>} : memref<128xi32, #tpu.memory_space<vmem>>, vector<16xi32>,
        %get3A_137 = arith.constant 48 : index
        %get3A_138 = tpu.vector_load %arg8[%get3A_137] {strides = array<i32>} : memref<10128xi32, #tpu.memory_space<vmem>>, vector<16xi32>,
        %and3A_139 = arith.constant 16383 : i32
        %and3A_140 = vector.broadcast %and3A_139 : i32 to vector<16xi32>
        %and3A_141 = arith.andi %get3A_138, %and3A_140 : vector<16xi32>
        %swap3A_142 = arith.constant 48 : index
        %swap3A_143 = tpu.vector_load %arg9[%swap3A_142] {strides = array<i32>} : memref<128xi32, #tpu.memory_space<vmem>>, vector<16xi32>,
        tpu.vector_store %arg9[%swap3A_142], %and3A_141 {strides = array<i32>} : memref<128xi32, #tpu.memory_space<vmem>>, vector<16xi32>,
        %shift_right_logical3A_144 = arith.constant 14 : i32
        %shift_right_logical3A_145 = vector.broadcast %shift_right_logical3A_144 : i32 to vector<16xi32>
        %shift_right_logical3A_146 = arith.shrui %get3A_138, %shift_right_logical3A_145 : vector<16xi32>
        %swap3A_147 = arith.constant 48 : index
        %swap3A_148 = tpu.vector_load %arg10[%swap3A_147] {strides = array<i32>} : memref<128xi32, #tpu.memory_space<vmem>>, vector<16xi32>,
        tpu.vector_store %arg10[%swap3A_147], %shift_right_logical3A_146 {strides = array<i32>} : memref<128xi32, #tpu.memory_space<vmem>>, vector<16xi32>,
        %get3A_149 = arith.constant 64 : index
        %get3A_150 = tpu.vector_load %arg8[%get3A_149] {strides = array<i32>} : memref<10128xi32, #tpu.memory_space<vmem>>, vector<16xi32>,
        %and3A_151 = arith.constant 16383 : i32
        %and3A_152 = vector.broadcast %and3A_151 : i32 to vector<16xi32>
        %and3A_153 = arith.andi %get3A_150, %and3A_152 : vector<16xi32>
        %swap3A_154 = arith.constant 64 : index
        %swap3A_155 = tpu.vector_load %arg9[%swap3A_154] {strides = array<i32>} : memref<128xi32, #tpu.memory_space<vmem>>, vector<16xi32>,
        tpu.vector_store %arg9[%swap3A_154], %and3A_153 {strides = array<i32>} : memref<128xi32, #tpu.memory_space<vmem>>, vector<16xi32>,
        %shift_right_logical3A_156 = arith.constant 14 : i32
        %shift_right_logical3A_157 = vector.broadcast %shift_right_logical3A_156 : i32 to vector<16xi32>
        %shift_right_logical3A_158 = arith.shrui %get3A_150, %shift_right_logical3A_157 : vector<16xi32>
        %swap3A_159 = arith.constant 64 : index
        %swap3A_160 = tpu.vector_load %arg10[%swap3A_159] {strides = array<i32>} : memref<128xi32, #tpu.memory_space<vmem>>, vector<16xi32>,
        tpu.vector_store %arg10[%swap3A_159], %shift_right_logical3A_158 {strides = array<i32>} : memref<128xi32, #tpu.memory_space<vmem>>, vector<16xi32>,
        %get3A_161 = arith.constant 80 : index
        %get3A_162 = tpu.vector_load %arg8[%get3A_161] {strides = array<i32>} : memref<10128xi32, #tpu.memory_space<vmem>>, vector<16xi32>,
        %and3A_163 = arith.constant 16383 : i32
        %and3A_164 = vector.broadcast %and3A_163 : i32 to vector<16xi32>
        %and3A_165 = arith.andi %get3A_162, %and3A_164 : vector<16xi32>
        %swap3A_166 = arith.constant 80 : index
        %swap3A_167 = tpu.vector_load %arg9[%swap3A_166] {strides = array<i32>} : memref<128xi32, #tpu.memory_space<vmem>>, vector<16xi32>,
        tpu.vector_store %arg9[%swap3A_166], %and3A_165 {strides = array<i32>} : memref<128xi32, #tpu.memory_space<vmem>>, vector<16xi32>,
        %shift_right_logical3A_168 = arith.constant 14 : i32
        %shift_right_logical3A_169 = vector.broadcast %shift_right_logical3A_168 : i32 to vector<16xi32>
        %shift_right_logical3A_170 = arith.shrui %get3A_162, %shift_right_logical3A_169 : vector<16xi32>
        %swap3A_171 = arith.constant 80 : index
        %swap3A_172 = tpu.vector_load %arg10[%swap3A_171] {strides = array<i32>} : memref<128xi32, #tpu.memory_space<vmem>>, vector<16xi32>,
        tpu.vector_store %arg10[%swap3A_171], %shift_right_logical3A_170 {strides = array<i32>} : memref<128xi32, #tpu.memory_space<vmem>>, vector<16xi32>,
        %get3A_173 = arith.constant 96 : index
        %get3A_174 = tpu.vector_load %arg8[%get3A_173] {strides = array<i32>} : memref<10128xi32, #tpu.memory_space<vmem>>, vector<16xi32>,
        %and3A_175 = arith.constant 16383 : i32
        %and3A_176 = vector.broadcast %and3A_175 : i32 to vector<16xi32>
        %and3A_177 = arith.andi %get3A_174, %and3A_176 : vector<16xi32>
        %swap3A_178 = arith.constant 96 : index
        %swap3A_179 = tpu.vector_load %arg9[%swap3A_178] {strides = array<i32>} : memref<128xi32, #tpu.memory_space<vmem>>, vector<16xi32>,
        tpu.vector_store %arg9[%swap3A_178], %and3A_177 {strides = array<i32>} : memref<128xi32, #tpu.memory_space<vmem>>, vector<16xi32>,
        %shift_right_logical3A_180 = arith.constant 14 : i32
        %shift_right_logical3A_181 = vector.broadcast %shift_right_logical3A_180 : i32 to vector<16xi32>
        %shift_right_logical3A_182 = arith.shrui %get3A_174, %shift_right_logical3A_181 : vector<16xi32>
        %swap3A_183 = arith.constant 96 : index
        %swap3A_184 = tpu.vector_load %arg10[%swap3A_183] {strides = array<i32>} : memref<128xi32, #tpu.memory_space<vmem>>, vector<16xi32>,
        tpu.vector_store %arg10[%swap3A_183], %shift_right_logical3A_182 {strides = array<i32>} : memref<128xi32, #tpu.memory_space<vmem>>, vector<16xi32>,
        %get3A_185 = arith.constant 112 : index
        %get3A_186 = tpu.vector_load %arg8[%get3A_185] {strides = array<i32>} : memref<10128xi32, #tpu.memory_space<vmem>>, vector<16xi32>,
        %and3A_187 = arith.constant 16383 : i32
        %and3A_188 = vector.broadcast %and3A_187 : i32 to vector<16xi32>
        %and3A_189 = arith.andi %get3A_186, %and3A_188 : vector<16xi32>
        %swap3A_190 = arith.constant 112 : index
        %swap3A_191 = tpu.vector_load %arg9[%swap3A_190] {strides = array<i32>} : memref<128xi32, #tpu.memory_space<vmem>>, vector<16xi32>,
        tpu.vector_store %arg9[%swap3A_190], %and3A_189 {strides = array<i32>} : memref<128xi32, #tpu.memory_space<vmem>>, vector<16xi32>,
        %shift_right_logical3A_192 = arith.constant 14 : i32
        %shift_right_logical3A_193 = vector.broadcast %shift_right_logical3A_192 : i32 to vector<16xi32>
        %shift_right_logical3A_194 = arith.shrui %get3A_186, %shift_right_logical3A_193 : vector<16xi32>
        %swap3A_195 = arith.constant 112 : index
        %swap3A_196 = tpu.vector_load %arg10[%swap3A_195] {strides = array<i32>} : memref<128xi32, #tpu.memory_space<vmem>>, vector<16xi32>,
        tpu.vector_store %arg10[%swap3A_195], %shift_right_logical3A_194 {strides = array<i32>} : memref<128xi32, #tpu.memory_space<vmem>>, vector<16xi32>,
        %dma_start3A = arith.constant 0 : i32
        %dma_start3A_197 = arith.constant 0 : i32
        %dma_start3A_198 = tpu.memref_slice %arg2[%dma_start3A, %dma_start3A_197] : memref<10000x128xf32, #tpu.memory_space<hbm>> -> memref<10000x128xf32, #tpu.memory_space<hbm>>
        tpu.enqueue_indirect_dma source(%dma_start3A_198 : memref<10000x128xf32, #tpu.memory_space<hbm>>) target(%arg13 : memref<128x128xf32, #tpu.memory_space<vmem>>) offsets(%arg9 : memref<128xi32, #tpu.memory_space<vmem>>) semaphore(%arg18 : memref<!tpu.dma_semaphore, #tpu.memory_space<semaphore_mem>>)
      } else {
      }
      %add3A_91 = arith.constant 1 : i32
      %add3A_92 = arith.addi %div3A_23, %add3A_91 : i32
      %div3A_93 = arith.constant 2 : i32
      %div3A_94 = arith.divsi %add3A_92, %div3A_93 : i32
      %while3A = arith.constant 0 : i32
      %while3A_95 = arith.constant 0 : i32
      %while3A_96 = arith.subi %div3A_94, %while3A_95 : i32
      %while3A_97 = arith.addi %while3A_95, %while3A_96 : i32
      %while3A_98 = arith.constant 1 : i32
      %while3A_99 = arith.divsi %while3A_96, %while3A_98 : i32
      %while3A_100 = arith.muli %while3A_99, %while3A_98 : i32
      %while3A_101 = arith.addi %while3A_95, %while3A_100 : i32
      %while3A_102 = arith.constant 1 : i32
      scf.for %while3A_104 = %while3A_95 to %while3A_101 step %while3A_102  : i32 {
        %mul3A_105 = arith.constant 2 : i32
        %mul3A_106 = arith.muli %mul3A_105, %while3A_104 : i32
        %add3A_107 = arith.constant 1 : i32
        %add3A_108 = arith.addi %mul3A_106, %add3A_107 : i32
        %lt3A = arith.cmpi slt, %add3A_108, %div3A_23 : i32
        %convert_element_type3A_109 = arith.extui %lt3A : i1 to i32
        %cond3A_110 = arith.constant 0 : i32
        %cond3A_111 = arith.cmpi ne, %convert_element_type3A_109, %cond3A_110 : i32
        scf.if %cond3A_111 {
          %mul3A_126 = arith.constant 128 : i32
          %mul3A_127 = arith.muli %add3A_108, %mul3A_126 : i32
          %add3A_128 = arith.constant 0 : i32
          %add3A_129 = arith.addi %mul3A_127, %add3A_128 : i32
          %get3A_130 = arith.index_cast %add3A_129 : i32 to index
          %get3A_131 = tpu.vector_load %arg8[%get3A_130] {strides = array<i32>} : memref<10128xi32, #tpu.memory_space<vmem>>, vector<16xi32>,
          %and3A = arith.constant 16383 : i32
          %and3A_132 = vector.broadcast %and3A : i32 to vector<16xi32>
          %and3A_133 = arith.andi %get3A_131, %and3A_132 : vector<16xi32>
          %swap3A = arith.constant 0 : index
          %swap3A_134 = tpu.vector_load %arg11[%swap3A] {strides = array<i32>} : memref<128xi32, #tpu.memory_space<vmem>>, vector<16xi32>,
          tpu.vector_store %arg11[%swap3A], %and3A_133 {strides = array<i32>} : memref<128xi32, #tpu.memory_space<vmem>>, vector<16xi32>,
          %shift_right_logical3A = arith.constant 14 : i32
          %shift_right_logical3A_135 = vector.broadcast %shift_right_logical3A : i32 to vector<16xi32>
          %shift_right_logical3A_136 = arith.shrui %get3A_131, %shift_right_logical3A_135 : vector<16xi32>
          %swap3A_137 = arith.constant 0 : index
          %swap3A_138 = tpu.vector_load %arg12[%swap3A_137] {strides = array<i32>} : memref<128xi32, #tpu.memory_space<vmem>>, vector<16xi32>,
          tpu.vector_store %arg12[%swap3A_137], %shift_right_logical3A_136 {strides = array<i32>} : memref<128xi32, #tpu.memory_space<vmem>>, vector<16xi32>,
          %mul3A_139 = arith.constant 128 : i32
          %mul3A_140 = arith.muli %add3A_108, %mul3A_139 : i32
          %add3A_141 = arith.constant 16 : i32
          %add3A_142 = arith.addi %mul3A_140, %add3A_141 : i32
          %get3A_143 = arith.index_cast %add3A_142 : i32 to index
          %get3A_144 = tpu.vector_load %arg8[%get3A_143] {strides = array<i32>} : memref<10128xi32, #tpu.memory_space<vmem>>, vector<16xi32>,
          %and3A_145 = arith.constant 16383 : i32
          %and3A_146 = vector.broadcast %and3A_145 : i32 to vector<16xi32>
          %and3A_147 = arith.andi %get3A_144, %and3A_146 : vector<16xi32>
          %swap3A_148 = arith.constant 16 : index
          %swap3A_149 = tpu.vector_load %arg11[%swap3A_148] {strides = array<i32>} : memref<128xi32, #tpu.memory_space<vmem>>, vector<16xi32>,
          tpu.vector_store %arg11[%swap3A_148], %and3A_147 {strides = array<i32>} : memref<128xi32, #tpu.memory_space<vmem>>, vector<16xi32>,
          %shift_right_logical3A_150 = arith.constant 14 : i32
          %shift_right_logical3A_151 = vector.broadcast %shift_right_logical3A_150 : i32 to vector<16xi32>
          %shift_right_logical3A_152 = arith.shrui %get3A_144, %shift_right_logical3A_151 : vector<16xi32>
          %swap3A_153 = arith.constant 16 : index
          %swap3A_154 = tpu.vector_load %arg12[%swap3A_153] {strides = array<i32>} : memref<128xi32, #tpu.memory_space<vmem>>, vector<16xi32>,
          tpu.vector_store %arg12[%swap3A_153], %shift_right_logical3A_152 {strides = array<i32>} : memref<128xi32, #tpu.memory_space<vmem>>, vector<16xi32>,
          %mul3A_155 = arith.constant 128 : i32
          %mul3A_156 = arith.muli %add3A_108, %mul3A_155 : i32
          %add3A_157 = arith.constant 32 : i32
          %add3A_158 = arith.addi %mul3A_156, %add3A_157 : i32
          %get3A_159 = arith.index_cast %add3A_158 : i32 to index
          %get3A_160 = tpu.vector_load %arg8[%get3A_159] {strides = array<i32>} : memref<10128xi32, #tpu.memory_space<vmem>>, vector<16xi32>,
          %and3A_161 = arith.constant 16383 : i32
          %and3A_162 = vector.broadcast %and3A_161 : i32 to vector<16xi32>
          %and3A_163 = arith.andi %get3A_160, %and3A_162 : vector<16xi32>
          %swap3A_164 = arith.constant 32 : index
          %swap3A_165 = tpu.vector_load %arg11[%swap3A_164] {strides = array<i32>} : memref<128xi32, #tpu.memory_space<vmem>>, vector<16xi32>,
          tpu.vector_store %arg11[%swap3A_164], %and3A_163 {strides = array<i32>} : memref<128xi32, #tpu.memory_space<vmem>>, vector<16xi32>,
          %shift_right_logical3A_166 = arith.constant 14 : i32
          %shift_right_logical3A_167 = vector.broadcast %shift_right_logical3A_166 : i32 to vector<16xi32>
          %shift_right_logical3A_168 = arith.shrui %get3A_160, %shift_right_logical3A_167 : vector<16xi32>
          %swap3A_169 = arith.constant 32 : index
          %swap3A_170 = tpu.vector_load %arg12[%swap3A_169] {strides = array<i32>} : memref<128xi32, #tpu.memory_space<vmem>>, vector<16xi32>,
          tpu.vector_store %arg12[%swap3A_169], %shift_right_logical3A_168 {strides = array<i32>} : memref<128xi32, #tpu.memory_space<vmem>>, vector<16xi32>,
          %mul3A_171 = arith.constant 128 : i32
          %mul3A_172 = arith.muli %add3A_108, %mul3A_171 : i32
          %add3A_173 = arith.constant 48 : i32
          %add3A_174 = arith.addi %mul3A_172, %add3A_173 : i32
          %get3A_175 = arith.index_cast %add3A_174 : i32 to index
          %get3A_176 = tpu.vector_load %arg8[%get3A_175] {strides = array<i32>} : memref<10128xi32, #tpu.memory_space<vmem>>, vector<16xi32>,
          %and3A_177 = arith.constant 16383 : i32
          %and3A_178 = vector.broadcast %and3A_177 : i32 to vector<16xi32>
          %and3A_179 = arith.andi %get3A_176, %and3A_178 : vector<16xi32>
          %swap3A_180 = arith.constant 48 : index
          %swap3A_181 = tpu.vector_load %arg11[%swap3A_180] {strides = array<i32>} : memref<128xi32, #tpu.memory_space<vmem>>, vector<16xi32>,
          tpu.vector_store %arg11[%swap3A_180], %and3A_179 {strides = array<i32>} : memref<128xi32, #tpu.memory_space<vmem>>, vector<16xi32>,
          %shift_right_logical3A_182 = arith.constant 14 : i32
          %shift_right_logical3A_183 = vector.broadcast %shift_right_logical3A_182 : i32 to vector<16xi32>
          %shift_right_logical3A_184 = arith.shrui %get3A_176, %shift_right_logical3A_183 : vector<16xi32>
          %swap3A_185 = arith.constant 48 : index
          %swap3A_186 = tpu.vector_load %arg12[%swap3A_185] {strides = array<i32>} : memref<128xi32, #tpu.memory_space<vmem>>, vector<16xi32>,
          tpu.vector_store %arg12[%swap3A_185], %shift_right_logical3A_184 {strides = array<i32>} : memref<128xi32, #tpu.memory_space<vmem>>, vector<16xi32>,
          %mul3A_187 = arith.constant 128 : i32
          %mul3A_188 = arith.muli %add3A_108, %mul3A_187 : i32
          %add3A_189 = arith.constant 64 : i32
          %add3A_190 = arith.addi %mul3A_188, %add3A_189 : i32
          %get3A_191 = arith.index_cast %add3A_190 : i32 to index
          %get3A_192 = tpu.vector_load %arg8[%get3A_191] {strides = array<i32>} : memref<10128xi32, #tpu.memory_space<vmem>>, vector<16xi32>,
          %and3A_193 = arith.constant 16383 : i32
          %and3A_194 = vector.broadcast %and3A_193 : i32 to vector<16xi32>
          %and3A_195 = arith.andi %get3A_192, %and3A_194 : vector<16xi32>
          %swap3A_196 = arith.constant 64 : index
          %swap3A_197 = tpu.vector_load %arg11[%swap3A_196] {strides = array<i32>} : memref<128xi32, #tpu.memory_space<vmem>>, vector<16xi32>,
          tpu.vector_store %arg11[%swap3A_196], %and3A_195 {strides = array<i32>} : memref<128xi32, #tpu.memory_space<vmem>>, vector<16xi32>,
          %shift_right_logical3A_198 = arith.constant 14 : i32
          %shift_right_logical3A_199 = vector.broadcast %shift_right_logical3A_198 : i32 to vector<16xi32>
          %shift_right_logical3A_200 = arith.shrui %get3A_192, %shift_right_logical3A_199 : vector<16xi32>
          %swap3A_201 = arith.constant 64 : index
          %swap3A_202 = tpu.vector_load %arg12[%swap3A_201] {strides = array<i32>} : memref<128xi32, #tpu.memory_space<vmem>>, vector<16xi32>,
          tpu.vector_store %arg12[%swap3A_201], %shift_right_logical3A_200 {strides = array<i32>} : memref<128xi32, #tpu.memory_space<vmem>>, vector<16xi32>,
          %mul3A_203 = arith.constant 128 : i32
          %mul3A_204 = arith.muli %add3A_108, %mul3A_203 : i32
          %add3A_205 = arith.constant 80 : i32
          %add3A_206 = arith.addi %mul3A_204, %add3A_205 : i32
          %get3A_207 = arith.index_cast %add3A_206 : i32 to index
          %get3A_208 = tpu.vector_load %arg8[%get3A_207] {strides = array<i32>} : memref<10128xi32, #tpu.memory_space<vmem>>, vector<16xi32>,
          %and3A_209 = arith.constant 16383 : i32
          %and3A_210 = vector.broadcast %and3A_209 : i32 to vector<16xi32>
          %and3A_211 = arith.andi %get3A_208, %and3A_210 : vector<16xi32>
          %swap3A_212 = arith.constant 80 : index
          %swap3A_213 = tpu.vector_load %arg11[%swap3A_212] {strides = array<i32>} : memref<128xi32, #tpu.memory_space<vmem>>, vector<16xi32>,
          tpu.vector_store %arg11[%swap3A_212], %and3A_211 {strides = array<i32>} : memref<128xi32, #tpu.memory_space<vmem>>, vector<16xi32>,
          %shift_right_logical3A_214 = arith.constant 14 : i32
          %shift_right_logical3A_215 = vector.broadcast %shift_right_logical3A_214 : i32 to vector<16xi32>
          %shift_right_logical3A_216 = arith.shrui %get3A_208, %shift_right_logical3A_215 : vector<16xi32>
          %swap3A_217 = arith.constant 80 : index
          %swap3A_218 = tpu.vector_load %arg12[%swap3A_217] {strides = array<i32>} : memref<128xi32, #tpu.memory_space<vmem>>, vector<16xi32>,
          tpu.vector_store %arg12[%swap3A_217], %shift_right_logical3A_216 {strides = array<i32>} : memref<128xi32, #tpu.memory_space<vmem>>, vector<16xi32>,
          %mul3A_219 = arith.constant 128 : i32
          %mul3A_220 = arith.muli %add3A_108, %mul3A_219 : i32
          %add3A_221 = arith.constant 96 : i32
          %add3A_222 = arith.addi %mul3A_220, %add3A_221 : i32
          %get3A_223 = arith.index_cast %add3A_222 : i32 to index
          %get3A_224 = tpu.vector_load %arg8[%get3A_223] {strides = array<i32>} : memref<10128xi32, #tpu.memory_space<vmem>>, vector<16xi32>,
          %and3A_225 = arith.constant 16383 : i32
          %and3A_226 = vector.broadcast %and3A_225 : i32 to vector<16xi32>
          %and3A_227 = arith.andi %get3A_224, %and3A_226 : vector<16xi32>
          %swap3A_228 = arith.constant 96 : index
          %swap3A_229 = tpu.vector_load %arg11[%swap3A_228] {strides = array<i32>} : memref<128xi32, #tpu.memory_space<vmem>>, vector<16xi32>,
          tpu.vector_store %arg11[%swap3A_228], %and3A_227 {strides = array<i32>} : memref<128xi32, #tpu.memory_space<vmem>>, vector<16xi32>,
          %shift_right_logical3A_230 = arith.constant 14 : i32
          %shift_right_logical3A_231 = vector.broadcast %shift_right_logical3A_230 : i32 to vector<16xi32>
          %shift_right_logical3A_232 = arith.shrui %get3A_224, %shift_right_logical3A_231 : vector<16xi32>
          %swap3A_233 = arith.constant 96 : index
          %swap3A_234 = tpu.vector_load %arg12[%swap3A_233] {strides = array<i32>} : memref<128xi32, #tpu.memory_space<vmem>>, vector<16xi32>,
          tpu.vector_store %arg12[%swap3A_233], %shift_right_logical3A_232 {strides = array<i32>} : memref<128xi32, #tpu.memory_space<vmem>>, vector<16xi32>,
          %mul3A_235 = arith.constant 128 : i32
          %mul3A_236 = arith.muli %add3A_108, %mul3A_235 : i32
          %add3A_237 = arith.constant 112 : i32
          %add3A_238 = arith.addi %mul3A_236, %add3A_237 : i32
          %get3A_239 = arith.index_cast %add3A_238 : i32 to index
          %get3A_240 = tpu.vector_load %arg8[%get3A_239] {strides = array<i32>} : memref<10128xi32, #tpu.memory_space<vmem>>, vector<16xi32>,
          %and3A_241 = arith.constant 16383 : i32
          %and3A_242 = vector.broadcast %and3A_241 : i32 to vector<16xi32>
          %and3A_243 = arith.andi %get3A_240, %and3A_242 : vector<16xi32>
          %swap3A_244 = arith.constant 112 : index
          %swap3A_245 = tpu.vector_load %arg11[%swap3A_244] {strides = array<i32>} : memref<128xi32, #tpu.memory_space<vmem>>, vector<16xi32>,
          tpu.vector_store %arg11[%swap3A_244], %and3A_243 {strides = array<i32>} : memref<128xi32, #tpu.memory_space<vmem>>, vector<16xi32>,
          %shift_right_logical3A_246 = arith.constant 14 : i32
          %shift_right_logical3A_247 = vector.broadcast %shift_right_logical3A_246 : i32 to vector<16xi32>
          %shift_right_logical3A_248 = arith.shrui %get3A_240, %shift_right_logical3A_247 : vector<16xi32>
          %swap3A_249 = arith.constant 112 : index
          %swap3A_250 = tpu.vector_load %arg12[%swap3A_249] {strides = array<i32>} : memref<128xi32, #tpu.memory_space<vmem>>, vector<16xi32>,
          tpu.vector_store %arg12[%swap3A_249], %shift_right_logical3A_248 {strides = array<i32>} : memref<128xi32, #tpu.memory_space<vmem>>, vector<16xi32>,
          %dma_start3A = arith.constant 0 : i32
          %dma_start3A_251 = arith.constant 0 : i32
          %dma_start3A_252 = tpu.memref_slice %arg2[%dma_start3A, %dma_start3A_251] : memref<10000x128xf32, #tpu.memory_space<hbm>> -> memref<10000x128xf32, #tpu.memory_space<hbm>>
          tpu.enqueue_indirect_dma source(%dma_start3A_252 : memref<10000x128xf32, #tpu.memory_space<hbm>>) target(%arg14 : memref<128x128xf32, #tpu.memory_space<vmem>>) offsets(%arg11 : memref<128xi32, #tpu.memory_space<vmem>>) semaphore(%arg19 : memref<!tpu.dma_semaphore, #tpu.memory_space<semaphore_mem>>)
        } else {
        }
        %lt3A_112 = arith.cmpi slt, %mul3A_106, %div3A_23 : i32
        %convert_element_type3A_113 = arith.extui %lt3A_112 : i1 to i32
        %cond3A_114 = arith.constant 0 : i32
        %cond3A_115 = arith.cmpi ne, %convert_element_type3A_113, %cond3A_114 : i32
        scf.if %cond3A_115 {
          %dma_wait3A = arith.constant 0 : i32
          %dma_wait3A_126 = arith.constant 0 : i32
          %dma_wait3A_127 = tpu.memref_slice %arg2[%dma_wait3A, %dma_wait3A_126] : memref<10000x128xf32, #tpu.memory_space<hbm>> -> memref<10000x128xf32, #tpu.memory_space<hbm>>
          tpu.wait_indirect_dma semaphore(%arg18 : memref<!tpu.dma_semaphore, #tpu.memory_space<semaphore_mem>>) src(%dma_wait3A_127 : memref<10000x128xf32, #tpu.memory_space<hbm>>) dst(%arg13 : memref<128x128xf32, #tpu.memory_space<vmem>>)
          "tpu.region"() ({
            %run_scoped3A = tpu.sem_alloc : memref<!tpu.dma_semaphore, #tpu.memory_space<semaphore_mem>>
            %dma_start3A = arith.constant 0 : i32
            %dma_start3A_128 = arith.constant 0 : i32
            %dma_start3A_129 = tpu.memref_slice %arg17[%dma_start3A, %dma_start3A_128] : memref<5008x128xf32, #tpu.memory_space<vmem_shared>> -> memref<5008x128xf32, #tpu.memory_space<vmem_shared>>
            tpu.enqueue_indirect_dma source(%arg13 : memref<128x128xf32, #tpu.memory_space<vmem>>) target(%dma_start3A_129 : memref<5008x128xf32, #tpu.memory_space<vmem_shared>>) offsets(%arg10 : memref<128xi32, #tpu.memory_space<vmem>>) semaphore(%run_scoped3A : memref<!tpu.dma_semaphore, #tpu.memory_space<semaphore_mem>>) {add = true}
            %dma_wait3A_130 = arith.constant 0 : i32
            %dma_wait3A_131 = arith.constant 0 : i32
            %dma_wait3A_132 = tpu.memref_slice %arg17[%dma_wait3A_130, %dma_wait3A_131] : memref<5008x128xf32, #tpu.memory_space<vmem_shared>> -> memref<5008x128xf32, #tpu.memory_space<vmem_shared>>
            tpu.wait_indirect_dma semaphore(%run_scoped3A : memref<!tpu.dma_semaphore, #tpu.memory_space<semaphore_mem>>) src(%arg13 : memref<128x128xf32, #tpu.memory_space<vmem>>) dst(%dma_wait3A_132 : memref<5008x128xf32, #tpu.memory_space<vmem_shared>>)
            tpu.yield
          }) : () -> ()
        } else {
        }
        %add3A_116 = arith.constant 2 : i32
        %add3A_117 = arith.addi %mul3A_106, %add3A_116 : i32
        %lt3A_118 = arith.cmpi slt, %add3A_117, %div3A_23 : i32
        %convert_element_type3A_119 = arith.extui %lt3A_118 : i1 to i32
        %cond3A_120 = arith.constant 0 : i32
        %cond3A_121 = arith.cmpi ne, %convert_element_type3A_119, %cond3A_120 : i32
        scf.if %cond3A_121 {
          %add3A_126 = arith.constant 2 : i32
          %add3A_127 = arith.addi %mul3A_106, %add3A_126 : i32
          %mul3A_128 = arith.constant 128 : i32
          %mul3A_129 = arith.muli %add3A_127, %mul3A_128 : i32
          %add3A_130 = arith.constant 0 : i32
          %add3A_131 = arith.addi %mul3A_129, %add3A_130 : i32
          %get3A_132 = arith.index_cast %add3A_131 : i32 to index
          %get3A_133 = tpu.vector_load %arg8[%get3A_132] {strides = array<i32>} : memref<10128xi32, #tpu.memory_space<vmem>>, vector<16xi32>,
          %and3A = arith.constant 16383 : i32
          %and3A_134 = vector.broadcast %and3A : i32 to vector<16xi32>
          %and3A_135 = arith.andi %get3A_133, %and3A_134 : vector<16xi32>
          %swap3A = arith.constant 0 : index
          %swap3A_136 = tpu.vector_load %arg9[%swap3A] {strides = array<i32>} : memref<128xi32, #tpu.memory_space<vmem>>, vector<16xi32>,
          tpu.vector_store %arg9[%swap3A], %and3A_135 {strides = array<i32>} : memref<128xi32, #tpu.memory_space<vmem>>, vector<16xi32>,
          %shift_right_logical3A = arith.constant 14 : i32
          %shift_right_logical3A_137 = vector.broadcast %shift_right_logical3A : i32 to vector<16xi32>
          %shift_right_logical3A_138 = arith.shrui %get3A_133, %shift_right_logical3A_137 : vector<16xi32>
          %swap3A_139 = arith.constant 0 : index
          %swap3A_140 = tpu.vector_load %arg10[%swap3A_139] {strides = array<i32>} : memref<128xi32, #tpu.memory_space<vmem>>, vector<16xi32>,
          tpu.vector_store %arg10[%swap3A_139], %shift_right_logical3A_138 {strides = array<i32>} : memref<128xi32, #tpu.memory_space<vmem>>, vector<16xi32>,
          %mul3A_141 = arith.constant 128 : i32
          %mul3A_142 = arith.muli %add3A_127, %mul3A_141 : i32
          %add3A_143 = arith.constant 16 : i32
          %add3A_144 = arith.addi %mul3A_142, %add3A_143 : i32
          %get3A_145 = arith.index_cast %add3A_144 : i32 to index
          %get3A_146 = tpu.vector_load %arg8[%get3A_145] {strides = array<i32>} : memref<10128xi32, #tpu.memory_space<vmem>>, vector<16xi32>,
          %and3A_147 = arith.constant 16383 : i32
          %and3A_148 = vector.broadcast %and3A_147 : i32 to vector<16xi32>
          %and3A_149 = arith.andi %get3A_146, %and3A_148 : vector<16xi32>
          %swap3A_150 = arith.constant 16 : index
          %swap3A_151 = tpu.vector_load %arg9[%swap3A_150] {strides = array<i32>} : memref<128xi32, #tpu.memory_space<vmem>>, vector<16xi32>,
          tpu.vector_store %arg9[%swap3A_150], %and3A_149 {strides = array<i32>} : memref<128xi32, #tpu.memory_space<vmem>>, vector<16xi32>,
          %shift_right_logical3A_152 = arith.constant 14 : i32
          %shift_right_logical3A_153 = vector.broadcast %shift_right_logical3A_152 : i32 to vector<16xi32>
          %shift_right_logical3A_154 = arith.shrui %get3A_146, %shift_right_logical3A_153 : vector<16xi32>
          %swap3A_155 = arith.constant 16 : index
          %swap3A_156 = tpu.vector_load %arg10[%swap3A_155] {strides = array<i32>} : memref<128xi32, #tpu.memory_space<vmem>>, vector<16xi32>,
          tpu.vector_store %arg10[%swap3A_155], %shift_right_logical3A_154 {strides = array<i32>} : memref<128xi32, #tpu.memory_space<vmem>>, vector<16xi32>,
          %mul3A_157 = arith.constant 128 : i32
          %mul3A_158 = arith.muli %add3A_127, %mul3A_157 : i32
          %add3A_159 = arith.constant 32 : i32
          %add3A_160 = arith.addi %mul3A_158, %add3A_159 : i32
          %get3A_161 = arith.index_cast %add3A_160 : i32 to index
          %get3A_162 = tpu.vector_load %arg8[%get3A_161] {strides = array<i32>} : memref<10128xi32, #tpu.memory_space<vmem>>, vector<16xi32>,
          %and3A_163 = arith.constant 16383 : i32
          %and3A_164 = vector.broadcast %and3A_163 : i32 to vector<16xi32>
          %and3A_165 = arith.andi %get3A_162, %and3A_164 : vector<16xi32>
          %swap3A_166 = arith.constant 32 : index
          %swap3A_167 = tpu.vector_load %arg9[%swap3A_166] {strides = array<i32>} : memref<128xi32, #tpu.memory_space<vmem>>, vector<16xi32>,
          tpu.vector_store %arg9[%swap3A_166], %and3A_165 {strides = array<i32>} : memref<128xi32, #tpu.memory_space<vmem>>, vector<16xi32>,
          %shift_right_logical3A_168 = arith.constant 14 : i32
          %shift_right_logical3A_169 = vector.broadcast %shift_right_logical3A_168 : i32 to vector<16xi32>
          %shift_right_logical3A_170 = arith.shrui %get3A_162, %shift_right_logical3A_169 : vector<16xi32>
          %swap3A_171 = arith.constant 32 : index
          %swap3A_172 = tpu.vector_load %arg10[%swap3A_171] {strides = array<i32>} : memref<128xi32, #tpu.memory_space<vmem>>, vector<16xi32>,
          tpu.vector_store %arg10[%swap3A_171], %shift_right_logical3A_170 {strides = array<i32>} : memref<128xi32, #tpu.memory_space<vmem>>, vector<16xi32>,
          %mul3A_173 = arith.constant 128 : i32
          %mul3A_174 = arith.muli %add3A_127, %mul3A_173 : i32
          %add3A_175 = arith.constant 48 : i32
          %add3A_176 = arith.addi %mul3A_174, %add3A_175 : i32
          %get3A_177 = arith.index_cast %add3A_176 : i32 to index
          %get3A_178 = tpu.vector_load %arg8[%get3A_177] {strides = array<i32>} : memref<10128xi32, #tpu.memory_space<vmem>>, vector<16xi32>,
          %and3A_179 = arith.constant 16383 : i32
          %and3A_180 = vector.broadcast %and3A_179 : i32 to vector<16xi32>
          %and3A_181 = arith.andi %get3A_178, %and3A_180 : vector<16xi32>
          %swap3A_182 = arith.constant 48 : index
          %swap3A_183 = tpu.vector_load %arg9[%swap3A_182] {strides = array<i32>} : memref<128xi32, #tpu.memory_space<vmem>>, vector<16xi32>,
          tpu.vector_store %arg9[%swap3A_182], %and3A_181 {strides = array<i32>} : memref<128xi32, #tpu.memory_space<vmem>>, vector<16xi32>,
          %shift_right_logical3A_184 = arith.constant 14 : i32
          %shift_right_logical3A_185 = vector.broadcast %shift_right_logical3A_184 : i32 to vector<16xi32>
          %shift_right_logical3A_186 = arith.shrui %get3A_178, %shift_right_logical3A_185 : vector<16xi32>
          %swap3A_187 = arith.constant 48 : index
          %swap3A_188 = tpu.vector_load %arg10[%swap3A_187] {strides = array<i32>} : memref<128xi32, #tpu.memory_space<vmem>>, vector<16xi32>,
          tpu.vector_store %arg10[%swap3A_187], %shift_right_logical3A_186 {strides = array<i32>} : memref<128xi32, #tpu.memory_space<vmem>>, vector<16xi32>,
          %mul3A_189 = arith.constant 128 : i32
          %mul3A_190 = arith.muli %add3A_127, %mul3A_189 : i32
          %add3A_191 = arith.constant 64 : i32
          %add3A_192 = arith.addi %mul3A_190, %add3A_191 : i32
          %get3A_193 = arith.index_cast %add3A_192 : i32 to index
          %get3A_194 = tpu.vector_load %arg8[%get3A_193] {strides = array<i32>} : memref<10128xi32, #tpu.memory_space<vmem>>, vector<16xi32>,
          %and3A_195 = arith.constant 16383 : i32
          %and3A_196 = vector.broadcast %and3A_195 : i32 to vector<16xi32>
          %and3A_197 = arith.andi %get3A_194, %and3A_196 : vector<16xi32>
          %swap3A_198 = arith.constant 64 : index
          %swap3A_199 = tpu.vector_load %arg9[%swap3A_198] {strides = array<i32>} : memref<128xi32, #tpu.memory_space<vmem>>, vector<16xi32>,
          tpu.vector_store %arg9[%swap3A_198], %and3A_197 {strides = array<i32>} : memref<128xi32, #tpu.memory_space<vmem>>, vector<16xi32>,
          %shift_right_logical3A_200 = arith.constant 14 : i32
          %shift_right_logical3A_201 = vector.broadcast %shift_right_logical3A_200 : i32 to vector<16xi32>
          %shift_right_logical3A_202 = arith.shrui %get3A_194, %shift_right_logical3A_201 : vector<16xi32>
          %swap3A_203 = arith.constant 64 : index
          %swap3A_204 = tpu.vector_load %arg10[%swap3A_203] {strides = array<i32>} : memref<128xi32, #tpu.memory_space<vmem>>, vector<16xi32>,
          tpu.vector_store %arg10[%swap3A_203], %shift_right_logical3A_202 {strides = array<i32>} : memref<128xi32, #tpu.memory_space<vmem>>, vector<16xi32>,
          %mul3A_205 = arith.constant 128 : i32
          %mul3A_206 = arith.muli %add3A_127, %mul3A_205 : i32
          %add3A_207 = arith.constant 80 : i32
          %add3A_208 = arith.addi %mul3A_206, %add3A_207 : i32
          %get3A_209 = arith.index_cast %add3A_208 : i32 to index
          %get3A_210 = tpu.vector_load %arg8[%get3A_209] {strides = array<i32>} : memref<10128xi32, #tpu.memory_space<vmem>>, vector<16xi32>,
          %and3A_211 = arith.constant 16383 : i32
          %and3A_212 = vector.broadcast %and3A_211 : i32 to vector<16xi32>
          %and3A_213 = arith.andi %get3A_210, %and3A_212 : vector<16xi32>
          %swap3A_214 = arith.constant 80 : index
          %swap3A_215 = tpu.vector_load %arg9[%swap3A_214] {strides = array<i32>} : memref<128xi32, #tpu.memory_space<vmem>>, vector<16xi32>,
          tpu.vector_store %arg9[%swap3A_214], %and3A_213 {strides = array<i32>} : memref<128xi32, #tpu.memory_space<vmem>>, vector<16xi32>,
          %shift_right_logical3A_216 = arith.constant 14 : i32
          %shift_right_logical3A_217 = vector.broadcast %shift_right_logical3A_216 : i32 to vector<16xi32>
          %shift_right_logical3A_218 = arith.shrui %get3A_210, %shift_right_logical3A_217 : vector<16xi32>
          %swap3A_219 = arith.constant 80 : index
          %swap3A_220 = tpu.vector_load %arg10[%swap3A_219] {strides = array<i32>} : memref<128xi32, #tpu.memory_space<vmem>>, vector<16xi32>,
          tpu.vector_store %arg10[%swap3A_219], %shift_right_logical3A_218 {strides = array<i32>} : memref<128xi32, #tpu.memory_space<vmem>>, vector<16xi32>,
          %mul3A_221 = arith.constant 128 : i32
          %mul3A_222 = arith.muli %add3A_127, %mul3A_221 : i32
          %add3A_223 = arith.constant 96 : i32
          %add3A_224 = arith.addi %mul3A_222, %add3A_223 : i32
          %get3A_225 = arith.index_cast %add3A_224 : i32 to index
          %get3A_226 = tpu.vector_load %arg8[%get3A_225] {strides = array<i32>} : memref<10128xi32, #tpu.memory_space<vmem>>, vector<16xi32>,
          %and3A_227 = arith.constant 16383 : i32
          %and3A_228 = vector.broadcast %and3A_227 : i32 to vector<16xi32>
          %and3A_229 = arith.andi %get3A_226, %and3A_228 : vector<16xi32>
          %swap3A_230 = arith.constant 96 : index
          %swap3A_231 = tpu.vector_load %arg9[%swap3A_230] {strides = array<i32>} : memref<128xi32, #tpu.memory_space<vmem>>, vector<16xi32>,
          tpu.vector_store %arg9[%swap3A_230], %and3A_229 {strides = array<i32>} : memref<128xi32, #tpu.memory_space<vmem>>, vector<16xi32>,
          %shift_right_logical3A_232 = arith.constant 14 : i32
          %shift_right_logical3A_233 = vector.broadcast %shift_right_logical3A_232 : i32 to vector<16xi32>
          %shift_right_logical3A_234 = arith.shrui %get3A_226, %shift_right_logical3A_233 : vector<16xi32>
          %swap3A_235 = arith.constant 96 : index
          %swap3A_236 = tpu.vector_load %arg10[%swap3A_235] {strides = array<i32>} : memref<128xi32, #tpu.memory_space<vmem>>, vector<16xi32>,
          tpu.vector_store %arg10[%swap3A_235], %shift_right_logical3A_234 {strides = array<i32>} : memref<128xi32, #tpu.memory_space<vmem>>, vector<16xi32>,
          %mul3A_237 = arith.constant 128 : i32
          %mul3A_238 = arith.muli %add3A_127, %mul3A_237 : i32
          %add3A_239 = arith.constant 112 : i32
          %add3A_240 = arith.addi %mul3A_238, %add3A_239 : i32
          %get3A_241 = arith.index_cast %add3A_240 : i32 to index
          %get3A_242 = tpu.vector_load %arg8[%get3A_241] {strides = array<i32>} : memref<10128xi32, #tpu.memory_space<vmem>>, vector<16xi32>,
          %and3A_243 = arith.constant 16383 : i32
          %and3A_244 = vector.broadcast %and3A_243 : i32 to vector<16xi32>
          %and3A_245 = arith.andi %get3A_242, %and3A_244 : vector<16xi32>
          %swap3A_246 = arith.constant 112 : index
          %swap3A_247 = tpu.vector_load %arg9[%swap3A_246] {strides = array<i32>} : memref<128xi32, #tpu.memory_space<vmem>>, vector<16xi32>,
          tpu.vector_store %arg9[%swap3A_246], %and3A_245 {strides = array<i32>} : memref<128xi32, #tpu.memory_space<vmem>>, vector<16xi32>,
          %shift_right_logical3A_248 = arith.constant 14 : i32
          %shift_right_logical3A_249 = vector.broadcast %shift_right_logical3A_248 : i32 to vector<16xi32>
          %shift_right_logical3A_250 = arith.shrui %get3A_242, %shift_right_logical3A_249 : vector<16xi32>
          %swap3A_251 = arith.constant 112 : index
          %swap3A_252 = tpu.vector_load %arg10[%swap3A_251] {strides = array<i32>} : memref<128xi32, #tpu.memory_space<vmem>>, vector<16xi32>,
          tpu.vector_store %arg10[%swap3A_251], %shift_right_logical3A_250 {strides = array<i32>} : memref<128xi32, #tpu.memory_space<vmem>>, vector<16xi32>,
          %dma_start3A = arith.constant 0 : i32
          %dma_start3A_253 = arith.constant 0 : i32
          %dma_start3A_254 = tpu.memref_slice %arg2[%dma_start3A, %dma_start3A_253] : memref<10000x128xf32, #tpu.memory_space<hbm>> -> memref<10000x128xf32, #tpu.memory_space<hbm>>
          tpu.enqueue_indirect_dma source(%dma_start3A_254 : memref<10000x128xf32, #tpu.memory_space<hbm>>) target(%arg13 : memref<128x128xf32, #tpu.memory_space<vmem>>) offsets(%arg9 : memref<128xi32, #tpu.memory_space<vmem>>) semaphore(%arg18 : memref<!tpu.dma_semaphore, #tpu.memory_space<semaphore_mem>>)
        } else {
        }
        %lt3A_122 = arith.cmpi slt, %add3A_108, %div3A_23 : i32
        %convert_element_type3A_123 = arith.extui %lt3A_122 : i1 to i32
        %cond3A_124 = arith.constant 0 : i32
        %cond3A_125 = arith.cmpi ne, %convert_element_type3A_123, %cond3A_124 : i32
        scf.if %cond3A_125 {
          %dma_wait3A = arith.constant 0 : i32
          %dma_wait3A_126 = arith.constant 0 : i32
          %dma_wait3A_127 = tpu.memref_slice %arg2[%dma_wait3A, %dma_wait3A_126] : memref<10000x128xf32, #tpu.memory_space<hbm>> -> memref<10000x128xf32, #tpu.memory_space<hbm>>
          tpu.wait_indirect_dma semaphore(%arg19 : memref<!tpu.dma_semaphore, #tpu.memory_space<semaphore_mem>>) src(%dma_wait3A_127 : memref<10000x128xf32, #tpu.memory_space<hbm>>) dst(%arg14 : memref<128x128xf32, #tpu.memory_space<vmem>>)
          "tpu.region"() ({
            %run_scoped3A = tpu.sem_alloc : memref<!tpu.dma_semaphore, #tpu.memory_space<semaphore_mem>>
            %dma_start3A = arith.constant 0 : i32
            %dma_start3A_128 = arith.constant 0 : i32
            %dma_start3A_129 = tpu.memref_slice %arg17[%dma_start3A, %dma_start3A_128] : memref<5008x128xf32, #tpu.memory_space<vmem_shared>> -> memref<5008x128xf32, #tpu.memory_space<vmem_shared>>
            tpu.enqueue_indirect_dma source(%arg14 : memref<128x128xf32, #tpu.memory_space<vmem>>) target(%dma_start3A_129 : memref<5008x128xf32, #tpu.memory_space<vmem_shared>>) offsets(%arg12 : memref<128xi32, #tpu.memory_space<vmem>>) semaphore(%run_scoped3A : memref<!tpu.dma_semaphore, #tpu.memory_space<semaphore_mem>>) {add = true}
            %dma_wait3A_130 = arith.constant 0 : i32
            %dma_wait3A_131 = arith.constant 0 : i32
            %dma_wait3A_132 = tpu.memref_slice %arg17[%dma_wait3A_130, %dma_wait3A_131] : memref<5008x128xf32, #tpu.memory_space<vmem_shared>> -> memref<5008x128xf32, #tpu.memory_space<vmem_shared>>
            tpu.wait_indirect_dma semaphore(%run_scoped3A : memref<!tpu.dma_semaphore, #tpu.memory_space<semaphore_mem>>) src(%arg14 : memref<128x128xf32, #tpu.memory_space<vmem>>) dst(%dma_wait3A_132 : memref<5008x128xf32, #tpu.memory_space<vmem_shared>>)
            tpu.yield
          }) : () -> ()
        } else {
        }
      }
      %while3A_103 = arith.constant 1 : i32
      scf.for %while3A_104 = %while3A_101 to %while3A_97 step %while3A_103  : i32 {
        %mul3A_105 = arith.constant 2 : i32
        %mul3A_106 = arith.muli %mul3A_105, %while3A_104 : i32
        %add3A_107 = arith.constant 1 : i32
        %add3A_108 = arith.addi %mul3A_106, %add3A_107 : i32
        %lt3A = arith.cmpi slt, %add3A_108, %div3A_23 : i32
        %convert_element_type3A_109 = arith.extui %lt3A : i1 to i32
        %cond3A_110 = arith.constant 0 : i32
        %cond3A_111 = arith.cmpi ne, %convert_element_type3A_109, %cond3A_110 : i32
        scf.if %cond3A_111 {
          %mul3A_126 = arith.constant 128 : i32
          %mul3A_127 = arith.muli %add3A_108, %mul3A_126 : i32
          %add3A_128 = arith.constant 0 : i32
          %add3A_129 = arith.addi %mul3A_127, %add3A_128 : i32
          %get3A_130 = arith.index_cast %add3A_129 : i32 to index
          %get3A_131 = tpu.vector_load %arg8[%get3A_130] {strides = array<i32>} : memref<10128xi32, #tpu.memory_space<vmem>>, vector<16xi32>,
          %and3A = arith.constant 16383 : i32
          %and3A_132 = vector.broadcast %and3A : i32 to vector<16xi32>
          %and3A_133 = arith.andi %get3A_131, %and3A_132 : vector<16xi32>
          %swap3A = arith.constant 0 : index
          %swap3A_134 = tpu.vector_load %arg11[%swap3A] {strides = array<i32>} : memref<128xi32, #tpu.memory_space<vmem>>, vector<16xi32>,
          tpu.vector_store %arg11[%swap3A], %and3A_133 {strides = array<i32>} : memref<128xi32, #tpu.memory_space<vmem>>, vector<16xi32>,
          %shift_right_logical3A = arith.constant 14 : i32
          %shift_right_logical3A_135 = vector.broadcast %shift_right_logical3A : i32 to vector<16xi32>
          %shift_right_logical3A_136 = arith.shrui %get3A_131, %shift_right_logical3A_135 : vector<16xi32>
          %swap3A_137 = arith.constant 0 : index
          %swap3A_138 = tpu.vector_load %arg12[%swap3A_137] {strides = array<i32>} : memref<128xi32, #tpu.memory_space<vmem>>, vector<16xi32>,
          tpu.vector_store %arg12[%swap3A_137], %shift_right_logical3A_136 {strides = array<i32>} : memref<128xi32, #tpu.memory_space<vmem>>, vector<16xi32>,
          %mul3A_139 = arith.constant 128 : i32
          %mul3A_140 = arith.muli %add3A_108, %mul3A_139 : i32
          %add3A_141 = arith.constant 16 : i32
          %add3A_142 = arith.addi %mul3A_140, %add3A_141 : i32
          %get3A_143 = arith.index_cast %add3A_142 : i32 to index
          %get3A_144 = tpu.vector_load %arg8[%get3A_143] {strides = array<i32>} : memref<10128xi32, #tpu.memory_space<vmem>>, vector<16xi32>,
          %and3A_145 = arith.constant 16383 : i32
          %and3A_146 = vector.broadcast %and3A_145 : i32 to vector<16xi32>
          %and3A_147 = arith.andi %get3A_144, %and3A_146 : vector<16xi32>
          %swap3A_148 = arith.constant 16 : index
          %swap3A_149 = tpu.vector_load %arg11[%swap3A_148] {strides = array<i32>} : memref<128xi32, #tpu.memory_space<vmem>>, vector<16xi32>,
          tpu.vector_store %arg11[%swap3A_148], %and3A_147 {strides = array<i32>} : memref<128xi32, #tpu.memory_space<vmem>>, vector<16xi32>,
          %shift_right_logical3A_150 = arith.constant 14 : i32
          %shift_right_logical3A_151 = vector.broadcast %shift_right_logical3A_150 : i32 to vector<16xi32>
          %shift_right_logical3A_152 = arith.shrui %get3A_144, %shift_right_logical3A_151 : vector<16xi32>
          %swap3A_153 = arith.constant 16 : index
          %swap3A_154 = tpu.vector_load %arg12[%swap3A_153] {strides = array<i32>} : memref<128xi32, #tpu.memory_space<vmem>>, vector<16xi32>,
          tpu.vector_store %arg12[%swap3A_153], %shift_right_logical3A_152 {strides = array<i32>} : memref<128xi32, #tpu.memory_space<vmem>>, vector<16xi32>,
          %mul3A_155 = arith.constant 128 : i32
          %mul3A_156 = arith.muli %add3A_108, %mul3A_155 : i32
          %add3A_157 = arith.constant 32 : i32
          %add3A_158 = arith.addi %mul3A_156, %add3A_157 : i32
          %get3A_159 = arith.index_cast %add3A_158 : i32 to index
          %get3A_160 = tpu.vector_load %arg8[%get3A_159] {strides = array<i32>} : memref<10128xi32, #tpu.memory_space<vmem>>, vector<16xi32>,
          %and3A_161 = arith.constant 16383 : i32
          %and3A_162 = vector.broadcast %and3A_161 : i32 to vector<16xi32>
          %and3A_163 = arith.andi %get3A_160, %and3A_162 : vector<16xi32>
          %swap3A_164 = arith.constant 32 : index
          %swap3A_165 = tpu.vector_load %arg11[%swap3A_164] {strides = array<i32>} : memref<128xi32, #tpu.memory_space<vmem>>, vector<16xi32>,
          tpu.vector_store %arg11[%swap3A_164], %and3A_163 {strides = array<i32>} : memref<128xi32, #tpu.memory_space<vmem>>, vector<16xi32>,
          %shift_right_logical3A_166 = arith.constant 14 : i32
          %shift_right_logical3A_167 = vector.broadcast %shift_right_logical3A_166 : i32 to vector<16xi32>
          %shift_right_logical3A_168 = arith.shrui %get3A_160, %shift_right_logical3A_167 : vector<16xi32>
          %swap3A_169 = arith.constant 32 : index
          %swap3A_170 = tpu.vector_load %arg12[%swap3A_169] {strides = array<i32>} : memref<128xi32, #tpu.memory_space<vmem>>, vector<16xi32>,
          tpu.vector_store %arg12[%swap3A_169], %shift_right_logical3A_168 {strides = array<i32>} : memref<128xi32, #tpu.memory_space<vmem>>, vector<16xi32>,
          %mul3A_171 = arith.constant 128 : i32
          %mul3A_172 = arith.muli %add3A_108, %mul3A_171 : i32
          %add3A_173 = arith.constant 48 : i32
          %add3A_174 = arith.addi %mul3A_172, %add3A_173 : i32
          %get3A_175 = arith.index_cast %add3A_174 : i32 to index
          %get3A_176 = tpu.vector_load %arg8[%get3A_175] {strides = array<i32>} : memref<10128xi32, #tpu.memory_space<vmem>>, vector<16xi32>,
          %and3A_177 = arith.constant 16383 : i32
          %and3A_178 = vector.broadcast %and3A_177 : i32 to vector<16xi32>
          %and3A_179 = arith.andi %get3A_176, %and3A_178 : vector<16xi32>
          %swap3A_180 = arith.constant 48 : index
          %swap3A_181 = tpu.vector_load %arg11[%swap3A_180] {strides = array<i32>} : memref<128xi32, #tpu.memory_space<vmem>>, vector<16xi32>,
          tpu.vector_store %arg11[%swap3A_180], %and3A_179 {strides = array<i32>} : memref<128xi32, #tpu.memory_space<vmem>>, vector<16xi32>,
          %shift_right_logical3A_182 = arith.constant 14 : i32
          %shift_right_logical3A_183 = vector.broadcast %shift_right_logical3A_182 : i32 to vector<16xi32>
          %shift_right_logical3A_184 = arith.shrui %get3A_176, %shift_right_logical3A_183 : vector<16xi32>
          %swap3A_185 = arith.constant 48 : index
          %swap3A_186 = tpu.vector_load %arg12[%swap3A_185] {strides = array<i32>} : memref<128xi32, #tpu.memory_space<vmem>>, vector<16xi32>,
          tpu.vector_store %arg12[%swap3A_185], %shift_right_logical3A_184 {strides = array<i32>} : memref<128xi32, #tpu.memory_space<vmem>>, vector<16xi32>,
          %mul3A_187 = arith.constant 128 : i32
          %mul3A_188 = arith.muli %add3A_108, %mul3A_187 : i32
          %add3A_189 = arith.constant 64 : i32
          %add3A_190 = arith.addi %mul3A_188, %add3A_189 : i32
          %get3A_191 = arith.index_cast %add3A_190 : i32 to index
          %get3A_192 = tpu.vector_load %arg8[%get3A_191] {strides = array<i32>} : memref<10128xi32, #tpu.memory_space<vmem>>, vector<16xi32>,
          %and3A_193 = arith.constant 16383 : i32
          %and3A_194 = vector.broadcast %and3A_193 : i32 to vector<16xi32>
          %and3A_195 = arith.andi %get3A_192, %and3A_194 : vector<16xi32>
          %swap3A_196 = arith.constant 64 : index
          %swap3A_197 = tpu.vector_load %arg11[%swap3A_196] {strides = array<i32>} : memref<128xi32, #tpu.memory_space<vmem>>, vector<16xi32>,
          tpu.vector_store %arg11[%swap3A_196], %and3A_195 {strides = array<i32>} : memref<128xi32, #tpu.memory_space<vmem>>, vector<16xi32>,
          %shift_right_logical3A_198 = arith.constant 14 : i32
          %shift_right_logical3A_199 = vector.broadcast %shift_right_logical3A_198 : i32 to vector<16xi32>
          %shift_right_logical3A_200 = arith.shrui %get3A_192, %shift_right_logical3A_199 : vector<16xi32>
          %swap3A_201 = arith.constant 64 : index
          %swap3A_202 = tpu.vector_load %arg12[%swap3A_201] {strides = array<i32>} : memref<128xi32, #tpu.memory_space<vmem>>, vector<16xi32>,
          tpu.vector_store %arg12[%swap3A_201], %shift_right_logical3A_200 {strides = array<i32>} : memref<128xi32, #tpu.memory_space<vmem>>, vector<16xi32>,
          %mul3A_203 = arith.constant 128 : i32
          %mul3A_204 = arith.muli %add3A_108, %mul3A_203 : i32
          %add3A_205 = arith.constant 80 : i32
          %add3A_206 = arith.addi %mul3A_204, %add3A_205 : i32
          %get3A_207 = arith.index_cast %add3A_206 : i32 to index
          %get3A_208 = tpu.vector_load %arg8[%get3A_207] {strides = array<i32>} : memref<10128xi32, #tpu.memory_space<vmem>>, vector<16xi32>,
          %and3A_209 = arith.constant 16383 : i32
          %and3A_210 = vector.broadcast %and3A_209 : i32 to vector<16xi32>
          %and3A_211 = arith.andi %get3A_208, %and3A_210 : vector<16xi32>
          %swap3A_212 = arith.constant 80 : index
          %swap3A_213 = tpu.vector_load %arg11[%swap3A_212] {strides = array<i32>} : memref<128xi32, #tpu.memory_space<vmem>>, vector<16xi32>,
          tpu.vector_store %arg11[%swap3A_212], %and3A_211 {strides = array<i32>} : memref<128xi32, #tpu.memory_space<vmem>>, vector<16xi32>,
          %shift_right_logical3A_214 = arith.constant 14 : i32
          %shift_right_logical3A_215 = vector.broadcast %shift_right_logical3A_214 : i32 to vector<16xi32>
          %shift_right_logical3A_216 = arith.shrui %get3A_208, %shift_right_logical3A_215 : vector<16xi32>
          %swap3A_217 = arith.constant 80 : index
          %swap3A_218 = tpu.vector_load %arg12[%swap3A_217] {strides = array<i32>} : memref<128xi32, #tpu.memory_space<vmem>>, vector<16xi32>,
          tpu.vector_store %arg12[%swap3A_217], %shift_right_logical3A_216 {strides = array<i32>} : memref<128xi32, #tpu.memory_space<vmem>>, vector<16xi32>,
          %mul3A_219 = arith.constant 128 : i32
          %mul3A_220 = arith.muli %add3A_108, %mul3A_219 : i32
          %add3A_221 = arith.constant 96 : i32
          %add3A_222 = arith.addi %mul3A_220, %add3A_221 : i32
          %get3A_223 = arith.index_cast %add3A_222 : i32 to index
          %get3A_224 = tpu.vector_load %arg8[%get3A_223] {strides = array<i32>} : memref<10128xi32, #tpu.memory_space<vmem>>, vector<16xi32>,
          %and3A_225 = arith.constant 16383 : i32
          %and3A_226 = vector.broadcast %and3A_225 : i32 to vector<16xi32>
          %and3A_227 = arith.andi %get3A_224, %and3A_226 : vector<16xi32>
          %swap3A_228 = arith.constant 96 : index
          %swap3A_229 = tpu.vector_load %arg11[%swap3A_228] {strides = array<i32>} : memref<128xi32, #tpu.memory_space<vmem>>, vector<16xi32>,
          tpu.vector_store %arg11[%swap3A_228], %and3A_227 {strides = array<i32>} : memref<128xi32, #tpu.memory_space<vmem>>, vector<16xi32>,
          %shift_right_logical3A_230 = arith.constant 14 : i32
          %shift_right_logical3A_231 = vector.broadcast %shift_right_logical3A_230 : i32 to vector<16xi32>
          %shift_right_logical3A_232 = arith.shrui %get3A_224, %shift_right_logical3A_231 : vector<16xi32>
          %swap3A_233 = arith.constant 96 : index
          %swap3A_234 = tpu.vector_load %arg12[%swap3A_233] {strides = array<i32>} : memref<128xi32, #tpu.memory_space<vmem>>, vector<16xi32>,
          tpu.vector_store %arg12[%swap3A_233], %shift_right_logical3A_232 {strides = array<i32>} : memref<128xi32, #tpu.memory_space<vmem>>, vector<16xi32>,
          %mul3A_235 = arith.constant 128 : i32
          %mul3A_236 = arith.muli %add3A_108, %mul3A_235 : i32
          %add3A_237 = arith.constant 112 : i32
          %add3A_238 = arith.addi %mul3A_236, %add3A_237 : i32
          %get3A_239 = arith.index_cast %add3A_238 : i32 to index
          %get3A_240 = tpu.vector_load %arg8[%get3A_239] {strides = array<i32>} : memref<10128xi32, #tpu.memory_space<vmem>>, vector<16xi32>,
          %and3A_241 = arith.constant 16383 : i32
          %and3A_242 = vector.broadcast %and3A_241 : i32 to vector<16xi32>
          %and3A_243 = arith.andi %get3A_240, %and3A_242 : vector<16xi32>
          %swap3A_244 = arith.constant 112 : index
          %swap3A_245 = tpu.vector_load %arg11[%swap3A_244] {strides = array<i32>} : memref<128xi32, #tpu.memory_space<vmem>>, vector<16xi32>,
          tpu.vector_store %arg11[%swap3A_244], %and3A_243 {strides = array<i32>} : memref<128xi32, #tpu.memory_space<vmem>>, vector<16xi32>,
          %shift_right_logical3A_246 = arith.constant 14 : i32
          %shift_right_logical3A_247 = vector.broadcast %shift_right_logical3A_246 : i32 to vector<16xi32>
          %shift_right_logical3A_248 = arith.shrui %get3A_240, %shift_right_logical3A_247 : vector<16xi32>
          %swap3A_249 = arith.constant 112 : index
          %swap3A_250 = tpu.vector_load %arg12[%swap3A_249] {strides = array<i32>} : memref<128xi32, #tpu.memory_space<vmem>>, vector<16xi32>,
          tpu.vector_store %arg12[%swap3A_249], %shift_right_logical3A_248 {strides = array<i32>} : memref<128xi32, #tpu.memory_space<vmem>>, vector<16xi32>,
          %dma_start3A = arith.constant 0 : i32
          %dma_start3A_251 = arith.constant 0 : i32
          %dma_start3A_252 = tpu.memref_slice %arg2[%dma_start3A, %dma_start3A_251] : memref<10000x128xf32, #tpu.memory_space<hbm>> -> memref<10000x128xf32, #tpu.memory_space<hbm>>
          tpu.enqueue_indirect_dma source(%dma_start3A_252 : memref<10000x128xf32, #tpu.memory_space<hbm>>) target(%arg14 : memref<128x128xf32, #tpu.memory_space<vmem>>) offsets(%arg11 : memref<128xi32, #tpu.memory_space<vmem>>) semaphore(%arg19 : memref<!tpu.dma_semaphore, #tpu.memory_space<semaphore_mem>>)
        } else {
        }
        %lt3A_112 = arith.cmpi slt, %mul3A_106, %div3A_23 : i32
        %convert_element_type3A_113 = arith.extui %lt3A_112 : i1 to i32
        %cond3A_114 = arith.constant 0 : i32
        %cond3A_115 = arith.cmpi ne, %convert_element_type3A_113, %cond3A_114 : i32
        scf.if %cond3A_115 {
          %dma_wait3A = arith.constant 0 : i32
          %dma_wait3A_126 = arith.constant 0 : i32
          %dma_wait3A_127 = tpu.memref_slice %arg2[%dma_wait3A, %dma_wait3A_126] : memref<10000x128xf32, #tpu.memory_space<hbm>> -> memref<10000x128xf32, #tpu.memory_space<hbm>>
          tpu.wait_indirect_dma semaphore(%arg18 : memref<!tpu.dma_semaphore, #tpu.memory_space<semaphore_mem>>) src(%dma_wait3A_127 : memref<10000x128xf32, #tpu.memory_space<hbm>>) dst(%arg13 : memref<128x128xf32, #tpu.memory_space<vmem>>)
          "tpu.region"() ({
            %run_scoped3A = tpu.sem_alloc : memref<!tpu.dma_semaphore, #tpu.memory_space<semaphore_mem>>
            %dma_start3A = arith.constant 0 : i32
            %dma_start3A_128 = arith.constant 0 : i32
            %dma_start3A_129 = tpu.memref_slice %arg17[%dma_start3A, %dma_start3A_128] : memref<5008x128xf32, #tpu.memory_space<vmem_shared>> -> memref<5008x128xf32, #tpu.memory_space<vmem_shared>>
            tpu.enqueue_indirect_dma source(%arg13 : memref<128x128xf32, #tpu.memory_space<vmem>>) target(%dma_start3A_129 : memref<5008x128xf32, #tpu.memory_space<vmem_shared>>) offsets(%arg10 : memref<128xi32, #tpu.memory_space<vmem>>) semaphore(%run_scoped3A : memref<!tpu.dma_semaphore, #tpu.memory_space<semaphore_mem>>) {add = true}
            %dma_wait3A_130 = arith.constant 0 : i32
            %dma_wait3A_131 = arith.constant 0 : i32
            %dma_wait3A_132 = tpu.memref_slice %arg17[%dma_wait3A_130, %dma_wait3A_131] : memref<5008x128xf32, #tpu.memory_space<vmem_shared>> -> memref<5008x128xf32, #tpu.memory_space<vmem_shared>>
            tpu.wait_indirect_dma semaphore(%run_scoped3A : memref<!tpu.dma_semaphore, #tpu.memory_space<semaphore_mem>>) src(%arg13 : memref<128x128xf32, #tpu.memory_space<vmem>>) dst(%dma_wait3A_132 : memref<5008x128xf32, #tpu.memory_space<vmem_shared>>)
            tpu.yield
          }) : () -> ()
        } else {
        }
        %add3A_116 = arith.constant 2 : i32
        %add3A_117 = arith.addi %mul3A_106, %add3A_116 : i32
        %lt3A_118 = arith.cmpi slt, %add3A_117, %div3A_23 : i32
        %convert_element_type3A_119 = arith.extui %lt3A_118 : i1 to i32
        %cond3A_120 = arith.constant 0 : i32
        %cond3A_121 = arith.cmpi ne, %convert_element_type3A_119, %cond3A_120 : i32
        scf.if %cond3A_121 {
          %add3A_126 = arith.constant 2 : i32
          %add3A_127 = arith.addi %mul3A_106, %add3A_126 : i32
          %mul3A_128 = arith.constant 128 : i32
          %mul3A_129 = arith.muli %add3A_127, %mul3A_128 : i32
          %add3A_130 = arith.constant 0 : i32
          %add3A_131 = arith.addi %mul3A_129, %add3A_130 : i32
          %get3A_132 = arith.index_cast %add3A_131 : i32 to index
          %get3A_133 = tpu.vector_load %arg8[%get3A_132] {strides = array<i32>} : memref<10128xi32, #tpu.memory_space<vmem>>, vector<16xi32>,
          %and3A = arith.constant 16383 : i32
          %and3A_134 = vector.broadcast %and3A : i32 to vector<16xi32>
          %and3A_135 = arith.andi %get3A_133, %and3A_134 : vector<16xi32>
          %swap3A = arith.constant 0 : index
          %swap3A_136 = tpu.vector_load %arg9[%swap3A] {strides = array<i32>} : memref<128xi32, #tpu.memory_space<vmem>>, vector<16xi32>,
          tpu.vector_store %arg9[%swap3A], %and3A_135 {strides = array<i32>} : memref<128xi32, #tpu.memory_space<vmem>>, vector<16xi32>,
          %shift_right_logical3A = arith.constant 14 : i32
          %shift_right_logical3A_137 = vector.broadcast %shift_right_logical3A : i32 to vector<16xi32>
          %shift_right_logical3A_138 = arith.shrui %get3A_133, %shift_right_logical3A_137 : vector<16xi32>
          %swap3A_139 = arith.constant 0 : index
          %swap3A_140 = tpu.vector_load %arg10[%swap3A_139] {strides = array<i32>} : memref<128xi32, #tpu.memory_space<vmem>>, vector<16xi32>,
          tpu.vector_store %arg10[%swap3A_139], %shift_right_logical3A_138 {strides = array<i32>} : memref<128xi32, #tpu.memory_space<vmem>>, vector<16xi32>,
          %mul3A_141 = arith.constant 128 : i32
          %mul3A_142 = arith.muli %add3A_127, %mul3A_141 : i32
          %add3A_143 = arith.constant 16 : i32
          %add3A_144 = arith.addi %mul3A_142, %add3A_143 : i32
          %get3A_145 = arith.index_cast %add3A_144 : i32 to index
          %get3A_146 = tpu.vector_load %arg8[%get3A_145] {strides = array<i32>} : memref<10128xi32, #tpu.memory_space<vmem>>, vector<16xi32>,
          %and3A_147 = arith.constant 16383 : i32
          %and3A_148 = vector.broadcast %and3A_147 : i32 to vector<16xi32>
          %and3A_149 = arith.andi %get3A_146, %and3A_148 : vector<16xi32>
          %swap3A_150 = arith.constant 16 : index
          %swap3A_151 = tpu.vector_load %arg9[%swap3A_150] {strides = array<i32>} : memref<128xi32, #tpu.memory_space<vmem>>, vector<16xi32>,
          tpu.vector_store %arg9[%swap3A_150], %and3A_149 {strides = array<i32>} : memref<128xi32, #tpu.memory_space<vmem>>, vector<16xi32>,
          %shift_right_logical3A_152 = arith.constant 14 : i32
          %shift_right_logical3A_153 = vector.broadcast %shift_right_logical3A_152 : i32 to vector<16xi32>
          %shift_right_logical3A_154 = arith.shrui %get3A_146, %shift_right_logical3A_153 : vector<16xi32>
          %swap3A_155 = arith.constant 16 : index
          %swap3A_156 = tpu.vector_load %arg10[%swap3A_155] {strides = array<i32>} : memref<128xi32, #tpu.memory_space<vmem>>, vector<16xi32>,
          tpu.vector_store %arg10[%swap3A_155], %shift_right_logical3A_154 {strides = array<i32>} : memref<128xi32, #tpu.memory_space<vmem>>, vector<16xi32>,
          %mul3A_157 = arith.constant 128 : i32
          %mul3A_158 = arith.muli %add3A_127, %mul3A_157 : i32
          %add3A_159 = arith.constant 32 : i32
          %add3A_160 = arith.addi %mul3A_158, %add3A_159 : i32
          %get3A_161 = arith.index_cast %add3A_160 : i32 to index
          %get3A_162 = tpu.vector_load %arg8[%get3A_161] {strides = array<i32>} : memref<10128xi32, #tpu.memory_space<vmem>>, vector<16xi32>,
          %and3A_163 = arith.constant 16383 : i32
          %and3A_164 = vector.broadcast %and3A_163 : i32 to vector<16xi32>
          %and3A_165 = arith.andi %get3A_162, %and3A_164 : vector<16xi32>
          %swap3A_166 = arith.constant 32 : index
          %swap3A_167 = tpu.vector_load %arg9[%swap3A_166] {strides = array<i32>} : memref<128xi32, #tpu.memory_space<vmem>>, vector<16xi32>,
          tpu.vector_store %arg9[%swap3A_166], %and3A_165 {strides = array<i32>} : memref<128xi32, #tpu.memory_space<vmem>>, vector<16xi32>,
          %shift_right_logical3A_168 = arith.constant 14 : i32
          %shift_right_logical3A_169 = vector.broadcast %shift_right_logical3A_168 : i32 to vector<16xi32>
          %shift_right_logical3A_170 = arith.shrui %get3A_162, %shift_right_logical3A_169 : vector<16xi32>
          %swap3A_171 = arith.constant 32 : index
          %swap3A_172 = tpu.vector_load %arg10[%swap3A_171] {strides = array<i32>} : memref<128xi32, #tpu.memory_space<vmem>>, vector<16xi32>,
          tpu.vector_store %arg10[%swap3A_171], %shift_right_logical3A_170 {strides = array<i32>} : memref<128xi32, #tpu.memory_space<vmem>>, vector<16xi32>,
          %mul3A_173 = arith.constant 128 : i32
          %mul3A_174 = arith.muli %add3A_127, %mul3A_173 : i32
          %add3A_175 = arith.constant 48 : i32
          %add3A_176 = arith.addi %mul3A_174, %add3A_175 : i32
          %get3A_177 = arith.index_cast %add3A_176 : i32 to index
          %get3A_178 = tpu.vector_load %arg8[%get3A_177] {strides = array<i32>} : memref<10128xi32, #tpu.memory_space<vmem>>, vector<16xi32>,
          %and3A_179 = arith.constant 16383 : i32
          %and3A_180 = vector.broadcast %and3A_179 : i32 to vector<16xi32>
          %and3A_181 = arith.andi %get3A_178, %and3A_180 : vector<16xi32>
          %swap3A_182 = arith.constant 48 : index
          %swap3A_183 = tpu.vector_load %arg9[%swap3A_182] {strides = array<i32>} : memref<128xi32, #tpu.memory_space<vmem>>, vector<16xi32>,
          tpu.vector_store %arg9[%swap3A_182], %and3A_181 {strides = array<i32>} : memref<128xi32, #tpu.memory_space<vmem>>, vector<16xi32>,
          %shift_right_logical3A_184 = arith.constant 14 : i32
          %shift_right_logical3A_185 = vector.broadcast %shift_right_logical3A_184 : i32 to vector<16xi32>
          %shift_right_logical3A_186 = arith.shrui %get3A_178, %shift_right_logical3A_185 : vector<16xi32>
          %swap3A_187 = arith.constant 48 : index
          %swap3A_188 = tpu.vector_load %arg10[%swap3A_187] {strides = array<i32>} : memref<128xi32, #tpu.memory_space<vmem>>, vector<16xi32>,
          tpu.vector_store %arg10[%swap3A_187], %shift_right_logical3A_186 {strides = array<i32>} : memref<128xi32, #tpu.memory_space<vmem>>, vector<16xi32>,
          %mul3A_189 = arith.constant 128 : i32
          %mul3A_190 = arith.muli %add3A_127, %mul3A_189 : i32
          %add3A_191 = arith.constant 64 : i32
          %add3A_192 = arith.addi %mul3A_190, %add3A_191 : i32
          %get3A_193 = arith.index_cast %add3A_192 : i32 to index
          %get3A_194 = tpu.vector_load %arg8[%get3A_193] {strides = array<i32>} : memref<10128xi32, #tpu.memory_space<vmem>>, vector<16xi32>,
          %and3A_195 = arith.constant 16383 : i32
          %and3A_196 = vector.broadcast %and3A_195 : i32 to vector<16xi32>
          %and3A_197 = arith.andi %get3A_194, %and3A_196 : vector<16xi32>
          %swap3A_198 = arith.constant 64 : index
          %swap3A_199 = tpu.vector_load %arg9[%swap3A_198] {strides = array<i32>} : memref<128xi32, #tpu.memory_space<vmem>>, vector<16xi32>,
          tpu.vector_store %arg9[%swap3A_198], %and3A_197 {strides = array<i32>} : memref<128xi32, #tpu.memory_space<vmem>>, vector<16xi32>,
          %shift_right_logical3A_200 = arith.constant 14 : i32
          %shift_right_logical3A_201 = vector.broadcast %shift_right_logical3A_200 : i32 to vector<16xi32>
          %shift_right_logical3A_202 = arith.shrui %get3A_194, %shift_right_logical3A_201 : vector<16xi32>
          %swap3A_203 = arith.constant 64 : index
          %swap3A_204 = tpu.vector_load %arg10[%swap3A_203] {strides = array<i32>} : memref<128xi32, #tpu.memory_space<vmem>>, vector<16xi32>,
          tpu.vector_store %arg10[%swap3A_203], %shift_right_logical3A_202 {strides = array<i32>} : memref<128xi32, #tpu.memory_space<vmem>>, vector<16xi32>,
          %mul3A_205 = arith.constant 128 : i32
          %mul3A_206 = arith.muli %add3A_127, %mul3A_205 : i32
          %add3A_207 = arith.constant 80 : i32
          %add3A_208 = arith.addi %mul3A_206, %add3A_207 : i32
          %get3A_209 = arith.index_cast %add3A_208 : i32 to index
          %get3A_210 = tpu.vector_load %arg8[%get3A_209] {strides = array<i32>} : memref<10128xi32, #tpu.memory_space<vmem>>, vector<16xi32>,
          %and3A_211 = arith.constant 16383 : i32
          %and3A_212 = vector.broadcast %and3A_211 : i32 to vector<16xi32>
          %and3A_213 = arith.andi %get3A_210, %and3A_212 : vector<16xi32>
          %swap3A_214 = arith.constant 80 : index
          %swap3A_215 = tpu.vector_load %arg9[%swap3A_214] {strides = array<i32>} : memref<128xi32, #tpu.memory_space<vmem>>, vector<16xi32>,
          tpu.vector_store %arg9[%swap3A_214], %and3A_213 {strides = array<i32>} : memref<128xi32, #tpu.memory_space<vmem>>, vector<16xi32>,
          %shift_right_logical3A_216 = arith.constant 14 : i32
          %shift_right_logical3A_217 = vector.broadcast %shift_right_logical3A_216 : i32 to vector<16xi32>
          %shift_right_logical3A_218 = arith.shrui %get3A_210, %shift_right_logical3A_217 : vector<16xi32>
          %swap3A_219 = arith.constant 80 : index
          %swap3A_220 = tpu.vector_load %arg10[%swap3A_219] {strides = array<i32>} : memref<128xi32, #tpu.memory_space<vmem>>, vector<16xi32>,
          tpu.vector_store %arg10[%swap3A_219], %shift_right_logical3A_218 {strides = array<i32>} : memref<128xi32, #tpu.memory_space<vmem>>, vector<16xi32>,
          %mul3A_221 = arith.constant 128 : i32
          %mul3A_222 = arith.muli %add3A_127, %mul3A_221 : i32
          %add3A_223 = arith.constant 96 : i32
          %add3A_224 = arith.addi %mul3A_222, %add3A_223 : i32
          %get3A_225 = arith.index_cast %add3A_224 : i32 to index
          %get3A_226 = tpu.vector_load %arg8[%get3A_225] {strides = array<i32>} : memref<10128xi32, #tpu.memory_space<vmem>>, vector<16xi32>,
          %and3A_227 = arith.constant 16383 : i32
          %and3A_228 = vector.broadcast %and3A_227 : i32 to vector<16xi32>
          %and3A_229 = arith.andi %get3A_226, %and3A_228 : vector<16xi32>
          %swap3A_230 = arith.constant 96 : index
          %swap3A_231 = tpu.vector_load %arg9[%swap3A_230] {strides = array<i32>} : memref<128xi32, #tpu.memory_space<vmem>>, vector<16xi32>,
          tpu.vector_store %arg9[%swap3A_230], %and3A_229 {strides = array<i32>} : memref<128xi32, #tpu.memory_space<vmem>>, vector<16xi32>,
          %shift_right_logical3A_232 = arith.constant 14 : i32
          %shift_right_logical3A_233 = vector.broadcast %shift_right_logical3A_232 : i32 to vector<16xi32>
          %shift_right_logical3A_234 = arith.shrui %get3A_226, %shift_right_logical3A_233 : vector<16xi32>
          %swap3A_235 = arith.constant 96 : index
          %swap3A_236 = tpu.vector_load %arg10[%swap3A_235] {strides = array<i32>} : memref<128xi32, #tpu.memory_space<vmem>>, vector<16xi32>,
          tpu.vector_store %arg10[%swap3A_235], %shift_right_logical3A_234 {strides = array<i32>} : memref<128xi32, #tpu.memory_space<vmem>>, vector<16xi32>,
          %mul3A_237 = arith.constant 128 : i32
          %mul3A_238 = arith.muli %add3A_127, %mul3A_237 : i32
          %add3A_239 = arith.constant 112 : i32
          %add3A_240 = arith.addi %mul3A_238, %add3A_239 : i32
          %get3A_241 = arith.index_cast %add3A_240 : i32 to index
          %get3A_242 = tpu.vector_load %arg8[%get3A_241] {strides = array<i32>} : memref<10128xi32, #tpu.memory_space<vmem>>, vector<16xi32>,
          %and3A_243 = arith.constant 16383 : i32
          %and3A_244 = vector.broadcast %and3A_243 : i32 to vector<16xi32>
          %and3A_245 = arith.andi %get3A_242, %and3A_244 : vector<16xi32>
          %swap3A_246 = arith.constant 112 : index
          %swap3A_247 = tpu.vector_load %arg9[%swap3A_246] {strides = array<i32>} : memref<128xi32, #tpu.memory_space<vmem>>, vector<16xi32>,
          tpu.vector_store %arg9[%swap3A_246], %and3A_245 {strides = array<i32>} : memref<128xi32, #tpu.memory_space<vmem>>, vector<16xi32>,
          %shift_right_logical3A_248 = arith.constant 14 : i32
          %shift_right_logical3A_249 = vector.broadcast %shift_right_logical3A_248 : i32 to vector<16xi32>
          %shift_right_logical3A_250 = arith.shrui %get3A_242, %shift_right_logical3A_249 : vector<16xi32>
          %swap3A_251 = arith.constant 112 : index
          %swap3A_252 = tpu.vector_load %arg10[%swap3A_251] {strides = array<i32>} : memref<128xi32, #tpu.memory_space<vmem>>, vector<16xi32>,
          tpu.vector_store %arg10[%swap3A_251], %shift_right_logical3A_250 {strides = array<i32>} : memref<128xi32, #tpu.memory_space<vmem>>, vector<16xi32>,
          %dma_start3A = arith.constant 0 : i32
          %dma_start3A_253 = arith.constant 0 : i32
          %dma_start3A_254 = tpu.memref_slice %arg2[%dma_start3A, %dma_start3A_253] : memref<10000x128xf32, #tpu.memory_space<hbm>> -> memref<10000x128xf32, #tpu.memory_space<hbm>>
          tpu.enqueue_indirect_dma source(%dma_start3A_254 : memref<10000x128xf32, #tpu.memory_space<hbm>>) target(%arg13 : memref<128x128xf32, #tpu.memory_space<vmem>>) offsets(%arg9 : memref<128xi32, #tpu.memory_space<vmem>>) semaphore(%arg18 : memref<!tpu.dma_semaphore, #tpu.memory_space<semaphore_mem>>)
        } else {
        }
        %lt3A_122 = arith.cmpi slt, %add3A_108, %div3A_23 : i32
        %convert_element_type3A_123 = arith.extui %lt3A_122 : i1 to i32
        %cond3A_124 = arith.constant 0 : i32
        %cond3A_125 = arith.cmpi ne, %convert_element_type3A_123, %cond3A_124 : i32
        scf.if %cond3A_125 {
          %dma_wait3A = arith.constant 0 : i32
          %dma_wait3A_126 = arith.constant 0 : i32
          %dma_wait3A_127 = tpu.memref_slice %arg2[%dma_wait3A, %dma_wait3A_126] : memref<10000x128xf32, #tpu.memory_space<hbm>> -> memref<10000x128xf32, #tpu.memory_space<hbm>>
          tpu.wait_indirect_dma semaphore(%arg19 : memref<!tpu.dma_semaphore, #tpu.memory_space<semaphore_mem>>) src(%dma_wait3A_127 : memref<10000x128xf32, #tpu.memory_space<hbm>>) dst(%arg14 : memref<128x128xf32, #tpu.memory_space<vmem>>)
          "tpu.region"() ({
            %run_scoped3A = tpu.sem_alloc : memref<!tpu.dma_semaphore, #tpu.memory_space<semaphore_mem>>
            %dma_start3A = arith.constant 0 : i32
            %dma_start3A_128 = arith.constant 0 : i32
            %dma_start3A_129 = tpu.memref_slice %arg17[%dma_start3A, %dma_start3A_128] : memref<5008x128xf32, #tpu.memory_space<vmem_shared>> -> memref<5008x128xf32, #tpu.memory_space<vmem_shared>>
            tpu.enqueue_indirect_dma source(%arg14 : memref<128x128xf32, #tpu.memory_space<vmem>>) target(%dma_start3A_129 : memref<5008x128xf32, #tpu.memory_space<vmem_shared>>) offsets(%arg12 : memref<128xi32, #tpu.memory_space<vmem>>) semaphore(%run_scoped3A : memref<!tpu.dma_semaphore, #tpu.memory_space<semaphore_mem>>) {add = true}
            %dma_wait3A_130 = arith.constant 0 : i32
            %dma_wait3A_131 = arith.constant 0 : i32
            %dma_wait3A_132 = tpu.memref_slice %arg17[%dma_wait3A_130, %dma_wait3A_131] : memref<5008x128xf32, #tpu.memory_space<vmem_shared>> -> memref<5008x128xf32, #tpu.memory_space<vmem_shared>>
            tpu.wait_indirect_dma semaphore(%run_scoped3A : memref<!tpu.dma_semaphore, #tpu.memory_space<semaphore_mem>>) src(%arg14 : memref<128x128xf32, #tpu.memory_space<vmem>>) dst(%dma_wait3A_132 : memref<5008x128xf32, #tpu.memory_space<vmem_shared>>)
            tpu.yield
          }) : () -> ()
        } else {
        }
      }
    } else {
    }
    %mul3A_40 = arith.constant 2 : i32
    %mul3A_41 = arith.muli %mul3A_40, %arg1 : i32
    %add3A_42 = arith.constant 1 : i32
    %add3A_43 = arith.addi %mul3A_41, %add3A_42 : i32
    %mul3A_44 = arith.constant 16 : i32
    %mul3A_45 = arith.muli %add3A_43, %mul3A_44 : i32
    "tpu.region"() ({
      %run_scoped3A = tpu.sem_alloc : memref<!tpu.dma_semaphore, #tpu.memory_space<semaphore_mem>>
      %dma_start3A = tpu.memref_slice %arg4[%mul3A_45] : memref<512xi32, #tpu.memory_space<hbm>> -> memref<16xi32, #tpu.memory_space<hbm>>
      %dma_start3A_87 = tpu.memref_slice %arg4[%mul3A_45] : memref<512xi32, #tpu.memory_space<hbm>> -> memref<16xi32, #tpu.memory_space<hbm>>
      tpu.enqueue_dma source(%dma_start3A_87 : memref<16xi32, #tpu.memory_space<hbm>>) target(%arg15 : memref<16xi32, #tpu.memory_space<vmem>>) target_semaphore(%run_scoped3A : memref<!tpu.dma_semaphore, #tpu.memory_space<semaphore_mem>>)
      %dma_wait3A = tpu.memref_slice %arg4[%mul3A_45] : memref<512xi32, #tpu.memory_space<hbm>> -> memref<16xi32, #tpu.memory_space<hbm>>
      %dma_wait3A_88 = tpu.memref_slice %arg4[%mul3A_45] : memref<512xi32, #tpu.memory_space<hbm>> -> memref<16xi32, #tpu.memory_space<hbm>>
      tpu.wait_dma2 semaphore(%run_scoped3A : memref<!tpu.dma_semaphore, #tpu.memory_space<semaphore_mem>>) src(%dma_wait3A_88 : memref<16xi32, #tpu.memory_space<hbm>>) dst(%arg15 : memref<16xi32, #tpu.memory_space<vmem>>)
      tpu.yield
    }) : () -> ()
    %get3A_46 = arith.constant 0 : index
    %get3A_47 = tpu.vector_load %arg15[%get3A_46] {strides = array<i32>} : memref<16xi32, #tpu.memory_space<vmem>>, vector<16xi32>,
    %eq3A_48 = arith.constant 0 : i32
    %eq3A_49 = arith.cmpi eq, %arg0, %eq3A_48 : i32
    %slice3A_50 = vector.extract_strided_slice %get3A_47 {offsets = [0], sizes = [1], strides = [1]} : vector<16xi32> to vector<1xi32>
    %squeeze3A_51 = vector.extract %slice3A_50[0] : i32 from vector<1xi32>
    %slice3A_52 = vector.extract_strided_slice %get3A_47 {offsets = [1], sizes = [1], strides = [1]} : vector<16xi32> to vector<1xi32>
    %squeeze3A_53 = vector.extract %slice3A_52[0] : i32 from vector<1xi32>
    %select_n3A_54 = arith.select %eq3A_49, %squeeze3A_51, %squeeze3A_53 : i32
    %add3A_55 = arith.constant 127 : i32
    %add3A_56 = arith.addi %select_n3A_54, %add3A_55 : i32
    %div3A_57 = arith.constant 128 : i32
    %div3A_58 = arith.divsi %add3A_56, %div3A_57 : i32
    %mul3A_59 = arith.constant 32 : i32
    %mul3A_60 = arith.muli %arg0, %mul3A_59 : i32
    %add3A_61 = arith.addi %mul3A_60, %add3A_43 : i32
    %mul3A_62 = arith.constant 10128 : i32
    %mul3A_63 = arith.muli %add3A_61, %mul3A_62 : i32
    %multiple_of3A_64 = tpu.assume_multiple %mul3A_63, 8 : i32
    "tpu.region"() ({
      %run_scoped3A = tpu.sem_alloc : memref<!tpu.dma_semaphore, #tpu.memory_space<semaphore_mem>>
      %dma_start3A = tpu.memref_slice %arg3[%multiple_of3A_64] : memref<648192xi32, #tpu.memory_space<hbm>> -> memref<10128xi32, #tpu.memory_space<hbm>>
      %dma_start3A_87 = tpu.memref_slice %arg3[%multiple_of3A_64] : memref<648192xi32, #tpu.memory_space<hbm>> -> memref<10128xi32, #tpu.memory_space<hbm>>
      tpu.enqueue_dma source(%dma_start3A_87 : memref<10128xi32, #tpu.memory_space<hbm>>) target(%arg8 : memref<10128xi32, #tpu.memory_space<vmem>>) target_semaphore(%run_scoped3A : memref<!tpu.dma_semaphore, #tpu.memory_space<semaphore_mem>>)
      %dma_wait3A = tpu.memref_slice %arg3[%multiple_of3A_64] : memref<648192xi32, #tpu.memory_space<hbm>> -> memref<10128xi32, #tpu.memory_space<hbm>>
      %dma_wait3A_88 = tpu.memref_slice %arg3[%multiple_of3A_64] : memref<648192xi32, #tpu.memory_space<hbm>> -> memref<10128xi32, #tpu.memory_space<hbm>>
      tpu.wait_dma2 semaphore(%run_scoped3A : memref<!tpu.dma_semaphore, #tpu.memory_space<semaphore_mem>>) src(%dma_wait3A_88 : memref<10128xi32, #tpu.memory_space<hbm>>) dst(%arg8 : memref<10128xi32, #tpu.memory_space<vmem>>)
      tpu.yield
    }) : () -> ()
    %ne3A_65 = arith.constant 0 : i32
    %ne3A_66 = arith.cmpi ne, %squeeze3A, %ne3A_65 : i32
    %convert_element_type3A_67 = arith.extui %ne3A_66 : i1 to i32
    %cond3A_68 = arith.constant 0 : i32
    %cond3A_69 = arith.cmpi ne, %convert_element_type3A_67, %cond3A_68 : i32
    scf.if %cond3A_69 {
      %while3A = arith.constant 0 : i32
      %while3A_87 = arith.constant 0 : i32
      %while3A_88 = arith.subi %div3A_58, %while3A_87 : i32
      %while3A_89 = arith.addi %while3A_87, %while3A_88 : i32
      %while3A_90 = arith.constant 1 : i32
      %while3A_91 = arith.divsi %while3A_88, %while3A_90 : i32
      %while3A_92 = arith.muli %while3A_91, %while3A_90 : i32
      %while3A_93 = arith.addi %while3A_87, %while3A_92 : i32
      %while3A_94 = arith.constant 1 : i32
      scf.for %while3A_96 = %while3A_87 to %while3A_93 step %while3A_94  : i32 {
        %mul3A_97 = arith.constant 128 : i32
        %mul3A_98 = arith.muli %while3A_96, %mul3A_97 : i32
        %add3A_99 = arith.constant 0 : i32
        %add3A_100 = arith.addi %mul3A_98, %add3A_99 : i32
        %get3A_101 = arith.index_cast %add3A_100 : i32 to index
        %get3A_102 = tpu.vector_load %arg8[%get3A_101] {strides = array<i32>} : memref<10128xi32, #tpu.memory_space<vmem>>, vector<16xi32>,
        %and3A = arith.constant 16383 : i32
        %and3A_103 = vector.broadcast %and3A : i32 to vector<16xi32>
        %and3A_104 = arith.andi %get3A_102, %and3A_103 : vector<16xi32>
        %swap3A = arith.constant 0 : index
        %swap3A_105 = tpu.vector_load %arg9[%swap3A] {strides = array<i32>} : memref<128xi32, #tpu.memory_space<vmem>>, vector<16xi32>,
        tpu.vector_store %arg9[%swap3A], %and3A_104 {strides = array<i32>} : memref<128xi32, #tpu.memory_space<vmem>>, vector<16xi32>,
        %shift_right_logical3A = arith.constant 14 : i32
        %shift_right_logical3A_106 = vector.broadcast %shift_right_logical3A : i32 to vector<16xi32>
        %shift_right_logical3A_107 = arith.shrui %get3A_102, %shift_right_logical3A_106 : vector<16xi32>
        %swap3A_108 = arith.constant 0 : index
        %swap3A_109 = tpu.vector_load %arg10[%swap3A_108] {strides = array<i32>} : memref<128xi32, #tpu.memory_space<vmem>>, vector<16xi32>,
        tpu.vector_store %arg10[%swap3A_108], %shift_right_logical3A_107 {strides = array<i32>} : memref<128xi32, #tpu.memory_space<vmem>>, vector<16xi32>,
        %mul3A_110 = arith.constant 128 : i32
        %mul3A_111 = arith.muli %while3A_96, %mul3A_110 : i32
        %add3A_112 = arith.constant 16 : i32
        %add3A_113 = arith.addi %mul3A_111, %add3A_112 : i32
        %get3A_114 = arith.index_cast %add3A_113 : i32 to index
        %get3A_115 = tpu.vector_load %arg8[%get3A_114] {strides = array<i32>} : memref<10128xi32, #tpu.memory_space<vmem>>, vector<16xi32>,
        %and3A_116 = arith.constant 16383 : i32
        %and3A_117 = vector.broadcast %and3A_116 : i32 to vector<16xi32>
        %and3A_118 = arith.andi %get3A_115, %and3A_117 : vector<16xi32>
        %swap3A_119 = arith.constant 16 : index
        %swap3A_120 = tpu.vector_load %arg9[%swap3A_119] {strides = array<i32>} : memref<128xi32, #tpu.memory_space<vmem>>, vector<16xi32>,
        tpu.vector_store %arg9[%swap3A_119], %and3A_118 {strides = array<i32>} : memref<128xi32, #tpu.memory_space<vmem>>, vector<16xi32>,
        %shift_right_logical3A_121 = arith.constant 14 : i32
        %shift_right_logical3A_122 = vector.broadcast %shift_right_logical3A_121 : i32 to vector<16xi32>
        %shift_right_logical3A_123 = arith.shrui %get3A_115, %shift_right_logical3A_122 : vector<16xi32>
        %swap3A_124 = arith.constant 16 : index
        %swap3A_125 = tpu.vector_load %arg10[%swap3A_124] {strides = array<i32>} : memref<128xi32, #tpu.memory_space<vmem>>, vector<16xi32>,
        tpu.vector_store %arg10[%swap3A_124], %shift_right_logical3A_123 {strides = array<i32>} : memref<128xi32, #tpu.memory_space<vmem>>, vector<16xi32>,
        %mul3A_126 = arith.constant 128 : i32
        %mul3A_127 = arith.muli %while3A_96, %mul3A_126 : i32
        %add3A_128 = arith.constant 32 : i32
        %add3A_129 = arith.addi %mul3A_127, %add3A_128 : i32
        %get3A_130 = arith.index_cast %add3A_129 : i32 to index
        %get3A_131 = tpu.vector_load %arg8[%get3A_130] {strides = array<i32>} : memref<10128xi32, #tpu.memory_space<vmem>>, vector<16xi32>,
        %and3A_132 = arith.constant 16383 : i32
        %and3A_133 = vector.broadcast %and3A_132 : i32 to vector<16xi32>
        %and3A_134 = arith.andi %get3A_131, %and3A_133 : vector<16xi32>
        %swap3A_135 = arith.constant 32 : index
        %swap3A_136 = tpu.vector_load %arg9[%swap3A_135] {strides = array<i32>} : memref<128xi32, #tpu.memory_space<vmem>>, vector<16xi32>,
        tpu.vector_store %arg9[%swap3A_135], %and3A_134 {strides = array<i32>} : memref<128xi32, #tpu.memory_space<vmem>>, vector<16xi32>,
        %shift_right_logical3A_137 = arith.constant 14 : i32
        %shift_right_logical3A_138 = vector.broadcast %shift_right_logical3A_137 : i32 to vector<16xi32>
        %shift_right_logical3A_139 = arith.shrui %get3A_131, %shift_right_logical3A_138 : vector<16xi32>
        %swap3A_140 = arith.constant 32 : index
        %swap3A_141 = tpu.vector_load %arg10[%swap3A_140] {strides = array<i32>} : memref<128xi32, #tpu.memory_space<vmem>>, vector<16xi32>,
        tpu.vector_store %arg10[%swap3A_140], %shift_right_logical3A_139 {strides = array<i32>} : memref<128xi32, #tpu.memory_space<vmem>>, vector<16xi32>,
        %mul3A_142 = arith.constant 128 : i32
        %mul3A_143 = arith.muli %while3A_96, %mul3A_142 : i32
        %add3A_144 = arith.constant 48 : i32
        %add3A_145 = arith.addi %mul3A_143, %add3A_144 : i32
        %get3A_146 = arith.index_cast %add3A_145 : i32 to index
        %get3A_147 = tpu.vector_load %arg8[%get3A_146] {strides = array<i32>} : memref<10128xi32, #tpu.memory_space<vmem>>, vector<16xi32>,
        %and3A_148 = arith.constant 16383 : i32
        %and3A_149 = vector.broadcast %and3A_148 : i32 to vector<16xi32>
        %and3A_150 = arith.andi %get3A_147, %and3A_149 : vector<16xi32>
        %swap3A_151 = arith.constant 48 : index
        %swap3A_152 = tpu.vector_load %arg9[%swap3A_151] {strides = array<i32>} : memref<128xi32, #tpu.memory_space<vmem>>, vector<16xi32>,
        tpu.vector_store %arg9[%swap3A_151], %and3A_150 {strides = array<i32>} : memref<128xi32, #tpu.memory_space<vmem>>, vector<16xi32>,
        %shift_right_logical3A_153 = arith.constant 14 : i32
        %shift_right_logical3A_154 = vector.broadcast %shift_right_logical3A_153 : i32 to vector<16xi32>
        %shift_right_logical3A_155 = arith.shrui %get3A_147, %shift_right_logical3A_154 : vector<16xi32>
        %swap3A_156 = arith.constant 48 : index
        %swap3A_157 = tpu.vector_load %arg10[%swap3A_156] {strides = array<i32>} : memref<128xi32, #tpu.memory_space<vmem>>, vector<16xi32>,
        tpu.vector_store %arg10[%swap3A_156], %shift_right_logical3A_155 {strides = array<i32>} : memref<128xi32, #tpu.memory_space<vmem>>, vector<16xi32>,
        %mul3A_158 = arith.constant 128 : i32
        %mul3A_159 = arith.muli %while3A_96, %mul3A_158 : i32
        %add3A_160 = arith.constant 64 : i32
        %add3A_161 = arith.addi %mul3A_159, %add3A_160 : i32
        %get3A_162 = arith.index_cast %add3A_161 : i32 to index
        %get3A_163 = tpu.vector_load %arg8[%get3A_162] {strides = array<i32>} : memref<10128xi32, #tpu.memory_space<vmem>>, vector<16xi32>,
        %and3A_164 = arith.constant 16383 : i32
        %and3A_165 = vector.broadcast %and3A_164 : i32 to vector<16xi32>
        %and3A_166 = arith.andi %get3A_163, %and3A_165 : vector<16xi32>
        %swap3A_167 = arith.constant 64 : index
        %swap3A_168 = tpu.vector_load %arg9[%swap3A_167] {strides = array<i32>} : memref<128xi32, #tpu.memory_space<vmem>>, vector<16xi32>,
        tpu.vector_store %arg9[%swap3A_167], %and3A_166 {strides = array<i32>} : memref<128xi32, #tpu.memory_space<vmem>>, vector<16xi32>,
        %shift_right_logical3A_169 = arith.constant 14 : i32
        %shift_right_logical3A_170 = vector.broadcast %shift_right_logical3A_169 : i32 to vector<16xi32>
        %shift_right_logical3A_171 = arith.shrui %get3A_163, %shift_right_logical3A_170 : vector<16xi32>
        %swap3A_172 = arith.constant 64 : index
        %swap3A_173 = tpu.vector_load %arg10[%swap3A_172] {strides = array<i32>} : memref<128xi32, #tpu.memory_space<vmem>>, vector<16xi32>,
        tpu.vector_store %arg10[%swap3A_172], %shift_right_logical3A_171 {strides = array<i32>} : memref<128xi32, #tpu.memory_space<vmem>>, vector<16xi32>,
        %mul3A_174 = arith.constant 128 : i32
        %mul3A_175 = arith.muli %while3A_96, %mul3A_174 : i32
        %add3A_176 = arith.constant 80 : i32
        %add3A_177 = arith.addi %mul3A_175, %add3A_176 : i32
        %get3A_178 = arith.index_cast %add3A_177 : i32 to index
        %get3A_179 = tpu.vector_load %arg8[%get3A_178] {strides = array<i32>} : memref<10128xi32, #tpu.memory_space<vmem>>, vector<16xi32>,
        %and3A_180 = arith.constant 16383 : i32
        %and3A_181 = vector.broadcast %and3A_180 : i32 to vector<16xi32>
        %and3A_182 = arith.andi %get3A_179, %and3A_181 : vector<16xi32>
        %swap3A_183 = arith.constant 80 : index
        %swap3A_184 = tpu.vector_load %arg9[%swap3A_183] {strides = array<i32>} : memref<128xi32, #tpu.memory_space<vmem>>, vector<16xi32>,
        tpu.vector_store %arg9[%swap3A_183], %and3A_182 {strides = array<i32>} : memref<128xi32, #tpu.memory_space<vmem>>, vector<16xi32>,
        %shift_right_logical3A_185 = arith.constant 14 : i32
        %shift_right_logical3A_186 = vector.broadcast %shift_right_logical3A_185 : i32 to vector<16xi32>
        %shift_right_logical3A_187 = arith.shrui %get3A_179, %shift_right_logical3A_186 : vector<16xi32>
        %swap3A_188 = arith.constant 80 : index
        %swap3A_189 = tpu.vector_load %arg10[%swap3A_188] {strides = array<i32>} : memref<128xi32, #tpu.memory_space<vmem>>, vector<16xi32>,
        tpu.vector_store %arg10[%swap3A_188], %shift_right_logical3A_187 {strides = array<i32>} : memref<128xi32, #tpu.memory_space<vmem>>, vector<16xi32>,
        %mul3A_190 = arith.constant 128 : i32
        %mul3A_191 = arith.muli %while3A_96, %mul3A_190 : i32
        %add3A_192 = arith.constant 96 : i32
        %add3A_193 = arith.addi %mul3A_191, %add3A_192 : i32
        %get3A_194 = arith.index_cast %add3A_193 : i32 to index
        %get3A_195 = tpu.vector_load %arg8[%get3A_194] {strides = array<i32>} : memref<10128xi32, #tpu.memory_space<vmem>>, vector<16xi32>,
        %and3A_196 = arith.constant 16383 : i32
        %and3A_197 = vector.broadcast %and3A_196 : i32 to vector<16xi32>
        %and3A_198 = arith.andi %get3A_195, %and3A_197 : vector<16xi32>
        %swap3A_199 = arith.constant 96 : index
        %swap3A_200 = tpu.vector_load %arg9[%swap3A_199] {strides = array<i32>} : memref<128xi32, #tpu.memory_space<vmem>>, vector<16xi32>,
        tpu.vector_store %arg9[%swap3A_199], %and3A_198 {strides = array<i32>} : memref<128xi32, #tpu.memory_space<vmem>>, vector<16xi32>,
        %shift_right_logical3A_201 = arith.constant 14 : i32
        %shift_right_logical3A_202 = vector.broadcast %shift_right_logical3A_201 : i32 to vector<16xi32>
        %shift_right_logical3A_203 = arith.shrui %get3A_195, %shift_right_logical3A_202 : vector<16xi32>
        %swap3A_204 = arith.constant 96 : index
        %swap3A_205 = tpu.vector_load %arg10[%swap3A_204] {strides = array<i32>} : memref<128xi32, #tpu.memory_space<vmem>>, vector<16xi32>,
        tpu.vector_store %arg10[%swap3A_204], %shift_right_logical3A_203 {strides = array<i32>} : memref<128xi32, #tpu.memory_space<vmem>>, vector<16xi32>,
        %mul3A_206 = arith.constant 128 : i32
        %mul3A_207 = arith.muli %while3A_96, %mul3A_206 : i32
        %add3A_208 = arith.constant 112 : i32
        %add3A_209 = arith.addi %mul3A_207, %add3A_208 : i32
        %get3A_210 = arith.index_cast %add3A_209 : i32 to index
        %get3A_211 = tpu.vector_load %arg8[%get3A_210] {strides = array<i32>} : memref<10128xi32, #tpu.memory_space<vmem>>, vector<16xi32>,
        %and3A_212 = arith.constant 16383 : i32
        %and3A_213 = vector.broadcast %and3A_212 : i32 to vector<16xi32>
        %and3A_214 = arith.andi %get3A_211, %and3A_213 : vector<16xi32>
        %swap3A_215 = arith.constant 112 : index
        %swap3A_216 = tpu.vector_load %arg9[%swap3A_215] {strides = array<i32>} : memref<128xi32, #tpu.memory_space<vmem>>, vector<16xi32>,
        tpu.vector_store %arg9[%swap3A_215], %and3A_214 {strides = array<i32>} : memref<128xi32, #tpu.memory_space<vmem>>, vector<16xi32>,
        %shift_right_logical3A_217 = arith.constant 14 : i32
        %shift_right_logical3A_218 = vector.broadcast %shift_right_logical3A_217 : i32 to vector<16xi32>
        %shift_right_logical3A_219 = arith.shrui %get3A_211, %shift_right_logical3A_218 : vector<16xi32>
        %swap3A_220 = arith.constant 112 : index
        %swap3A_221 = tpu.vector_load %arg10[%swap3A_220] {strides = array<i32>} : memref<128xi32, #tpu.memory_space<vmem>>, vector<16xi32>,
        tpu.vector_store %arg10[%swap3A_220], %shift_right_logical3A_219 {strides = array<i32>} : memref<128xi32, #tpu.memory_space<vmem>>, vector<16xi32>,
        "tpu.region"() ({
          %run_scoped3A = tpu.sem_alloc : memref<!tpu.dma_semaphore, #tpu.memory_space<semaphore_mem>>
          %dma_start3A = arith.constant 0 : i32
          %dma_start3A_222 = arith.constant 0 : i32
          %dma_start3A_223 = tpu.memref_slice %arg17[%dma_start3A, %dma_start3A_222] : memref<5008x128xf32, #tpu.memory_space<vmem_shared>> -> memref<5008x128xf32, #tpu.memory_space<vmem_shared>>
          tpu.enqueue_indirect_dma source(%arg13 : memref<128x128xf32, #tpu.memory_space<vmem>>) target(%dma_start3A_223 : memref<5008x128xf32, #tpu.memory_space<vmem_shared>>) offsets(%arg10 : memref<128xi32, #tpu.memory_space<vmem>>) semaphore(%run_scoped3A : memref<!tpu.dma_semaphore, #tpu.memory_space<semaphore_mem>>) {add = true}
          %dma_wait3A = arith.constant 0 : i32
          %dma_wait3A_224 = arith.constant 0 : i32
          %dma_wait3A_225 = tpu.memref_slice %arg17[%dma_wait3A, %dma_wait3A_224] : memref<5008x128xf32, #tpu.memory_space<vmem_shared>> -> memref<5008x128xf32, #tpu.memory_space<vmem_shared>>
          tpu.wait_indirect_dma semaphore(%run_scoped3A : memref<!tpu.dma_semaphore, #tpu.memory_space<semaphore_mem>>) src(%arg13 : memref<128x128xf32, #tpu.memory_space<vmem>>) dst(%dma_wait3A_225 : memref<5008x128xf32, #tpu.memory_space<vmem_shared>>)
          tpu.yield
        }) : () -> ()
      }
      %while3A_95 = arith.constant 1 : i32
      scf.for %while3A_96 = %while3A_93 to %while3A_89 step %while3A_95  : i32 {
        %mul3A_97 = arith.constant 128 : i32
        %mul3A_98 = arith.muli %while3A_96, %mul3A_97 : i32
        %add3A_99 = arith.constant 0 : i32
        %add3A_100 = arith.addi %mul3A_98, %add3A_99 : i32
        %get3A_101 = arith.index_cast %add3A_100 : i32 to index
        %get3A_102 = tpu.vector_load %arg8[%get3A_101] {strides = array<i32>} : memref<10128xi32, #tpu.memory_space<vmem>>, vector<16xi32>,
        %and3A = arith.constant 16383 : i32
        %and3A_103 = vector.broadcast %and3A : i32 to vector<16xi32>
        %and3A_104 = arith.andi %get3A_102, %and3A_103 : vector<16xi32>
        %swap3A = arith.constant 0 : index
        %swap3A_105 = tpu.vector_load %arg9[%swap3A] {strides = array<i32>} : memref<128xi32, #tpu.memory_space<vmem>>, vector<16xi32>,
        tpu.vector_store %arg9[%swap3A], %and3A_104 {strides = array<i32>} : memref<128xi32, #tpu.memory_space<vmem>>, vector<16xi32>,
        %shift_right_logical3A = arith.constant 14 : i32
        %shift_right_logical3A_106 = vector.broadcast %shift_right_logical3A : i32 to vector<16xi32>
        %shift_right_logical3A_107 = arith.shrui %get3A_102, %shift_right_logical3A_106 : vector<16xi32>
        %swap3A_108 = arith.constant 0 : index
        %swap3A_109 = tpu.vector_load %arg10[%swap3A_108] {strides = array<i32>} : memref<128xi32, #tpu.memory_space<vmem>>, vector<16xi32>,
        tpu.vector_store %arg10[%swap3A_108], %shift_right_logical3A_107 {strides = array<i32>} : memref<128xi32, #tpu.memory_space<vmem>>, vector<16xi32>,
        %mul3A_110 = arith.constant 128 : i32
        %mul3A_111 = arith.muli %while3A_96, %mul3A_110 : i32
        %add3A_112 = arith.constant 16 : i32
        %add3A_113 = arith.addi %mul3A_111, %add3A_112 : i32
        %get3A_114 = arith.index_cast %add3A_113 : i32 to index
        %get3A_115 = tpu.vector_load %arg8[%get3A_114] {strides = array<i32>} : memref<10128xi32, #tpu.memory_space<vmem>>, vector<16xi32>,
        %and3A_116 = arith.constant 16383 : i32
        %and3A_117 = vector.broadcast %and3A_116 : i32 to vector<16xi32>
        %and3A_118 = arith.andi %get3A_115, %and3A_117 : vector<16xi32>
        %swap3A_119 = arith.constant 16 : index
        %swap3A_120 = tpu.vector_load %arg9[%swap3A_119] {strides = array<i32>} : memref<128xi32, #tpu.memory_space<vmem>>, vector<16xi32>,
        tpu.vector_store %arg9[%swap3A_119], %and3A_118 {strides = array<i32>} : memref<128xi32, #tpu.memory_space<vmem>>, vector<16xi32>,
        %shift_right_logical3A_121 = arith.constant 14 : i32
        %shift_right_logical3A_122 = vector.broadcast %shift_right_logical3A_121 : i32 to vector<16xi32>
        %shift_right_logical3A_123 = arith.shrui %get3A_115, %shift_right_logical3A_122 : vector<16xi32>
        %swap3A_124 = arith.constant 16 : index
        %swap3A_125 = tpu.vector_load %arg10[%swap3A_124] {strides = array<i32>} : memref<128xi32, #tpu.memory_space<vmem>>, vector<16xi32>,
        tpu.vector_store %arg10[%swap3A_124], %shift_right_logical3A_123 {strides = array<i32>} : memref<128xi32, #tpu.memory_space<vmem>>, vector<16xi32>,
        %mul3A_126 = arith.constant 128 : i32
        %mul3A_127 = arith.muli %while3A_96, %mul3A_126 : i32
        %add3A_128 = arith.constant 32 : i32
        %add3A_129 = arith.addi %mul3A_127, %add3A_128 : i32
        %get3A_130 = arith.index_cast %add3A_129 : i32 to index
        %get3A_131 = tpu.vector_load %arg8[%get3A_130] {strides = array<i32>} : memref<10128xi32, #tpu.memory_space<vmem>>, vector<16xi32>,
        %and3A_132 = arith.constant 16383 : i32
        %and3A_133 = vector.broadcast %and3A_132 : i32 to vector<16xi32>
        %and3A_134 = arith.andi %get3A_131, %and3A_133 : vector<16xi32>
        %swap3A_135 = arith.constant 32 : index
        %swap3A_136 = tpu.vector_load %arg9[%swap3A_135] {strides = array<i32>} : memref<128xi32, #tpu.memory_space<vmem>>, vector<16xi32>,
        tpu.vector_store %arg9[%swap3A_135], %and3A_134 {strides = array<i32>} : memref<128xi32, #tpu.memory_space<vmem>>, vector<16xi32>,
        %shift_right_logical3A_137 = arith.constant 14 : i32
        %shift_right_logical3A_138 = vector.broadcast %shift_right_logical3A_137 : i32 to vector<16xi32>
        %shift_right_logical3A_139 = arith.shrui %get3A_131, %shift_right_logical3A_138 : vector<16xi32>
        %swap3A_140 = arith.constant 32 : index
        %swap3A_141 = tpu.vector_load %arg10[%swap3A_140] {strides = array<i32>} : memref<128xi32, #tpu.memory_space<vmem>>, vector<16xi32>,
        tpu.vector_store %arg10[%swap3A_140], %shift_right_logical3A_139 {strides = array<i32>} : memref<128xi32, #tpu.memory_space<vmem>>, vector<16xi32>,
        %mul3A_142 = arith.constant 128 : i32
        %mul3A_143 = arith.muli %while3A_96, %mul3A_142 : i32
        %add3A_144 = arith.constant 48 : i32
        %add3A_145 = arith.addi %mul3A_143, %add3A_144 : i32
        %get3A_146 = arith.index_cast %add3A_145 : i32 to index
        %get3A_147 = tpu.vector_load %arg8[%get3A_146] {strides = array<i32>} : memref<10128xi32, #tpu.memory_space<vmem>>, vector<16xi32>,
        %and3A_148 = arith.constant 16383 : i32
        %and3A_149 = vector.broadcast %and3A_148 : i32 to vector<16xi32>
        %and3A_150 = arith.andi %get3A_147, %and3A_149 : vector<16xi32>
        %swap3A_151 = arith.constant 48 : index
        %swap3A_152 = tpu.vector_load %arg9[%swap3A_151] {strides = array<i32>} : memref<128xi32, #tpu.memory_space<vmem>>, vector<16xi32>,
        tpu.vector_store %arg9[%swap3A_151], %and3A_150 {strides = array<i32>} : memref<128xi32, #tpu.memory_space<vmem>>, vector<16xi32>,
        %shift_right_logical3A_153 = arith.constant 14 : i32
        %shift_right_logical3A_154 = vector.broadcast %shift_right_logical3A_153 : i32 to vector<16xi32>
        %shift_right_logical3A_155 = arith.shrui %get3A_147, %shift_right_logical3A_154 : vector<16xi32>
        %swap3A_156 = arith.constant 48 : index
        %swap3A_157 = tpu.vector_load %arg10[%swap3A_156] {strides = array<i32>} : memref<128xi32, #tpu.memory_space<vmem>>, vector<16xi32>,
        tpu.vector_store %arg10[%swap3A_156], %shift_right_logical3A_155 {strides = array<i32>} : memref<128xi32, #tpu.memory_space<vmem>>, vector<16xi32>,
        %mul3A_158 = arith.constant 128 : i32
        %mul3A_159 = arith.muli %while3A_96, %mul3A_158 : i32
        %add3A_160 = arith.constant 64 : i32
        %add3A_161 = arith.addi %mul3A_159, %add3A_160 : i32
        %get3A_162 = arith.index_cast %add3A_161 : i32 to index
        %get3A_163 = tpu.vector_load %arg8[%get3A_162] {strides = array<i32>} : memref<10128xi32, #tpu.memory_space<vmem>>, vector<16xi32>,
        %and3A_164 = arith.constant 16383 : i32
        %and3A_165 = vector.broadcast %and3A_164 : i32 to vector<16xi32>
        %and3A_166 = arith.andi %get3A_163, %and3A_165 : vector<16xi32>
        %swap3A_167 = arith.constant 64 : index
        %swap3A_168 = tpu.vector_load %arg9[%swap3A_167] {strides = array<i32>} : memref<128xi32, #tpu.memory_space<vmem>>, vector<16xi32>,
        tpu.vector_store %arg9[%swap3A_167], %and3A_166 {strides = array<i32>} : memref<128xi32, #tpu.memory_space<vmem>>, vector<16xi32>,
        %shift_right_logical3A_169 = arith.constant 14 : i32
        %shift_right_logical3A_170 = vector.broadcast %shift_right_logical3A_169 : i32 to vector<16xi32>
        %shift_right_logical3A_171 = arith.shrui %get3A_163, %shift_right_logical3A_170 : vector<16xi32>
        %swap3A_172 = arith.constant 64 : index
        %swap3A_173 = tpu.vector_load %arg10[%swap3A_172] {strides = array<i32>} : memref<128xi32, #tpu.memory_space<vmem>>, vector<16xi32>,
        tpu.vector_store %arg10[%swap3A_172], %shift_right_logical3A_171 {strides = array<i32>} : memref<128xi32, #tpu.memory_space<vmem>>, vector<16xi32>,
        %mul3A_174 = arith.constant 128 : i32
        %mul3A_175 = arith.muli %while3A_96, %mul3A_174 : i32
        %add3A_176 = arith.constant 80 : i32
        %add3A_177 = arith.addi %mul3A_175, %add3A_176 : i32
        %get3A_178 = arith.index_cast %add3A_177 : i32 to index
        %get3A_179 = tpu.vector_load %arg8[%get3A_178] {strides = array<i32>} : memref<10128xi32, #tpu.memory_space<vmem>>, vector<16xi32>,
        %and3A_180 = arith.constant 16383 : i32
        %and3A_181 = vector.broadcast %and3A_180 : i32 to vector<16xi32>
        %and3A_182 = arith.andi %get3A_179, %and3A_181 : vector<16xi32>
        %swap3A_183 = arith.constant 80 : index
        %swap3A_184 = tpu.vector_load %arg9[%swap3A_183] {strides = array<i32>} : memref<128xi32, #tpu.memory_space<vmem>>, vector<16xi32>,
        tpu.vector_store %arg9[%swap3A_183], %and3A_182 {strides = array<i32>} : memref<128xi32, #tpu.memory_space<vmem>>, vector<16xi32>,
        %shift_right_logical3A_185 = arith.constant 14 : i32
        %shift_right_logical3A_186 = vector.broadcast %shift_right_logical3A_185 : i32 to vector<16xi32>
        %shift_right_logical3A_187 = arith.shrui %get3A_179, %shift_right_logical3A_186 : vector<16xi32>
        %swap3A_188 = arith.constant 80 : index
        %swap3A_189 = tpu.vector_load %arg10[%swap3A_188] {strides = array<i32>} : memref<128xi32, #tpu.memory_space<vmem>>, vector<16xi32>,
        tpu.vector_store %arg10[%swap3A_188], %shift_right_logical3A_187 {strides = array<i32>} : memref<128xi32, #tpu.memory_space<vmem>>, vector<16xi32>,
        %mul3A_190 = arith.constant 128 : i32
        %mul3A_191 = arith.muli %while3A_96, %mul3A_190 : i32
        %add3A_192 = arith.constant 96 : i32
        %add3A_193 = arith.addi %mul3A_191, %add3A_192 : i32
        %get3A_194 = arith.index_cast %add3A_193 : i32 to index
        %get3A_195 = tpu.vector_load %arg8[%get3A_194] {strides = array<i32>} : memref<10128xi32, #tpu.memory_space<vmem>>, vector<16xi32>,
        %and3A_196 = arith.constant 16383 : i32
        %and3A_197 = vector.broadcast %and3A_196 : i32 to vector<16xi32>
        %and3A_198 = arith.andi %get3A_195, %and3A_197 : vector<16xi32>
        %swap3A_199 = arith.constant 96 : index
        %swap3A_200 = tpu.vector_load %arg9[%swap3A_199] {strides = array<i32>} : memref<128xi32, #tpu.memory_space<vmem>>, vector<16xi32>,
        tpu.vector_store %arg9[%swap3A_199], %and3A_198 {strides = array<i32>} : memref<128xi32, #tpu.memory_space<vmem>>, vector<16xi32>,
        %shift_right_logical3A_201 = arith.constant 14 : i32
        %shift_right_logical3A_202 = vector.broadcast %shift_right_logical3A_201 : i32 to vector<16xi32>
        %shift_right_logical3A_203 = arith.shrui %get3A_195, %shift_right_logical3A_202 : vector<16xi32>
        %swap3A_204 = arith.constant 96 : index
        %swap3A_205 = tpu.vector_load %arg10[%swap3A_204] {strides = array<i32>} : memref<128xi32, #tpu.memory_space<vmem>>, vector<16xi32>,
        tpu.vector_store %arg10[%swap3A_204], %shift_right_logical3A_203 {strides = array<i32>} : memref<128xi32, #tpu.memory_space<vmem>>, vector<16xi32>,
        %mul3A_206 = arith.constant 128 : i32
        %mul3A_207 = arith.muli %while3A_96, %mul3A_206 : i32
        %add3A_208 = arith.constant 112 : i32
        %add3A_209 = arith.addi %mul3A_207, %add3A_208 : i32
        %get3A_210 = arith.index_cast %add3A_209 : i32 to index
        %get3A_211 = tpu.vector_load %arg8[%get3A_210] {strides = array<i32>} : memref<10128xi32, #tpu.memory_space<vmem>>, vector<16xi32>,
        %and3A_212 = arith.constant 16383 : i32
        %and3A_213 = vector.broadcast %and3A_212 : i32 to vector<16xi32>
        %and3A_214 = arith.andi %get3A_211, %and3A_213 : vector<16xi32>
        %swap3A_215 = arith.constant 112 : index
        %swap3A_216 = tpu.vector_load %arg9[%swap3A_215] {strides = array<i32>} : memref<128xi32, #tpu.memory_space<vmem>>, vector<16xi32>,
        tpu.vector_store %arg9[%swap3A_215], %and3A_214 {strides = array<i32>} : memref<128xi32, #tpu.memory_space<vmem>>, vector<16xi32>,
        %shift_right_logical3A_217 = arith.constant 14 : i32
        %shift_right_logical3A_218 = vector.broadcast %shift_right_logical3A_217 : i32 to vector<16xi32>
        %shift_right_logical3A_219 = arith.shrui %get3A_211, %shift_right_logical3A_218 : vector<16xi32>
        %swap3A_220 = arith.constant 112 : index
        %swap3A_221 = tpu.vector_load %arg10[%swap3A_220] {strides = array<i32>} : memref<128xi32, #tpu.memory_space<vmem>>, vector<16xi32>,
        tpu.vector_store %arg10[%swap3A_220], %shift_right_logical3A_219 {strides = array<i32>} : memref<128xi32, #tpu.memory_space<vmem>>, vector<16xi32>,
        "tpu.region"() ({
          %run_scoped3A = tpu.sem_alloc : memref<!tpu.dma_semaphore, #tpu.memory_space<semaphore_mem>>
          %dma_start3A = arith.constant 0 : i32
          %dma_start3A_222 = arith.constant 0 : i32
          %dma_start3A_223 = tpu.memref_slice %arg17[%dma_start3A, %dma_start3A_222] : memref<5008x128xf32, #tpu.memory_space<vmem_shared>> -> memref<5008x128xf32, #tpu.memory_space<vmem_shared>>
          tpu.enqueue_indirect_dma source(%arg13 : memref<128x128xf32, #tpu.memory_space<vmem>>) target(%dma_start3A_223 : memref<5008x128xf32, #tpu.memory_space<vmem_shared>>) offsets(%arg10 : memref<128xi32, #tpu.memory_space<vmem>>) semaphore(%run_scoped3A : memref<!tpu.dma_semaphore, #tpu.memory_space<semaphore_mem>>) {add = true}
          %dma_wait3A = arith.constant 0 : i32
          %dma_wait3A_224 = arith.constant 0 : i32
          %dma_wait3A_225 = tpu.memref_slice %arg17[%dma_wait3A, %dma_wait3A_224] : memref<5008x128xf32, #tpu.memory_space<vmem_shared>> -> memref<5008x128xf32, #tpu.memory_space<vmem_shared>>
          tpu.wait_indirect_dma semaphore(%run_scoped3A : memref<!tpu.dma_semaphore, #tpu.memory_space<semaphore_mem>>) src(%arg13 : memref<128x128xf32, #tpu.memory_space<vmem>>) dst(%dma_wait3A_225 : memref<5008x128xf32, #tpu.memory_space<vmem_shared>>)
          tpu.yield
        }) : () -> ()
      }
    } else {
    }
    %eq3A_70 = arith.constant 0 : i32
    %eq3A_71 = arith.cmpi eq, %squeeze3A, %eq3A_70 : i32
    %convert_element_type3A_72 = arith.extui %eq3A_71 : i1 to i32
    %cond3A_73 = arith.constant 0 : i32
    %cond3A_74 = arith.cmpi ne, %convert_element_type3A_72, %cond3A_73 : i32
    scf.if %cond3A_74 {
      %gt3A = arith.constant 0 : i32
      %gt3A_87 = arith.cmpi sgt, %div3A_58, %gt3A : i32
      %convert_element_type3A_88 = arith.extui %gt3A_87 : i1 to i32
      %cond3A_89 = arith.constant 0 : i32
      %cond3A_90 = arith.cmpi ne, %convert_element_type3A_88, %cond3A_89 : i32
      scf.if %cond3A_90 {
        %get3A_104 = arith.constant 0 : index
        %get3A_105 = tpu.vector_load %arg8[%get3A_104] {strides = array<i32>} : memref<10128xi32, #tpu.memory_space<vmem>>, vector<16xi32>,
        %and3A = arith.constant 16383 : i32
        %and3A_106 = vector.broadcast %and3A : i32 to vector<16xi32>
        %and3A_107 = arith.andi %get3A_105, %and3A_106 : vector<16xi32>
        %swap3A = arith.constant 0 : index
        %swap3A_108 = tpu.vector_load %arg9[%swap3A] {strides = array<i32>} : memref<128xi32, #tpu.memory_space<vmem>>, vector<16xi32>,
        tpu.vector_store %arg9[%swap3A], %and3A_107 {strides = array<i32>} : memref<128xi32, #tpu.memory_space<vmem>>, vector<16xi32>,
        %shift_right_logical3A = arith.constant 14 : i32
        %shift_right_logical3A_109 = vector.broadcast %shift_right_logical3A : i32 to vector<16xi32>
        %shift_right_logical3A_110 = arith.shrui %get3A_105, %shift_right_logical3A_109 : vector<16xi32>
        %swap3A_111 = arith.constant 0 : index
        %swap3A_112 = tpu.vector_load %arg10[%swap3A_111] {strides = array<i32>} : memref<128xi32, #tpu.memory_space<vmem>>, vector<16xi32>,
        tpu.vector_store %arg10[%swap3A_111], %shift_right_logical3A_110 {strides = array<i32>} : memref<128xi32, #tpu.memory_space<vmem>>, vector<16xi32>,
        %get3A_113 = arith.constant 16 : index
        %get3A_114 = tpu.vector_load %arg8[%get3A_113] {strides = array<i32>} : memref<10128xi32, #tpu.memory_space<vmem>>, vector<16xi32>,
        %and3A_115 = arith.constant 16383 : i32
        %and3A_116 = vector.broadcast %and3A_115 : i32 to vector<16xi32>
        %and3A_117 = arith.andi %get3A_114, %and3A_116 : vector<16xi32>
        %swap3A_118 = arith.constant 16 : index
        %swap3A_119 = tpu.vector_load %arg9[%swap3A_118] {strides = array<i32>} : memref<128xi32, #tpu.memory_space<vmem>>, vector<16xi32>,
        tpu.vector_store %arg9[%swap3A_118], %and3A_117 {strides = array<i32>} : memref<128xi32, #tpu.memory_space<vmem>>, vector<16xi32>,
        %shift_right_logical3A_120 = arith.constant 14 : i32
        %shift_right_logical3A_121 = vector.broadcast %shift_right_logical3A_120 : i32 to vector<16xi32>
        %shift_right_logical3A_122 = arith.shrui %get3A_114, %shift_right_logical3A_121 : vector<16xi32>
        %swap3A_123 = arith.constant 16 : index
        %swap3A_124 = tpu.vector_load %arg10[%swap3A_123] {strides = array<i32>} : memref<128xi32, #tpu.memory_space<vmem>>, vector<16xi32>,
        tpu.vector_store %arg10[%swap3A_123], %shift_right_logical3A_122 {strides = array<i32>} : memref<128xi32, #tpu.memory_space<vmem>>, vector<16xi32>,
        %get3A_125 = arith.constant 32 : index
        %get3A_126 = tpu.vector_load %arg8[%get3A_125] {strides = array<i32>} : memref<10128xi32, #tpu.memory_space<vmem>>, vector<16xi32>,
        %and3A_127 = arith.constant 16383 : i32
        %and3A_128 = vector.broadcast %and3A_127 : i32 to vector<16xi32>
        %and3A_129 = arith.andi %get3A_126, %and3A_128 : vector<16xi32>
        %swap3A_130 = arith.constant 32 : index
        %swap3A_131 = tpu.vector_load %arg9[%swap3A_130] {strides = array<i32>} : memref<128xi32, #tpu.memory_space<vmem>>, vector<16xi32>,
        tpu.vector_store %arg9[%swap3A_130], %and3A_129 {strides = array<i32>} : memref<128xi32, #tpu.memory_space<vmem>>, vector<16xi32>,
        %shift_right_logical3A_132 = arith.constant 14 : i32
        %shift_right_logical3A_133 = vector.broadcast %shift_right_logical3A_132 : i32 to vector<16xi32>
        %shift_right_logical3A_134 = arith.shrui %get3A_126, %shift_right_logical3A_133 : vector<16xi32>
        %swap3A_135 = arith.constant 32 : index
        %swap3A_136 = tpu.vector_load %arg10[%swap3A_135] {strides = array<i32>} : memref<128xi32, #tpu.memory_space<vmem>>, vector<16xi32>,
        tpu.vector_store %arg10[%swap3A_135], %shift_right_logical3A_134 {strides = array<i32>} : memref<128xi32, #tpu.memory_space<vmem>>, vector<16xi32>,
        %get3A_137 = arith.constant 48 : index
        %get3A_138 = tpu.vector_load %arg8[%get3A_137] {strides = array<i32>} : memref<10128xi32, #tpu.memory_space<vmem>>, vector<16xi32>,
        %and3A_139 = arith.constant 16383 : i32
        %and3A_140 = vector.broadcast %and3A_139 : i32 to vector<16xi32>
        %and3A_141 = arith.andi %get3A_138, %and3A_140 : vector<16xi32>
        %swap3A_142 = arith.constant 48 : index
        %swap3A_143 = tpu.vector_load %arg9[%swap3A_142] {strides = array<i32>} : memref<128xi32, #tpu.memory_space<vmem>>, vector<16xi32>,
        tpu.vector_store %arg9[%swap3A_142], %and3A_141 {strides = array<i32>} : memref<128xi32, #tpu.memory_space<vmem>>, vector<16xi32>,
        %shift_right_logical3A_144 = arith.constant 14 : i32
        %shift_right_logical3A_145 = vector.broadcast %shift_right_logical3A_144 : i32 to vector<16xi32>
        %shift_right_logical3A_146 = arith.shrui %get3A_138, %shift_right_logical3A_145 : vector<16xi32>
        %swap3A_147 = arith.constant 48 : index
        %swap3A_148 = tpu.vector_load %arg10[%swap3A_147] {strides = array<i32>} : memref<128xi32, #tpu.memory_space<vmem>>, vector<16xi32>,
        tpu.vector_store %arg10[%swap3A_147], %shift_right_logical3A_146 {strides = array<i32>} : memref<128xi32, #tpu.memory_space<vmem>>, vector<16xi32>,
        %get3A_149 = arith.constant 64 : index
        %get3A_150 = tpu.vector_load %arg8[%get3A_149] {strides = array<i32>} : memref<10128xi32, #tpu.memory_space<vmem>>, vector<16xi32>,
        %and3A_151 = arith.constant 16383 : i32
        %and3A_152 = vector.broadcast %and3A_151 : i32 to vector<16xi32>
        %and3A_153 = arith.andi %get3A_150, %and3A_152 : vector<16xi32>
        %swap3A_154 = arith.constant 64 : index
        %swap3A_155 = tpu.vector_load %arg9[%swap3A_154] {strides = array<i32>} : memref<128xi32, #tpu.memory_space<vmem>>, vector<16xi32>,
        tpu.vector_store %arg9[%swap3A_154], %and3A_153 {strides = array<i32>} : memref<128xi32, #tpu.memory_space<vmem>>, vector<16xi32>,
        %shift_right_logical3A_156 = arith.constant 14 : i32
        %shift_right_logical3A_157 = vector.broadcast %shift_right_logical3A_156 : i32 to vector<16xi32>
        %shift_right_logical3A_158 = arith.shrui %get3A_150, %shift_right_logical3A_157 : vector<16xi32>
        %swap3A_159 = arith.constant 64 : index
        %swap3A_160 = tpu.vector_load %arg10[%swap3A_159] {strides = array<i32>} : memref<128xi32, #tpu.memory_space<vmem>>, vector<16xi32>,
        tpu.vector_store %arg10[%swap3A_159], %shift_right_logical3A_158 {strides = array<i32>} : memref<128xi32, #tpu.memory_space<vmem>>, vector<16xi32>,
        %get3A_161 = arith.constant 80 : index
        %get3A_162 = tpu.vector_load %arg8[%get3A_161] {strides = array<i32>} : memref<10128xi32, #tpu.memory_space<vmem>>, vector<16xi32>,
        %and3A_163 = arith.constant 16383 : i32
        %and3A_164 = vector.broadcast %and3A_163 : i32 to vector<16xi32>
        %and3A_165 = arith.andi %get3A_162, %and3A_164 : vector<16xi32>
        %swap3A_166 = arith.constant 80 : index
        %swap3A_167 = tpu.vector_load %arg9[%swap3A_166] {strides = array<i32>} : memref<128xi32, #tpu.memory_space<vmem>>, vector<16xi32>,
        tpu.vector_store %arg9[%swap3A_166], %and3A_165 {strides = array<i32>} : memref<128xi32, #tpu.memory_space<vmem>>, vector<16xi32>,
        %shift_right_logical3A_168 = arith.constant 14 : i32
        %shift_right_logical3A_169 = vector.broadcast %shift_right_logical3A_168 : i32 to vector<16xi32>
        %shift_right_logical3A_170 = arith.shrui %get3A_162, %shift_right_logical3A_169 : vector<16xi32>
        %swap3A_171 = arith.constant 80 : index
        %swap3A_172 = tpu.vector_load %arg10[%swap3A_171] {strides = array<i32>} : memref<128xi32, #tpu.memory_space<vmem>>, vector<16xi32>,
        tpu.vector_store %arg10[%swap3A_171], %shift_right_logical3A_170 {strides = array<i32>} : memref<128xi32, #tpu.memory_space<vmem>>, vector<16xi32>,
        %get3A_173 = arith.constant 96 : index
        %get3A_174 = tpu.vector_load %arg8[%get3A_173] {strides = array<i32>} : memref<10128xi32, #tpu.memory_space<vmem>>, vector<16xi32>,
        %and3A_175 = arith.constant 16383 : i32
        %and3A_176 = vector.broadcast %and3A_175 : i32 to vector<16xi32>
        %and3A_177 = arith.andi %get3A_174, %and3A_176 : vector<16xi32>
        %swap3A_178 = arith.constant 96 : index
        %swap3A_179 = tpu.vector_load %arg9[%swap3A_178] {strides = array<i32>} : memref<128xi32, #tpu.memory_space<vmem>>, vector<16xi32>,
        tpu.vector_store %arg9[%swap3A_178], %and3A_177 {strides = array<i32>} : memref<128xi32, #tpu.memory_space<vmem>>, vector<16xi32>,
        %shift_right_logical3A_180 = arith.constant 14 : i32
        %shift_right_logical3A_181 = vector.broadcast %shift_right_logical3A_180 : i32 to vector<16xi32>
        %shift_right_logical3A_182 = arith.shrui %get3A_174, %shift_right_logical3A_181 : vector<16xi32>
        %swap3A_183 = arith.constant 96 : index
        %swap3A_184 = tpu.vector_load %arg10[%swap3A_183] {strides = array<i32>} : memref<128xi32, #tpu.memory_space<vmem>>, vector<16xi32>,
        tpu.vector_store %arg10[%swap3A_183], %shift_right_logical3A_182 {strides = array<i32>} : memref<128xi32, #tpu.memory_space<vmem>>, vector<16xi32>,
        %get3A_185 = arith.constant 112 : index
        %get3A_186 = tpu.vector_load %arg8[%get3A_185] {strides = array<i32>} : memref<10128xi32, #tpu.memory_space<vmem>>, vector<16xi32>,
        %and3A_187 = arith.constant 16383 : i32
        %and3A_188 = vector.broadcast %and3A_187 : i32 to vector<16xi32>
        %and3A_189 = arith.andi %get3A_186, %and3A_188 : vector<16xi32>
        %swap3A_190 = arith.constant 112 : index
        %swap3A_191 = tpu.vector_load %arg9[%swap3A_190] {strides = array<i32>} : memref<128xi32, #tpu.memory_space<vmem>>, vector<16xi32>,
        tpu.vector_store %arg9[%swap3A_190], %and3A_189 {strides = array<i32>} : memref<128xi32, #tpu.memory_space<vmem>>, vector<16xi32>,
        %shift_right_logical3A_192 = arith.constant 14 : i32
        %shift_right_logical3A_193 = vector.broadcast %shift_right_logical3A_192 : i32 to vector<16xi32>
        %shift_right_logical3A_194 = arith.shrui %get3A_186, %shift_right_logical3A_193 : vector<16xi32>
        %swap3A_195 = arith.constant 112 : index
        %swap3A_196 = tpu.vector_load %arg10[%swap3A_195] {strides = array<i32>} : memref<128xi32, #tpu.memory_space<vmem>>, vector<16xi32>,
        tpu.vector_store %arg10[%swap3A_195], %shift_right_logical3A_194 {strides = array<i32>} : memref<128xi32, #tpu.memory_space<vmem>>, vector<16xi32>,
        %dma_start3A = arith.constant 0 : i32
        %dma_start3A_197 = arith.constant 0 : i32
        %dma_start3A_198 = tpu.memref_slice %arg2[%dma_start3A, %dma_start3A_197] : memref<10000x128xf32, #tpu.memory_space<hbm>> -> memref<10000x128xf32, #tpu.memory_space<hbm>>
        tpu.enqueue_indirect_dma source(%dma_start3A_198 : memref<10000x128xf32, #tpu.memory_space<hbm>>) target(%arg13 : memref<128x128xf32, #tpu.memory_space<vmem>>) offsets(%arg9 : memref<128xi32, #tpu.memory_space<vmem>>) semaphore(%arg18 : memref<!tpu.dma_semaphore, #tpu.memory_space<semaphore_mem>>)
      } else {
      }
      %add3A_91 = arith.constant 1 : i32
      %add3A_92 = arith.addi %div3A_58, %add3A_91 : i32
      %div3A_93 = arith.constant 2 : i32
      %div3A_94 = arith.divsi %add3A_92, %div3A_93 : i32
      %while3A = arith.constant 0 : i32
      %while3A_95 = arith.constant 0 : i32
      %while3A_96 = arith.subi %div3A_94, %while3A_95 : i32
      %while3A_97 = arith.addi %while3A_95, %while3A_96 : i32
      %while3A_98 = arith.constant 1 : i32
      %while3A_99 = arith.divsi %while3A_96, %while3A_98 : i32
      %while3A_100 = arith.muli %while3A_99, %while3A_98 : i32
      %while3A_101 = arith.addi %while3A_95, %while3A_100 : i32
      %while3A_102 = arith.constant 1 : i32
      scf.for %while3A_104 = %while3A_95 to %while3A_101 step %while3A_102  : i32 {
        %mul3A_105 = arith.constant 2 : i32
        %mul3A_106 = arith.muli %mul3A_105, %while3A_104 : i32
        %add3A_107 = arith.constant 1 : i32
        %add3A_108 = arith.addi %mul3A_106, %add3A_107 : i32
        %lt3A = arith.cmpi slt, %add3A_108, %div3A_58 : i32
        %convert_element_type3A_109 = arith.extui %lt3A : i1 to i32
        %cond3A_110 = arith.constant 0 : i32
        %cond3A_111 = arith.cmpi ne, %convert_element_type3A_109, %cond3A_110 : i32
        scf.if %cond3A_111 {
          %mul3A_126 = arith.constant 128 : i32
          %mul3A_127 = arith.muli %add3A_108, %mul3A_126 : i32
          %add3A_128 = arith.constant 0 : i32
          %add3A_129 = arith.addi %mul3A_127, %add3A_128 : i32
          %get3A_130 = arith.index_cast %add3A_129 : i32 to index
          %get3A_131 = tpu.vector_load %arg8[%get3A_130] {strides = array<i32>} : memref<10128xi32, #tpu.memory_space<vmem>>, vector<16xi32>,
          %and3A = arith.constant 16383 : i32
          %and3A_132 = vector.broadcast %and3A : i32 to vector<16xi32>
          %and3A_133 = arith.andi %get3A_131, %and3A_132 : vector<16xi32>
          %swap3A = arith.constant 0 : index
          %swap3A_134 = tpu.vector_load %arg11[%swap3A] {strides = array<i32>} : memref<128xi32, #tpu.memory_space<vmem>>, vector<16xi32>,
          tpu.vector_store %arg11[%swap3A], %and3A_133 {strides = array<i32>} : memref<128xi32, #tpu.memory_space<vmem>>, vector<16xi32>,
          %shift_right_logical3A = arith.constant 14 : i32
          %shift_right_logical3A_135 = vector.broadcast %shift_right_logical3A : i32 to vector<16xi32>
          %shift_right_logical3A_136 = arith.shrui %get3A_131, %shift_right_logical3A_135 : vector<16xi32>
          %swap3A_137 = arith.constant 0 : index
          %swap3A_138 = tpu.vector_load %arg12[%swap3A_137] {strides = array<i32>} : memref<128xi32, #tpu.memory_space<vmem>>, vector<16xi32>,
          tpu.vector_store %arg12[%swap3A_137], %shift_right_logical3A_136 {strides = array<i32>} : memref<128xi32, #tpu.memory_space<vmem>>, vector<16xi32>,
          %mul3A_139 = arith.constant 128 : i32
          %mul3A_140 = arith.muli %add3A_108, %mul3A_139 : i32
          %add3A_141 = arith.constant 16 : i32
          %add3A_142 = arith.addi %mul3A_140, %add3A_141 : i32
          %get3A_143 = arith.index_cast %add3A_142 : i32 to index
          %get3A_144 = tpu.vector_load %arg8[%get3A_143] {strides = array<i32>} : memref<10128xi32, #tpu.memory_space<vmem>>, vector<16xi32>,
          %and3A_145 = arith.constant 16383 : i32
          %and3A_146 = vector.broadcast %and3A_145 : i32 to vector<16xi32>
          %and3A_147 = arith.andi %get3A_144, %and3A_146 : vector<16xi32>
          %swap3A_148 = arith.constant 16 : index
          %swap3A_149 = tpu.vector_load %arg11[%swap3A_148] {strides = array<i32>} : memref<128xi32, #tpu.memory_space<vmem>>, vector<16xi32>,
          tpu.vector_store %arg11[%swap3A_148], %and3A_147 {strides = array<i32>} : memref<128xi32, #tpu.memory_space<vmem>>, vector<16xi32>,
          %shift_right_logical3A_150 = arith.constant 14 : i32
          %shift_right_logical3A_151 = vector.broadcast %shift_right_logical3A_150 : i32 to vector<16xi32>
          %shift_right_logical3A_152 = arith.shrui %get3A_144, %shift_right_logical3A_151 : vector<16xi32>
          %swap3A_153 = arith.constant 16 : index
          %swap3A_154 = tpu.vector_load %arg12[%swap3A_153] {strides = array<i32>} : memref<128xi32, #tpu.memory_space<vmem>>, vector<16xi32>,
          tpu.vector_store %arg12[%swap3A_153], %shift_right_logical3A_152 {strides = array<i32>} : memref<128xi32, #tpu.memory_space<vmem>>, vector<16xi32>,
          %mul3A_155 = arith.constant 128 : i32
          %mul3A_156 = arith.muli %add3A_108, %mul3A_155 : i32
          %add3A_157 = arith.constant 32 : i32
          %add3A_158 = arith.addi %mul3A_156, %add3A_157 : i32
          %get3A_159 = arith.index_cast %add3A_158 : i32 to index
          %get3A_160 = tpu.vector_load %arg8[%get3A_159] {strides = array<i32>} : memref<10128xi32, #tpu.memory_space<vmem>>, vector<16xi32>,
          %and3A_161 = arith.constant 16383 : i32
          %and3A_162 = vector.broadcast %and3A_161 : i32 to vector<16xi32>
          %and3A_163 = arith.andi %get3A_160, %and3A_162 : vector<16xi32>
          %swap3A_164 = arith.constant 32 : index
          %swap3A_165 = tpu.vector_load %arg11[%swap3A_164] {strides = array<i32>} : memref<128xi32, #tpu.memory_space<vmem>>, vector<16xi32>,
          tpu.vector_store %arg11[%swap3A_164], %and3A_163 {strides = array<i32>} : memref<128xi32, #tpu.memory_space<vmem>>, vector<16xi32>,
          %shift_right_logical3A_166 = arith.constant 14 : i32
          %shift_right_logical3A_167 = vector.broadcast %shift_right_logical3A_166 : i32 to vector<16xi32>
          %shift_right_logical3A_168 = arith.shrui %get3A_160, %shift_right_logical3A_167 : vector<16xi32>
          %swap3A_169 = arith.constant 32 : index
          %swap3A_170 = tpu.vector_load %arg12[%swap3A_169] {strides = array<i32>} : memref<128xi32, #tpu.memory_space<vmem>>, vector<16xi32>,
          tpu.vector_store %arg12[%swap3A_169], %shift_right_logical3A_168 {strides = array<i32>} : memref<128xi32, #tpu.memory_space<vmem>>, vector<16xi32>,
          %mul3A_171 = arith.constant 128 : i32
          %mul3A_172 = arith.muli %add3A_108, %mul3A_171 : i32
          %add3A_173 = arith.constant 48 : i32
          %add3A_174 = arith.addi %mul3A_172, %add3A_173 : i32
          %get3A_175 = arith.index_cast %add3A_174 : i32 to index
          %get3A_176 = tpu.vector_load %arg8[%get3A_175] {strides = array<i32>} : memref<10128xi32, #tpu.memory_space<vmem>>, vector<16xi32>,
          %and3A_177 = arith.constant 16383 : i32
          %and3A_178 = vector.broadcast %and3A_177 : i32 to vector<16xi32>
          %and3A_179 = arith.andi %get3A_176, %and3A_178 : vector<16xi32>
          %swap3A_180 = arith.constant 48 : index
          %swap3A_181 = tpu.vector_load %arg11[%swap3A_180] {strides = array<i32>} : memref<128xi32, #tpu.memory_space<vmem>>, vector<16xi32>,
          tpu.vector_store %arg11[%swap3A_180], %and3A_179 {strides = array<i32>} : memref<128xi32, #tpu.memory_space<vmem>>, vector<16xi32>,
          %shift_right_logical3A_182 = arith.constant 14 : i32
          %shift_right_logical3A_183 = vector.broadcast %shift_right_logical3A_182 : i32 to vector<16xi32>
          %shift_right_logical3A_184 = arith.shrui %get3A_176, %shift_right_logical3A_183 : vector<16xi32>
          %swap3A_185 = arith.constant 48 : index
          %swap3A_186 = tpu.vector_load %arg12[%swap3A_185] {strides = array<i32>} : memref<128xi32, #tpu.memory_space<vmem>>, vector<16xi32>,
          tpu.vector_store %arg12[%swap3A_185], %shift_right_logical3A_184 {strides = array<i32>} : memref<128xi32, #tpu.memory_space<vmem>>, vector<16xi32>,
          %mul3A_187 = arith.constant 128 : i32
          %mul3A_188 = arith.muli %add3A_108, %mul3A_187 : i32
          %add3A_189 = arith.constant 64 : i32
          %add3A_190 = arith.addi %mul3A_188, %add3A_189 : i32
          %get3A_191 = arith.index_cast %add3A_190 : i32 to index
          %get3A_192 = tpu.vector_load %arg8[%get3A_191] {strides = array<i32>} : memref<10128xi32, #tpu.memory_space<vmem>>, vector<16xi32>,
          %and3A_193 = arith.constant 16383 : i32
          %and3A_194 = vector.broadcast %and3A_193 : i32 to vector<16xi32>
          %and3A_195 = arith.andi %get3A_192, %and3A_194 : vector<16xi32>
          %swap3A_196 = arith.constant 64 : index
          %swap3A_197 = tpu.vector_load %arg11[%swap3A_196] {strides = array<i32>} : memref<128xi32, #tpu.memory_space<vmem>>, vector<16xi32>,
          tpu.vector_store %arg11[%swap3A_196], %and3A_195 {strides = array<i32>} : memref<128xi32, #tpu.memory_space<vmem>>, vector<16xi32>,
          %shift_right_logical3A_198 = arith.constant 14 : i32
          %shift_right_logical3A_199 = vector.broadcast %shift_right_logical3A_198 : i32 to vector<16xi32>
          %shift_right_logical3A_200 = arith.shrui %get3A_192, %shift_right_logical3A_199 : vector<16xi32>
          %swap3A_201 = arith.constant 64 : index
          %swap3A_202 = tpu.vector_load %arg12[%swap3A_201] {strides = array<i32>} : memref<128xi32, #tpu.memory_space<vmem>>, vector<16xi32>,
          tpu.vector_store %arg12[%swap3A_201], %shift_right_logical3A_200 {strides = array<i32>} : memref<128xi32, #tpu.memory_space<vmem>>, vector<16xi32>,
          %mul3A_203 = arith.constant 128 : i32
          %mul3A_204 = arith.muli %add3A_108, %mul3A_203 : i32
          %add3A_205 = arith.constant 80 : i32
          %add3A_206 = arith.addi %mul3A_204, %add3A_205 : i32
          %get3A_207 = arith.index_cast %add3A_206 : i32 to index
          %get3A_208 = tpu.vector_load %arg8[%get3A_207] {strides = array<i32>} : memref<10128xi32, #tpu.memory_space<vmem>>, vector<16xi32>,
          %and3A_209 = arith.constant 16383 : i32
          %and3A_210 = vector.broadcast %and3A_209 : i32 to vector<16xi32>
          %and3A_211 = arith.andi %get3A_208, %and3A_210 : vector<16xi32>
          %swap3A_212 = arith.constant 80 : index
          %swap3A_213 = tpu.vector_load %arg11[%swap3A_212] {strides = array<i32>} : memref<128xi32, #tpu.memory_space<vmem>>, vector<16xi32>,
          tpu.vector_store %arg11[%swap3A_212], %and3A_211 {strides = array<i32>} : memref<128xi32, #tpu.memory_space<vmem>>, vector<16xi32>,
          %shift_right_logical3A_214 = arith.constant 14 : i32
          %shift_right_logical3A_215 = vector.broadcast %shift_right_logical3A_214 : i32 to vector<16xi32>
          %shift_right_logical3A_216 = arith.shrui %get3A_208, %shift_right_logical3A_215 : vector<16xi32>
          %swap3A_217 = arith.constant 80 : index
          %swap3A_218 = tpu.vector_load %arg12[%swap3A_217] {strides = array<i32>} : memref<128xi32, #tpu.memory_space<vmem>>, vector<16xi32>,
          tpu.vector_store %arg12[%swap3A_217], %shift_right_logical3A_216 {strides = array<i32>} : memref<128xi32, #tpu.memory_space<vmem>>, vector<16xi32>,
          %mul3A_219 = arith.constant 128 : i32
          %mul3A_220 = arith.muli %add3A_108, %mul3A_219 : i32
          %add3A_221 = arith.constant 96 : i32
          %add3A_222 = arith.addi %mul3A_220, %add3A_221 : i32
          %get3A_223 = arith.index_cast %add3A_222 : i32 to index
          %get3A_224 = tpu.vector_load %arg8[%get3A_223] {strides = array<i32>} : memref<10128xi32, #tpu.memory_space<vmem>>, vector<16xi32>,
          %and3A_225 = arith.constant 16383 : i32
          %and3A_226 = vector.broadcast %and3A_225 : i32 to vector<16xi32>
          %and3A_227 = arith.andi %get3A_224, %and3A_226 : vector<16xi32>
          %swap3A_228 = arith.constant 96 : index
          %swap3A_229 = tpu.vector_load %arg11[%swap3A_228] {strides = array<i32>} : memref<128xi32, #tpu.memory_space<vmem>>, vector<16xi32>,
          tpu.vector_store %arg11[%swap3A_228], %and3A_227 {strides = array<i32>} : memref<128xi32, #tpu.memory_space<vmem>>, vector<16xi32>,
          %shift_right_logical3A_230 = arith.constant 14 : i32
          %shift_right_logical3A_231 = vector.broadcast %shift_right_logical3A_230 : i32 to vector<16xi32>
          %shift_right_logical3A_232 = arith.shrui %get3A_224, %shift_right_logical3A_231 : vector<16xi32>
          %swap3A_233 = arith.constant 96 : index
          %swap3A_234 = tpu.vector_load %arg12[%swap3A_233] {strides = array<i32>} : memref<128xi32, #tpu.memory_space<vmem>>, vector<16xi32>,
          tpu.vector_store %arg12[%swap3A_233], %shift_right_logical3A_232 {strides = array<i32>} : memref<128xi32, #tpu.memory_space<vmem>>, vector<16xi32>,
          %mul3A_235 = arith.constant 128 : i32
          %mul3A_236 = arith.muli %add3A_108, %mul3A_235 : i32
          %add3A_237 = arith.constant 112 : i32
          %add3A_238 = arith.addi %mul3A_236, %add3A_237 : i32
          %get3A_239 = arith.index_cast %add3A_238 : i32 to index
          %get3A_240 = tpu.vector_load %arg8[%get3A_239] {strides = array<i32>} : memref<10128xi32, #tpu.memory_space<vmem>>, vector<16xi32>,
          %and3A_241 = arith.constant 16383 : i32
          %and3A_242 = vector.broadcast %and3A_241 : i32 to vector<16xi32>
          %and3A_243 = arith.andi %get3A_240, %and3A_242 : vector<16xi32>
          %swap3A_244 = arith.constant 112 : index
          %swap3A_245 = tpu.vector_load %arg11[%swap3A_244] {strides = array<i32>} : memref<128xi32, #tpu.memory_space<vmem>>, vector<16xi32>,
          tpu.vector_store %arg11[%swap3A_244], %and3A_243 {strides = array<i32>} : memref<128xi32, #tpu.memory_space<vmem>>, vector<16xi32>,
          %shift_right_logical3A_246 = arith.constant 14 : i32
          %shift_right_logical3A_247 = vector.broadcast %shift_right_logical3A_246 : i32 to vector<16xi32>
          %shift_right_logical3A_248 = arith.shrui %get3A_240, %shift_right_logical3A_247 : vector<16xi32>
          %swap3A_249 = arith.constant 112 : index
          %swap3A_250 = tpu.vector_load %arg12[%swap3A_249] {strides = array<i32>} : memref<128xi32, #tpu.memory_space<vmem>>, vector<16xi32>,
          tpu.vector_store %arg12[%swap3A_249], %shift_right_logical3A_248 {strides = array<i32>} : memref<128xi32, #tpu.memory_space<vmem>>, vector<16xi32>,
          %dma_start3A = arith.constant 0 : i32
          %dma_start3A_251 = arith.constant 0 : i32
          %dma_start3A_252 = tpu.memref_slice %arg2[%dma_start3A, %dma_start3A_251] : memref<10000x128xf32, #tpu.memory_space<hbm>> -> memref<10000x128xf32, #tpu.memory_space<hbm>>
          tpu.enqueue_indirect_dma source(%dma_start3A_252 : memref<10000x128xf32, #tpu.memory_space<hbm>>) target(%arg14 : memref<128x128xf32, #tpu.memory_space<vmem>>) offsets(%arg11 : memref<128xi32, #tpu.memory_space<vmem>>) semaphore(%arg19 : memref<!tpu.dma_semaphore, #tpu.memory_space<semaphore_mem>>)
        } else {
        }
        %lt3A_112 = arith.cmpi slt, %mul3A_106, %div3A_58 : i32
        %convert_element_type3A_113 = arith.extui %lt3A_112 : i1 to i32
        %cond3A_114 = arith.constant 0 : i32
        %cond3A_115 = arith.cmpi ne, %convert_element_type3A_113, %cond3A_114 : i32
        scf.if %cond3A_115 {
          %dma_wait3A = arith.constant 0 : i32
          %dma_wait3A_126 = arith.constant 0 : i32
          %dma_wait3A_127 = tpu.memref_slice %arg2[%dma_wait3A, %dma_wait3A_126] : memref<10000x128xf32, #tpu.memory_space<hbm>> -> memref<10000x128xf32, #tpu.memory_space<hbm>>
          tpu.wait_indirect_dma semaphore(%arg18 : memref<!tpu.dma_semaphore, #tpu.memory_space<semaphore_mem>>) src(%dma_wait3A_127 : memref<10000x128xf32, #tpu.memory_space<hbm>>) dst(%arg13 : memref<128x128xf32, #tpu.memory_space<vmem>>)
          "tpu.region"() ({
            %run_scoped3A = tpu.sem_alloc : memref<!tpu.dma_semaphore, #tpu.memory_space<semaphore_mem>>
            %dma_start3A = arith.constant 0 : i32
            %dma_start3A_128 = arith.constant 0 : i32
            %dma_start3A_129 = tpu.memref_slice %arg17[%dma_start3A, %dma_start3A_128] : memref<5008x128xf32, #tpu.memory_space<vmem_shared>> -> memref<5008x128xf32, #tpu.memory_space<vmem_shared>>
            tpu.enqueue_indirect_dma source(%arg13 : memref<128x128xf32, #tpu.memory_space<vmem>>) target(%dma_start3A_129 : memref<5008x128xf32, #tpu.memory_space<vmem_shared>>) offsets(%arg10 : memref<128xi32, #tpu.memory_space<vmem>>) semaphore(%run_scoped3A : memref<!tpu.dma_semaphore, #tpu.memory_space<semaphore_mem>>) {add = true}
            %dma_wait3A_130 = arith.constant 0 : i32
            %dma_wait3A_131 = arith.constant 0 : i32
            %dma_wait3A_132 = tpu.memref_slice %arg17[%dma_wait3A_130, %dma_wait3A_131] : memref<5008x128xf32, #tpu.memory_space<vmem_shared>> -> memref<5008x128xf32, #tpu.memory_space<vmem_shared>>
            tpu.wait_indirect_dma semaphore(%run_scoped3A : memref<!tpu.dma_semaphore, #tpu.memory_space<semaphore_mem>>) src(%arg13 : memref<128x128xf32, #tpu.memory_space<vmem>>) dst(%dma_wait3A_132 : memref<5008x128xf32, #tpu.memory_space<vmem_shared>>)
            tpu.yield
          }) : () -> ()
        } else {
        }
        %add3A_116 = arith.constant 2 : i32
        %add3A_117 = arith.addi %mul3A_106, %add3A_116 : i32
        %lt3A_118 = arith.cmpi slt, %add3A_117, %div3A_58 : i32
        %convert_element_type3A_119 = arith.extui %lt3A_118 : i1 to i32
        %cond3A_120 = arith.constant 0 : i32
        %cond3A_121 = arith.cmpi ne, %convert_element_type3A_119, %cond3A_120 : i32
        scf.if %cond3A_121 {
          %add3A_126 = arith.constant 2 : i32
          %add3A_127 = arith.addi %mul3A_106, %add3A_126 : i32
          %mul3A_128 = arith.constant 128 : i32
          %mul3A_129 = arith.muli %add3A_127, %mul3A_128 : i32
          %add3A_130 = arith.constant 0 : i32
          %add3A_131 = arith.addi %mul3A_129, %add3A_130 : i32
          %get3A_132 = arith.index_cast %add3A_131 : i32 to index
          %get3A_133 = tpu.vector_load %arg8[%get3A_132] {strides = array<i32>} : memref<10128xi32, #tpu.memory_space<vmem>>, vector<16xi32>,
          %and3A = arith.constant 16383 : i32
          %and3A_134 = vector.broadcast %and3A : i32 to vector<16xi32>
          %and3A_135 = arith.andi %get3A_133, %and3A_134 : vector<16xi32>
          %swap3A = arith.constant 0 : index
          %swap3A_136 = tpu.vector_load %arg9[%swap3A] {strides = array<i32>} : memref<128xi32, #tpu.memory_space<vmem>>, vector<16xi32>,
          tpu.vector_store %arg9[%swap3A], %and3A_135 {strides = array<i32>} : memref<128xi32, #tpu.memory_space<vmem>>, vector<16xi32>,
          %shift_right_logical3A = arith.constant 14 : i32
          %shift_right_logical3A_137 = vector.broadcast %shift_right_logical3A : i32 to vector<16xi32>
          %shift_right_logical3A_138 = arith.shrui %get3A_133, %shift_right_logical3A_137 : vector<16xi32>
          %swap3A_139 = arith.constant 0 : index
          %swap3A_140 = tpu.vector_load %arg10[%swap3A_139] {strides = array<i32>} : memref<128xi32, #tpu.memory_space<vmem>>, vector<16xi32>,
          tpu.vector_store %arg10[%swap3A_139], %shift_right_logical3A_138 {strides = array<i32>} : memref<128xi32, #tpu.memory_space<vmem>>, vector<16xi32>,
          %mul3A_141 = arith.constant 128 : i32
          %mul3A_142 = arith.muli %add3A_127, %mul3A_141 : i32
          %add3A_143 = arith.constant 16 : i32
          %add3A_144 = arith.addi %mul3A_142, %add3A_143 : i32
          %get3A_145 = arith.index_cast %add3A_144 : i32 to index
          %get3A_146 = tpu.vector_load %arg8[%get3A_145] {strides = array<i32>} : memref<10128xi32, #tpu.memory_space<vmem>>, vector<16xi32>,
          %and3A_147 = arith.constant 16383 : i32
          %and3A_148 = vector.broadcast %and3A_147 : i32 to vector<16xi32>
          %and3A_149 = arith.andi %get3A_146, %and3A_148 : vector<16xi32>
          %swap3A_150 = arith.constant 16 : index
          %swap3A_151 = tpu.vector_load %arg9[%swap3A_150] {strides = array<i32>} : memref<128xi32, #tpu.memory_space<vmem>>, vector<16xi32>,
          tpu.vector_store %arg9[%swap3A_150], %and3A_149 {strides = array<i32>} : memref<128xi32, #tpu.memory_space<vmem>>, vector<16xi32>,
          %shift_right_logical3A_152 = arith.constant 14 : i32
          %shift_right_logical3A_153 = vector.broadcast %shift_right_logical3A_152 : i32 to vector<16xi32>
          %shift_right_logical3A_154 = arith.shrui %get3A_146, %shift_right_logical3A_153 : vector<16xi32>
          %swap3A_155 = arith.constant 16 : index
          %swap3A_156 = tpu.vector_load %arg10[%swap3A_155] {strides = array<i32>} : memref<128xi32, #tpu.memory_space<vmem>>, vector<16xi32>,
          tpu.vector_store %arg10[%swap3A_155], %shift_right_logical3A_154 {strides = array<i32>} : memref<128xi32, #tpu.memory_space<vmem>>, vector<16xi32>,
          %mul3A_157 = arith.constant 128 : i32
          %mul3A_158 = arith.muli %add3A_127, %mul3A_157 : i32
          %add3A_159 = arith.constant 32 : i32
          %add3A_160 = arith.addi %mul3A_158, %add3A_159 : i32
          %get3A_161 = arith.index_cast %add3A_160 : i32 to index
          %get3A_162 = tpu.vector_load %arg8[%get3A_161] {strides = array<i32>} : memref<10128xi32, #tpu.memory_space<vmem>>, vector<16xi32>,
          %and3A_163 = arith.constant 16383 : i32
          %and3A_164 = vector.broadcast %and3A_163 : i32 to vector<16xi32>
          %and3A_165 = arith.andi %get3A_162, %and3A_164 : vector<16xi32>
          %swap3A_166 = arith.constant 32 : index
          %swap3A_167 = tpu.vector_load %arg9[%swap3A_166] {strides = array<i32>} : memref<128xi32, #tpu.memory_space<vmem>>, vector<16xi32>,
          tpu.vector_store %arg9[%swap3A_166], %and3A_165 {strides = array<i32>} : memref<128xi32, #tpu.memory_space<vmem>>, vector<16xi32>,
          %shift_right_logical3A_168 = arith.constant 14 : i32
          %shift_right_logical3A_169 = vector.broadcast %shift_right_logical3A_168 : i32 to vector<16xi32>
          %shift_right_logical3A_170 = arith.shrui %get3A_162, %shift_right_logical3A_169 : vector<16xi32>
          %swap3A_171 = arith.constant 32 : index
          %swap3A_172 = tpu.vector_load %arg10[%swap3A_171] {strides = array<i32>} : memref<128xi32, #tpu.memory_space<vmem>>, vector<16xi32>,
          tpu.vector_store %arg10[%swap3A_171], %shift_right_logical3A_170 {strides = array<i32>} : memref<128xi32, #tpu.memory_space<vmem>>, vector<16xi32>,
          %mul3A_173 = arith.constant 128 : i32
          %mul3A_174 = arith.muli %add3A_127, %mul3A_173 : i32
          %add3A_175 = arith.constant 48 : i32
          %add3A_176 = arith.addi %mul3A_174, %add3A_175 : i32
          %get3A_177 = arith.index_cast %add3A_176 : i32 to index
          %get3A_178 = tpu.vector_load %arg8[%get3A_177] {strides = array<i32>} : memref<10128xi32, #tpu.memory_space<vmem>>, vector<16xi32>,
          %and3A_179 = arith.constant 16383 : i32
          %and3A_180 = vector.broadcast %and3A_179 : i32 to vector<16xi32>
          %and3A_181 = arith.andi %get3A_178, %and3A_180 : vector<16xi32>
          %swap3A_182 = arith.constant 48 : index
          %swap3A_183 = tpu.vector_load %arg9[%swap3A_182] {strides = array<i32>} : memref<128xi32, #tpu.memory_space<vmem>>, vector<16xi32>,
          tpu.vector_store %arg9[%swap3A_182], %and3A_181 {strides = array<i32>} : memref<128xi32, #tpu.memory_space<vmem>>, vector<16xi32>,
          %shift_right_logical3A_184 = arith.constant 14 : i32
          %shift_right_logical3A_185 = vector.broadcast %shift_right_logical3A_184 : i32 to vector<16xi32>
          %shift_right_logical3A_186 = arith.shrui %get3A_178, %shift_right_logical3A_185 : vector<16xi32>
          %swap3A_187 = arith.constant 48 : index
          %swap3A_188 = tpu.vector_load %arg10[%swap3A_187] {strides = array<i32>} : memref<128xi32, #tpu.memory_space<vmem>>, vector<16xi32>,
          tpu.vector_store %arg10[%swap3A_187], %shift_right_logical3A_186 {strides = array<i32>} : memref<128xi32, #tpu.memory_space<vmem>>, vector<16xi32>,
          %mul3A_189 = arith.constant 128 : i32
          %mul3A_190 = arith.muli %add3A_127, %mul3A_189 : i32
          %add3A_191 = arith.constant 64 : i32
          %add3A_192 = arith.addi %mul3A_190, %add3A_191 : i32
          %get3A_193 = arith.index_cast %add3A_192 : i32 to index
          %get3A_194 = tpu.vector_load %arg8[%get3A_193] {strides = array<i32>} : memref<10128xi32, #tpu.memory_space<vmem>>, vector<16xi32>,
          %and3A_195 = arith.constant 16383 : i32
          %and3A_196 = vector.broadcast %and3A_195 : i32 to vector<16xi32>
          %and3A_197 = arith.andi %get3A_194, %and3A_196 : vector<16xi32>
          %swap3A_198 = arith.constant 64 : index
          %swap3A_199 = tpu.vector_load %arg9[%swap3A_198] {strides = array<i32>} : memref<128xi32, #tpu.memory_space<vmem>>, vector<16xi32>,
          tpu.vector_store %arg9[%swap3A_198], %and3A_197 {strides = array<i32>} : memref<128xi32, #tpu.memory_space<vmem>>, vector<16xi32>,
          %shift_right_logical3A_200 = arith.constant 14 : i32
          %shift_right_logical3A_201 = vector.broadcast %shift_right_logical3A_200 : i32 to vector<16xi32>
          %shift_right_logical3A_202 = arith.shrui %get3A_194, %shift_right_logical3A_201 : vector<16xi32>
          %swap3A_203 = arith.constant 64 : index
          %swap3A_204 = tpu.vector_load %arg10[%swap3A_203] {strides = array<i32>} : memref<128xi32, #tpu.memory_space<vmem>>, vector<16xi32>,
          tpu.vector_store %arg10[%swap3A_203], %shift_right_logical3A_202 {strides = array<i32>} : memref<128xi32, #tpu.memory_space<vmem>>, vector<16xi32>,
          %mul3A_205 = arith.constant 128 : i32
          %mul3A_206 = arith.muli %add3A_127, %mul3A_205 : i32
          %add3A_207 = arith.constant 80 : i32
          %add3A_208 = arith.addi %mul3A_206, %add3A_207 : i32
          %get3A_209 = arith.index_cast %add3A_208 : i32 to index
          %get3A_210 = tpu.vector_load %arg8[%get3A_209] {strides = array<i32>} : memref<10128xi32, #tpu.memory_space<vmem>>, vector<16xi32>,
          %and3A_211 = arith.constant 16383 : i32
          %and3A_212 = vector.broadcast %and3A_211 : i32 to vector<16xi32>
          %and3A_213 = arith.andi %get3A_210, %and3A_212 : vector<16xi32>
          %swap3A_214 = arith.constant 80 : index
          %swap3A_215 = tpu.vector_load %arg9[%swap3A_214] {strides = array<i32>} : memref<128xi32, #tpu.memory_space<vmem>>, vector<16xi32>,
          tpu.vector_store %arg9[%swap3A_214], %and3A_213 {strides = array<i32>} : memref<128xi32, #tpu.memory_space<vmem>>, vector<16xi32>,
          %shift_right_logical3A_216 = arith.constant 14 : i32
          %shift_right_logical3A_217 = vector.broadcast %shift_right_logical3A_216 : i32 to vector<16xi32>
          %shift_right_logical3A_218 = arith.shrui %get3A_210, %shift_right_logical3A_217 : vector<16xi32>
          %swap3A_219 = arith.constant 80 : index
          %swap3A_220 = tpu.vector_load %arg10[%swap3A_219] {strides = array<i32>} : memref<128xi32, #tpu.memory_space<vmem>>, vector<16xi32>,
          tpu.vector_store %arg10[%swap3A_219], %shift_right_logical3A_218 {strides = array<i32>} : memref<128xi32, #tpu.memory_space<vmem>>, vector<16xi32>,
          %mul3A_221 = arith.constant 128 : i32
          %mul3A_222 = arith.muli %add3A_127, %mul3A_221 : i32
          %add3A_223 = arith.constant 96 : i32
          %add3A_224 = arith.addi %mul3A_222, %add3A_223 : i32
          %get3A_225 = arith.index_cast %add3A_224 : i32 to index
          %get3A_226 = tpu.vector_load %arg8[%get3A_225] {strides = array<i32>} : memref<10128xi32, #tpu.memory_space<vmem>>, vector<16xi32>,
          %and3A_227 = arith.constant 16383 : i32
          %and3A_228 = vector.broadcast %and3A_227 : i32 to vector<16xi32>
          %and3A_229 = arith.andi %get3A_226, %and3A_228 : vector<16xi32>
          %swap3A_230 = arith.constant 96 : index
          %swap3A_231 = tpu.vector_load %arg9[%swap3A_230] {strides = array<i32>} : memref<128xi32, #tpu.memory_space<vmem>>, vector<16xi32>,
          tpu.vector_store %arg9[%swap3A_230], %and3A_229 {strides = array<i32>} : memref<128xi32, #tpu.memory_space<vmem>>, vector<16xi32>,
          %shift_right_logical3A_232 = arith.constant 14 : i32
          %shift_right_logical3A_233 = vector.broadcast %shift_right_logical3A_232 : i32 to vector<16xi32>
          %shift_right_logical3A_234 = arith.shrui %get3A_226, %shift_right_logical3A_233 : vector<16xi32>
          %swap3A_235 = arith.constant 96 : index
          %swap3A_236 = tpu.vector_load %arg10[%swap3A_235] {strides = array<i32>} : memref<128xi32, #tpu.memory_space<vmem>>, vector<16xi32>,
          tpu.vector_store %arg10[%swap3A_235], %shift_right_logical3A_234 {strides = array<i32>} : memref<128xi32, #tpu.memory_space<vmem>>, vector<16xi32>,
          %mul3A_237 = arith.constant 128 : i32
          %mul3A_238 = arith.muli %add3A_127, %mul3A_237 : i32
          %add3A_239 = arith.constant 112 : i32
          %add3A_240 = arith.addi %mul3A_238, %add3A_239 : i32
          %get3A_241 = arith.index_cast %add3A_240 : i32 to index
          %get3A_242 = tpu.vector_load %arg8[%get3A_241] {strides = array<i32>} : memref<10128xi32, #tpu.memory_space<vmem>>, vector<16xi32>,
          %and3A_243 = arith.constant 16383 : i32
          %and3A_244 = vector.broadcast %and3A_243 : i32 to vector<16xi32>
          %and3A_245 = arith.andi %get3A_242, %and3A_244 : vector<16xi32>
          %swap3A_246 = arith.constant 112 : index
          %swap3A_247 = tpu.vector_load %arg9[%swap3A_246] {strides = array<i32>} : memref<128xi32, #tpu.memory_space<vmem>>, vector<16xi32>,
          tpu.vector_store %arg9[%swap3A_246], %and3A_245 {strides = array<i32>} : memref<128xi32, #tpu.memory_space<vmem>>, vector<16xi32>,
          %shift_right_logical3A_248 = arith.constant 14 : i32
          %shift_right_logical3A_249 = vector.broadcast %shift_right_logical3A_248 : i32 to vector<16xi32>
          %shift_right_logical3A_250 = arith.shrui %get3A_242, %shift_right_logical3A_249 : vector<16xi32>
          %swap3A_251 = arith.constant 112 : index
          %swap3A_252 = tpu.vector_load %arg10[%swap3A_251] {strides = array<i32>} : memref<128xi32, #tpu.memory_space<vmem>>, vector<16xi32>,
          tpu.vector_store %arg10[%swap3A_251], %shift_right_logical3A_250 {strides = array<i32>} : memref<128xi32, #tpu.memory_space<vmem>>, vector<16xi32>,
          %dma_start3A = arith.constant 0 : i32
          %dma_start3A_253 = arith.constant 0 : i32
          %dma_start3A_254 = tpu.memref_slice %arg2[%dma_start3A, %dma_start3A_253] : memref<10000x128xf32, #tpu.memory_space<hbm>> -> memref<10000x128xf32, #tpu.memory_space<hbm>>
          tpu.enqueue_indirect_dma source(%dma_start3A_254 : memref<10000x128xf32, #tpu.memory_space<hbm>>) target(%arg13 : memref<128x128xf32, #tpu.memory_space<vmem>>) offsets(%arg9 : memref<128xi32, #tpu.memory_space<vmem>>) semaphore(%arg18 : memref<!tpu.dma_semaphore, #tpu.memory_space<semaphore_mem>>)
        } else {
        }
        %lt3A_122 = arith.cmpi slt, %add3A_108, %div3A_58 : i32
        %convert_element_type3A_123 = arith.extui %lt3A_122 : i1 to i32
        %cond3A_124 = arith.constant 0 : i32
        %cond3A_125 = arith.cmpi ne, %convert_element_type3A_123, %cond3A_124 : i32
        scf.if %cond3A_125 {
          %dma_wait3A = arith.constant 0 : i32
          %dma_wait3A_126 = arith.constant 0 : i32
          %dma_wait3A_127 = tpu.memref_slice %arg2[%dma_wait3A, %dma_wait3A_126] : memref<10000x128xf32, #tpu.memory_space<hbm>> -> memref<10000x128xf32, #tpu.memory_space<hbm>>
          tpu.wait_indirect_dma semaphore(%arg19 : memref<!tpu.dma_semaphore, #tpu.memory_space<semaphore_mem>>) src(%dma_wait3A_127 : memref<10000x128xf32, #tpu.memory_space<hbm>>) dst(%arg14 : memref<128x128xf32, #tpu.memory_space<vmem>>)
          "tpu.region"() ({
            %run_scoped3A = tpu.sem_alloc : memref<!tpu.dma_semaphore, #tpu.memory_space<semaphore_mem>>
            %dma_start3A = arith.constant 0 : i32
            %dma_start3A_128 = arith.constant 0 : i32
            %dma_start3A_129 = tpu.memref_slice %arg17[%dma_start3A, %dma_start3A_128] : memref<5008x128xf32, #tpu.memory_space<vmem_shared>> -> memref<5008x128xf32, #tpu.memory_space<vmem_shared>>
            tpu.enqueue_indirect_dma source(%arg14 : memref<128x128xf32, #tpu.memory_space<vmem>>) target(%dma_start3A_129 : memref<5008x128xf32, #tpu.memory_space<vmem_shared>>) offsets(%arg12 : memref<128xi32, #tpu.memory_space<vmem>>) semaphore(%run_scoped3A : memref<!tpu.dma_semaphore, #tpu.memory_space<semaphore_mem>>) {add = true}
            %dma_wait3A_130 = arith.constant 0 : i32
            %dma_wait3A_131 = arith.constant 0 : i32
            %dma_wait3A_132 = tpu.memref_slice %arg17[%dma_wait3A_130, %dma_wait3A_131] : memref<5008x128xf32, #tpu.memory_space<vmem_shared>> -> memref<5008x128xf32, #tpu.memory_space<vmem_shared>>
            tpu.wait_indirect_dma semaphore(%run_scoped3A : memref<!tpu.dma_semaphore, #tpu.memory_space<semaphore_mem>>) src(%arg14 : memref<128x128xf32, #tpu.memory_space<vmem>>) dst(%dma_wait3A_132 : memref<5008x128xf32, #tpu.memory_space<vmem_shared>>)
            tpu.yield
          }) : () -> ()
        } else {
        }
      }
      %while3A_103 = arith.constant 1 : i32
      scf.for %while3A_104 = %while3A_101 to %while3A_97 step %while3A_103  : i32 {
        %mul3A_105 = arith.constant 2 : i32
        %mul3A_106 = arith.muli %mul3A_105, %while3A_104 : i32
        %add3A_107 = arith.constant 1 : i32
        %add3A_108 = arith.addi %mul3A_106, %add3A_107 : i32
        %lt3A = arith.cmpi slt, %add3A_108, %div3A_58 : i32
        %convert_element_type3A_109 = arith.extui %lt3A : i1 to i32
        %cond3A_110 = arith.constant 0 : i32
        %cond3A_111 = arith.cmpi ne, %convert_element_type3A_109, %cond3A_110 : i32
        scf.if %cond3A_111 {
          %mul3A_126 = arith.constant 128 : i32
          %mul3A_127 = arith.muli %add3A_108, %mul3A_126 : i32
          %add3A_128 = arith.constant 0 : i32
          %add3A_129 = arith.addi %mul3A_127, %add3A_128 : i32
          %get3A_130 = arith.index_cast %add3A_129 : i32 to index
          %get3A_131 = tpu.vector_load %arg8[%get3A_130] {strides = array<i32>} : memref<10128xi32, #tpu.memory_space<vmem>>, vector<16xi32>,
          %and3A = arith.constant 16383 : i32
          %and3A_132 = vector.broadcast %and3A : i32 to vector<16xi32>
          %and3A_133 = arith.andi %get3A_131, %and3A_132 : vector<16xi32>
          %swap3A = arith.constant 0 : index
          %swap3A_134 = tpu.vector_load %arg11[%swap3A] {strides = array<i32>} : memref<128xi32, #tpu.memory_space<vmem>>, vector<16xi32>,
          tpu.vector_store %arg11[%swap3A], %and3A_133 {strides = array<i32>} : memref<128xi32, #tpu.memory_space<vmem>>, vector<16xi32>,
          %shift_right_logical3A = arith.constant 14 : i32
          %shift_right_logical3A_135 = vector.broadcast %shift_right_logical3A : i32 to vector<16xi32>
          %shift_right_logical3A_136 = arith.shrui %get3A_131, %shift_right_logical3A_135 : vector<16xi32>
          %swap3A_137 = arith.constant 0 : index
          %swap3A_138 = tpu.vector_load %arg12[%swap3A_137] {strides = array<i32>} : memref<128xi32, #tpu.memory_space<vmem>>, vector<16xi32>,
          tpu.vector_store %arg12[%swap3A_137], %shift_right_logical3A_136 {strides = array<i32>} : memref<128xi32, #tpu.memory_space<vmem>>, vector<16xi32>,
          %mul3A_139 = arith.constant 128 : i32
          %mul3A_140 = arith.muli %add3A_108, %mul3A_139 : i32
          %add3A_141 = arith.constant 16 : i32
          %add3A_142 = arith.addi %mul3A_140, %add3A_141 : i32
          %get3A_143 = arith.index_cast %add3A_142 : i32 to index
          %get3A_144 = tpu.vector_load %arg8[%get3A_143] {strides = array<i32>} : memref<10128xi32, #tpu.memory_space<vmem>>, vector<16xi32>,
          %and3A_145 = arith.constant 16383 : i32
          %and3A_146 = vector.broadcast %and3A_145 : i32 to vector<16xi32>
          %and3A_147 = arith.andi %get3A_144, %and3A_146 : vector<16xi32>
          %swap3A_148 = arith.constant 16 : index
          %swap3A_149 = tpu.vector_load %arg11[%swap3A_148] {strides = array<i32>} : memref<128xi32, #tpu.memory_space<vmem>>, vector<16xi32>,
          tpu.vector_store %arg11[%swap3A_148], %and3A_147 {strides = array<i32>} : memref<128xi32, #tpu.memory_space<vmem>>, vector<16xi32>,
          %shift_right_logical3A_150 = arith.constant 14 : i32
          %shift_right_logical3A_151 = vector.broadcast %shift_right_logical3A_150 : i32 to vector<16xi32>
          %shift_right_logical3A_152 = arith.shrui %get3A_144, %shift_right_logical3A_151 : vector<16xi32>
          %swap3A_153 = arith.constant 16 : index
          %swap3A_154 = tpu.vector_load %arg12[%swap3A_153] {strides = array<i32>} : memref<128xi32, #tpu.memory_space<vmem>>, vector<16xi32>,
          tpu.vector_store %arg12[%swap3A_153], %shift_right_logical3A_152 {strides = array<i32>} : memref<128xi32, #tpu.memory_space<vmem>>, vector<16xi32>,
          %mul3A_155 = arith.constant 128 : i32
          %mul3A_156 = arith.muli %add3A_108, %mul3A_155 : i32
          %add3A_157 = arith.constant 32 : i32
          %add3A_158 = arith.addi %mul3A_156, %add3A_157 : i32
          %get3A_159 = arith.index_cast %add3A_158 : i32 to index
          %get3A_160 = tpu.vector_load %arg8[%get3A_159] {strides = array<i32>} : memref<10128xi32, #tpu.memory_space<vmem>>, vector<16xi32>,
          %and3A_161 = arith.constant 16383 : i32
          %and3A_162 = vector.broadcast %and3A_161 : i32 to vector<16xi32>
          %and3A_163 = arith.andi %get3A_160, %and3A_162 : vector<16xi32>
          %swap3A_164 = arith.constant 32 : index
          %swap3A_165 = tpu.vector_load %arg11[%swap3A_164] {strides = array<i32>} : memref<128xi32, #tpu.memory_space<vmem>>, vector<16xi32>,
          tpu.vector_store %arg11[%swap3A_164], %and3A_163 {strides = array<i32>} : memref<128xi32, #tpu.memory_space<vmem>>, vector<16xi32>,
          %shift_right_logical3A_166 = arith.constant 14 : i32
          %shift_right_logical3A_167 = vector.broadcast %shift_right_logical3A_166 : i32 to vector<16xi32>
          %shift_right_logical3A_168 = arith.shrui %get3A_160, %shift_right_logical3A_167 : vector<16xi32>
          %swap3A_169 = arith.constant 32 : index
          %swap3A_170 = tpu.vector_load %arg12[%swap3A_169] {strides = array<i32>} : memref<128xi32, #tpu.memory_space<vmem>>, vector<16xi32>,
          tpu.vector_store %arg12[%swap3A_169], %shift_right_logical3A_168 {strides = array<i32>} : memref<128xi32, #tpu.memory_space<vmem>>, vector<16xi32>,
          %mul3A_171 = arith.constant 128 : i32
          %mul3A_172 = arith.muli %add3A_108, %mul3A_171 : i32
          %add3A_173 = arith.constant 48 : i32
          %add3A_174 = arith.addi %mul3A_172, %add3A_173 : i32
          %get3A_175 = arith.index_cast %add3A_174 : i32 to index
          %get3A_176 = tpu.vector_load %arg8[%get3A_175] {strides = array<i32>} : memref<10128xi32, #tpu.memory_space<vmem>>, vector<16xi32>,
          %and3A_177 = arith.constant 16383 : i32
          %and3A_178 = vector.broadcast %and3A_177 : i32 to vector<16xi32>
          %and3A_179 = arith.andi %get3A_176, %and3A_178 : vector<16xi32>
          %swap3A_180 = arith.constant 48 : index
          %swap3A_181 = tpu.vector_load %arg11[%swap3A_180] {strides = array<i32>} : memref<128xi32, #tpu.memory_space<vmem>>, vector<16xi32>,
          tpu.vector_store %arg11[%swap3A_180], %and3A_179 {strides = array<i32>} : memref<128xi32, #tpu.memory_space<vmem>>, vector<16xi32>,
          %shift_right_logical3A_182 = arith.constant 14 : i32
          %shift_right_logical3A_183 = vector.broadcast %shift_right_logical3A_182 : i32 to vector<16xi32>
          %shift_right_logical3A_184 = arith.shrui %get3A_176, %shift_right_logical3A_183 : vector<16xi32>
          %swap3A_185 = arith.constant 48 : index
          %swap3A_186 = tpu.vector_load %arg12[%swap3A_185] {strides = array<i32>} : memref<128xi32, #tpu.memory_space<vmem>>, vector<16xi32>,
          tpu.vector_store %arg12[%swap3A_185], %shift_right_logical3A_184 {strides = array<i32>} : memref<128xi32, #tpu.memory_space<vmem>>, vector<16xi32>,
          %mul3A_187 = arith.constant 128 : i32
          %mul3A_188 = arith.muli %add3A_108, %mul3A_187 : i32
          %add3A_189 = arith.constant 64 : i32
          %add3A_190 = arith.addi %mul3A_188, %add3A_189 : i32
          %get3A_191 = arith.index_cast %add3A_190 : i32 to index
          %get3A_192 = tpu.vector_load %arg8[%get3A_191] {strides = array<i32>} : memref<10128xi32, #tpu.memory_space<vmem>>, vector<16xi32>,
          %and3A_193 = arith.constant 16383 : i32
          %and3A_194 = vector.broadcast %and3A_193 : i32 to vector<16xi32>
          %and3A_195 = arith.andi %get3A_192, %and3A_194 : vector<16xi32>
          %swap3A_196 = arith.constant 64 : index
          %swap3A_197 = tpu.vector_load %arg11[%swap3A_196] {strides = array<i32>} : memref<128xi32, #tpu.memory_space<vmem>>, vector<16xi32>,
          tpu.vector_store %arg11[%swap3A_196], %and3A_195 {strides = array<i32>} : memref<128xi32, #tpu.memory_space<vmem>>, vector<16xi32>,
          %shift_right_logical3A_198 = arith.constant 14 : i32
          %shift_right_logical3A_199 = vector.broadcast %shift_right_logical3A_198 : i32 to vector<16xi32>
          %shift_right_logical3A_200 = arith.shrui %get3A_192, %shift_right_logical3A_199 : vector<16xi32>
          %swap3A_201 = arith.constant 64 : index
          %swap3A_202 = tpu.vector_load %arg12[%swap3A_201] {strides = array<i32>} : memref<128xi32, #tpu.memory_space<vmem>>, vector<16xi32>,
          tpu.vector_store %arg12[%swap3A_201], %shift_right_logical3A_200 {strides = array<i32>} : memref<128xi32, #tpu.memory_space<vmem>>, vector<16xi32>,
          %mul3A_203 = arith.constant 128 : i32
          %mul3A_204 = arith.muli %add3A_108, %mul3A_203 : i32
          %add3A_205 = arith.constant 80 : i32
          %add3A_206 = arith.addi %mul3A_204, %add3A_205 : i32
          %get3A_207 = arith.index_cast %add3A_206 : i32 to index
          %get3A_208 = tpu.vector_load %arg8[%get3A_207] {strides = array<i32>} : memref<10128xi32, #tpu.memory_space<vmem>>, vector<16xi32>,
          %and3A_209 = arith.constant 16383 : i32
          %and3A_210 = vector.broadcast %and3A_209 : i32 to vector<16xi32>
          %and3A_211 = arith.andi %get3A_208, %and3A_210 : vector<16xi32>
          %swap3A_212 = arith.constant 80 : index
          %swap3A_213 = tpu.vector_load %arg11[%swap3A_212] {strides = array<i32>} : memref<128xi32, #tpu.memory_space<vmem>>, vector<16xi32>,
          tpu.vector_store %arg11[%swap3A_212], %and3A_211 {strides = array<i32>} : memref<128xi32, #tpu.memory_space<vmem>>, vector<16xi32>,
          %shift_right_logical3A_214 = arith.constant 14 : i32
          %shift_right_logical3A_215 = vector.broadcast %shift_right_logical3A_214 : i32 to vector<16xi32>
          %shift_right_logical3A_216 = arith.shrui %get3A_208, %shift_right_logical3A_215 : vector<16xi32>
          %swap3A_217 = arith.constant 80 : index
          %swap3A_218 = tpu.vector_load %arg12[%swap3A_217] {strides = array<i32>} : memref<128xi32, #tpu.memory_space<vmem>>, vector<16xi32>,
          tpu.vector_store %arg12[%swap3A_217], %shift_right_logical3A_216 {strides = array<i32>} : memref<128xi32, #tpu.memory_space<vmem>>, vector<16xi32>,
          %mul3A_219 = arith.constant 128 : i32
          %mul3A_220 = arith.muli %add3A_108, %mul3A_219 : i32
          %add3A_221 = arith.constant 96 : i32
          %add3A_222 = arith.addi %mul3A_220, %add3A_221 : i32
          %get3A_223 = arith.index_cast %add3A_222 : i32 to index
          %get3A_224 = tpu.vector_load %arg8[%get3A_223] {strides = array<i32>} : memref<10128xi32, #tpu.memory_space<vmem>>, vector<16xi32>,
          %and3A_225 = arith.constant 16383 : i32
          %and3A_226 = vector.broadcast %and3A_225 : i32 to vector<16xi32>
          %and3A_227 = arith.andi %get3A_224, %and3A_226 : vector<16xi32>
          %swap3A_228 = arith.constant 96 : index
          %swap3A_229 = tpu.vector_load %arg11[%swap3A_228] {strides = array<i32>} : memref<128xi32, #tpu.memory_space<vmem>>, vector<16xi32>,
          tpu.vector_store %arg11[%swap3A_228], %and3A_227 {strides = array<i32>} : memref<128xi32, #tpu.memory_space<vmem>>, vector<16xi32>,
          %shift_right_logical3A_230 = arith.constant 14 : i32
          %shift_right_logical3A_231 = vector.broadcast %shift_right_logical3A_230 : i32 to vector<16xi32>
          %shift_right_logical3A_232 = arith.shrui %get3A_224, %shift_right_logical3A_231 : vector<16xi32>
          %swap3A_233 = arith.constant 96 : index
          %swap3A_234 = tpu.vector_load %arg12[%swap3A_233] {strides = array<i32>} : memref<128xi32, #tpu.memory_space<vmem>>, vector<16xi32>,
          tpu.vector_store %arg12[%swap3A_233], %shift_right_logical3A_232 {strides = array<i32>} : memref<128xi32, #tpu.memory_space<vmem>>, vector<16xi32>,
          %mul3A_235 = arith.constant 128 : i32
          %mul3A_236 = arith.muli %add3A_108, %mul3A_235 : i32
          %add3A_237 = arith.constant 112 : i32
          %add3A_238 = arith.addi %mul3A_236, %add3A_237 : i32
          %get3A_239 = arith.index_cast %add3A_238 : i32 to index
          %get3A_240 = tpu.vector_load %arg8[%get3A_239] {strides = array<i32>} : memref<10128xi32, #tpu.memory_space<vmem>>, vector<16xi32>,
          %and3A_241 = arith.constant 16383 : i32
          %and3A_242 = vector.broadcast %and3A_241 : i32 to vector<16xi32>
          %and3A_243 = arith.andi %get3A_240, %and3A_242 : vector<16xi32>
          %swap3A_244 = arith.constant 112 : index
          %swap3A_245 = tpu.vector_load %arg11[%swap3A_244] {strides = array<i32>} : memref<128xi32, #tpu.memory_space<vmem>>, vector<16xi32>,
          tpu.vector_store %arg11[%swap3A_244], %and3A_243 {strides = array<i32>} : memref<128xi32, #tpu.memory_space<vmem>>, vector<16xi32>,
          %shift_right_logical3A_246 = arith.constant 14 : i32
          %shift_right_logical3A_247 = vector.broadcast %shift_right_logical3A_246 : i32 to vector<16xi32>
          %shift_right_logical3A_248 = arith.shrui %get3A_240, %shift_right_logical3A_247 : vector<16xi32>
          %swap3A_249 = arith.constant 112 : index
          %swap3A_250 = tpu.vector_load %arg12[%swap3A_249] {strides = array<i32>} : memref<128xi32, #tpu.memory_space<vmem>>, vector<16xi32>,
          tpu.vector_store %arg12[%swap3A_249], %shift_right_logical3A_248 {strides = array<i32>} : memref<128xi32, #tpu.memory_space<vmem>>, vector<16xi32>,
          %dma_start3A = arith.constant 0 : i32
          %dma_start3A_251 = arith.constant 0 : i32
          %dma_start3A_252 = tpu.memref_slice %arg2[%dma_start3A, %dma_start3A_251] : memref<10000x128xf32, #tpu.memory_space<hbm>> -> memref<10000x128xf32, #tpu.memory_space<hbm>>
          tpu.enqueue_indirect_dma source(%dma_start3A_252 : memref<10000x128xf32, #tpu.memory_space<hbm>>) target(%arg14 : memref<128x128xf32, #tpu.memory_space<vmem>>) offsets(%arg11 : memref<128xi32, #tpu.memory_space<vmem>>) semaphore(%arg19 : memref<!tpu.dma_semaphore, #tpu.memory_space<semaphore_mem>>)
        } else {
        }
        %lt3A_112 = arith.cmpi slt, %mul3A_106, %div3A_58 : i32
        %convert_element_type3A_113 = arith.extui %lt3A_112 : i1 to i32
        %cond3A_114 = arith.constant 0 : i32
        %cond3A_115 = arith.cmpi ne, %convert_element_type3A_113, %cond3A_114 : i32
        scf.if %cond3A_115 {
          %dma_wait3A = arith.constant 0 : i32
          %dma_wait3A_126 = arith.constant 0 : i32
          %dma_wait3A_127 = tpu.memref_slice %arg2[%dma_wait3A, %dma_wait3A_126] : memref<10000x128xf32, #tpu.memory_space<hbm>> -> memref<10000x128xf32, #tpu.memory_space<hbm>>
          tpu.wait_indirect_dma semaphore(%arg18 : memref<!tpu.dma_semaphore, #tpu.memory_space<semaphore_mem>>) src(%dma_wait3A_127 : memref<10000x128xf32, #tpu.memory_space<hbm>>) dst(%arg13 : memref<128x128xf32, #tpu.memory_space<vmem>>)
          "tpu.region"() ({
            %run_scoped3A = tpu.sem_alloc : memref<!tpu.dma_semaphore, #tpu.memory_space<semaphore_mem>>
            %dma_start3A = arith.constant 0 : i32
            %dma_start3A_128 = arith.constant 0 : i32
            %dma_start3A_129 = tpu.memref_slice %arg17[%dma_start3A, %dma_start3A_128] : memref<5008x128xf32, #tpu.memory_space<vmem_shared>> -> memref<5008x128xf32, #tpu.memory_space<vmem_shared>>
            tpu.enqueue_indirect_dma source(%arg13 : memref<128x128xf32, #tpu.memory_space<vmem>>) target(%dma_start3A_129 : memref<5008x128xf32, #tpu.memory_space<vmem_shared>>) offsets(%arg10 : memref<128xi32, #tpu.memory_space<vmem>>) semaphore(%run_scoped3A : memref<!tpu.dma_semaphore, #tpu.memory_space<semaphore_mem>>) {add = true}
            %dma_wait3A_130 = arith.constant 0 : i32
            %dma_wait3A_131 = arith.constant 0 : i32
            %dma_wait3A_132 = tpu.memref_slice %arg17[%dma_wait3A_130, %dma_wait3A_131] : memref<5008x128xf32, #tpu.memory_space<vmem_shared>> -> memref<5008x128xf32, #tpu.memory_space<vmem_shared>>
            tpu.wait_indirect_dma semaphore(%run_scoped3A : memref<!tpu.dma_semaphore, #tpu.memory_space<semaphore_mem>>) src(%arg13 : memref<128x128xf32, #tpu.memory_space<vmem>>) dst(%dma_wait3A_132 : memref<5008x128xf32, #tpu.memory_space<vmem_shared>>)
            tpu.yield
          }) : () -> ()
        } else {
        }
        %add3A_116 = arith.constant 2 : i32
        %add3A_117 = arith.addi %mul3A_106, %add3A_116 : i32
        %lt3A_118 = arith.cmpi slt, %add3A_117, %div3A_58 : i32
        %convert_element_type3A_119 = arith.extui %lt3A_118 : i1 to i32
        %cond3A_120 = arith.constant 0 : i32
        %cond3A_121 = arith.cmpi ne, %convert_element_type3A_119, %cond3A_120 : i32
        scf.if %cond3A_121 {
          %add3A_126 = arith.constant 2 : i32
          %add3A_127 = arith.addi %mul3A_106, %add3A_126 : i32
          %mul3A_128 = arith.constant 128 : i32
          %mul3A_129 = arith.muli %add3A_127, %mul3A_128 : i32
          %add3A_130 = arith.constant 0 : i32
          %add3A_131 = arith.addi %mul3A_129, %add3A_130 : i32
          %get3A_132 = arith.index_cast %add3A_131 : i32 to index
          %get3A_133 = tpu.vector_load %arg8[%get3A_132] {strides = array<i32>} : memref<10128xi32, #tpu.memory_space<vmem>>, vector<16xi32>,
          %and3A = arith.constant 16383 : i32
          %and3A_134 = vector.broadcast %and3A : i32 to vector<16xi32>
          %and3A_135 = arith.andi %get3A_133, %and3A_134 : vector<16xi32>
          %swap3A = arith.constant 0 : index
          %swap3A_136 = tpu.vector_load %arg9[%swap3A] {strides = array<i32>} : memref<128xi32, #tpu.memory_space<vmem>>, vector<16xi32>,
          tpu.vector_store %arg9[%swap3A], %and3A_135 {strides = array<i32>} : memref<128xi32, #tpu.memory_space<vmem>>, vector<16xi32>,
          %shift_right_logical3A = arith.constant 14 : i32
          %shift_right_logical3A_137 = vector.broadcast %shift_right_logical3A : i32 to vector<16xi32>
          %shift_right_logical3A_138 = arith.shrui %get3A_133, %shift_right_logical3A_137 : vector<16xi32>
          %swap3A_139 = arith.constant 0 : index
          %swap3A_140 = tpu.vector_load %arg10[%swap3A_139] {strides = array<i32>} : memref<128xi32, #tpu.memory_space<vmem>>, vector<16xi32>,
          tpu.vector_store %arg10[%swap3A_139], %shift_right_logical3A_138 {strides = array<i32>} : memref<128xi32, #tpu.memory_space<vmem>>, vector<16xi32>,
          %mul3A_141 = arith.constant 128 : i32
          %mul3A_142 = arith.muli %add3A_127, %mul3A_141 : i32
          %add3A_143 = arith.constant 16 : i32
          %add3A_144 = arith.addi %mul3A_142, %add3A_143 : i32
          %get3A_145 = arith.index_cast %add3A_144 : i32 to index
          %get3A_146 = tpu.vector_load %arg8[%get3A_145] {strides = array<i32>} : memref<10128xi32, #tpu.memory_space<vmem>>, vector<16xi32>,
          %and3A_147 = arith.constant 16383 : i32
          %and3A_148 = vector.broadcast %and3A_147 : i32 to vector<16xi32>
          %and3A_149 = arith.andi %get3A_146, %and3A_148 : vector<16xi32>
          %swap3A_150 = arith.constant 16 : index
          %swap3A_151 = tpu.vector_load %arg9[%swap3A_150] {strides = array<i32>} : memref<128xi32, #tpu.memory_space<vmem>>, vector<16xi32>,
          tpu.vector_store %arg9[%swap3A_150], %and3A_149 {strides = array<i32>} : memref<128xi32, #tpu.memory_space<vmem>>, vector<16xi32>,
          %shift_right_logical3A_152 = arith.constant 14 : i32
          %shift_right_logical3A_153 = vector.broadcast %shift_right_logical3A_152 : i32 to vector<16xi32>
          %shift_right_logical3A_154 = arith.shrui %get3A_146, %shift_right_logical3A_153 : vector<16xi32>
          %swap3A_155 = arith.constant 16 : index
          %swap3A_156 = tpu.vector_load %arg10[%swap3A_155] {strides = array<i32>} : memref<128xi32, #tpu.memory_space<vmem>>, vector<16xi32>,
          tpu.vector_store %arg10[%swap3A_155], %shift_right_logical3A_154 {strides = array<i32>} : memref<128xi32, #tpu.memory_space<vmem>>, vector<16xi32>,
          %mul3A_157 = arith.constant 128 : i32
          %mul3A_158 = arith.muli %add3A_127, %mul3A_157 : i32
          %add3A_159 = arith.constant 32 : i32
          %add3A_160 = arith.addi %mul3A_158, %add3A_159 : i32
          %get3A_161 = arith.index_cast %add3A_160 : i32 to index
          %get3A_162 = tpu.vector_load %arg8[%get3A_161] {strides = array<i32>} : memref<10128xi32, #tpu.memory_space<vmem>>, vector<16xi32>,
          %and3A_163 = arith.constant 16383 : i32
          %and3A_164 = vector.broadcast %and3A_163 : i32 to vector<16xi32>
          %and3A_165 = arith.andi %get3A_162, %and3A_164 : vector<16xi32>
          %swap3A_166 = arith.constant 32 : index
          %swap3A_167 = tpu.vector_load %arg9[%swap3A_166] {strides = array<i32>} : memref<128xi32, #tpu.memory_space<vmem>>, vector<16xi32>,
          tpu.vector_store %arg9[%swap3A_166], %and3A_165 {strides = array<i32>} : memref<128xi32, #tpu.memory_space<vmem>>, vector<16xi32>,
          %shift_right_logical3A_168 = arith.constant 14 : i32
          %shift_right_logical3A_169 = vector.broadcast %shift_right_logical3A_168 : i32 to vector<16xi32>
          %shift_right_logical3A_170 = arith.shrui %get3A_162, %shift_right_logical3A_169 : vector<16xi32>
          %swap3A_171 = arith.constant 32 : index
          %swap3A_172 = tpu.vector_load %arg10[%swap3A_171] {strides = array<i32>} : memref<128xi32, #tpu.memory_space<vmem>>, vector<16xi32>,
          tpu.vector_store %arg10[%swap3A_171], %shift_right_logical3A_170 {strides = array<i32>} : memref<128xi32, #tpu.memory_space<vmem>>, vector<16xi32>,
          %mul3A_173 = arith.constant 128 : i32
          %mul3A_174 = arith.muli %add3A_127, %mul3A_173 : i32
          %add3A_175 = arith.constant 48 : i32
          %add3A_176 = arith.addi %mul3A_174, %add3A_175 : i32
          %get3A_177 = arith.index_cast %add3A_176 : i32 to index
          %get3A_178 = tpu.vector_load %arg8[%get3A_177] {strides = array<i32>} : memref<10128xi32, #tpu.memory_space<vmem>>, vector<16xi32>,
          %and3A_179 = arith.constant 16383 : i32
          %and3A_180 = vector.broadcast %and3A_179 : i32 to vector<16xi32>
          %and3A_181 = arith.andi %get3A_178, %and3A_180 : vector<16xi32>
          %swap3A_182 = arith.constant 48 : index
          %swap3A_183 = tpu.vector_load %arg9[%swap3A_182] {strides = array<i32>} : memref<128xi32, #tpu.memory_space<vmem>>, vector<16xi32>,
          tpu.vector_store %arg9[%swap3A_182], %and3A_181 {strides = array<i32>} : memref<128xi32, #tpu.memory_space<vmem>>, vector<16xi32>,
          %shift_right_logical3A_184 = arith.constant 14 : i32
          %shift_right_logical3A_185 = vector.broadcast %shift_right_logical3A_184 : i32 to vector<16xi32>
          %shift_right_logical3A_186 = arith.shrui %get3A_178, %shift_right_logical3A_185 : vector<16xi32>
          %swap3A_187 = arith.constant 48 : index
          %swap3A_188 = tpu.vector_load %arg10[%swap3A_187] {strides = array<i32>} : memref<128xi32, #tpu.memory_space<vmem>>, vector<16xi32>,
          tpu.vector_store %arg10[%swap3A_187], %shift_right_logical3A_186 {strides = array<i32>} : memref<128xi32, #tpu.memory_space<vmem>>, vector<16xi32>,
          %mul3A_189 = arith.constant 128 : i32
          %mul3A_190 = arith.muli %add3A_127, %mul3A_189 : i32
          %add3A_191 = arith.constant 64 : i32
          %add3A_192 = arith.addi %mul3A_190, %add3A_191 : i32
          %get3A_193 = arith.index_cast %add3A_192 : i32 to index
          %get3A_194 = tpu.vector_load %arg8[%get3A_193] {strides = array<i32>} : memref<10128xi32, #tpu.memory_space<vmem>>, vector<16xi32>,
          %and3A_195 = arith.constant 16383 : i32
          %and3A_196 = vector.broadcast %and3A_195 : i32 to vector<16xi32>
          %and3A_197 = arith.andi %get3A_194, %and3A_196 : vector<16xi32>
          %swap3A_198 = arith.constant 64 : index
          %swap3A_199 = tpu.vector_load %arg9[%swap3A_198] {strides = array<i32>} : memref<128xi32, #tpu.memory_space<vmem>>, vector<16xi32>,
          tpu.vector_store %arg9[%swap3A_198], %and3A_197 {strides = array<i32>} : memref<128xi32, #tpu.memory_space<vmem>>, vector<16xi32>,
          %shift_right_logical3A_200 = arith.constant 14 : i32
          %shift_right_logical3A_201 = vector.broadcast %shift_right_logical3A_200 : i32 to vector<16xi32>
          %shift_right_logical3A_202 = arith.shrui %get3A_194, %shift_right_logical3A_201 : vector<16xi32>
          %swap3A_203 = arith.constant 64 : index
          %swap3A_204 = tpu.vector_load %arg10[%swap3A_203] {strides = array<i32>} : memref<128xi32, #tpu.memory_space<vmem>>, vector<16xi32>,
          tpu.vector_store %arg10[%swap3A_203], %shift_right_logical3A_202 {strides = array<i32>} : memref<128xi32, #tpu.memory_space<vmem>>, vector<16xi32>,
          %mul3A_205 = arith.constant 128 : i32
          %mul3A_206 = arith.muli %add3A_127, %mul3A_205 : i32
          %add3A_207 = arith.constant 80 : i32
          %add3A_208 = arith.addi %mul3A_206, %add3A_207 : i32
          %get3A_209 = arith.index_cast %add3A_208 : i32 to index
          %get3A_210 = tpu.vector_load %arg8[%get3A_209] {strides = array<i32>} : memref<10128xi32, #tpu.memory_space<vmem>>, vector<16xi32>,
          %and3A_211 = arith.constant 16383 : i32
          %and3A_212 = vector.broadcast %and3A_211 : i32 to vector<16xi32>
          %and3A_213 = arith.andi %get3A_210, %and3A_212 : vector<16xi32>
          %swap3A_214 = arith.constant 80 : index
          %swap3A_215 = tpu.vector_load %arg9[%swap3A_214] {strides = array<i32>} : memref<128xi32, #tpu.memory_space<vmem>>, vector<16xi32>,
          tpu.vector_store %arg9[%swap3A_214], %and3A_213 {strides = array<i32>} : memref<128xi32, #tpu.memory_space<vmem>>, vector<16xi32>,
          %shift_right_logical3A_216 = arith.constant 14 : i32
          %shift_right_logical3A_217 = vector.broadcast %shift_right_logical3A_216 : i32 to vector<16xi32>
          %shift_right_logical3A_218 = arith.shrui %get3A_210, %shift_right_logical3A_217 : vector<16xi32>
          %swap3A_219 = arith.constant 80 : index
          %swap3A_220 = tpu.vector_load %arg10[%swap3A_219] {strides = array<i32>} : memref<128xi32, #tpu.memory_space<vmem>>, vector<16xi32>,
          tpu.vector_store %arg10[%swap3A_219], %shift_right_logical3A_218 {strides = array<i32>} : memref<128xi32, #tpu.memory_space<vmem>>, vector<16xi32>,
          %mul3A_221 = arith.constant 128 : i32
          %mul3A_222 = arith.muli %add3A_127, %mul3A_221 : i32
          %add3A_223 = arith.constant 96 : i32
          %add3A_224 = arith.addi %mul3A_222, %add3A_223 : i32
          %get3A_225 = arith.index_cast %add3A_224 : i32 to index
          %get3A_226 = tpu.vector_load %arg8[%get3A_225] {strides = array<i32>} : memref<10128xi32, #tpu.memory_space<vmem>>, vector<16xi32>,
          %and3A_227 = arith.constant 16383 : i32
          %and3A_228 = vector.broadcast %and3A_227 : i32 to vector<16xi32>
          %and3A_229 = arith.andi %get3A_226, %and3A_228 : vector<16xi32>
          %swap3A_230 = arith.constant 96 : index
          %swap3A_231 = tpu.vector_load %arg9[%swap3A_230] {strides = array<i32>} : memref<128xi32, #tpu.memory_space<vmem>>, vector<16xi32>,
          tpu.vector_store %arg9[%swap3A_230], %and3A_229 {strides = array<i32>} : memref<128xi32, #tpu.memory_space<vmem>>, vector<16xi32>,
          %shift_right_logical3A_232 = arith.constant 14 : i32
          %shift_right_logical3A_233 = vector.broadcast %shift_right_logical3A_232 : i32 to vector<16xi32>
          %shift_right_logical3A_234 = arith.shrui %get3A_226, %shift_right_logical3A_233 : vector<16xi32>
          %swap3A_235 = arith.constant 96 : index
          %swap3A_236 = tpu.vector_load %arg10[%swap3A_235] {strides = array<i32>} : memref<128xi32, #tpu.memory_space<vmem>>, vector<16xi32>,
          tpu.vector_store %arg10[%swap3A_235], %shift_right_logical3A_234 {strides = array<i32>} : memref<128xi32, #tpu.memory_space<vmem>>, vector<16xi32>,
          %mul3A_237 = arith.constant 128 : i32
          %mul3A_238 = arith.muli %add3A_127, %mul3A_237 : i32
          %add3A_239 = arith.constant 112 : i32
          %add3A_240 = arith.addi %mul3A_238, %add3A_239 : i32
          %get3A_241 = arith.index_cast %add3A_240 : i32 to index
          %get3A_242 = tpu.vector_load %arg8[%get3A_241] {strides = array<i32>} : memref<10128xi32, #tpu.memory_space<vmem>>, vector<16xi32>,
          %and3A_243 = arith.constant 16383 : i32
          %and3A_244 = vector.broadcast %and3A_243 : i32 to vector<16xi32>
          %and3A_245 = arith.andi %get3A_242, %and3A_244 : vector<16xi32>
          %swap3A_246 = arith.constant 112 : index
          %swap3A_247 = tpu.vector_load %arg9[%swap3A_246] {strides = array<i32>} : memref<128xi32, #tpu.memory_space<vmem>>, vector<16xi32>,
          tpu.vector_store %arg9[%swap3A_246], %and3A_245 {strides = array<i32>} : memref<128xi32, #tpu.memory_space<vmem>>, vector<16xi32>,
          %shift_right_logical3A_248 = arith.constant 14 : i32
          %shift_right_logical3A_249 = vector.broadcast %shift_right_logical3A_248 : i32 to vector<16xi32>
          %shift_right_logical3A_250 = arith.shrui %get3A_242, %shift_right_logical3A_249 : vector<16xi32>
          %swap3A_251 = arith.constant 112 : index
          %swap3A_252 = tpu.vector_load %arg10[%swap3A_251] {strides = array<i32>} : memref<128xi32, #tpu.memory_space<vmem>>, vector<16xi32>,
          tpu.vector_store %arg10[%swap3A_251], %shift_right_logical3A_250 {strides = array<i32>} : memref<128xi32, #tpu.memory_space<vmem>>, vector<16xi32>,
          %dma_start3A = arith.constant 0 : i32
          %dma_start3A_253 = arith.constant 0 : i32
          %dma_start3A_254 = tpu.memref_slice %arg2[%dma_start3A, %dma_start3A_253] : memref<10000x128xf32, #tpu.memory_space<hbm>> -> memref<10000x128xf32, #tpu.memory_space<hbm>>
          tpu.enqueue_indirect_dma source(%dma_start3A_254 : memref<10000x128xf32, #tpu.memory_space<hbm>>) target(%arg13 : memref<128x128xf32, #tpu.memory_space<vmem>>) offsets(%arg9 : memref<128xi32, #tpu.memory_space<vmem>>) semaphore(%arg18 : memref<!tpu.dma_semaphore, #tpu.memory_space<semaphore_mem>>)
        } else {
        }
        %lt3A_122 = arith.cmpi slt, %add3A_108, %div3A_58 : i32
        %convert_element_type3A_123 = arith.extui %lt3A_122 : i1 to i32
        %cond3A_124 = arith.constant 0 : i32
        %cond3A_125 = arith.cmpi ne, %convert_element_type3A_123, %cond3A_124 : i32
        scf.if %cond3A_125 {
          %dma_wait3A = arith.constant 0 : i32
          %dma_wait3A_126 = arith.constant 0 : i32
          %dma_wait3A_127 = tpu.memref_slice %arg2[%dma_wait3A, %dma_wait3A_126] : memref<10000x128xf32, #tpu.memory_space<hbm>> -> memref<10000x128xf32, #tpu.memory_space<hbm>>
          tpu.wait_indirect_dma semaphore(%arg19 : memref<!tpu.dma_semaphore, #tpu.memory_space<semaphore_mem>>) src(%dma_wait3A_127 : memref<10000x128xf32, #tpu.memory_space<hbm>>) dst(%arg14 : memref<128x128xf32, #tpu.memory_space<vmem>>)
          "tpu.region"() ({
            %run_scoped3A = tpu.sem_alloc : memref<!tpu.dma_semaphore, #tpu.memory_space<semaphore_mem>>
            %dma_start3A = arith.constant 0 : i32
            %dma_start3A_128 = arith.constant 0 : i32
            %dma_start3A_129 = tpu.memref_slice %arg17[%dma_start3A, %dma_start3A_128] : memref<5008x128xf32, #tpu.memory_space<vmem_shared>> -> memref<5008x128xf32, #tpu.memory_space<vmem_shared>>
            tpu.enqueue_indirect_dma source(%arg14 : memref<128x128xf32, #tpu.memory_space<vmem>>) target(%dma_start3A_129 : memref<5008x128xf32, #tpu.memory_space<vmem_shared>>) offsets(%arg12 : memref<128xi32, #tpu.memory_space<vmem>>) semaphore(%run_scoped3A : memref<!tpu.dma_semaphore, #tpu.memory_space<semaphore_mem>>) {add = true}
            %dma_wait3A_130 = arith.constant 0 : i32
            %dma_wait3A_131 = arith.constant 0 : i32
            %dma_wait3A_132 = tpu.memref_slice %arg17[%dma_wait3A_130, %dma_wait3A_131] : memref<5008x128xf32, #tpu.memory_space<vmem_shared>> -> memref<5008x128xf32, #tpu.memory_space<vmem_shared>>
            tpu.wait_indirect_dma semaphore(%run_scoped3A : memref<!tpu.dma_semaphore, #tpu.memory_space<semaphore_mem>>) src(%arg14 : memref<128x128xf32, #tpu.memory_space<vmem>>) dst(%dma_wait3A_132 : memref<5008x128xf32, #tpu.memory_space<vmem_shared>>)
            tpu.yield
          }) : () -> ()
        } else {
        }
      }
    } else {
    }
    %barrier3A_75 = arith.constant 0 : index
    tpu.barrier barrier_id(%barrier3A_75)
    %mul3A_76 = arith.constant 5000 : i32
    %mul3A_77 = arith.muli %arg0, %mul3A_76 : i32
    %mul3A_78 = arith.constant 312 : i32
    %mul3A_79 = arith.muli %arg1, %mul3A_78 : i32
    %add3A_80 = arith.addi %mul3A_77, %mul3A_79 : i32
    %multiple_of3A_81 = tpu.assume_multiple %add3A_80, 8 : i32
    "tpu.region"() ({
      %run_scoped3A = tpu.sem_alloc : memref<!tpu.dma_semaphore, #tpu.memory_space<semaphore_mem>>
      %dma_start3A = arith.constant 0 : i32
      %dma_start3A_87 = tpu.memref_slice %arg7[%multiple_of3A_81, %dma_start3A] : memref<10000x128xf32, #tpu.memory_space<hbm>> -> memref<312x128xf32, #tpu.memory_space<hbm>>
      %dma_start3A_88 = arith.constant 0 : i32
      %dma_start3A_89 = tpu.memref_slice %arg17[%multiple_of3A, %dma_start3A_88] : memref<5008x128xf32, #tpu.memory_space<vmem_shared>> -> memref<312x128xf32, #tpu.memory_space<vmem_shared>>
      tpu.enqueue_dma source(%dma_start3A_89 : memref<312x128xf32, #tpu.memory_space<vmem_shared>>) target(%dma_start3A_87 : memref<312x128xf32, #tpu.memory_space<hbm>>) target_semaphore(%run_scoped3A : memref<!tpu.dma_semaphore, #tpu.memory_space<semaphore_mem>>)
      %dma_wait3A = arith.constant 0 : i32
      %dma_wait3A_90 = tpu.memref_slice %arg7[%multiple_of3A_81, %dma_wait3A] : memref<10000x128xf32, #tpu.memory_space<hbm>> -> memref<312x128xf32, #tpu.memory_space<hbm>>
      %dma_wait3A_91 = arith.constant 0 : i32
      %dma_wait3A_92 = tpu.memref_slice %arg17[%multiple_of3A, %dma_wait3A_91] : memref<5008x128xf32, #tpu.memory_space<vmem_shared>> -> memref<312x128xf32, #tpu.memory_space<vmem_shared>>
      tpu.wait_dma2 semaphore(%run_scoped3A : memref<!tpu.dma_semaphore, #tpu.memory_space<semaphore_mem>>) src(%dma_wait3A_92 : memref<312x128xf32, #tpu.memory_space<vmem_shared>>) dst(%dma_wait3A_90 : memref<312x128xf32, #tpu.memory_space<hbm>>)
      tpu.yield
    }) : () -> ()
    %eq3A_82 = arith.constant 15 : i32
    %eq3A_83 = arith.cmpi eq, %arg1, %eq3A_82 : i32
    %convert_element_type3A_84 = arith.extui %eq3A_83 : i1 to i32
    %cond3A_85 = arith.constant 0 : i32
    %cond3A_86 = arith.cmpi ne, %convert_element_type3A_84, %cond3A_85 : i32
    scf.if %cond3A_86 {
      %mul3A_87 = arith.constant 5000 : i32
      %mul3A_88 = arith.muli %arg0, %mul3A_87 : i32
      %add3A_89 = arith.constant 5000 : i32
      %add3A_90 = arith.addi %mul3A_88, %add3A_89 : i32
      %sub3A = arith.constant 8 : i32
      %sub3A_91 = arith.subi %add3A_90, %sub3A : i32
      "tpu.region"() ({
        %run_scoped3A = tpu.sem_alloc : memref<!tpu.dma_semaphore, #tpu.memory_space<semaphore_mem>>
        %dma_start3A = arith.constant 0 : i32
        %dma_start3A_92 = tpu.memref_slice %arg7[%sub3A_91, %dma_start3A] : memref<10000x128xf32, #tpu.memory_space<hbm>> -> memref<8x128xf32, #tpu.memory_space<hbm>>
        %dma_start3A_93 = arith.constant 4992 : i32
        %dma_start3A_94 = arith.constant 0 : i32
        %dma_start3A_95 = tpu.memref_slice %arg17[%dma_start3A_93, %dma_start3A_94] : memref<5008x128xf32, #tpu.memory_space<vmem_shared>> -> memref<8x128xf32, #tpu.memory_space<vmem_shared>>
        tpu.enqueue_dma source(%dma_start3A_95 : memref<8x128xf32, #tpu.memory_space<vmem_shared>>) target(%dma_start3A_92 : memref<8x128xf32, #tpu.memory_space<hbm>>) target_semaphore(%run_scoped3A : memref<!tpu.dma_semaphore, #tpu.memory_space<semaphore_mem>>)
        %dma_wait3A = arith.constant 0 : i32
        %dma_wait3A_96 = tpu.memref_slice %arg7[%sub3A_91, %dma_wait3A] : memref<10000x128xf32, #tpu.memory_space<hbm>> -> memref<8x128xf32, #tpu.memory_space<hbm>>
        %dma_wait3A_97 = arith.constant 4992 : i32
        %dma_wait3A_98 = arith.constant 0 : i32
        %dma_wait3A_99 = tpu.memref_slice %arg17[%dma_wait3A_97, %dma_wait3A_98] : memref<5008x128xf32, #tpu.memory_space<vmem_shared>> -> memref<8x128xf32, #tpu.memory_space<vmem_shared>>
        tpu.wait_dma2 semaphore(%run_scoped3A : memref<!tpu.dma_semaphore, #tpu.memory_space<semaphore_mem>>) src(%dma_wait3A_99 : memref<8x128xf32, #tpu.memory_space<vmem_shared>>) dst(%dma_wait3A_96 : memref<8x128xf32, #tpu.memory_space<hbm>>)
        tpu.yield
      }) : () -> ()
    } else {
    }
    return
  }
}

#map = affine_map<(d0, d1) -> (0, 0, 0)>
#map1 = affine_map<(d0, d1) -> (0)>
module attributes {stable_mosaic.version = 14 : i64} {
  func.func @part_k(%arg0: i32, %arg1: i32, %arg2: memref<32x125x80xi32, #tpu.memory_space<hbm>>, %arg3: memref<32x125x80xi32, #tpu.memory_space<hbm>>, %arg4: memref<648192xi32, #tpu.memory_space<hbm>>, %arg5: memref<512xi32, #tpu.memory_space<hbm>>, %arg6: memref<125x80xi32, #tpu.memory_space<vmem>>, %arg7: memref<125x80xi32, #tpu.memory_space<vmem>>, %arg8: memref<10128xi32, #tpu.memory_space<vmem>>, %arg9: memref<10128xi32, #tpu.memory_space<vmem>>, %arg10: memref<16xi32, #tpu.memory_space<vmem>>) attributes {dimension_semantics = [#tpu.dimension_semantics<core_parallel>, #tpu.dimension_semantics<subcore_parallel>], iteration_bounds = array<i64: 2, 16>, scalar_prefetch = 0 : i64, scratch_operands = 5 : i64, tpu.core_type = #tpu.core_type<sc_vector_subcore>, window_params = [{transform_indices = #map}, {transform_indices = #map}, {transform_indices = #map1}, {transform_indices = #map1}]} {
    %mul3A = arith.constant 2 : i32
    %mul3A_0 = arith.muli %arg1, %mul3A : i32
    %add3A = arith.addi %mul3A_0, %arg0 : i32
    "tpu.region"() ({
      %run_scoped3A = tpu.sem_alloc : memref<!tpu.dma_semaphore, #tpu.memory_space<semaphore_mem>>
      %dma_start3A = arith.constant 0 : i32
      %dma_start3A_38 = arith.constant 0 : i32
      %dma_start3A_39 = tpu.memref_slice %arg2[%add3A, %dma_start3A, %dma_start3A_38] : memref<32x125x80xi32, #tpu.memory_space<hbm>> -> memref<1x125x80xi32, #tpu.memory_space<hbm>>
      %dma_start3A_40 = tpu.memref_squeeze %dma_start3A_39 : memref<1x125x80xi32, #tpu.memory_space<hbm>> -> memref<125x80xi32, #tpu.memory_space<hbm>>
      %dma_start3A_41 = arith.constant 0 : i32
      %dma_start3A_42 = arith.constant 0 : i32
      %dma_start3A_43 = tpu.memref_slice %arg2[%add3A, %dma_start3A_41, %dma_start3A_42] : memref<32x125x80xi32, #tpu.memory_space<hbm>> -> memref<1x125x80xi32, #tpu.memory_space<hbm>>
      %dma_start3A_44 = tpu.memref_squeeze %dma_start3A_43 : memref<1x125x80xi32, #tpu.memory_space<hbm>> -> memref<125x80xi32, #tpu.memory_space<hbm>>
      tpu.enqueue_dma source(%dma_start3A_44 : memref<125x80xi32, #tpu.memory_space<hbm>>) target(%arg6 : memref<125x80xi32, #tpu.memory_space<vmem>>) target_semaphore(%run_scoped3A : memref<!tpu.dma_semaphore, #tpu.memory_space<semaphore_mem>>)
      %dma_wait3A = arith.constant 0 : i32
      %dma_wait3A_45 = arith.constant 0 : i32
      %dma_wait3A_46 = tpu.memref_slice %arg2[%add3A, %dma_wait3A, %dma_wait3A_45] : memref<32x125x80xi32, #tpu.memory_space<hbm>> -> memref<1x125x80xi32, #tpu.memory_space<hbm>>
      %dma_wait3A_47 = tpu.memref_squeeze %dma_wait3A_46 : memref<1x125x80xi32, #tpu.memory_space<hbm>> -> memref<125x80xi32, #tpu.memory_space<hbm>>
      %dma_wait3A_48 = arith.constant 0 : i32
      %dma_wait3A_49 = arith.constant 0 : i32
      %dma_wait3A_50 = tpu.memref_slice %arg2[%add3A, %dma_wait3A_48, %dma_wait3A_49] : memref<32x125x80xi32, #tpu.memory_space<hbm>> -> memref<1x125x80xi32, #tpu.memory_space<hbm>>
      %dma_wait3A_51 = tpu.memref_squeeze %dma_wait3A_50 : memref<1x125x80xi32, #tpu.memory_space<hbm>> -> memref<125x80xi32, #tpu.memory_space<hbm>>
      tpu.wait_dma2 semaphore(%run_scoped3A : memref<!tpu.dma_semaphore, #tpu.memory_space<semaphore_mem>>) src(%dma_wait3A_51 : memref<125x80xi32, #tpu.memory_space<hbm>>) dst(%arg6 : memref<125x80xi32, #tpu.memory_space<vmem>>)
      tpu.yield
    }) : () -> ()
    "tpu.region"() ({
      %run_scoped3A = tpu.sem_alloc : memref<!tpu.dma_semaphore, #tpu.memory_space<semaphore_mem>>
      %dma_start3A = arith.constant 0 : i32
      %dma_start3A_38 = arith.constant 0 : i32
      %dma_start3A_39 = tpu.memref_slice %arg3[%add3A, %dma_start3A, %dma_start3A_38] : memref<32x125x80xi32, #tpu.memory_space<hbm>> -> memref<1x125x80xi32, #tpu.memory_space<hbm>>
      %dma_start3A_40 = tpu.memref_squeeze %dma_start3A_39 : memref<1x125x80xi32, #tpu.memory_space<hbm>> -> memref<125x80xi32, #tpu.memory_space<hbm>>
      %dma_start3A_41 = arith.constant 0 : i32
      %dma_start3A_42 = arith.constant 0 : i32
      %dma_start3A_43 = tpu.memref_slice %arg3[%add3A, %dma_start3A_41, %dma_start3A_42] : memref<32x125x80xi32, #tpu.memory_space<hbm>> -> memref<1x125x80xi32, #tpu.memory_space<hbm>>
      %dma_start3A_44 = tpu.memref_squeeze %dma_start3A_43 : memref<1x125x80xi32, #tpu.memory_space<hbm>> -> memref<125x80xi32, #tpu.memory_space<hbm>>
      tpu.enqueue_dma source(%dma_start3A_44 : memref<125x80xi32, #tpu.memory_space<hbm>>) target(%arg7 : memref<125x80xi32, #tpu.memory_space<vmem>>) target_semaphore(%run_scoped3A : memref<!tpu.dma_semaphore, #tpu.memory_space<semaphore_mem>>)
      %dma_wait3A = arith.constant 0 : i32
      %dma_wait3A_45 = arith.constant 0 : i32
      %dma_wait3A_46 = tpu.memref_slice %arg3[%add3A, %dma_wait3A, %dma_wait3A_45] : memref<32x125x80xi32, #tpu.memory_space<hbm>> -> memref<1x125x80xi32, #tpu.memory_space<hbm>>
      %dma_wait3A_47 = tpu.memref_squeeze %dma_wait3A_46 : memref<1x125x80xi32, #tpu.memory_space<hbm>> -> memref<125x80xi32, #tpu.memory_space<hbm>>
      %dma_wait3A_48 = arith.constant 0 : i32
      %dma_wait3A_49 = arith.constant 0 : i32
      %dma_wait3A_50 = tpu.memref_slice %arg3[%add3A, %dma_wait3A_48, %dma_wait3A_49] : memref<32x125x80xi32, #tpu.memory_space<hbm>> -> memref<1x125x80xi32, #tpu.memory_space<hbm>>
      %dma_wait3A_51 = tpu.memref_squeeze %dma_wait3A_50 : memref<1x125x80xi32, #tpu.memory_space<hbm>> -> memref<125x80xi32, #tpu.memory_space<hbm>>
      tpu.wait_dma2 semaphore(%run_scoped3A : memref<!tpu.dma_semaphore, #tpu.memory_space<semaphore_mem>>) src(%dma_wait3A_51 : memref<125x80xi32, #tpu.memory_space<hbm>>) dst(%arg7 : memref<125x80xi32, #tpu.memory_space<vmem>>)
      tpu.yield
    }) : () -> ()
    %iota3A = tpu.iota {dimensions = array<i32: 0>} : vector<16xi32>
    %mul3A_1 = arith.constant 577 : i32
    %mul3A_2 = vector.broadcast %mul3A_1 : i32 to vector<16xi32>
    %mul3A_3 = arith.muli %iota3A, %mul3A_2 : vector<16xi32>
    %add3A_4 = arith.constant 81920000 : i32
    %add3A_5 = vector.broadcast %add3A_4 : i32 to vector<16xi32>
    %add3A_6 = arith.addi %mul3A_3, %add3A_5 : vector<16xi32>
    %scan3A = arith.constant 0 : i32
    %scan3A_7 = arith.constant 0 : i32
    %scan3A_8 = arith.constant 633 : i32
    %scan3A_9 = arith.addi %scan3A_7, %scan3A_8 : i32
    %scan3A_10 = arith.constant 1 : i32
    scf.for %scan3A_38 = %scan3A_7 to %scan3A_9 step %scan3A_10  : i32 {
      %mul3A_39 = arith.constant 16 : i32
      %mul3A_40 = arith.muli %scan3A_38, %mul3A_39 : i32
      %multiple_of3A = tpu.assume_multiple %mul3A_40, 8 : i32
      %swap3A_41 = arith.index_cast %multiple_of3A : i32 to index
      %swap3A_42 = tpu.vector_load %arg8[%swap3A_41] {strides = array<i32>} : memref<10128xi32, #tpu.memory_space<vmem>>, vector<16xi32>,
      tpu.vector_store %arg8[%swap3A_41], %add3A_6 {strides = array<i32>} : memref<10128xi32, #tpu.memory_space<vmem>>, vector<16xi32>,
      %swap3A_43 = arith.index_cast %multiple_of3A : i32 to index
      %swap3A_44 = tpu.vector_load %arg9[%swap3A_43] {strides = array<i32>} : memref<10128xi32, #tpu.memory_space<vmem>>, vector<16xi32>,
      tpu.vector_store %arg9[%swap3A_43], %add3A_6 {strides = array<i32>} : memref<10128xi32, #tpu.memory_space<vmem>>, vector<16xi32>,
    }
    %scan3A_11 = arith.constant 633 : i32
    %scan3A_12 = arith.constant 0 : i32
    %scan3A_13 = arith.constant 0 : i32
    %scan3A_14 = arith.constant 0 : i32
    %scan3A_15 = arith.constant 125 : i32
    %scan3A_16 = arith.addi %scan3A_14, %scan3A_15 : i32
    %scan3A_17 = arith.constant 1 : i32
    %scan3A_18:2 = scf.for %scan3A_38 = %scan3A_14 to %scan3A_16 step %scan3A_17 iter_args(%scan3A_39 = %scan3A_12, %scan3A_40 = %scan3A_13) -> (i32, i32)  : i32 {
      %get3A = arith.index_cast %scan3A_38 : i32 to index
      %get3A_41 = arith.constant 0 : index
      %get3A_42 = tpu.vector_load %arg6[%get3A, %get3A_41] {strides = array<i32>} : memref<125x80xi32, #tpu.memory_space<vmem>>, vector<16xi32>,
      %get3A_43 = arith.index_cast %scan3A_38 : i32 to index
      %get3A_44 = arith.constant 0 : index
      %get3A_45 = tpu.vector_load %arg7[%get3A_43, %get3A_44] {strides = array<i32>} : memref<125x80xi32, #tpu.memory_space<vmem>>, vector<16xi32>,
      %lt3A = arith.constant 5000 : i32
      %lt3A_46 = vector.broadcast %lt3A : i32 to vector<16xi32>
      %lt3A_47 = arith.cmpi slt, %get3A_45, %lt3A_46 : vector<16xi32>
      %not3A = arith.constant dense<true> : vector<16xi1>
      %not3A_48 = arith.xori %lt3A_47, %not3A : vector<16xi1>
      %convert_element_type3A = arith.extui %lt3A_47 : vector<16xi1> to vector<16xi32>
      %convert_element_type3A_49 = arith.extui %not3A_48 : vector<16xi1> to vector<16xi32>
      %broadcast_in_dim3A_50 = arith.constant true
      %broadcast_in_dim3A_51 = vector.broadcast %broadcast_in_dim3A_50 : i1 to vector<16xi1>
      %masked_cumsum3A = tpu.scan <sum>, %convert_element_type3A masked %broadcast_in_dim3A_51 : vector<16xi32>, vector<16xi1> -> vector<16xi32>
      %add3A_52 = vector.broadcast %scan3A_39 : i32 to vector<16xi32>
      %add3A_53 = arith.addi %add3A_52, %masked_cumsum3A : vector<16xi32>
      %sub3A = arith.subi %add3A_53, %convert_element_type3A : vector<16xi32>
      %broadcast_in_dim3A_54 = arith.constant true
      %broadcast_in_dim3A_55 = vector.broadcast %broadcast_in_dim3A_54 : i1 to vector<16xi1>
      %masked_cumsum3A_56 = tpu.scan <sum>, %convert_element_type3A_49 masked %broadcast_in_dim3A_55 : vector<16xi32>, vector<16xi1> -> vector<16xi32>
      %add3A_57 = vector.broadcast %scan3A_40 : i32 to vector<16xi32>
      %add3A_58 = arith.addi %add3A_57, %masked_cumsum3A_56 : vector<16xi32>
      %sub3A_59 = arith.subi %add3A_58, %convert_element_type3A_49 : vector<16xi32>
      %sub3A_60 = arith.constant 5000 : i32
      %sub3A_61 = vector.broadcast %sub3A_60 : i32 to vector<16xi32>
      %sub3A_62 = arith.subi %get3A_45, %sub3A_61 : vector<16xi32>
      %select_n3A_63 = arith.select %lt3A_47, %get3A_45, %sub3A_62 : vector<16xi1>, vector<16xi32>
      %shift_left3A = arith.constant 14 : i32
      %shift_left3A_64 = vector.broadcast %shift_left3A : i32 to vector<16xi32>
      %shift_left3A_65 = arith.shli %select_n3A_63, %shift_left3A_64 : vector<16xi32>
      %or3A = arith.ori %get3A_42, %shift_left3A_65 : vector<16xi32>
      tpu.vector_store_idx %arg8[%sub3A], %or3A masked %lt3A_47 : memref<10128xi32, #tpu.memory_space<vmem>>[vector<16xi32>], vector<16xi32>, vector<16xi1>
      tpu.vector_store_idx %arg9[%sub3A_59], %or3A masked %not3A_48 : memref<10128xi32, #tpu.memory_space<vmem>>[vector<16xi32>], vector<16xi32>, vector<16xi1>
      %reduce_sum3A = arith.constant true
      %reduce_sum3A_66 = vector.broadcast %reduce_sum3A : i1 to vector<16xi1>
      %reduce_sum3A_67 = tpu.scan <sum>, %convert_element_type3A masked %reduce_sum3A_66 : vector<16xi32>, vector<16xi1> -> vector<16xi32>
      %reduce_sum3A_68 = vector.extract %reduce_sum3A_67[15] : i32 from vector<16xi32>
      %add3A_69 = arith.addi %scan3A_39, %reduce_sum3A_68 : i32
      %sub3A_70 = arith.constant 16 : i32
      %sub3A_71 = arith.subi %sub3A_70, %reduce_sum3A_68 : i32
      %add3A_72 = arith.addi %scan3A_40, %sub3A_71 : i32
      %get3A_73 = arith.index_cast %scan3A_38 : i32 to index
      %get3A_74 = arith.constant 16 : index
      %get3A_75 = tpu.vector_load %arg6[%get3A_73, %get3A_74] {strides = array<i32>} : memref<125x80xi32, #tpu.memory_space<vmem>>, vector<16xi32>,
      %get3A_76 = arith.index_cast %scan3A_38 : i32 to index
      %get3A_77 = arith.constant 16 : index
      %get3A_78 = tpu.vector_load %arg7[%get3A_76, %get3A_77] {strides = array<i32>} : memref<125x80xi32, #tpu.memory_space<vmem>>, vector<16xi32>,
      %lt3A_79 = arith.constant 5000 : i32
      %lt3A_80 = vector.broadcast %lt3A_79 : i32 to vector<16xi32>
      %lt3A_81 = arith.cmpi slt, %get3A_78, %lt3A_80 : vector<16xi32>
      %not3A_82 = arith.constant dense<true> : vector<16xi1>
      %not3A_83 = arith.xori %lt3A_81, %not3A_82 : vector<16xi1>
      %convert_element_type3A_84 = arith.extui %lt3A_81 : vector<16xi1> to vector<16xi32>
      %convert_element_type3A_85 = arith.extui %not3A_83 : vector<16xi1> to vector<16xi32>
      %broadcast_in_dim3A_86 = arith.constant true
      %broadcast_in_dim3A_87 = vector.broadcast %broadcast_in_dim3A_86 : i1 to vector<16xi1>
      %masked_cumsum3A_88 = tpu.scan <sum>, %convert_element_type3A_84 masked %broadcast_in_dim3A_87 : vector<16xi32>, vector<16xi1> -> vector<16xi32>
      %add3A_89 = vector.broadcast %add3A_69 : i32 to vector<16xi32>
      %add3A_90 = arith.addi %add3A_89, %masked_cumsum3A_88 : vector<16xi32>
      %sub3A_91 = arith.subi %add3A_90, %convert_element_type3A_84 : vector<16xi32>
      %broadcast_in_dim3A_92 = arith.constant true
      %broadcast_in_dim3A_93 = vector.broadcast %broadcast_in_dim3A_92 : i1 to vector<16xi1>
      %masked_cumsum3A_94 = tpu.scan <sum>, %convert_element_type3A_85 masked %broadcast_in_dim3A_93 : vector<16xi32>, vector<16xi1> -> vector<16xi32>
      %add3A_95 = vector.broadcast %add3A_72 : i32 to vector<16xi32>
      %add3A_96 = arith.addi %add3A_95, %masked_cumsum3A_94 : vector<16xi32>
      %sub3A_97 = arith.subi %add3A_96, %convert_element_type3A_85 : vector<16xi32>
      %sub3A_98 = arith.constant 5000 : i32
      %sub3A_99 = vector.broadcast %sub3A_98 : i32 to vector<16xi32>
      %sub3A_100 = arith.subi %get3A_78, %sub3A_99 : vector<16xi32>
      %select_n3A_101 = arith.select %lt3A_81, %get3A_78, %sub3A_100 : vector<16xi1>, vector<16xi32>
      %shift_left3A_102 = arith.constant 14 : i32
      %shift_left3A_103 = vector.broadcast %shift_left3A_102 : i32 to vector<16xi32>
      %shift_left3A_104 = arith.shli %select_n3A_101, %shift_left3A_103 : vector<16xi32>
      %or3A_105 = arith.ori %get3A_75, %shift_left3A_104 : vector<16xi32>
      tpu.vector_store_idx %arg8[%sub3A_91], %or3A_105 masked %lt3A_81 : memref<10128xi32, #tpu.memory_space<vmem>>[vector<16xi32>], vector<16xi32>, vector<16xi1>
      tpu.vector_store_idx %arg9[%sub3A_97], %or3A_105 masked %not3A_83 : memref<10128xi32, #tpu.memory_space<vmem>>[vector<16xi32>], vector<16xi32>, vector<16xi1>
      %reduce_sum3A_106 = arith.constant true
      %reduce_sum3A_107 = vector.broadcast %reduce_sum3A_106 : i1 to vector<16xi1>
      %reduce_sum3A_108 = tpu.scan <sum>, %convert_element_type3A_84 masked %reduce_sum3A_107 : vector<16xi32>, vector<16xi1> -> vector<16xi32>
      %reduce_sum3A_109 = vector.extract %reduce_sum3A_108[15] : i32 from vector<16xi32>
      %add3A_110 = arith.addi %add3A_69, %reduce_sum3A_109 : i32
      %sub3A_111 = arith.constant 16 : i32
      %sub3A_112 = arith.subi %sub3A_111, %reduce_sum3A_109 : i32
      %add3A_113 = arith.addi %add3A_72, %sub3A_112 : i32
      %get3A_114 = arith.index_cast %scan3A_38 : i32 to index
      %get3A_115 = arith.constant 32 : index
      %get3A_116 = tpu.vector_load %arg6[%get3A_114, %get3A_115] {strides = array<i32>} : memref<125x80xi32, #tpu.memory_space<vmem>>, vector<16xi32>,
      %get3A_117 = arith.index_cast %scan3A_38 : i32 to index
      %get3A_118 = arith.constant 32 : index
      %get3A_119 = tpu.vector_load %arg7[%get3A_117, %get3A_118] {strides = array<i32>} : memref<125x80xi32, #tpu.memory_space<vmem>>, vector<16xi32>,
      %lt3A_120 = arith.constant 5000 : i32
      %lt3A_121 = vector.broadcast %lt3A_120 : i32 to vector<16xi32>
      %lt3A_122 = arith.cmpi slt, %get3A_119, %lt3A_121 : vector<16xi32>
      %not3A_123 = arith.constant dense<true> : vector<16xi1>
      %not3A_124 = arith.xori %lt3A_122, %not3A_123 : vector<16xi1>
      %convert_element_type3A_125 = arith.extui %lt3A_122 : vector<16xi1> to vector<16xi32>
      %convert_element_type3A_126 = arith.extui %not3A_124 : vector<16xi1> to vector<16xi32>
      %broadcast_in_dim3A_127 = arith.constant true
      %broadcast_in_dim3A_128 = vector.broadcast %broadcast_in_dim3A_127 : i1 to vector<16xi1>
      %masked_cumsum3A_129 = tpu.scan <sum>, %convert_element_type3A_125 masked %broadcast_in_dim3A_128 : vector<16xi32>, vector<16xi1> -> vector<16xi32>
      %add3A_130 = vector.broadcast %add3A_110 : i32 to vector<16xi32>
      %add3A_131 = arith.addi %add3A_130, %masked_cumsum3A_129 : vector<16xi32>
      %sub3A_132 = arith.subi %add3A_131, %convert_element_type3A_125 : vector<16xi32>
      %broadcast_in_dim3A_133 = arith.constant true
      %broadcast_in_dim3A_134 = vector.broadcast %broadcast_in_dim3A_133 : i1 to vector<16xi1>
      %masked_cumsum3A_135 = tpu.scan <sum>, %convert_element_type3A_126 masked %broadcast_in_dim3A_134 : vector<16xi32>, vector<16xi1> -> vector<16xi32>
      %add3A_136 = vector.broadcast %add3A_113 : i32 to vector<16xi32>
      %add3A_137 = arith.addi %add3A_136, %masked_cumsum3A_135 : vector<16xi32>
      %sub3A_138 = arith.subi %add3A_137, %convert_element_type3A_126 : vector<16xi32>
      %sub3A_139 = arith.constant 5000 : i32
      %sub3A_140 = vector.broadcast %sub3A_139 : i32 to vector<16xi32>
      %sub3A_141 = arith.subi %get3A_119, %sub3A_140 : vector<16xi32>
      %select_n3A_142 = arith.select %lt3A_122, %get3A_119, %sub3A_141 : vector<16xi1>, vector<16xi32>
      %shift_left3A_143 = arith.constant 14 : i32
      %shift_left3A_144 = vector.broadcast %shift_left3A_143 : i32 to vector<16xi32>
      %shift_left3A_145 = arith.shli %select_n3A_142, %shift_left3A_144 : vector<16xi32>
      %or3A_146 = arith.ori %get3A_116, %shift_left3A_145 : vector<16xi32>
      tpu.vector_store_idx %arg8[%sub3A_132], %or3A_146 masked %lt3A_122 : memref<10128xi32, #tpu.memory_space<vmem>>[vector<16xi32>], vector<16xi32>, vector<16xi1>
      tpu.vector_store_idx %arg9[%sub3A_138], %or3A_146 masked %not3A_124 : memref<10128xi32, #tpu.memory_space<vmem>>[vector<16xi32>], vector<16xi32>, vector<16xi1>
      %reduce_sum3A_147 = arith.constant true
      %reduce_sum3A_148 = vector.broadcast %reduce_sum3A_147 : i1 to vector<16xi1>
      %reduce_sum3A_149 = tpu.scan <sum>, %convert_element_type3A_125 masked %reduce_sum3A_148 : vector<16xi32>, vector<16xi1> -> vector<16xi32>
      %reduce_sum3A_150 = vector.extract %reduce_sum3A_149[15] : i32 from vector<16xi32>
      %add3A_151 = arith.addi %add3A_110, %reduce_sum3A_150 : i32
      %sub3A_152 = arith.constant 16 : i32
      %sub3A_153 = arith.subi %sub3A_152, %reduce_sum3A_150 : i32
      %add3A_154 = arith.addi %add3A_113, %sub3A_153 : i32
      %get3A_155 = arith.index_cast %scan3A_38 : i32 to index
      %get3A_156 = arith.constant 48 : index
      %get3A_157 = tpu.vector_load %arg6[%get3A_155, %get3A_156] {strides = array<i32>} : memref<125x80xi32, #tpu.memory_space<vmem>>, vector<16xi32>,
      %get3A_158 = arith.index_cast %scan3A_38 : i32 to index
      %get3A_159 = arith.constant 48 : index
      %get3A_160 = tpu.vector_load %arg7[%get3A_158, %get3A_159] {strides = array<i32>} : memref<125x80xi32, #tpu.memory_space<vmem>>, vector<16xi32>,
      %lt3A_161 = arith.constant 5000 : i32
      %lt3A_162 = vector.broadcast %lt3A_161 : i32 to vector<16xi32>
      %lt3A_163 = arith.cmpi slt, %get3A_160, %lt3A_162 : vector<16xi32>
      %not3A_164 = arith.constant dense<true> : vector<16xi1>
      %not3A_165 = arith.xori %lt3A_163, %not3A_164 : vector<16xi1>
      %convert_element_type3A_166 = arith.extui %lt3A_163 : vector<16xi1> to vector<16xi32>
      %convert_element_type3A_167 = arith.extui %not3A_165 : vector<16xi1> to vector<16xi32>
      %broadcast_in_dim3A_168 = arith.constant true
      %broadcast_in_dim3A_169 = vector.broadcast %broadcast_in_dim3A_168 : i1 to vector<16xi1>
      %masked_cumsum3A_170 = tpu.scan <sum>, %convert_element_type3A_166 masked %broadcast_in_dim3A_169 : vector<16xi32>, vector<16xi1> -> vector<16xi32>
      %add3A_171 = vector.broadcast %add3A_151 : i32 to vector<16xi32>
      %add3A_172 = arith.addi %add3A_171, %masked_cumsum3A_170 : vector<16xi32>
      %sub3A_173 = arith.subi %add3A_172, %convert_element_type3A_166 : vector<16xi32>
      %broadcast_in_dim3A_174 = arith.constant true
      %broadcast_in_dim3A_175 = vector.broadcast %broadcast_in_dim3A_174 : i1 to vector<16xi1>
      %masked_cumsum3A_176 = tpu.scan <sum>, %convert_element_type3A_167 masked %broadcast_in_dim3A_175 : vector<16xi32>, vector<16xi1> -> vector<16xi32>
      %add3A_177 = vector.broadcast %add3A_154 : i32 to vector<16xi32>
      %add3A_178 = arith.addi %add3A_177, %masked_cumsum3A_176 : vector<16xi32>
      %sub3A_179 = arith.subi %add3A_178, %convert_element_type3A_167 : vector<16xi32>
      %sub3A_180 = arith.constant 5000 : i32
      %sub3A_181 = vector.broadcast %sub3A_180 : i32 to vector<16xi32>
      %sub3A_182 = arith.subi %get3A_160, %sub3A_181 : vector<16xi32>
      %select_n3A_183 = arith.select %lt3A_163, %get3A_160, %sub3A_182 : vector<16xi1>, vector<16xi32>
      %shift_left3A_184 = arith.constant 14 : i32
      %shift_left3A_185 = vector.broadcast %shift_left3A_184 : i32 to vector<16xi32>
      %shift_left3A_186 = arith.shli %select_n3A_183, %shift_left3A_185 : vector<16xi32>
      %or3A_187 = arith.ori %get3A_157, %shift_left3A_186 : vector<16xi32>
      tpu.vector_store_idx %arg8[%sub3A_173], %or3A_187 masked %lt3A_163 : memref<10128xi32, #tpu.memory_space<vmem>>[vector<16xi32>], vector<16xi32>, vector<16xi1>
      tpu.vector_store_idx %arg9[%sub3A_179], %or3A_187 masked %not3A_165 : memref<10128xi32, #tpu.memory_space<vmem>>[vector<16xi32>], vector<16xi32>, vector<16xi1>
      %reduce_sum3A_188 = arith.constant true
      %reduce_sum3A_189 = vector.broadcast %reduce_sum3A_188 : i1 to vector<16xi1>
      %reduce_sum3A_190 = tpu.scan <sum>, %convert_element_type3A_166 masked %reduce_sum3A_189 : vector<16xi32>, vector<16xi1> -> vector<16xi32>
      %reduce_sum3A_191 = vector.extract %reduce_sum3A_190[15] : i32 from vector<16xi32>
      %add3A_192 = arith.addi %add3A_151, %reduce_sum3A_191 : i32
      %sub3A_193 = arith.constant 16 : i32
      %sub3A_194 = arith.subi %sub3A_193, %reduce_sum3A_191 : i32
      %add3A_195 = arith.addi %add3A_154, %sub3A_194 : i32
      %get3A_196 = arith.index_cast %scan3A_38 : i32 to index
      %get3A_197 = arith.constant 64 : index
      %get3A_198 = tpu.vector_load %arg6[%get3A_196, %get3A_197] {strides = array<i32>} : memref<125x80xi32, #tpu.memory_space<vmem>>, vector<16xi32>,
      %get3A_199 = arith.index_cast %scan3A_38 : i32 to index
      %get3A_200 = arith.constant 64 : index
      %get3A_201 = tpu.vector_load %arg7[%get3A_199, %get3A_200] {strides = array<i32>} : memref<125x80xi32, #tpu.memory_space<vmem>>, vector<16xi32>,
      %lt3A_202 = arith.constant 5000 : i32
      %lt3A_203 = vector.broadcast %lt3A_202 : i32 to vector<16xi32>
      %lt3A_204 = arith.cmpi slt, %get3A_201, %lt3A_203 : vector<16xi32>
      %not3A_205 = arith.constant dense<true> : vector<16xi1>
      %not3A_206 = arith.xori %lt3A_204, %not3A_205 : vector<16xi1>
      %convert_element_type3A_207 = arith.extui %lt3A_204 : vector<16xi1> to vector<16xi32>
      %convert_element_type3A_208 = arith.extui %not3A_206 : vector<16xi1> to vector<16xi32>
      %broadcast_in_dim3A_209 = arith.constant true
      %broadcast_in_dim3A_210 = vector.broadcast %broadcast_in_dim3A_209 : i1 to vector<16xi1>
      %masked_cumsum3A_211 = tpu.scan <sum>, %convert_element_type3A_207 masked %broadcast_in_dim3A_210 : vector<16xi32>, vector<16xi1> -> vector<16xi32>
      %add3A_212 = vector.broadcast %add3A_192 : i32 to vector<16xi32>
      %add3A_213 = arith.addi %add3A_212, %masked_cumsum3A_211 : vector<16xi32>
      %sub3A_214 = arith.subi %add3A_213, %convert_element_type3A_207 : vector<16xi32>
      %broadcast_in_dim3A_215 = arith.constant true
      %broadcast_in_dim3A_216 = vector.broadcast %broadcast_in_dim3A_215 : i1 to vector<16xi1>
      %masked_cumsum3A_217 = tpu.scan <sum>, %convert_element_type3A_208 masked %broadcast_in_dim3A_216 : vector<16xi32>, vector<16xi1> -> vector<16xi32>
      %add3A_218 = vector.broadcast %add3A_195 : i32 to vector<16xi32>
      %add3A_219 = arith.addi %add3A_218, %masked_cumsum3A_217 : vector<16xi32>
      %sub3A_220 = arith.subi %add3A_219, %convert_element_type3A_208 : vector<16xi32>
      %sub3A_221 = arith.constant 5000 : i32
      %sub3A_222 = vector.broadcast %sub3A_221 : i32 to vector<16xi32>
      %sub3A_223 = arith.subi %get3A_201, %sub3A_222 : vector<16xi32>
      %select_n3A_224 = arith.select %lt3A_204, %get3A_201, %sub3A_223 : vector<16xi1>, vector<16xi32>
      %shift_left3A_225 = arith.constant 14 : i32
      %shift_left3A_226 = vector.broadcast %shift_left3A_225 : i32 to vector<16xi32>
      %shift_left3A_227 = arith.shli %select_n3A_224, %shift_left3A_226 : vector<16xi32>
      %or3A_228 = arith.ori %get3A_198, %shift_left3A_227 : vector<16xi32>
      tpu.vector_store_idx %arg8[%sub3A_214], %or3A_228 masked %lt3A_204 : memref<10128xi32, #tpu.memory_space<vmem>>[vector<16xi32>], vector<16xi32>, vector<16xi1>
      tpu.vector_store_idx %arg9[%sub3A_220], %or3A_228 masked %not3A_206 : memref<10128xi32, #tpu.memory_space<vmem>>[vector<16xi32>], vector<16xi32>, vector<16xi1>
      %reduce_sum3A_229 = arith.constant true
      %reduce_sum3A_230 = vector.broadcast %reduce_sum3A_229 : i1 to vector<16xi1>
      %reduce_sum3A_231 = tpu.scan <sum>, %convert_element_type3A_207 masked %reduce_sum3A_230 : vector<16xi32>, vector<16xi1> -> vector<16xi32>
      %reduce_sum3A_232 = vector.extract %reduce_sum3A_231[15] : i32 from vector<16xi32>
      %add3A_233 = arith.addi %add3A_192, %reduce_sum3A_232 : i32
      %sub3A_234 = arith.constant 16 : i32
      %sub3A_235 = arith.subi %sub3A_234, %reduce_sum3A_232 : i32
      %add3A_236 = arith.addi %add3A_195, %sub3A_235 : i32
      scf.yield %add3A_233, %add3A_236 : i32, i32
    }
    %scan3A_19 = arith.constant 125 : i32
    %mul3A_20 = arith.constant 10128 : i32
    %mul3A_21 = arith.muli %add3A, %mul3A_20 : i32
    "tpu.region"() ({
      %run_scoped3A = tpu.sem_alloc : memref<!tpu.dma_semaphore, #tpu.memory_space<semaphore_mem>>
      %dma_start3A = tpu.memref_slice %arg4[%mul3A_21] : memref<648192xi32, #tpu.memory_space<hbm>> -> memref<10128xi32, #tpu.memory_space<hbm>>
      %dma_start3A_38 = tpu.memref_slice %arg4[%mul3A_21] : memref<648192xi32, #tpu.memory_space<hbm>> -> memref<10128xi32, #tpu.memory_space<hbm>>
      tpu.enqueue_dma source(%arg8 : memref<10128xi32, #tpu.memory_space<vmem>>) target(%dma_start3A_38 : memref<10128xi32, #tpu.memory_space<hbm>>) target_semaphore(%run_scoped3A : memref<!tpu.dma_semaphore, #tpu.memory_space<semaphore_mem>>)
      %dma_wait3A = tpu.memref_slice %arg4[%mul3A_21] : memref<648192xi32, #tpu.memory_space<hbm>> -> memref<10128xi32, #tpu.memory_space<hbm>>
      %dma_wait3A_39 = tpu.memref_slice %arg4[%mul3A_21] : memref<648192xi32, #tpu.memory_space<hbm>> -> memref<10128xi32, #tpu.memory_space<hbm>>
      tpu.wait_dma2 semaphore(%run_scoped3A : memref<!tpu.dma_semaphore, #tpu.memory_space<semaphore_mem>>) src(%arg8 : memref<10128xi32, #tpu.memory_space<vmem>>) dst(%dma_wait3A_39 : memref<10128xi32, #tpu.memory_space<hbm>>)
      tpu.yield
    }) : () -> ()
    %add3A_22 = arith.constant 32 : i32
    %add3A_23 = arith.addi %add3A_22, %add3A : i32
    %mul3A_24 = arith.constant 10128 : i32
    %mul3A_25 = arith.muli %add3A_23, %mul3A_24 : i32
    "tpu.region"() ({
      %run_scoped3A = tpu.sem_alloc : memref<!tpu.dma_semaphore, #tpu.memory_space<semaphore_mem>>
      %dma_start3A = tpu.memref_slice %arg4[%mul3A_25] : memref<648192xi32, #tpu.memory_space<hbm>> -> memref<10128xi32, #tpu.memory_space<hbm>>
      %dma_start3A_38 = tpu.memref_slice %arg4[%mul3A_25] : memref<648192xi32, #tpu.memory_space<hbm>> -> memref<10128xi32, #tpu.memory_space<hbm>>
      tpu.enqueue_dma source(%arg9 : memref<10128xi32, #tpu.memory_space<vmem>>) target(%dma_start3A_38 : memref<10128xi32, #tpu.memory_space<hbm>>) target_semaphore(%run_scoped3A : memref<!tpu.dma_semaphore, #tpu.memory_space<semaphore_mem>>)
      %dma_wait3A = tpu.memref_slice %arg4[%mul3A_25] : memref<648192xi32, #tpu.memory_space<hbm>> -> memref<10128xi32, #tpu.memory_space<hbm>>
      %dma_wait3A_39 = tpu.memref_slice %arg4[%mul3A_25] : memref<648192xi32, #tpu.memory_space<hbm>> -> memref<10128xi32, #tpu.memory_space<hbm>>
      tpu.wait_dma2 semaphore(%run_scoped3A : memref<!tpu.dma_semaphore, #tpu.memory_space<semaphore_mem>>) src(%arg9 : memref<10128xi32, #tpu.memory_space<vmem>>) dst(%dma_wait3A_39 : memref<10128xi32, #tpu.memory_space<hbm>>)
      tpu.yield
    }) : () -> ()
    %iota3A_26 = tpu.iota {dimensions = array<i32: 0>} : vector<16xi32>
    %eq3A = arith.constant 0 : i32
    %eq3A_27 = vector.broadcast %eq3A : i32 to vector<16xi32>
    %eq3A_28 = arith.cmpi eq, %iota3A_26, %eq3A_27 : vector<16xi32>
    %eq3A_29 = arith.constant 1 : i32
    %eq3A_30 = vector.broadcast %eq3A_29 : i32 to vector<16xi32>
    %eq3A_31 = arith.cmpi eq, %iota3A_26, %eq3A_30 : vector<16xi32>
    %jit3A = arith.constant 0 : i32
    %broadcast_in_dim3A = vector.broadcast %scan3A_18#1 : i32 to vector<16xi32>
    %broadcast_in_dim3A_32 = vector.broadcast %jit3A : i32 to vector<16xi32>
    %select_n3A = arith.select %eq3A_31, %broadcast_in_dim3A, %broadcast_in_dim3A_32 : vector<16xi1>, vector<16xi32>
    %broadcast_in_dim3A_33 = vector.broadcast %scan3A_18#0 : i32 to vector<16xi32>
    %select_n3A_34 = arith.select %eq3A_28, %broadcast_in_dim3A_33, %select_n3A : vector<16xi1>, vector<16xi32>
    %swap3A = arith.constant 0 : index
    %swap3A_35 = tpu.vector_load %arg10[%swap3A] {strides = array<i32>} : memref<16xi32, #tpu.memory_space<vmem>>, vector<16xi32>,
    tpu.vector_store %arg10[%swap3A], %select_n3A_34 {strides = array<i32>} : memref<16xi32, #tpu.memory_space<vmem>>, vector<16xi32>,
    %mul3A_36 = arith.constant 16 : i32
    %mul3A_37 = arith.muli %add3A, %mul3A_36 : i32
    "tpu.region"() ({
      %run_scoped3A = tpu.sem_alloc : memref<!tpu.dma_semaphore, #tpu.memory_space<semaphore_mem>>
      %dma_start3A = tpu.memref_slice %arg5[%mul3A_37] : memref<512xi32, #tpu.memory_space<hbm>> -> memref<16xi32, #tpu.memory_space<hbm>>
      %dma_start3A_38 = tpu.memref_slice %arg5[%mul3A_37] : memref<512xi32, #tpu.memory_space<hbm>> -> memref<16xi32, #tpu.memory_space<hbm>>
      tpu.enqueue_dma source(%arg10 : memref<16xi32, #tpu.memory_space<vmem>>) target(%dma_start3A_38 : memref<16xi32, #tpu.memory_space<hbm>>) target_semaphore(%run_scoped3A : memref<!tpu.dma_semaphore, #tpu.memory_space<semaphore_mem>>)
      %dma_wait3A = tpu.memref_slice %arg5[%mul3A_37] : memref<512xi32, #tpu.memory_space<hbm>> -> memref<16xi32, #tpu.memory_space<hbm>>
      %dma_wait3A_39 = tpu.memref_slice %arg5[%mul3A_37] : memref<512xi32, #tpu.memory_space<hbm>> -> memref<16xi32, #tpu.memory_space<hbm>>
      tpu.wait_dma2 semaphore(%run_scoped3A : memref<!tpu.dma_semaphore, #tpu.memory_space<semaphore_mem>>) src(%arg10 : memref<16xi32, #tpu.memory_space<vmem>>) dst(%dma_wait3A_39 : memref<16xi32, #tpu.memory_space<hbm>>)
      tpu.yield
    }) : () -> ()
    return
  }
}

module attributes {stable_mosaic.version = 14 : i64} {
  func.func @_tc_linear_body(%arg0: i32, %arg1: memref<1000x128xf32, #tpu.memory_space<vmem>>, %arg2: memref<128x128xf32, #tpu.memory_space<vmem>>, %arg3: memref<1000x128xf32, #tpu.memory_space<vmem>>, %arg4: memref<1x128xf32, #tpu.memory_space<vmem>>, %arg5: memref<1000x128xf32, #tpu.memory_space<vmem>>) attributes {dimension_semantics = [#tpu.dimension_semantics<arbitrary>], iteration_bounds = array<i64: 10>, scalar_prefetch = 0 : i64, scratch_operands = 0 : i64, tpu.core_type = #tpu.core_type<tc>, window_params = [{transform_indices = @transform_0, window_bounds = array<i64: 1000, 128>}, {pipeline_mode = #tpu.pipeline_mode<synchronous>, transform_indices = @transform_1, window_bounds = array<i64: 128, 128>}, {transform_indices = @transform_2, window_bounds = array<i64: 1000, 128>}, {pipeline_mode = #tpu.pipeline_mode<synchronous>, transform_indices = @transform_3, window_bounds = array<i64: 1, 128>}, {transform_indices = @transform_4, window_bounds = array<i64: 1000, 128>}]} {
    %get3A = arith.constant 0 : index
    %get3A_0 = arith.constant 0 : index
    %get3A_1 = vector.load %arg3[%get3A, %get3A_0] : memref<1000x128xf32, #tpu.memory_space<vmem>>, vector<1000x128xf32>
    %slice3A = vector.extract_strided_slice %get3A_1 {offsets = [0, 0], sizes = [1000, 1], strides = [1, 1]} : vector<1000x128xf32> to vector<1000x1xf32>
    %add3A = arith.constant 1.000000e+00 : f32
    %add3A_2 = vector.broadcast %add3A : f32 to vector<1000x1xf32>
    %add3A_3 = arith.addf %slice3A, %add3A_2 : vector<1000x1xf32>
    %rsqrt3A = math.rsqrt %add3A_3 : vector<1000x1xf32>
    %get3A_4 = arith.constant 0 : index
    %get3A_5 = arith.constant 0 : index
    %get3A_6 = vector.load %arg1[%get3A_4, %get3A_5] : memref<1000x128xf32, #tpu.memory_space<vmem>>, vector<1000x128xf32>
    %get3A_7 = arith.constant 0 : index
    %get3A_8 = arith.constant 0 : index
    %get3A_9 = vector.load %arg2[%get3A_7, %get3A_8] : memref<128x128xf32, #tpu.memory_space<vmem>>, vector<128x128xf32>
    %dot_general3A = arith.constant dense<0.000000e+00> : vector<1000x128xf32>
    %dot_general3A_10 = tpu.matmul %get3A_6, %get3A_9, %dot_general3A {dimension_numbers = #tpu.dot_dimension_numbers<[1], [0], [0], [1], [0, 0, 1, 1], [], []>, precision = #tpu.contract_precision<fp32>, transpose_lhs_hint = false} : vector<1000x128xf32>, vector<128x128xf32>, vector<1000x128xf32> -> vector<1000x128xf32>
    %mul3A = vector.broadcast %rsqrt3A : vector<1000x1xf32> to vector<1000x128xf32>
    %mul3A_11 = arith.mulf %dot_general3A_10, %mul3A : vector<1000x128xf32>
    %get3A_12 = arith.constant 0 : index
    %get3A_13 = arith.constant 0 : index
    %get3A_14 = vector.load %arg4[%get3A_12, %get3A_13] : memref<1x128xf32, #tpu.memory_space<vmem>>, vector<1x128xf32>
    %gt3A = arith.constant 0.000000e+00 : f32
    %gt3A_15 = vector.broadcast %gt3A : f32 to vector<1x128xf32>
    %gt3A_16 = arith.cmpf ogt, %get3A_14, %gt3A_15 : vector<1x128xf32>
    %jit3A = arith.constant 1.000000e+00 : f32
    %broadcast_in_dim3A = vector.shape_cast %gt3A_16 : vector<1x128xi1> to vector<1x128xi1>
    %broadcast_in_dim3A_17 = vector.broadcast %broadcast_in_dim3A : vector<1x128xi1> to vector<1000x128xi1>
    %broadcast_in_dim3A_18 = vector.broadcast %jit3A : f32 to vector<1000x128xf32>
    %select_n3A = arith.select %broadcast_in_dim3A_17, %broadcast_in_dim3A_18, %mul3A_11 : vector<1000x128xi1>, vector<1000x128xf32>
    %swap3A = arith.constant 0 : index
    %swap3A_19 = arith.constant 0 : index
    %swap3A_20 = vector.load %arg5[%swap3A, %swap3A_19] : memref<1000x128xf32, #tpu.memory_space<vmem>>, vector<1000x128xf32>
    tpu.vector_store %arg5[%swap3A, %swap3A_19], %select_n3A {strides = array<i32>} : memref<1000x128xf32, #tpu.memory_space<vmem>>, vector<1000x128xf32>,
    return
  }
  func.func @transform_0(%arg0: i32) -> (i32, i32) {
    %c0_i32 = arith.constant 0 : i32
    %c0_i32_0 = arith.constant 0 : i32
    return %arg0, %c0_i32 : i32, i32
  }
  func.func @transform_1(%arg0: i32) -> (i32, i32) {
    %c0_i32 = arith.constant 0 : i32
    %c0_i32_0 = arith.constant 0 : i32
    %c0_i32_1 = arith.constant 0 : i32
    return %c0_i32, %c0_i32_0 : i32, i32
  }
  func.func @transform_2(%arg0: i32) -> (i32, i32) {
    %c0_i32 = arith.constant 0 : i32
    %c0_i32_0 = arith.constant 0 : i32
    return %arg0, %c0_i32 : i32, i32
  }
  func.func @transform_3(%arg0: i32) -> (i32, i32) {
    %c0_i32 = arith.constant 0 : i32
    %c0_i32_0 = arith.constant 0 : i32
    %c0_i32_1 = arith.constant 0 : i32
    return %c0_i32, %c0_i32_0 : i32, i32
  }
  func.func @transform_4(%arg0: i32) -> (i32, i32) {
    %c0_i32 = arith.constant 0 : i32
    %c0_i32_0 = arith.constant 0 : i32
    return %arg0, %c0_i32 : i32, i32
  }
}

module attributes {stable_mosaic.version = 14 : i64} {
  func.func @_tc_post_body(%arg0: i32, %arg1: memref<1000x128xf32, #tpu.memory_space<vmem>>, %arg2: memref<1000x128xf32, #tpu.memory_space<vmem>>, %arg3: memref<1000x128xf32, #tpu.memory_space<vmem>>, %arg4: memref<1000x128xf32, #tpu.memory_space<vmem>>, %arg5: memref<1x128xf32, #tpu.memory_space<vmem>>, %arg6: memref<1x128xf32, #tpu.memory_space<vmem>>, %arg7: memref<1x128xf32, #tpu.memory_space<vmem>>, %arg8: memref<1000x128xf32, #tpu.memory_space<vmem>>, %arg9: memref<1000x128xf32, #tpu.memory_space<vmem>>) attributes {dimension_semantics = [#tpu.dimension_semantics<arbitrary>], iteration_bounds = array<i64: 10>, scalar_prefetch = 0 : i64, scratch_operands = 0 : i64, tpu.core_type = #tpu.core_type<tc>, window_params = [{transform_indices = @transform_0, window_bounds = array<i64: 1000, 128>}, {transform_indices = @transform_1, window_bounds = array<i64: 1000, 128>}, {transform_indices = @transform_2, window_bounds = array<i64: 1000, 128>}, {transform_indices = @transform_3, window_bounds = array<i64: 1000, 128>}, {pipeline_mode = #tpu.pipeline_mode<synchronous>, transform_indices = @transform_4, window_bounds = array<i64: 1, 128>}, {pipeline_mode = #tpu.pipeline_mode<synchronous>, transform_indices = @transform_5, window_bounds = array<i64: 1, 128>}, {pipeline_mode = #tpu.pipeline_mode<synchronous>, transform_indices = @transform_6, window_bounds = array<i64: 1, 128>}, {transform_indices = @transform_7, window_bounds = array<i64: 1000, 128>}, {transform_indices = @transform_8, window_bounds = array<i64: 1000, 128>}]} {
    %get3A = arith.constant 0 : index
    %get3A_0 = arith.constant 0 : index
    %get3A_1 = vector.load %arg3[%get3A, %get3A_0] : memref<1000x128xf32, #tpu.memory_space<vmem>>, vector<1000x128xf32>
    %slice3A = vector.extract_strided_slice %get3A_1 {offsets = [0, 0], sizes = [1000, 1], strides = [1, 1]} : vector<1000x128xf32> to vector<1000x1xf32>
    %add3A = arith.constant 1.000000e+00 : f32
    %add3A_2 = vector.broadcast %add3A : f32 to vector<1000x1xf32>
    %add3A_3 = arith.addf %slice3A, %add3A_2 : vector<1000x1xf32>
    %rsqrt3A = math.rsqrt %add3A_3 : vector<1000x1xf32>
    %get3A_4 = arith.constant 0 : index
    %get3A_5 = arith.constant 0 : index
    %get3A_6 = vector.load %arg1[%get3A_4, %get3A_5] : memref<1000x128xf32, #tpu.memory_space<vmem>>, vector<1000x128xf32>
    %get3A_7 = arith.constant 0 : index
    %get3A_8 = arith.constant 0 : index
    %get3A_9 = vector.load %arg2[%get3A_7, %get3A_8] : memref<1000x128xf32, #tpu.memory_space<vmem>>, vector<1000x128xf32>
    %add3A_10 = arith.addf %get3A_6, %get3A_9 : vector<1000x128xf32>
    %mul3A = vector.broadcast %rsqrt3A : vector<1000x1xf32> to vector<1000x128xf32>
    %mul3A_11 = arith.mulf %mul3A, %add3A_10 : vector<1000x128xf32>
    %get3A_12 = arith.constant 0 : index
    %get3A_13 = arith.constant 0 : index
    %get3A_14 = vector.load %arg5[%get3A_12, %get3A_13] : memref<1x128xf32, #tpu.memory_space<vmem>>, vector<1x128xf32>
    %add3A_15 = vector.broadcast %get3A_14 : vector<1x128xf32> to vector<1000x128xf32>
    %add3A_16 = arith.addf %mul3A_11, %add3A_15 : vector<1000x128xf32>
    %get3A_17 = arith.constant 0 : index
    %get3A_18 = arith.constant 0 : index
    %get3A_19 = vector.load %arg6[%get3A_17, %get3A_18] : memref<1x128xf32, #tpu.memory_space<vmem>>, vector<1x128xf32>
    %gt3A = arith.constant 0.000000e+00 : f32
    %gt3A_20 = vector.broadcast %gt3A : f32 to vector<1x128xf32>
    %gt3A_21 = arith.cmpf ogt, %get3A_19, %gt3A_20 : vector<1x128xf32>
    %max3A = arith.constant 0.000000e+00 : f32
    %max3A_22 = vector.broadcast %max3A : f32 to vector<1000x128xf32>
    %max3A_23 = arith.maximumf %add3A_16, %max3A_22 : vector<1000x128xf32>
    %broadcast_in_dim3A = vector.shape_cast %gt3A_21 : vector<1x128xi1> to vector<1x128xi1>
    %broadcast_in_dim3A_24 = vector.broadcast %broadcast_in_dim3A : vector<1x128xi1> to vector<1000x128xi1>
    %select_n3A = arith.select %broadcast_in_dim3A_24, %max3A_23, %add3A_16 : vector<1000x128xi1>, vector<1000x128xf32>
    %get3A_25 = arith.constant 0 : index
    %get3A_26 = arith.constant 0 : index
    %get3A_27 = vector.load %arg7[%get3A_25, %get3A_26] : memref<1x128xf32, #tpu.memory_space<vmem>>, vector<1x128xf32>
    %gt3A_28 = arith.constant 0.000000e+00 : f32
    %gt3A_29 = vector.broadcast %gt3A_28 : f32 to vector<1x128xf32>
    %gt3A_30 = arith.cmpf ogt, %get3A_27, %gt3A_29 : vector<1x128xf32>
    %get3A_31 = arith.constant 0 : index
    %get3A_32 = arith.constant 0 : index
    %get3A_33 = vector.load %arg4[%get3A_31, %get3A_32] : memref<1000x128xf32, #tpu.memory_space<vmem>>, vector<1000x128xf32>
    %broadcast_in_dim3A_34 = vector.shape_cast %gt3A_30 : vector<1x128xi1> to vector<1x128xi1>
    %broadcast_in_dim3A_35 = vector.broadcast %broadcast_in_dim3A_34 : vector<1x128xi1> to vector<1000x128xi1>
    %select_n3A_36 = arith.select %broadcast_in_dim3A_35, %get3A_33, %select_n3A : vector<1000x128xi1>, vector<1000x128xf32>
    %swap3A = arith.constant 0 : index
    %swap3A_37 = arith.constant 0 : index
    %swap3A_38 = vector.load %arg8[%swap3A, %swap3A_37] : memref<1000x128xf32, #tpu.memory_space<vmem>>, vector<1000x128xf32>
    tpu.vector_store %arg8[%swap3A, %swap3A_37], %select_n3A_36 {strides = array<i32>} : memref<1000x128xf32, #tpu.memory_space<vmem>>, vector<1000x128xf32>,
    %get3A_39 = arith.constant 0 : index
    %get3A_40 = arith.constant 0 : index
    %get3A_41 = vector.load %arg1[%get3A_39, %get3A_40] : memref<1000x128xf32, #tpu.memory_space<vmem>>, vector<1000x128xf32>
    %get3A_42 = arith.constant 0 : index
    %get3A_43 = arith.constant 0 : index
    %get3A_44 = vector.load %arg3[%get3A_42, %get3A_43] : memref<1000x128xf32, #tpu.memory_space<vmem>>, vector<1000x128xf32>
    %broadcast_in_dim3A_45 = vector.shape_cast %gt3A_30 : vector<1x128xi1> to vector<1x128xi1>
    %broadcast_in_dim3A_46 = vector.broadcast %broadcast_in_dim3A_45 : vector<1x128xi1> to vector<1000x128xi1>
    %select_n3A_47 = arith.select %broadcast_in_dim3A_46, %get3A_41, %get3A_44 : vector<1000x128xi1>, vector<1000x128xf32>
    %swap3A_48 = arith.constant 0 : index
    %swap3A_49 = arith.constant 0 : index
    %swap3A_50 = vector.load %arg9[%swap3A_48, %swap3A_49] : memref<1000x128xf32, #tpu.memory_space<vmem>>, vector<1000x128xf32>
    tpu.vector_store %arg9[%swap3A_48, %swap3A_49], %select_n3A_47 {strides = array<i32>} : memref<1000x128xf32, #tpu.memory_space<vmem>>, vector<1000x128xf32>,
    return
  }
  func.func @transform_0(%arg0: i32) -> (i32, i32) {
    %c0_i32 = arith.constant 0 : i32
    %c0_i32_0 = arith.constant 0 : i32
    return %arg0, %c0_i32 : i32, i32
  }
  func.func @transform_1(%arg0: i32) -> (i32, i32) {
    %c0_i32 = arith.constant 0 : i32
    %c0_i32_0 = arith.constant 0 : i32
    return %arg0, %c0_i32 : i32, i32
  }
  func.func @transform_2(%arg0: i32) -> (i32, i32) {
    %c0_i32 = arith.constant 0 : i32
    %c0_i32_0 = arith.constant 0 : i32
    return %arg0, %c0_i32 : i32, i32
  }
  func.func @transform_3(%arg0: i32) -> (i32, i32) {
    %c0_i32 = arith.constant 0 : i32
    %c0_i32_0 = arith.constant 0 : i32
    return %arg0, %c0_i32 : i32, i32
  }
  func.func @transform_4(%arg0: i32) -> (i32, i32) {
    %c0_i32 = arith.constant 0 : i32
    %c0_i32_0 = arith.constant 0 : i32
    %c0_i32_1 = arith.constant 0 : i32
    return %c0_i32, %c0_i32_0 : i32, i32
  }
  func.func @transform_5(%arg0: i32) -> (i32, i32) {
    %c0_i32 = arith.constant 0 : i32
    %c0_i32_0 = arith.constant 0 : i32
    %c0_i32_1 = arith.constant 0 : i32
    return %c0_i32, %c0_i32_0 : i32, i32
  }
  func.func @transform_6(%arg0: i32) -> (i32, i32) {
    %c0_i32 = arith.constant 0 : i32
    %c0_i32_0 = arith.constant 0 : i32
    %c0_i32_1 = arith.constant 0 : i32
    return %c0_i32, %c0_i32_0 : i32, i32
  }
  func.func @transform_7(%arg0: i32) -> (i32, i32) {
    %c0_i32 = arith.constant 0 : i32
    %c0_i32_0 = arith.constant 0 : i32
    return %arg0, %c0_i32 : i32, i32
  }
  func.func @transform_8(%arg0: i32) -> (i32, i32) {
    %c0_i32 = arith.constant 0 : i32
    %c0_i32_0 = arith.constant 0 : i32
    return %arg0, %c0_i32 : i32, i32
  }
}

module attributes {stable_mosaic.version = 14 : i64} {
  func.func @_tc_head_body(%arg0: i32, %arg1: memref<1000x128xf32, #tpu.memory_space<vmem>>, %arg2: memref<128x128xf32, #tpu.memory_space<vmem>>, %arg3: memref<1x128xf32, #tpu.memory_space<vmem>>, %arg4: memref<1000x128xf32, #tpu.memory_space<vmem>>) attributes {dimension_semantics = [#tpu.dimension_semantics<arbitrary>], iteration_bounds = array<i64: 10>, scalar_prefetch = 0 : i64, scratch_operands = 0 : i64, tpu.core_type = #tpu.core_type<tc>, window_params = [{transform_indices = @transform_0, window_bounds = array<i64: 1000, 128>}, {pipeline_mode = #tpu.pipeline_mode<synchronous>, transform_indices = @transform_1, window_bounds = array<i64: 128, 128>}, {pipeline_mode = #tpu.pipeline_mode<synchronous>, transform_indices = @transform_2, window_bounds = array<i64: 1, 128>}, {transform_indices = @transform_3, window_bounds = array<i64: 1000, 128>}]} {
    %get3A = arith.constant 0 : index
    %get3A_0 = arith.constant 0 : index
    %get3A_1 = vector.load %arg1[%get3A, %get3A_0] : memref<1000x128xf32, #tpu.memory_space<vmem>>, vector<1000x128xf32>
    %get3A_2 = arith.constant 0 : index
    %get3A_3 = arith.constant 0 : index
    %get3A_4 = vector.load %arg2[%get3A_2, %get3A_3] : memref<128x128xf32, #tpu.memory_space<vmem>>, vector<128x128xf32>
    %dot_general3A = arith.constant dense<0.000000e+00> : vector<1000x128xf32>
    %dot_general3A_5 = tpu.matmul %get3A_1, %get3A_4, %dot_general3A {dimension_numbers = #tpu.dot_dimension_numbers<[1], [0], [0], [1], [0, 0, 1, 1], [], []>, precision = #tpu.contract_precision<fp32>, transpose_lhs_hint = false} : vector<1000x128xf32>, vector<128x128xf32>, vector<1000x128xf32> -> vector<1000x128xf32>
    %get3A_6 = arith.constant 0 : index
    %get3A_7 = arith.constant 0 : index
    %get3A_8 = vector.load %arg3[%get3A_6, %get3A_7] : memref<1x128xf32, #tpu.memory_space<vmem>>, vector<1x128xf32>
    %add3A = vector.broadcast %get3A_8 : vector<1x128xf32> to vector<1000x128xf32>
    %add3A_9 = arith.addf %dot_general3A_5, %add3A : vector<1000x128xf32>
    %swap3A = arith.constant 0 : index
    %swap3A_10 = arith.constant 0 : index
    %swap3A_11 = vector.load %arg4[%swap3A, %swap3A_10] : memref<1000x128xf32, #tpu.memory_space<vmem>>, vector<1000x128xf32>
    tpu.vector_store %arg4[%swap3A, %swap3A_10], %add3A_9 {strides = array<i32>} : memref<1000x128xf32, #tpu.memory_space<vmem>>, vector<1000x128xf32>,
    return
  }
  func.func @transform_0(%arg0: i32) -> (i32, i32) {
    %c0_i32 = arith.constant 0 : i32
    %c0_i32_0 = arith.constant 0 : i32
    return %arg0, %c0_i32 : i32, i32
  }
  func.func @transform_1(%arg0: i32) -> (i32, i32) {
    %c0_i32 = arith.constant 0 : i32
    %c0_i32_0 = arith.constant 0 : i32
    %c0_i32_1 = arith.constant 0 : i32
    return %c0_i32, %c0_i32_0 : i32, i32
  }
  func.func @transform_2(%arg0: i32) -> (i32, i32) {
    %c0_i32 = arith.constant 0 : i32
    %c0_i32_0 = arith.constant 0 : i32
    %c0_i32_1 = arith.constant 0 : i32
    return %c0_i32, %c0_i32_0 : i32, i32
  }
  func.func @transform_3(%arg0: i32) -> (i32, i32) {
    %c0_i32 = arith.constant 0 : i32
    %c0_i32_0 = arith.constant 0 : i32
    return %arg0, %c0_i32 : i32, i32
  }
}

</mosaic_0001>

<sc_bundles>
// kernel: closed_call.16.cloned.1.call-start
scs
__scs_entry_jumppad:
0x0: {  	(pc) =	sbr.rel $0x88, $3  }
0x1: {  	(tag) =	ssettag $0x0;
	lr =	simm.s32 $0x1  }
0x2: {  	[smem:$0x3F99] =	sst lr;
	_ =	strace $0xD0000000  }
0x3: {  	_ = 	snop  }
0x4: {  	_ = 	snop  }
0x5: {  	_ = 	snop  }
0x6: {  	_ = 	snop  }
0x7: {  	_ = 	snop  }
__scs_overlays_trampoline_lowered:
0x8: {  	[smem:$0x3FA8] =	sst s0  }
0x9: {  	[smem:$0x3FA9] =	sst s1  }
0xa: {  	[smem:$0x3FAA] =	sst s2  }
0xb: {  	[smem:$0x3FAB] =	sst s3  }
0xc: {  	[smem:$0x3FAC] =	sst s4  }
0xd: {  	[smem:$0x3FAD] =	sst s5  }
0xe: {  	[smem:$0x3FAE] =	sst s6  }
0xf: {  	[smem:$0x3FAF] =	sst s7  }
0x10: {  	[smem:$0x3FB0] =	sst s8  }
0x11: {  	[smem:$0x3FB1] =	sst s9;
	s0 =	simm.s32 @!p0 $0x0  }
0x12: {  	s1 =	sld [smem:$0x3F97];
	s0 =	simm.s32 @p0 $0x1  }
0x13: {  	[smem:$0x3FB2] =	sst s0;
	s0 =	simm.s32 @!p1 $0x0  }
0x14: {  	s2 =	sld [smem:$0x3F96];
	s0 =	simm.s32 @p1 $0x1  }
0x15: {  	[smem:$0x3FB3] =	sst s0;
	s0 =	simm.s32 @!p2 $0x0  }
0x16: {  	s3 =	sld [smem:$0x3FDB];
	s0 =	simm.s32 @p2 $0x1  }
0x17: {  	s4 =	simm.s32 $0x1BF5;
	[smem:$0x3FB5] =	sst s0  }
0x18: {  	s0 =	sld [smem:$0x3F98];
	_ =	swait.ge [sflag:s4], $0x0  }
0x19: {  	s7 =	sld [smem:$0x3F99]  }
0x1a: {  	s8 =	sadd.s32 $0xFFFFE003, lr  }
0x1b: {  	s9 =	sadd.s32 $0xFFFFFEF7, lr;
	s5 =	simm.s32 $0xFFFFFFFF;
	p2 =	slt.u32 s8, $0xFFFFF086  }
0x1c: {  	p1 =	slt.u32 s9, $0xF7A;
	s5 =	simm.s32 @!p2 $0x0  }
0x1d: {  	s5 =	simm.s32 @p1 $0x1;
	p0 =	seq.s32 s7, s2  }
0x1e: {  	s7 =	smul.u32 @!p0 $0xF7A, s2;
	p2 =	seq.s32 @!p0 s5, $0x0  }
0x1f: {  	s9 =	smul.u32 $0xF7A, s1;
	s8 =	simm.s32 @!p0 $0x1BF5;
	p2 =	por !p2, p0  }
0x20: {  	[sflag:s8] =	ssyncset.s32 @!p0 $0xFFFFF086;
	s6 =	sadd.s32 @!p0 s3, s7;
	s7 =	simm.s32 @!p0 $0x108  }
0x21: {  	s3 =	sadd.s32 s3, s9;
	s6 =	sadd.s32 @!p0 $0x88, s6;
	s7 =	simm.s32 @p2 $0x1082  }
0x22: {  	[simem:s7], [sflag:s8] =	dma.local @!p0 [hbm:s6], $0xF7A  }
0x23: {  	s9 =	sor.u32 $0xD0000000, s2;
	s6 =	simm.s32 $0x108;
	_ =	swait.ge @!p0 [sflag:s8], $0x0  }
0x24: {  	s3 =	sadd.s32 $0x88, s3;
	s6 =	simm.s32 @!p1 $0x1082;
	[sflag:s4] =	ssyncset.s32 $0xFFFFF086  }
0x25: {  	[simem:s6], [sflag:s4] =	dma.local [hbm:s3], $0xF7A  }
0x26: {  	[smem:$0x3F99] =	sst s1;
	(tag) =	ssettag s2;
	_ =	strace s9  }
0x27: {  	s1 =	sld [smem:$0x3FA9]  }
0x28: {  	s2 =	sld [smem:$0x3FAA]  }
0x29: {  	s4 =	sld [smem:$0x3FAC]  }
0x2a: {  	p0 =	seq.s32 s5, $0x0;
	s5 =	sld [smem:$0x3FAD]  }
0x2b: {  	s6 =	sld [smem:$0x3FAE]  }
0x2c: {  	s7 =	sld [smem:$0x3FAF]  }
0x2d: {  	s3 =	simm.s32 $0x108;
	s8 =	sld [smem:$0x3FB0]  }
0x2e: {  	s3 =	simm.s32 @!p0 $0x1082;
	s9 =	sld [smem:$0x3FB1]  }
0x2f: {  	lr =	sadd.s32 s0, s3;
	s0 =	sld [smem:$0x3FA8]  }
0x30: {  	s3 =	sld [smem:$0x3FAB]  }
0x31: {  	[smem:$0x3FB4] =	sst s10  }
0x32: {  	s10 =	sld [smem:$0x3FB2];
	_ =	sdelay $0x3  }
0x33: {  	p0 =	seq.s32 s10, $0x1;
	s10 =	sld [smem:$0x3FB4];
	_ =	sdelay $0x3  }
0x34: {  	[smem:$0x3FB4] =	sst s10  }
0x35: {  	s10 =	sld [smem:$0x3FB3];
	_ =	sdelay $0x3  }
0x36: {  	p1 =	seq.s32 s10, $0x1;
	s10 =	sld [smem:$0x3FB4];
	_ =	sdelay $0x3  }
0x37: {  	[smem:$0x3FB4] =	sst s10  }
0x38: {  	s10 =	sld [smem:$0x3FB5]  }
0x39: {  	_ = 	snop;
	(pc) =	sbr.ind lr, $3  }
0x3a: {  	_ = 	snop  }
0x3b: {  	_ = 	snop  }
0x3c: {  	p2 =	seq.s32 s10, $0x1;
	s10 =	sld [smem:$0x3FB4]  }
0x3d: {  	_ =	shalt  }
0x3e: {  	_ =	shalt  }
0x3f: {  	_ =	shalt  }
0x40: {  	_ =	shalt  }
0x41: {  	_ =	shalt  }
0x42: {  	_ =	shalt  }
0x43: {  	_ =	shalt  }
0x44: {  	_ =	shalt  }
0x45: {  	_ =	shalt  }
0x46: {  	_ =	shalt  }
0x47: {  	_ =	shalt  }
0x48: {  	_ =	shalt  }
0x49: {  	_ =	shalt  }
0x4a: {  	_ =	shalt  }
0x4b: {  	_ =	shalt  }
0x4c: {  	_ =	shalt  }
0x4d: {  	_ =	shalt  }
0x4e: {  	_ =	shalt  }
0x4f: {  	_ =	shalt  }
0x50: {  	_ =	shalt  }
0x51: {  	_ =	shalt  }
0x52: {  	_ =	shalt  }
0x53: {  	_ =	shalt  }
0x54: {  	_ =	shalt  }
0x55: {  	_ =	shalt  }
0x56: {  	_ =	shalt  }
0x57: {  	_ =	shalt  }
0x58: {  	_ =	shalt  }
0x59: {  	_ =	shalt  }
0x5a: {  	_ =	shalt  }
0x5b: {  	_ =	shalt  }
0x5c: {  	_ =	shalt  }
0x5d: {  	_ =	shalt  }
0x5e: {  	_ =	shalt  }
0x5f: {  	_ =	shalt  }
0x60: {  	_ =	shalt  }
0x61: {  	_ =	shalt  }
0x62: {  	_ =	shalt  }
0x63: {  	_ =	shalt  }
0x64: {  	_ =	shalt  }
0x65: {  	_ =	shalt  }
0x66: {  	_ =	shalt  }
0x67: {  	_ =	shalt  }
0x68: {  	_ =	shalt  }
0x69: {  	_ =	shalt  }
0x6a: {  	_ =	shalt  }
0x6b: {  	_ =	shalt  }
0x6c: {  	_ =	shalt  }
0x6d: {  	_ =	shalt  }
0x6e: {  	_ =	shalt  }
0x6f: {  	_ =	shalt  }
0x70: {  	_ =	shalt  }
0x71: {  	_ =	shalt  }
0x72: {  	_ =	shalt  }
0x73: {  	_ =	shalt  }
0x74: {  	_ =	shalt  }
0x75: {  	_ =	shalt  }
0x76: {  	_ =	shalt  }
0x77: {  	_ =	shalt  }
0x78: {  	_ =	shalt  }
0x79: {  	_ =	shalt  }
0x7a: {  	_ =	shalt  }
0x7b: {  	_ =	shalt  }
0x7c: {  	_ =	shalt  }
0x7d: {  	_ =	shalt  }
0x7e: {  	_ =	shalt  }
0x7f: {  	_ =	shalt  }
0x80: {  	_ =	shalt  }
0x81: {  	_ =	shalt  }
0x82: {  	_ =	shalt  }
0x83: {  	_ =	shalt  }
0x84: {  	_ =	shalt  }
0x85: {  	_ =	shalt  }
0x86: {  	_ =	shalt  }
0x87: {  	_ =	shalt  }
.Lfunc_end0:
.L_simem_size_0:
called_computation_lowered:
.L_overlay_start_0:
0x88: {  	s2 =	sld [smem:$0x3FD9]  }
0x89: {  	s3 =	sld [smem:$0x3FFE];
	_ =	sdelay $0x1  }
0x8a: {  	s1 =	srdreg.scid  }
0x8b: {  	s0 =	sand.u32 $0x1, s1  }
0x8c: {  	s14 =	sshll.u32 s0, $0xA;
	s2 =	sadd.s32 s3, s2  }
0x8d: {  	s2 =	sadd.s32 s2, s14  }
0x8e: {  	[smem:$0x3FC0] =	sst s2  }
0x8f: {  	_ = 	snop  }
0x90: {  	s2 =	sld [smem:$0x3FD0];
	_ =	sdelay $0x2  }
0x91: {  	s15 =	simm.s32 $0xA;
	s4 =	simm.s32 $0x10  }
0x92: {  	[smem:s4], [sflag:s15] =	dma.local [hbm:s2], $0x1  }
0x93: {  	_ =	swait.eq [sflag:s15], $0x1  }
0x94: {  	[sflag:s15] =	ssyncset.done $0x0  }
0x95: {  	s16 =	sld [smem:$0x10];
	[sflag:s15] =	ssyncadd.s32 $0xFFFFFFFF  }
0x96: {  	s17 =	sld [smem:$0x11];
	(tm) =	ssettm $0x1  }
0x97: {  	s18 =	sld [smem:$0x3FFB];
	_ =	sdelay $0x3  }
0x98: {  	_ =	strace s18  }
0x99: {  	s4 =	sld [smem:$0x3FFC];
	_ =	sdelay $0x3  }
0x9a: {  	_ =	strace s4  }
0x9b: {  	s4 =	sld [smem:$0x3FFD];
	_ =	sdelay $0x3  }
0x9c: {  	_ =	strace s4  }
0x9d: {  	_ =	strace $0x8FFFFFFF  }
0x9e: {  	s19 =	sld [smem:$0x3FDB];
	_ =	sdelay $0x1  }
0x9f: {  	s5 =	simm.s32 $_scs_section_size  }
0xa0: {  	s6 =	simm.s32 $_size__tile_overlayer_lowered;
	s7 =	simm.s32 $_tile_overlayer_lowered  }
0xa1: {  	s22 =	simm.s32 $0x1BFF;
	s21 =	sshll.u32 s7, $0x1;
	s4 =	sadd.s32 s5, s19  }
0xa2: {  	s8 =	simm.s32 $0x0;
	s20 =	sshll.u32 s6, $0x1;
	s6 =	sadd.s32 s21, s4  }
0xa3: {  	[timem:s8], [sflag:s22] =	dma.local [hbm:s6], s20  }
0xa4: {  	_ =	swait.ge [sflag:s22], s20  }
0xa5: {  	s5 =	ssub.s32 $0x0, s20;
	[sflag:s22] =	ssyncset.done $0x0  }
0xa6: {  	[sflag:s22] =	ssyncadd.s32 s5;
	_ =	sdelay $0x1  }
0xa7: {  	s23 =	simm.s32 $0x1B8B  }
0xa8: {  	_ =	swait.ge [sflag:s23], $0x1  }
0xa9: {  	[sflag:s23] =	ssyncset.done $0x0  }
0xaa: {  	s25 =	simm.s32 $0x1B8E;
	s24 =	sld [smem:$0x3FFE];
	[sflag:s23] =	ssyncadd.s32 $0xFFFFFFFF  }
0xab: {  	s26 =	simm.s32 $execute0_lowered;
	[smem:$0x3FD2] =	sst s25  }
0xac: {  	s6 =	sshll.u32 s26, $0x1;
	_ =	strace $0x80000049;
	[dreg:$0x1] =	wrdreg $0xFFFFFFFF  }
0xad: {  	s28 =	simm.s32 $_size_execute0_lowered;
	s4 =	sadd.s32 s4, s6;
	[dreg:$0x0] =	wrdreg $0x0  }
0xae: {  	s6 =	sshll.u32 s28, $0x1;
	[dreg:$0x2] =	wrdreg s4  }
0xaf: {  	[dreg:$0x3] =	wrdreg s6  }
0xb0: {  	[dreg:$0x4] =	wrdreg $0xC0  }
0xb1: {  	_ =	task [dreg:s8], $0x5FFFF  }
0xb2: {  	[dreg:$0x1] =	wrdreg $0xFFFFFFFF  }
0xb3: {  	[dreg:$0x0] =	wrdreg $0x60  }
0xb4: {  	[dreg:$0x2] =	wrdreg s17  }
0xb5: {  	[dreg:$0x3] =	wrdreg s24  }
0xb6: {  	[dreg:$0x4] =	wrdreg s16  }
0xb7: {  	[dreg:$0x5] =	wrdreg $0xAB000  }
0xb8: {  	[dreg:$0x6] =	wrdreg $0x9  }
0xb9: {  	_ =	task.clear_ibuf [dreg:s8], $0x7FFFF;
	_ =	strace $0x90000049  }
0xba: {  	s29 =	simm.s32 $0x9;
	_ =	strace $0x8000004B  }
0xbb: {  	_ =	swait.ge [sflag:s29], $0x1  }
0xbc: {  	[sflag:s29] =	ssyncadd.s32 $0xFFFFFFFF  }
0xbd: {  	_ =	strace $0x9000004B  }
0xbe: {  	_ =	sfence  }
0xbf: {  	s30 =	sld [smem:$0x0];
	_ =	sdelay $0x2  }
0xc0: {  	s31 =	sshll.u32 s1, $0xD;
	s1 =	sshrl.u32 s1, $0x2  }
0xc1: {  	s3 =	sand.u32 $0x4000, s31;
	s1 =	sadd.s32 s1, s30  }
0xc2: {  	s0 =	sor.u32 s3, s0;
	s1 =	sshll.u32 s1, $0x11  }
0xc3: {  	s0 =	sor.u32 s1, s0  }
0xc4: {  	s0 =	sadd.s32 $0x8F2B, s0  }
0xc5: {  	[sflag:s0] =	ssyncadd.remote.s32 $0x1  }
0xc6: {  	_ =	sfence.sel $0xFFFF  }
0xc7: {  	[dreg:$0x0] =	wrdreg $0xFFFFFFFF;
	(pc) =	sbr.abs _section_cstart, $3  }
0xc8: {  	[dreg:$0x1] =	wrdreg $0xFFFFFFFF  }
0xc9: {  	_ =	task.clear_ibuf [dreg:s8], $0x2FFFF;
	_ =	strace $0x9FFFFFFF  }
0xca: {  	(tm) =	ssettm $0x7FFFFFFF  }
0xcb: {  	_ =	shalt  }
tec
execute0_lowered:
.L_overlay_start_1:
0x0: {  	(tag) =	ssettag $0x1  }
0x1: {  	s1 =	rddreg [dreg:$0x0]  }
0x2: {  	s0 =	rddreg [dreg:$0x1]  }
0x3: {  	s4 =	rddreg [dreg:$0x2]  }
0x4: {  	s2 =	rddreg [dreg:$0x3];
	s3 =	simm.s32 $0x0  }
0x5: {  	s5 =	srdreg.scid;
	s18 =	stileid.u32;
	s20 =	simm.s32 $0x80  }
0x6: {  	s22 =	simm.s32 $0x2A00;
	s23 =	simm.s32 $0x2880;
	[smem:$0x7FF] =	sst s3  }
0x7: {  	s5 =	sand.u32 $0x1, s5;
	s8 =	sadd.s32 $0x2800, s0;
	s10 =	sadd.s32 $0x16600, s0  }
0x8: {  	s19 =	sadd.s32 $0x16A00, s0;
	s6 =	sadd.s32 $0x16C00, s0;
	s25 =	smul.u32 $0x27000, s18  }
0x9: {  	s12 =	smul.u32 $0x1380, s18;
	s26 =	sshll.u32 s18, $0x1;
	s13 =	sshllo.u32 s18, $0x1  }
0xa: {  	s14 =	sshll.u32 s18, $0x6;
	s17 =	sadd.s32 $0x9C000, s2;
	s28 =	sshll.u32 s18, $0x2  }
0xb: {  	p0 =	sne.s32 s18, $0xF;
	_ =	strace $0x8000004A;
	s7 =	ssub.s32 $0x2, s5  }
0xc: {  	s11 =	sshll.u32 s5, $0x5;
	s16 =	smul.u32 $0x9C400, s5;
	s21 =	sadd.s32 s10, s28  }
0xd: {  	s29 =	smul.u32 $0x13880, s5;
	s17 =	sshrl.u32 @!p0 s17, $0x3;
	p1 =	seq.s32 s5, $0x0  }
0xe: {  	s5 =	simm.s32 $0xAA00;
	[dreg:$0x5] =	wrdreg s19;
	s9 =	sshrl.u32 s7, $0x1  }
0xf: {  	[dreg:$0x6] =	wrdreg s21;
	s24 =	ssub.s32 s7, s9;
	s7 =	sshrl.u32 s25, $0x2  }
0x10: {  	s9 =	sor.u32 s26, s11;
	s11 =	sor.u32 s11, s13;
	s13 =	sshll.u32 s13, $0x1  }
0x11: {  	s30 =	sshrl.u32 s16, $0x3;
	s31 =	sadd.s32 s12, s29;
	s9 =	smul.u32 $0x4F2, s9  }
.Ltmp0:
0x12: {  	s16 =	simm.s32 $0x3;
	s15 =	sadd.s32 s7, s2;
	(pc) =	sbr.rel .LBB2_1-.Ltmp0, $4  }
0x13: {  	s7 =	sor.u32 $0x1C03, s14;
	s11 =	smul.u32 $0x4F2, s11;
	s10 =	sadd.s32 s10, s13  }
0x14: {  	s13 =	sadd.s32 s4, s30;
	s12 =	sadd.s32 s4, s31;
	s14 =	smax.u32 s24, $0x1  }
0x15: {  	s24 =	simm.s32 $0x0;
	s13 =	sadd.s32 $0x13800, s13;
	s15 =	sshrl.u32 s15, $0x3  }
0x16: {  	v0 =	vimm.f32 $1.000000000e+00;
	s9 =	sadd.s32 s8, s9;
	s11 =	sadd.s32 s8, s11;
	s8 =	simm.s32 $0xAA80  }
.LBB2_18:
0x17: {  	v2 =	vand.u32 $0x3FFF, v1  }
0x18: {  	v1 =	vshrl.u32 v1, $0xE;
	[tilespmem:$0x2870] =	vst v2  }
0x19: {  	[tilespmem:$0x28F0] =	vst v1  }
0x1a: {  	[spmem:s2] =	stream.indirect.scatter.add.f32 [tilespmem:s22], [sflag:$0x3], $0x80, s23, s20, $0xb8;
	[tilespmem:$0x14780] =	vst v63  }
0x1b: {  	_ =	swait.ge [sflag:s16], $0x4000  }
0x1c: {  	[sflag:s16] =	ssyncset.done $0x0  }
0x1d: {  	[sflag:s16] =	ssyncadd.s32 $0xFFFFC000  }
.LBB2_23:
0x1e: {  	[bflag:$0x0] =	sbarrier.arrive $0xFFFF  }
0x1f: {  	[hbm:s12], [sflag:s7] =	dma.local [spmem:s15], $0x1380  }
0x20: {  	s24 =	sadd.s32 $0x1, s24;
	_ =	swait.ge [sflag:s16], $0x1380  }
0x21: {  	p2 =	sne.s32 s24, s14;
	[sflag:s16] =	ssyncset.done $0x0  }
.Ltmp1:
0x22: {  	s0 =	simm.s32 @!p0 $0x3;
	[sflag:s16] =	ssyncadd.s32 $0xFFFFEC80;
	(pc) =	sbr.rel @!p2 .LBB2_24-.Ltmp1, $4  }
0x23: {  	[hbm:s13], [sflag:s7] =	dma.local @!p0 [spmem:s17], $0x80  }
0x24: {  	_ =	swait.ge @!p0 [sflag:s0], $0x80  }
0x25: {  	[sflag:s0] =	ssyncset.done @!p0 $0x0  }
0x26: {  	[sflag:s0] =	ssyncadd.s32 @!p0 $0xFFFFFF80  }
.LBB2_1:
0x27: {  	[spmem:s15], [sflag:s7] =	dma.local [hbm:s6], $0x1380  }
0x28: {  	_ =	swait.ge [sflag:s16], $0x1380  }
0x29: {  	[sflag:s16] =	ssyncset.done $0x0  }
0x2a: {  	s0 =	simm.s32 @!p0 $0x3;
	[sflag:s16] =	ssyncadd.s32 $0xFFFFEC80  }
0x2b: {  	[spmem:s17], [sflag:s7] =	dma.local @!p0 [hbm:s6], $0x80  }
0x2c: {  	_ =	swait.ge @!p0 [sflag:s0], $0x80  }
0x2d: {  	[sflag:s0] =	ssyncset.done @!p0 $0x0  }
0x2e: {  	[sflag:s0] =	ssyncadd.s32 @!p0 $0xFFFFFF80  }
0x2f: {  	[tilespmem:s8], [sflag:$0x3] =	stream.linear.gather [hbm4b:s19+s3], $0x80, $0x38;
	[tilespmem:$0x14780] =	vst v63  }
0x30: {  	_ =	swait.ge [sflag:s16], $0x80  }
0x31: {  	[sflag:s16] =	ssyncset.done $0x0  }
0x32: {  	[sflag:s16] =	ssyncadd.s32 $0xFFFFFF80  }
0x33: {  	v1 =	vld [tilespmem:$0xAA80];
	_ =	sdelay $0x4  }
0x34: {  	(v2sf) =	vpush v1, $0x0;
	_ =	sdelay $0xe  }
0x35: {  	s31 =	spop (v2sf)  }
0x36: {  	p2 =	seq.s32 s31, $0x0  }
.Ltmp2:
0x37: {  	_ = 	snop;
	(pc) =	sbr.rel @p2 .LBB2_5-.Ltmp2, $1  }
0x38: {  	_ =	sdelay $0x3  }
0x39: {  	s0 =	sshra.s32 s3, $0x2;
	s4 =	sadd.s32 $0x200, s3  }
.LBB2_3:
0x3a: {  	p3 =	sne.s32 s4, $0xFE00;
	[tilespmem:s0+$0x2A70] =	vst v0  }
0x3b: {  	[tilespmem:s0+$0x2A00] =	vst v0  }
0x3c: {  	[tilespmem:s0+$0x2A10] =	vst v0  }
.Ltmp3:
0x3d: {  	[tilespmem:s0+$0x2A20] =	vst v0;
	(pc) =	sbr.rel @p3 .LBB2_3-.Ltmp3, $4  }
0x3e: {  	[tilespmem:s0+$0x2A30] =	vst v0  }
0x3f: {  	[tilespmem:s0+$0x2A40] =	vst v0  }
0x40: {  	[tilespmem:s0+$0x2A50] =	vst v0  }
0x41: {  	[tilespmem:s0+$0x2A60] =	vst v0;
	s0 =	sshra.s32 s4, $0x2;
	s4 =	sadd.s32 $0x200, s4  }
0x42: {  	[tilespmem:s0+$0x2A70] =	vst v0  }
0x43: {  	[tilespmem:s0+$0x2A00] =	vst v0  }
0x44: {  	[tilespmem:s0+$0x2A10] =	vst v0  }
0x45: {  	[tilespmem:s0+$0x2A20] =	vst v0  }
0x46: {  	[tilespmem:s0+$0x2A30] =	vst v0  }
0x47: {  	[tilespmem:s0+$0x2A40] =	vst v0  }
0x48: {  	[tilespmem:s0+$0x2A50] =	vst v0  }
0x49: {  	[tilespmem:s0+$0x2A60] =	vst v0  }
.LBB2_5:
0x4a: {  	[bflag:$0x0] =	sbarrier.arrive $0xFFFF  }
0x4b: {  	[tilespmem:s5], [sflag:$0x3] =	stream.linear.gather [hbm4b:s21+s3], $0x10, $0x38;
	[tilespmem:$0x14780] =	vst v63  }
0x4c: {  	_ =	swait.ge [sflag:s16], $0x10  }
0x4d: {  	[sflag:s16] =	ssyncset.done $0x0  }
0x4e: {  	[sflag:s16] =	ssyncadd.s32 $0xFFFFFFF0  }
0x4f: {  	v1 =	vld [tilespmem:$0xAA00];
	_ =	sdelay $0x4  }
0x50: {  	(v2sf) =	vpush v1, $0x0  }
0x51: {  	(v2sf) =	vpush v1, $0x1;
	_ =	sdelay $0xc  }
0x52: {  	[tilespmem:s3], [sflag:$0x3] =	stream.linear.gather [hbm4b:s9+s3], $0x2790, $0x38;
	[tilespmem:$0x14780] =	vst v63  }
0x53: {  	s0 =	spop (v2sf)  }
0x54: {  	s4 =	spop (v2sf)  }
0x55: {  	s4 =	smov.u32 @p1 s0  }
.Ltmp4:
0x56: {  	s0 =	sadd.s32 $0x7F, s4;
	(pc) =	sbr.rel @p2 .LBB2_10-.Ltmp4, $4  }
0x57: {  	s4 =	sshra.s32 s0, $0x1F  }
0x58: {  	_ =	swait.ge [sflag:s16], $0x2790;
	s4 =	sshrl.u32 s4, $0x19  }
0x59: {  	[sflag:s16] =	ssyncset.done $0x0;
	s4 =	sadd.s32 s4, s0  }
0x5a: {  	[sflag:s16] =	ssyncadd.s32 $0xFFFFD870;
	p3 =	slt.s32 s0, $0x80;
	s25 =	sshra.s32 s4, $0x7  }
.Ltmp5:
0x5b: {  	(pc) =	sbr.rel @p3 .LBB2_14-.Ltmp5, $2  }
0x5c: {  	_ =	sdelay $0x2  }
0x5d: {  	s0 =	simm.s32 $0x40  }
0x5e: {  	v1 =	vld [tilespmem:s0+$0xFFFFFFC0];
	_ =	sdelay $0x4  }
0x5f: {  	v2 =	vand.u32 $0x3FFF, v1  }
0x60: {  	v1 =	vshrl.u32 v1, $0xE;
	[tilespmem:$0x2800] =	vst v2  }
0x61: {  	[tilespmem:$0x2880] =	vst v1  }
0x62: {  	v1 =	vld [tilespmem:s0+$0xFFFFFFD0];
	_ =	sdelay $0x4  }
0x63: {  	v2 =	vand.u32 $0x3FFF, v1  }
0x64: {  	v1 =	vshrl.u32 v1, $0xE;
	[tilespmem:$0x2810] =	vst v2  }
0x65: {  	[tilespmem:$0x2890] =	vst v1  }
0x66: {  	v1 =	vld [tilespmem:s0+$0xFFFFFFE0];
	_ =	sdelay $0x4  }
0x67: {  	v2 =	vand.u32 $0x3FFF, v1  }
0x68: {  	v1 =	vshrl.u32 v1, $0xE;
	[tilespmem:$0x2820] =	vst v2  }
0x69: {  	[tilespmem:$0x28A0] =	vst v1  }
0x6a: {  	v1 =	vld [tilespmem:s0+$0xFFFFFFF0];
	_ =	sdelay $0x4  }
0x6b: {  	v2 =	vand.u32 $0x3FFF, v1  }
0x6c: {  	v1 =	vshrl.u32 v1, $0xE;
	[tilespmem:$0x2830] =	vst v2  }
0x6d: {  	[tilespmem:$0x28B0] =	vst v1  }
0x6e: {  	v1 =	vld [tilespmem:s0+$0x0];
	_ =	sdelay $0x4  }
0x6f: {  	v2 =	vand.u32 $0x3FFF, v1  }
0x70: {  	v1 =	vshrl.u32 v1, $0xE;
	[tilespmem:$0x2840] =	vst v2  }
0x71: {  	[tilespmem:$0x28C0] =	vst v1  }
0x72: {  	v1 =	vld [tilespmem:s0+$0x10];
	_ =	sdelay $0x4  }
0x73: {  	v2 =	vand.u32 $0x3FFF, v1  }
0x74: {  	v1 =	vshrl.u32 v1, $0xE;
	[tilespmem:$0x2850] =	vst v2  }
0x75: {  	[tilespmem:$0x28D0] =	vst v1  }
0x76: {  	v1 =	vld [tilespmem:s0+$0x20];
	_ =	sdelay $0x2  }
0x77: {  	p3 =	seq.s32 s25, $0x1  }
.Ltmp6:
0x78: {  	_ = 	snop;
	(pc) =	sbr.rel @p3 .LBB2_9-.Ltmp6, $4  }
0x79: {  	v2 =	vand.u32 $0x3FFF, v1  }
0x7a: {  	v1 =	vshrl.u32 v1, $0xE;
	[tilespmem:$0x2860] =	vst v2  }
0x7b: {  	[tilespmem:$0x28E0] =	vst v1  }
0x7c: {  	s25 =	sadd.s32 $0xFFFFFFFF, s25;
	v1 =	vld [tilespmem:s0+$0x30]  }
.LBB2_8:
0x7d: {  	_ =	sdelay $0x1  }
0x7e: {  	p3 =	seq.s32 s25, $0x1;
	s25 =	sadd.s32 $0xFFFFFFFF, s25;
	s0 =	sadd.s32 $0x80, s0  }
0x7f: {  	_ = 	snop  }
0x80: {  	v2 =	vand.u32 $0x3FFF, v1;
	v1 =	vshrl.u32 v1, $0xE  }
0x81: {  	[tilespmem:$0x2870] =	vst v2  }
0x82: {  	[tilespmem:$0x28F0] =	vst v1  }
0x83: {  	[spmem:s2] =	stream.indirect.scatter.add.f32 [tilespmem:s22], [sflag:$0x3], $0x80, s23, s20, $0xb8;
	[tilespmem:$0x14780] =	vst v63  }
0x84: {  	_ =	swait.ge [sflag:s16], $0x4000  }
0x85: {  	[sflag:s16] =	ssyncset.done $0x0  }
0x86: {  	[sflag:s16] =	ssyncadd.s32 $0xFFFFC000  }
0x87: {  	v1 =	vld [tilespmem:s0+$0xFFFFFFC0];
	_ =	sdelay $0x4  }
0x88: {  	v2 =	vand.u32 $0x3FFF, v1;
	v1 =	vshrl.u32 v1, $0xE  }
0x89: {  	[tilespmem:$0x2800] =	vst v2  }
0x8a: {  	[tilespmem:$0x2880] =	vst v1  }
0x8b: {  	v1 =	vld [tilespmem:s0+$0xFFFFFFD0];
	_ =	sdelay $0x4  }
0x8c: {  	v2 =	vand.u32 $0x3FFF, v1;
	v1 =	vshrl.u32 v1, $0xE  }
0x8d: {  	[tilespmem:$0x2810] =	vst v2  }
0x8e: {  	[tilespmem:$0x2890] =	vst v1  }
0x8f: {  	v1 =	vld [tilespmem:s0+$0xFFFFFFE0];
	_ =	sdelay $0x4  }
0x90: {  	v2 =	vand.u32 $0x3FFF, v1;
	v1 =	vshrl.u32 v1, $0xE  }
0x91: {  	[tilespmem:$0x2820] =	vst v2  }
0x92: {  	[tilespmem:$0x28A0] =	vst v1  }
0x93: {  	v1 =	vld [tilespmem:s0+$0xFFFFFFF0];
	_ =	sdelay $0x4  }
0x94: {  	v2 =	vand.u32 $0x3FFF, v1;
	v1 =	vshrl.u32 v1, $0xE  }
0x95: {  	[tilespmem:$0x2830] =	vst v2  }
0x96: {  	[tilespmem:$0x28B0] =	vst v1  }
0x97: {  	v1 =	vld [tilespmem:s0+$0x0];
	_ =	sdelay $0x4  }
0x98: {  	v2 =	vand.u32 $0x3FFF, v1;
	v1 =	vshrl.u32 v1, $0xE  }
0x99: {  	[tilespmem:$0x2840] =	vst v2  }
0x9a: {  	[tilespmem:$0x28C0] =	vst v1  }
0x9b: {  	v1 =	vld [tilespmem:s0+$0x10];
	_ =	sdelay $0x4  }
0x9c: {  	v2 =	vand.u32 $0x3FFF, v1;
	v1 =	vshrl.u32 v1, $0xE  }
0x9d: {  	[tilespmem:$0x2850] =	vst v2  }
0x9e: {  	[tilespmem:$0x28D0] =	vst v1  }
0x9f: {  	v1 =	vld [tilespmem:s0+$0x20];
	_ =	sdelay $0x3  }
.Ltmp7:
0xa0: {  	(pc) =	sbr.rel @!p3 .LBB2_8-.Ltmp7, $4  }
0xa1: {  	v2 =	vand.u32 $0x3FFF, v1;
	v1 =	vshrl.u32 v1, $0xE  }
0xa2: {  	[tilespmem:$0x2860] =	vst v2  }
0xa3: {  	[tilespmem:$0x28E0] =	vst v1  }
0xa4: {  	v1 =	vld [tilespmem:s0+$0x30]  }
.LBB2_9:
0xa5: {  	_ =	sdelay $0x3  }
0xa6: {  	v2 =	vand.u32 $0x3FFF, v1  }
0xa7: {  	v1 =	vshrl.u32 v1, $0xE;
	[tilespmem:$0x2870] =	vst v2  }
.Ltmp8:
0xa8: {  	[tilespmem:$0x28F0] =	vst v1;
	(pc) =	sbr.rel .LBB2_14-.Ltmp8, $4  }
0xa9: {  	[spmem:s2] =	stream.indirect.scatter.add.f32 [tilespmem:s22], [sflag:$0x3], $0x80, s23, s20, $0xb8;
	[tilespmem:$0x14780] =	vst v63  }
0xaa: {  	_ =	swait.ge [sflag:s16], $0x4000  }
0xab: {  	[sflag:s16] =	ssyncset.done $0x0  }
0xac: {  	[sflag:s16] =	ssyncadd.s32 $0xFFFFC000  }
.LBB2_10:
.Ltmp9:
0xad: {  	(pc) =	sbr.rel @p3 .LBB2_14-.Ltmp9, $1  }
0xae: {  	_ =	sdelay $0x3  }
0xaf: {  	v1 =	vld [tilespmem:$0x0];
	_ =	sdelay $0x1  }
0xb0: {  	v2 =	vld [tilespmem:$0x10];
	_ =	sdelay $0x1  }
0xb1: {  	v3 =	vld [tilespmem:$0x20]  }
0xb2: {  	v4 =	vand.u32 $0x3FFF, v1  }
0xb3: {  	v62 =	vld [tilespmem:$0x30];
	v1 =	vshrl.u32 v1, $0xE;
	[tilespmem:$0x2800] =	vst v4  }
0xb4: {  	[tilespmem:$0x2880] =	vst v1;
	v1 =	vand.u32 $0x3FFF, v2  }
0xb5: {  	[tilespmem:$0x2810] =	vst v1;
	v1 =	vshrl.u32 v2, $0xE;
	v2 =	vld [tilespmem:$0x40]  }
0xb6: {  	[tilespmem:$0x2890] =	vst v1;
	v1 =	vand.u32 $0x3FFF, v3  }
0xb7: {  	[tilespmem:$0x2820] =	vst v1;
	v1 =	vshrl.u32 v3, $0xE;
	v3 =	vld [tilespmem:$0x50]  }
0xb8: {  	[tilespmem:$0x28A0] =	vst v1;
	v1 =	vand.u32 $0x3FFF, v62  }
0xb9: {  	v63 =	vld [tilespmem:$0x60];
	[tilespmem:$0x2830] =	vst v1;
	v1 =	vshrl.u32 v62, $0xE  }
0xba: {  	[tilespmem:$0x28B0] =	vst v1;
	v1 =	vand.u32 $0x3FFF, v2  }
0xbb: {  	[tilespmem:$0x2840] =	vst v1;
	v1 =	vshrl.u32 v2, $0xE;
	v2 =	vld [tilespmem:$0x70]  }
0xbc: {  	[tilespmem:$0x28C0] =	vst v1;
	v1 =	vand.u32 $0x3FFF, v3  }
0xbd: {  	[tilespmem:$0x2850] =	vst v1;
	v1 =	vshrl.u32 v3, $0xE  }
0xbe: {  	[tilespmem:$0x28D0] =	vst v1;
	v1 =	vand.u32 $0x3FFF, v63  }
0xbf: {  	[tilespmem:$0x2860] =	vst v1;
	v1 =	vshrl.u32 v63, $0xE  }
0xc0: {  	[tilespmem:$0x28E0] =	vst v1;
	v1 =	vand.u32 $0x3FFF, v2  }
0xc1: {  	[tilespmem:$0x2870] =	vst v1;
	v1 =	vshrl.u32 v2, $0xE  }
0xc2: {  	s0 =	simm.s32 $0x2800;
	s26 =	simm.s32 $0xC0;
	p3 =	sle.s32 s25, $0x1;
	[tilespmem:$0x28F0] =	vst v1  }
0xc3: {  	[tilespmem:s22], [sflag:$0x1] =	stream.indirect.gather [hbm4b:s1+s20], $0x80, s0, s20, $0xb8;
	[tilespmem:$0x14780] =	vst v63  }
0xc4: {  	v1 =	vld @!p3 [tilespmem:s26+$0xFFFFFFC0];
	_ =	sdelay $0x4  }
0xc5: {  	v2 =	vand.u32 @!p3 $0x3FFF, v1  }
0xc6: {  	v1 =	vshrl.u32 @!p3 v1, $0xE;
	[tilespmem:$0x2900] =	vst @!p3 v2  }
0xc7: {  	[tilespmem:$0x2980] =	vst @!p3 v1  }
0xc8: {  	v1 =	vld @!p3 [tilespmem:s26+$0xFFFFFFD0];
	_ =	sdelay $0x4  }
0xc9: {  	v2 =	vand.u32 @!p3 $0x3FFF, v1  }
0xca: {  	v1 =	vshrl.u32 @!p3 v1, $0xE;
	[tilespmem:$0x2910] =	vst @!p3 v2  }
0xcb: {  	[tilespmem:$0x2990] =	vst @!p3 v1  }
0xcc: {  	v1 =	vld @!p3 [tilespmem:s26+$0xFFFFFFE0];
	_ =	sdelay $0x4  }
0xcd: {  	v2 =	vand.u32 @!p3 $0x3FFF, v1  }
0xce: {  	v1 =	vshrl.u32 @!p3 v1, $0xE;
	[tilespmem:$0x2920] =	vst @!p3 v2  }
0xcf: {  	[tilespmem:$0x29A0] =	vst @!p3 v1  }
0xd0: {  	v1 =	vld @!p3 [tilespmem:s26+$0xFFFFFFF0];
	_ =	sdelay $0x4  }
0xd1: {  	v2 =	vand.u32 @!p3 $0x3FFF, v1  }
0xd2: {  	v1 =	vshrl.u32 @!p3 v1, $0xE;
	[tilespmem:$0x2930] =	vst @!p3 v2  }
0xd3: {  	[tilespmem:$0x29B0] =	vst @!p3 v1  }
0xd4: {  	v1 =	vld @!p3 [tilespmem:s26+$0x0];
	_ =	sdelay $0x4  }
0xd5: {  	v2 =	vand.u32 @!p3 $0x3FFF, v1  }
0xd6: {  	v1 =	vshrl.u32 @!p3 v1, $0xE;
	[tilespmem:$0x2940] =	vst @!p3 v2  }
0xd7: {  	[tilespmem:$0x29C0] =	vst @!p3 v1  }
0xd8: {  	v1 =	vld @!p3 [tilespmem:s26+$0x10];
	_ =	sdelay $0x4  }
0xd9: {  	v2 =	vand.u32 @!p3 $0x3FFF, v1  }
0xda: {  	v1 =	vshrl.u32 @!p3 v1, $0xE;
	[tilespmem:$0x2950] =	vst @!p3 v2  }
0xdb: {  	[tilespmem:$0x29D0] =	vst @!p3 v1  }
0xdc: {  	v1 =	vld @!p3 [tilespmem:s26+$0x20];
	_ =	sdelay $0x4  }
0xdd: {  	v2 =	vand.u32 @!p3 $0x3FFF, v1  }
0xde: {  	v1 =	vshrl.u32 @!p3 v1, $0xE;
	[tilespmem:$0x2960] =	vst @!p3 v2  }
0xdf: {  	[tilespmem:$0x29E0] =	vst @!p3 v1  }
0xe0: {  	v1 =	vld @!p3 [tilespmem:s26+$0x30];
	_ =	sdelay $0x4  }
0xe1: {  	v2 =	vand.u32 @!p3 $0x3FFF, v1  }
0xe2: {  	p4 =	sle.s32 s25, $0x0;
	s31 =	simm.s32 @!p3 $0x80;
	v1 =	vshrl.u32 @!p3 v1, $0xE;
	[tilespmem:$0x2970] =	vst @!p3 v2  }
0xe3: {  	s4 =	simm.s32 @!p3 $0x2900;
	s5 =	simm.s32 @!p4 $0x1;
	s0 =	simm.s32 @!p3 $0x6A00;
	[tilespmem:$0x29F0] =	vst @!p3 v1  }
0xe4: {  	[tilespmem:s0], [sflag:$0x2] =	stream.indirect.gather @!p3 [hbm4b:s1+s31], $0x80, s4, s31, $0xb8;
	[tilespmem:$0x14780] =	vst v63  }
0xe5: {  	_ =	swait.ge @!p4 [sflag:s5], $0x4000  }
0xe6: {  	s8 =	simm.s32 @!p4 $0x2880;
	s18 =	simm.s32 @!p4 $0x2A00;
	[sflag:s5] =	ssyncset.done @!p4 $0x0  }
0xe7: {  	s19 =	simm.s32 @!p4 $0x4;
	s4 =	simm.s32 @!p4 $0x80;
	[sflag:s5] =	ssyncadd.s32 @!p4 $0xFFFFC000  }
0xe8: {  	[spmem:s2] =	stream.indirect.scatter.add.f32 @!p4 [tilespmem:s18], [sflag:$0x4], $0x80, s8, s4, $0xb8;
	[tilespmem:$0x14780] =	vst v63  }
0xe9: {  	_ =	swait.ge @!p4 [sflag:s19], $0x4000  }
0xea: {  	[sflag:s19] =	ssyncset.done @!p4 $0x0  }
0xeb: {  	p5 =	sle.s32 s25, $0x2;
	[sflag:s19] =	ssyncadd.s32 @!p4 $0xFFFFC000  }
0xec: {  	v1 =	vld @!p5 [tilespmem:s26+$0x40];
	_ =	sdelay $0x4  }
0xed: {  	v2 =	vand.u32 @!p5 $0x3FFF, v1  }
0xee: {  	v1 =	vshrl.u32 @!p5 v1, $0xE;
	[tilespmem:$0x2800] =	vst @!p5 v2  }
0xef: {  	[tilespmem:$0x2880] =	vst @!p5 v1  }
0xf0: {  	v1 =	vld @!p5 [tilespmem:s26+$0x50];
	_ =	sdelay $0x4  }
0xf1: {  	v2 =	vand.u32 @!p5 $0x3FFF, v1  }
0xf2: {  	v1 =	vshrl.u32 @!p5 v1, $0xE;
	[tilespmem:$0x2810] =	vst @!p5 v2  }
0xf3: {  	[tilespmem:$0x2890] =	vst @!p5 v1  }
0xf4: {  	v1 =	vld @!p5 [tilespmem:s26+$0x60];
	_ =	sdelay $0x4  }
0xf5: {  	v2 =	vand.u32 @!p5 $0x3FFF, v1  }
0xf6: {  	v1 =	vshrl.u32 @!p5 v1, $0xE;
	[tilespmem:$0x2820] =	vst @!p5 v2  }
0xf7: {  	[tilespmem:$0x28A0] =	vst @!p5 v1  }
0xf8: {  	v1 =	vld @!p5 [tilespmem:s26+$0x70];
	_ =	sdelay $0x4  }
0xf9: {  	v2 =	vand.u32 @!p5 $0x3FFF, v1  }
0xfa: {  	v1 =	vshrl.u32 @!p5 v1, $0xE;
	[tilespmem:$0x2830] =	vst @!p5 v2  }
0xfb: {  	[tilespmem:$0x28B0] =	vst @!p5 v1  }
0xfc: {  	v1 =	vld @!p5 [tilespmem:s26+$0x80];
	_ =	sdelay $0x4  }
0xfd: {  	v2 =	vand.u32 @!p5 $0x3FFF, v1  }
0xfe: {  	v1 =	vshrl.u32 @!p5 v1, $0xE;
	[tilespmem:$0x2840] =	vst @!p5 v2  }
0xff: {  	[tilespmem:$0x28C0] =	vst @!p5 v1  }
0x100: {  	v1 =	vld @!p5 [tilespmem:s26+$0x90];
	_ =	sdelay $0x4  }
0x101: {  	s21 =	sadd.s32 $0x1, s25;
	v2 =	vand.u32 @!p5 $0x3FFF, v1  }
0x102: {  	s4 =	sshrl.u32 s21, $0x1;
	v1 =	vshrl.u32 @!p5 v1, $0xE;
	[tilespmem:$0x2850] =	vst @!p5 v2  }
0x103: {  	s4 =	smax.u32 s4, $0x1;
	[tilespmem:$0x28D0] =	vst @!p5 v1  }
0x104: {  	s28 =	sadd.s32 $0xFFFFFFFF, s4;
	v1 =	vld @!p5 [tilespmem:s26+$0xA0]  }
0x105: {  	p4 =	sne.s32 s28, $0x0  }
.Ltmp10:
0x106: {  	_ = 	snop;
	(pc) =	sbr.rel @!p4 .LBB2_13-.Ltmp10, $4  }
0x107: {  	_ = 	snop  }
0x108: {  	s29 =	simm.s32 $0x2;
	s30 =	simm.s32 $0xC0  }
0x109: {  	s5 =	simm.s32 @!p5 $0x2800;
	s18 =	simm.s32 @!p5 $0x80;
	s8 =	simm.s32 @!p5 $0x2A00;
	v2 =	vand.u32 @!p5 $0x3FFF, v1  }
0x10a: {  	s21 =	simm.s32 @!p3 $0x2;
	s4 =	simm.s32 @!p3 $0x3;
	s19 =	simm.s32 @!p3 $0x2980;
	v1 =	vshrl.u32 @!p5 v1, $0xE;
	[tilespmem:$0x2860] =	vst @!p5 v2  }
.LBB2_12:
0x10b: {  	s28 =	sadd.s32 $0xFFFFFFFF, s28;
	[tilespmem:$0x28E0] =	vst @!p5 v1;
	s29 =	sadd.s32 $0x2, s29;
	s30 =	sadd.s32 $0x100, s30  }
0x10c: {  	p4 =	sne.s32 s28, $0x0;
	v1 =	vld @!p5 [tilespmem:s26+$0xB0];
	s26 =	smov.u32 s30;
	_ =	sdelay $0x4  }
0x10d: {  	v2 =	vand.u32 @!p5 $0x3FFF, v1;
	v1 =	vshrl.u32 @!p5 v1, $0xE  }
0x10e: {  	[tilespmem:$0x2870] =	vst @!p5 v2  }
0x10f: {  	[tilespmem:$0x28F0] =	vst @!p5 v1  }
0x110: {  	[tilespmem:s8], [sflag:$0x1] =	stream.indirect.gather @!p5 [hbm4b:s1+s18], $0x80, s5, s18, $0xb8;
	[tilespmem:$0x14780] =	vst v63  }
0x111: {  	_ =	swait.ge @!p3 [sflag:s21], $0x4000  }
0x112: {  	[sflag:s21] =	ssyncset.done @!p3 $0x0  }
0x113: {  	[sflag:s21] =	ssyncadd.s32 @!p3 $0xFFFFC000  }
0x114: {  	[spmem:s2] =	stream.indirect.scatter.add.f32 @!p3 [tilespmem:s0], [sflag:$0x3], $0x80, s19, s31, $0xb8;
	[tilespmem:$0x14780] =	vst v63  }
0x115: {  	_ =	swait.ge @!p3 [sflag:s4], $0x4000  }
0x116: {  	s0 =	sadd.s32 $0xFFFFFFFF, s29;
	[sflag:s4] =	ssyncset.done @!p3 $0x0  }
0x117: {  	[sflag:s4] =	ssyncadd.s32 @!p3 $0xFFFFC000;
	p3 =	sge.s32 s0, s25  }
0x118: {  	v1 =	vld @!p3 [tilespmem:s30+$0xFFFFFFC0];
	_ =	sdelay $0x4  }
0x119: {  	v2 =	vand.u32 @!p3 $0x3FFF, v1;
	v1 =	vshrl.u32 @!p3 v1, $0xE  }
0x11a: {  	[tilespmem:$0x2900] =	vst @!p3 v2  }
0x11b: {  	[tilespmem:$0x2980] =	vst @!p3 v1  }
0x11c: {  	v1 =	vld @!p3 [tilespmem:s30+$0xFFFFFFD0];
	_ =	sdelay $0x4  }
0x11d: {  	v2 =	vand.u32 @!p3 $0x3FFF, v1;
	v1 =	vshrl.u32 @!p3 v1, $0xE  }
0x11e: {  	[tilespmem:$0x2910] =	vst @!p3 v2  }
0x11f: {  	[tilespmem:$0x2990] =	vst @!p3 v1  }
0x120: {  	v1 =	vld @!p3 [tilespmem:s30+$0xFFFFFFE0];
	_ =	sdelay $0x4  }
0x121: {  	v2 =	vand.u32 @!p3 $0x3FFF, v1;
	v1 =	vshrl.u32 @!p3 v1, $0xE  }
0x122: {  	[tilespmem:$0x2920] =	vst @!p3 v2  }
0x123: {  	[tilespmem:$0x29A0] =	vst @!p3 v1  }
0x124: {  	v1 =	vld @!p3 [tilespmem:s30+$0xFFFFFFF0];
	_ =	sdelay $0x4  }
0x125: {  	v2 =	vand.u32 @!p3 $0x3FFF, v1;
	v1 =	vshrl.u32 @!p3 v1, $0xE  }
0x126: {  	[tilespmem:$0x2930] =	vst @!p3 v2  }
0x127: {  	[tilespmem:$0x29B0] =	vst @!p3 v1  }
0x128: {  	v1 =	vld @!p3 [tilespmem:s30+$0x0];
	_ =	sdelay $0x4  }
0x129: {  	v2 =	vand.u32 @!p3 $0x3FFF, v1;
	v1 =	vshrl.u32 @!p3 v1, $0xE  }
0x12a: {  	[tilespmem:$0x2940] =	vst @!p3 v2  }
0x12b: {  	[tilespmem:$0x29C0] =	vst @!p3 v1  }
0x12c: {  	v1 =	vld @!p3 [tilespmem:s30+$0x10];
	_ =	sdelay $0x4  }
0x12d: {  	v2 =	vand.u32 @!p3 $0x3FFF, v1;
	v1 =	vshrl.u32 @!p3 v1, $0xE  }
0x12e: {  	[tilespmem:$0x2950] =	vst @!p3 v2  }
0x12f: {  	[tilespmem:$0x29D0] =	vst @!p3 v1  }
0x130: {  	v1 =	vld @!p3 [tilespmem:s30+$0x20];
	_ =	sdelay $0x4  }
0x131: {  	v2 =	vand.u32 @!p3 $0x3FFF, v1;
	v1 =	vshrl.u32 @!p3 v1, $0xE  }
0x132: {  	s0 =	sadd.s32 $0xFFFFFFFE, s29;
	[tilespmem:$0x2960] =	vst @!p3 v2  }
0x133: {  	s31 =	simm.s32 @!p3 $0x80;
	s4 =	simm.s32 @!p3 $0x2900;
	p5 =	sge.s32 s0, s25;
	[tilespmem:$0x29E0] =	vst @!p3 v1  }
0x134: {  	s5 =	simm.s32 @!p5 $0x1;
	v1 =	vld @!p3 [tilespmem:s30+$0x30];
	_ =	sdelay $0x2  }
0x135: {  	s8 =	simm.s32 @!p5 $0x80;
	s18 =	simm.s32 @!p5 $0x2880;
	s19 =	simm.s32 @!p5 $0x2A00  }
0x136: {  	s21 =	simm.s32 @!p5 $0x4  }
0x137: {  	v2 =	vand.u32 @!p3 $0x3FFF, v1;
	v1 =	vshrl.u32 @!p3 v1, $0xE  }
0x138: {  	[tilespmem:$0x2970] =	vst @!p3 v2  }
0x139: {  	s0 =	simm.s32 @!p3 $0x6A00;
	[tilespmem:$0x29F0] =	vst @!p3 v1  }
0x13a: {  	[tilespmem:s0], [sflag:$0x2] =	stream.indirect.gather @!p3 [hbm4b:s1+s31], $0x80, s4, s31, $0xb8;
	[tilespmem:$0x14780] =	vst v63  }
0x13b: {  	_ =	swait.ge @!p5 [sflag:s5], $0x4000  }
0x13c: {  	[sflag:s5] =	ssyncset.done @!p5 $0x0  }
0x13d: {  	[sflag:s5] =	ssyncadd.s32 @!p5 $0xFFFFC000  }
0x13e: {  	[spmem:s2] =	stream.indirect.scatter.add.f32 @!p5 [tilespmem:s19], [sflag:$0x4], $0x80, s18, s8, $0xb8;
	[tilespmem:$0x14780] =	vst v63  }
0x13f: {  	_ =	swait.ge @!p5 [sflag:s21], $0x4000  }
0x140: {  	[sflag:s21] =	ssyncset.done @!p5 $0x0  }
0x141: {  	[sflag:s21] =	ssyncadd.s32 @!p5 $0xFFFFC000;
	p5 =	sge.s32 s29, s25  }
0x142: {  	v1 =	vld @!p5 [tilespmem:s30+$0x40];
	_ =	sdelay $0x4  }
0x143: {  	v2 =	vand.u32 @!p5 $0x3FFF, v1;
	v1 =	vshrl.u32 @!p5 v1, $0xE  }
0x144: {  	[tilespmem:$0x2800] =	vst @!p5 v2  }
0x145: {  	[tilespmem:$0x2880] =	vst @!p5 v1  }
0x146: {  	v1 =	vld @!p5 [tilespmem:s30+$0x50];
	_ =	sdelay $0x4  }
0x147: {  	v2 =	vand.u32 @!p5 $0x3FFF, v1;
	v1 =	vshrl.u32 @!p5 v1, $0xE  }
0x148: {  	[tilespmem:$0x2810] =	vst @!p5 v2  }
0x149: {  	[tilespmem:$0x2890] =	vst @!p5 v1  }
0x14a: {  	v1 =	vld @!p5 [tilespmem:s30+$0x60];
	_ =	sdelay $0x4  }
0x14b: {  	v2 =	vand.u32 @!p5 $0x3FFF, v1;
	v1 =	vshrl.u32 @!p5 v1, $0xE  }
0x14c: {  	[tilespmem:$0x2820] =	vst @!p5 v2  }
0x14d: {  	[tilespmem:$0x28A0] =	vst @!p5 v1  }
0x14e: {  	v1 =	vld @!p5 [tilespmem:s30+$0x70];
	_ =	sdelay $0x4  }
0x14f: {  	v2 =	vand.u32 @!p5 $0x3FFF, v1;
	v1 =	vshrl.u32 @!p5 v1, $0xE  }
0x150: {  	[tilespmem:$0x2830] =	vst @!p5 v2  }
0x151: {  	[tilespmem:$0x28B0] =	vst @!p5 v1  }
0x152: {  	v1 =	vld @!p5 [tilespmem:s30+$0x80];
	_ =	sdelay $0x4  }
0x153: {  	v2 =	vand.u32 @!p5 $0x3FFF, v1;
	v1 =	vshrl.u32 @!p5 v1, $0xE  }
0x154: {  	[tilespmem:$0x2840] =	vst @!p5 v2  }
0x155: {  	[tilespmem:$0x28C0] =	vst @!p5 v1  }
0x156: {  	v1 =	vld @!p5 [tilespmem:s30+$0x90];
	_ =	sdelay $0x4  }
0x157: {  	v2 =	vand.u32 @!p5 $0x3FFF, v1;
	v1 =	vshrl.u32 @!p5 v1, $0xE  }
0x158: {  	[tilespmem:$0x2850] =	vst @!p5 v2  }
0x159: {  	s18 =	simm.s32 @!p5 $0x80;
	s5 =	simm.s32 @!p5 $0x2800;
	s8 =	simm.s32 @!p5 $0x2A00;
	[tilespmem:$0x28D0] =	vst @!p5 v1  }
0x15a: {  	s21 =	simm.s32 @!p3 $0x2;
	v1 =	vld @!p5 [tilespmem:s30+$0xA0];
	_ =	sdelay $0x1  }
.Ltmp11:
0x15b: {  	(pc) =	sbr.rel @p4 .LBB2_12-.Ltmp11, $4  }
0x15c: {  	s19 =	simm.s32 @!p3 $0x2980  }
0x15d: {  	s4 =	simm.s32 @!p3 $0x3  }
0x15e: {  	v2 =	vand.u32 @!p5 $0x3FFF, v1;
	v1 =	vshrl.u32 @!p5 v1, $0xE  }
0x15f: {  	[tilespmem:$0x2860] =	vst @!p5 v2  }
.LBB2_13:
0x160: {  	[tilespmem:$0x28E0] =	vst @!p5 v1  }
0x161: {  	v1 =	vld @!p5 [tilespmem:s26+$0xB0];
	_ =	sdelay $0x4  }
0x162: {  	v2 =	vand.u32 @!p5 $0x3FFF, v1  }
0x163: {  	v1 =	vshrl.u32 @!p5 v1, $0xE;
	[tilespmem:$0x2870] =	vst @!p5 v2  }
0x164: {  	[tilespmem:$0x28F0] =	vst @!p5 v1  }
0x165: {  	[tilespmem:s8], [sflag:$0x1] =	stream.indirect.gather @!p5 [hbm4b:s1+s18], $0x80, s5, s18, $0xb8;
	[tilespmem:$0x14780] =	vst v63  }
0x166: {  	_ =	swait.ge @!p3 [sflag:s21], $0x4000  }
0x167: {  	[sflag:s21] =	ssyncset.done @!p3 $0x0  }
0x168: {  	[sflag:s21] =	ssyncadd.s32 @!p3 $0xFFFFC000  }
0x169: {  	[spmem:s2] =	stream.indirect.scatter.add.f32 @!p3 [tilespmem:s0], [sflag:$0x3], $0x80, s19, s31, $0xb8;
	[tilespmem:$0x14780] =	vst v63  }
0x16a: {  	_ =	swait.ge @!p3 [sflag:s4], $0x4000  }
0x16b: {  	s8 =	simm.s32 $0xAA80;
	[sflag:s4] =	ssyncset.done @!p3 $0x0;
	s19 =	rddreg [dreg:$0x5]  }
0x16c: {  	s5 =	simm.s32 $0xAA00;
	s21 =	rddreg [dreg:$0x6];
	[sflag:s4] =	ssyncadd.s32 @!p3 $0xFFFFC000  }
.LBB2_14:
0x16d: {  	[tilespmem:s5], [sflag:$0x3] =	stream.linear.gather [hbm4b:s10+s3], $0x10, $0x38;
	[tilespmem:$0x14780] =	vst v63  }
0x16e: {  	_ =	swait.ge [sflag:s16], $0x10  }
0x16f: {  	[sflag:s16] =	ssyncset.done $0x0  }
0x170: {  	[sflag:s16] =	ssyncadd.s32 $0xFFFFFFF0  }
0x171: {  	v1 =	vld [tilespmem:$0xAA00];
	_ =	sdelay $0x4  }
0x172: {  	(v2sf) =	vpush v1, $0x0  }
0x173: {  	(v2sf) =	vpush v1, $0x1;
	_ =	sdelay $0xc  }
0x174: {  	[tilespmem:s3], [sflag:$0x3] =	stream.linear.gather [hbm4b:s11+s3], $0x2790, $0x38;
	[tilespmem:$0x14780] =	vst v63  }
0x175: {  	s0 =	spop (v2sf)  }
0x176: {  	s4 =	spop (v2sf)  }
0x177: {  	s4 =	smov.u32 @p1 s0  }
.Ltmp12:
0x178: {  	s0 =	sadd.s32 $0x7F, s4;
	(pc) =	sbr.rel @p2 .LBB2_19-.Ltmp12, $4  }
0x179: {  	s4 =	sshra.s32 s0, $0x1F  }
0x17a: {  	_ =	swait.ge [sflag:s16], $0x2790;
	s4 =	sshrl.u32 s4, $0x19  }
0x17b: {  	[sflag:s16] =	ssyncset.done $0x0;
	s4 =	sadd.s32 s4, s0  }
0x17c: {  	[sflag:s16] =	ssyncadd.s32 $0xFFFFD870;
	p3 =	slt.s32 s0, $0x80;
	s25 =	sshra.s32 s4, $0x7  }
.Ltmp13:
0x17d: {  	(pc) =	sbr.rel @p3 .LBB2_23-.Ltmp13, $2  }
0x17e: {  	_ =	sdelay $0x2  }
0x17f: {  	s0 =	simm.s32 $0x40  }
0x180: {  	v1 =	vld [tilespmem:s0+$0xFFFFFFC0];
	_ =	sdelay $0x4  }
0x181: {  	v2 =	vand.u32 $0x3FFF, v1  }
0x182: {  	v1 =	vshrl.u32 v1, $0xE;
	[tilespmem:$0x2800] =	vst v2  }
0x183: {  	[tilespmem:$0x2880] =	vst v1  }
0x184: {  	v1 =	vld [tilespmem:s0+$0xFFFFFFD0];
	_ =	sdelay $0x4  }
0x185: {  	v2 =	vand.u32 $0x3FFF, v1  }
0x186: {  	v1 =	vshrl.u32 v1, $0xE;
	[tilespmem:$0x2810] =	vst v2  }
0x187: {  	[tilespmem:$0x2890] =	vst v1  }
0x188: {  	v1 =	vld [tilespmem:s0+$0xFFFFFFE0];
	_ =	sdelay $0x4  }
0x189: {  	v2 =	vand.u32 $0x3FFF, v1  }
0x18a: {  	v1 =	vshrl.u32 v1, $0xE;
	[tilespmem:$0x2820] =	vst v2  }
0x18b: {  	[tilespmem:$0x28A0] =	vst v1  }
0x18c: {  	v1 =	vld [tilespmem:s0+$0xFFFFFFF0];
	_ =	sdelay $0x4  }
0x18d: {  	v2 =	vand.u32 $0x3FFF, v1  }
0x18e: {  	v1 =	vshrl.u32 v1, $0xE;
	[tilespmem:$0x2830] =	vst v2  }
0x18f: {  	[tilespmem:$0x28B0] =	vst v1  }
0x190: {  	v1 =	vld [tilespmem:s0+$0x0];
	_ =	sdelay $0x4  }
0x191: {  	v2 =	vand.u32 $0x3FFF, v1  }
0x192: {  	v1 =	vshrl.u32 v1, $0xE;
	[tilespmem:$0x2840] =	vst v2  }
0x193: {  	[tilespmem:$0x28C0] =	vst v1  }
0x194: {  	v1 =	vld [tilespmem:s0+$0x10];
	_ =	sdelay $0x4  }
0x195: {  	v2 =	vand.u32 $0x3FFF, v1  }
0x196: {  	v1 =	vshrl.u32 v1, $0xE;
	[tilespmem:$0x2850] =	vst v2  }
0x197: {  	[tilespmem:$0x28D0] =	vst v1  }
0x198: {  	v1 =	vld [tilespmem:s0+$0x20];
	_ =	sdelay $0x4  }
0x199: {  	v2 =	vand.u32 $0x3FFF, v1  }
0x19a: {  	v1 =	vshrl.u32 v1, $0xE;
	[tilespmem:$0x2860] =	vst v2  }
0x19b: {  	p2 =	seq.s32 s25, $0x1;
	[tilespmem:$0x28E0] =	vst v1  }
.Ltmp14:
0x19c: {  	v1 =	vld [tilespmem:s0+$0x30];
	(pc) =	sbr.rel @p2 .LBB2_18-.Ltmp14, $2  }
0x19d: {  	_ =	sdelay $0x2  }
0x19e: {  	s25 =	sadd.s32 $0xFFFFFFFF, s25  }
.LBB2_17:
0x19f: {  	p2 =	seq.s32 s25, $0x1;
	s25 =	sadd.s32 $0xFFFFFFFF, s25;
	s0 =	sadd.s32 $0x80, s0  }
0x1a0: {  	_ = 	snop  }
0x1a1: {  	v2 =	vand.u32 $0x3FFF, v1;
	v1 =	vshrl.u32 v1, $0xE  }
0x1a2: {  	[tilespmem:$0x2870] =	vst v2  }
0x1a3: {  	[tilespmem:$0x28F0] =	vst v1  }
0x1a4: {  	[spmem:s2] =	stream.indirect.scatter.add.f32 [tilespmem:s22], [sflag:$0x3], $0x80, s23, s20, $0xb8;
	[tilespmem:$0x14780] =	vst v63  }
0x1a5: {  	_ =	swait.ge [sflag:s16], $0x4000  }
0x1a6: {  	[sflag:s16] =	ssyncset.done $0x0  }
0x1a7: {  	[sflag:s16] =	ssyncadd.s32 $0xFFFFC000  }
0x1a8: {  	v1 =	vld [tilespmem:s0+$0xFFFFFFC0];
	_ =	sdelay $0x4  }
0x1a9: {  	v2 =	vand.u32 $0x3FFF, v1;
	v1 =	vshrl.u32 v1, $0xE  }
0x1aa: {  	[tilespmem:$0x2800] =	vst v2  }
0x1ab: {  	[tilespmem:$0x2880] =	vst v1  }
0x1ac: {  	v1 =	vld [tilespmem:s0+$0xFFFFFFD0];
	_ =	sdelay $0x4  }
0x1ad: {  	v2 =	vand.u32 $0x3FFF, v1;
	v1 =	vshrl.u32 v1, $0xE  }
0x1ae: {  	[tilespmem:$0x2810] =	vst v2  }
0x1af: {  	[tilespmem:$0x2890] =	vst v1  }
0x1b0: {  	v1 =	vld [tilespmem:s0+$0xFFFFFFE0];
	_ =	sdelay $0x4  }
0x1b1: {  	v2 =	vand.u32 $0x3FFF, v1;
	v1 =	vshrl.u32 v1, $0xE  }
0x1b2: {  	[tilespmem:$0x2820] =	vst v2  }
0x1b3: {  	[tilespmem:$0x28A0] =	vst v1  }
0x1b4: {  	v1 =	vld [tilespmem:s0+$0xFFFFFFF0];
	_ =	sdelay $0x4  }
0x1b5: {  	v2 =	vand.u32 $0x3FFF, v1;
	v1 =	vshrl.u32 v1, $0xE  }
0x1b6: {  	[tilespmem:$0x2830] =	vst v2  }
0x1b7: {  	[tilespmem:$0x28B0] =	vst v1  }
0x1b8: {  	v1 =	vld [tilespmem:s0+$0x0];
	_ =	sdelay $0x4  }
0x1b9: {  	v2 =	vand.u32 $0x3FFF, v1;
	v1 =	vshrl.u32 v1, $0xE  }
0x1ba: {  	[tilespmem:$0x2840] =	vst v2  }
0x1bb: {  	[tilespmem:$0x28C0] =	vst v1  }
0x1bc: {  	v1 =	vld [tilespmem:s0+$0x10];
	_ =	sdelay $0x4  }
0x1bd: {  	v2 =	vand.u32 $0x3FFF, v1;
	v1 =	vshrl.u32 v1, $0xE  }
0x1be: {  	[tilespmem:$0x2850] =	vst v2  }
0x1bf: {  	[tilespmem:$0x28D0] =	vst v1  }
0x1c0: {  	v1 =	vld [tilespmem:s0+$0x20];
	_ =	sdelay $0x3  }
.Ltmp15:
0x1c1: {  	(pc) =	sbr.rel @!p2 .LBB2_17-.Ltmp15, $4  }
0x1c2: {  	v2 =	vand.u32 $0x3FFF, v1;
	v1 =	vshrl.u32 v1, $0xE  }
0x1c3: {  	[tilespmem:$0x2860] =	vst v2  }
0x1c4: {  	[tilespmem:$0x28E0] =	vst v1  }
0x1c5: {  	v1 =	vld [tilespmem:s0+$0x30]  }
.Ltmp16:
0x1c6: {  	_ = 	snop;
	(pc) =	sbr.rel .LBB2_18-.Ltmp16, $1  }
0x1c7: {  	_ =	sdelay $0x3  }
.LBB2_19:
.Ltmp17:
0x1c8: {  	(pc) =	sbr.rel @p3 .LBB2_23-.Ltmp17, $1  }
0x1c9: {  	_ =	sdelay $0x3  }
0x1ca: {  	v1 =	vld [tilespmem:$0x0];
	_ =	sdelay $0x1  }
0x1cb: {  	v2 =	vld [tilespmem:$0x10];
	_ =	sdelay $0x1  }
0x1cc: {  	v3 =	vld [tilespmem:$0x20]  }
0x1cd: {  	v4 =	vand.u32 $0x3FFF, v1  }
0x1ce: {  	v62 =	vld [tilespmem:$0x30];
	v1 =	vshrl.u32 v1, $0xE;
	[tilespmem:$0x2800] =	vst v4  }
0x1cf: {  	[tilespmem:$0x2880] =	vst v1;
	v1 =	vand.u32 $0x3FFF, v2  }
0x1d0: {  	[tilespmem:$0x2810] =	vst v1;
	v1 =	vshrl.u32 v2, $0xE;
	v2 =	vld [tilespmem:$0x40]  }
0x1d1: {  	[tilespmem:$0x2890] =	vst v1;
	v1 =	vand.u32 $0x3FFF, v3  }
0x1d2: {  	[tilespmem:$0x2820] =	vst v1;
	v1 =	vshrl.u32 v3, $0xE;
	v3 =	vld [tilespmem:$0x50]  }
0x1d3: {  	[tilespmem:$0x28A0] =	vst v1;
	v1 =	vand.u32 $0x3FFF, v62  }
0x1d4: {  	v63 =	vld [tilespmem:$0x60];
	[tilespmem:$0x2830] =	vst v1;
	v1 =	vshrl.u32 v62, $0xE  }
0x1d5: {  	[tilespmem:$0x28B0] =	vst v1;
	v1 =	vand.u32 $0x3FFF, v2  }
0x1d6: {  	[tilespmem:$0x2840] =	vst v1;
	v1 =	vshrl.u32 v2, $0xE;
	v2 =	vld [tilespmem:$0x70]  }
0x1d7: {  	[tilespmem:$0x28C0] =	vst v1;
	v1 =	vand.u32 $0x3FFF, v3  }
0x1d8: {  	[tilespmem:$0x2850] =	vst v1;
	v1 =	vshrl.u32 v3, $0xE  }
0x1d9: {  	[tilespmem:$0x28D0] =	vst v1;
	v1 =	vand.u32 $0x3FFF, v63  }
0x1da: {  	[tilespmem:$0x2860] =	vst v1;
	v1 =	vshrl.u32 v63, $0xE  }
0x1db: {  	[tilespmem:$0x28E0] =	vst v1;
	v1 =	vand.u32 $0x3FFF, v2  }
0x1dc: {  	[tilespmem:$0x2870] =	vst v1;
	v1 =	vshrl.u32 v2, $0xE  }
0x1dd: {  	s0 =	simm.s32 $0x2800;
	s26 =	simm.s32 $0xC0;
	p2 =	sle.s32 s25, $0x1;
	[tilespmem:$0x28F0] =	vst v1  }
0x1de: {  	[tilespmem:s22], [sflag:$0x1] =	stream.indirect.gather [hbm4b:s1+s20], $0x80, s0, s20, $0xb8;
	[tilespmem:$0x14780] =	vst v63  }
0x1df: {  	v1 =	vld @!p2 [tilespmem:s26+$0xFFFFFFC0];
	_ =	sdelay $0x4  }
0x1e0: {  	v2 =	vand.u32 @!p2 $0x3FFF, v1  }
0x1e1: {  	v1 =	vshrl.u32 @!p2 v1, $0xE;
	[tilespmem:$0x2900] =	vst @!p2 v2  }
0x1e2: {  	[tilespmem:$0x2980] =	vst @!p2 v1  }
0x1e3: {  	v1 =	vld @!p2 [tilespmem:s26+$0xFFFFFFD0];
	_ =	sdelay $0x4  }
0x1e4: {  	v2 =	vand.u32 @!p2 $0x3FFF, v1  }
0x1e5: {  	v1 =	vshrl.u32 @!p2 v1, $0xE;
	[tilespmem:$0x2910] =	vst @!p2 v2  }
0x1e6: {  	[tilespmem:$0x2990] =	vst @!p2 v1  }
0x1e7: {  	v1 =	vld @!p2 [tilespmem:s26+$0xFFFFFFE0];
	_ =	sdelay $0x4  }
0x1e8: {  	v2 =	vand.u32 @!p2 $0x3FFF, v1  }
0x1e9: {  	v1 =	vshrl.u32 @!p2 v1, $0xE;
	[tilespmem:$0x2920] =	vst @!p2 v2  }
0x1ea: {  	[tilespmem:$0x29A0] =	vst @!p2 v1  }
0x1eb: {  	v1 =	vld @!p2 [tilespmem:s26+$0xFFFFFFF0];
	_ =	sdelay $0x4  }
0x1ec: {  	v2 =	vand.u32 @!p2 $0x3FFF, v1  }
0x1ed: {  	v1 =	vshrl.u32 @!p2 v1, $0xE;
	[tilespmem:$0x2930] =	vst @!p2 v2  }
0x1ee: {  	[tilespmem:$0x29B0] =	vst @!p2 v1  }
0x1ef: {  	v1 =	vld @!p2 [tilespmem:s26+$0x0];
	_ =	sdelay $0x4  }
0x1f0: {  	v2 =	vand.u32 @!p2 $0x3FFF, v1  }
0x1f1: {  	v1 =	vshrl.u32 @!p2 v1, $0xE;
	[tilespmem:$0x2940] =	vst @!p2 v2  }
0x1f2: {  	[tilespmem:$0x29C0] =	vst @!p2 v1  }
0x1f3: {  	v1 =	vld @!p2 [tilespmem:s26+$0x10];
	_ =	sdelay $0x4  }
0x1f4: {  	v2 =	vand.u32 @!p2 $0x3FFF, v1  }
0x1f5: {  	v1 =	vshrl.u32 @!p2 v1, $0xE;
	[tilespmem:$0x2950] =	vst @!p2 v2  }
0x1f6: {  	[tilespmem:$0x29D0] =	vst @!p2 v1  }
0x1f7: {  	v1 =	vld @!p2 [tilespmem:s26+$0x20];
	_ =	sdelay $0x4  }
0x1f8: {  	v2 =	vand.u32 @!p2 $0x3FFF, v1  }
0x1f9: {  	v1 =	vshrl.u32 @!p2 v1, $0xE;
	[tilespmem:$0x2960] =	vst @!p2 v2  }
0x1fa: {  	[tilespmem:$0x29E0] =	vst @!p2 v1  }
0x1fb: {  	v1 =	vld @!p2 [tilespmem:s26+$0x30];
	_ =	sdelay $0x4  }
0x1fc: {  	v2 =	vand.u32 @!p2 $0x3FFF, v1  }
0x1fd: {  	p3 =	sle.s32 s25, $0x0;
	s31 =	simm.s32 @!p2 $0x80;
	v1 =	vshrl.u32 @!p2 v1, $0xE;
	[tilespmem:$0x2970] =	vst @!p2 v2  }
0x1fe: {  	s4 =	simm.s32 @!p2 $0x2900;
	s5 =	simm.s32 @!p3 $0x1;
	s0 =	simm.s32 @!p2 $0x6A00;
	[tilespmem:$0x29F0] =	vst @!p2 v1  }
0x1ff: {  	[tilespmem:s0], [sflag:$0x2] =	stream.indirect.gather @!p2 [hbm4b:s1+s31], $0x80, s4, s31, $0xb8;
	[tilespmem:$0x14780] =	vst v63  }
0x200: {  	_ =	swait.ge @!p3 [sflag:s5], $0x4000  }
0x201: {  	s8 =	simm.s32 @!p3 $0x2880;
	s18 =	simm.s32 @!p3 $0x2A00;
	[sflag:s5] =	ssyncset.done @!p3 $0x0  }
0x202: {  	s19 =	simm.s32 @!p3 $0x4;
	s4 =	simm.s32 @!p3 $0x80;
	[sflag:s5] =	ssyncadd.s32 @!p3 $0xFFFFC000  }
0x203: {  	[spmem:s2] =	stream.indirect.scatter.add.f32 @!p3 [tilespmem:s18], [sflag:$0x4], $0x80, s8, s4, $0xb8;
	[tilespmem:$0x14780] =	vst v63  }
0x204: {  	_ =	swait.ge @!p3 [sflag:s19], $0x4000  }
0x205: {  	[sflag:s19] =	ssyncset.done @!p3 $0x0  }
0x206: {  	p4 =	sle.s32 s25, $0x2;
	[sflag:s19] =	ssyncadd.s32 @!p3 $0xFFFFC000  }
0x207: {  	v1 =	vld @!p4 [tilespmem:s26+$0x40];
	_ =	sdelay $0x4  }
0x208: {  	v2 =	vand.u32 @!p4 $0x3FFF, v1  }
0x209: {  	v1 =	vshrl.u32 @!p4 v1, $0xE;
	[tilespmem:$0x2800] =	vst @!p4 v2  }
0x20a: {  	[tilespmem:$0x2880] =	vst @!p4 v1  }
0x20b: {  	v1 =	vld @!p4 [tilespmem:s26+$0x50];
	_ =	sdelay $0x4  }
0x20c: {  	v2 =	vand.u32 @!p4 $0x3FFF, v1  }
0x20d: {  	v1 =	vshrl.u32 @!p4 v1, $0xE;
	[tilespmem:$0x2810] =	vst @!p4 v2  }
0x20e: {  	[tilespmem:$0x2890] =	vst @!p4 v1  }
0x20f: {  	v1 =	vld @!p4 [tilespmem:s26+$0x60];
	_ =	sdelay $0x4  }
0x210: {  	v2 =	vand.u32 @!p4 $0x3FFF, v1  }
0x211: {  	v1 =	vshrl.u32 @!p4 v1, $0xE;
	[tilespmem:$0x2820] =	vst @!p4 v2  }
0x212: {  	[tilespmem:$0x28A0] =	vst @!p4 v1  }
0x213: {  	v1 =	vld @!p4 [tilespmem:s26+$0x70];
	_ =	sdelay $0x4  }
0x214: {  	v2 =	vand.u32 @!p4 $0x3FFF, v1  }
0x215: {  	v1 =	vshrl.u32 @!p4 v1, $0xE;
	[tilespmem:$0x2830] =	vst @!p4 v2  }
0x216: {  	[tilespmem:$0x28B0] =	vst @!p4 v1  }
0x217: {  	v1 =	vld @!p4 [tilespmem:s26+$0x80];
	_ =	sdelay $0x4  }
0x218: {  	v2 =	vand.u32 @!p4 $0x3FFF, v1  }
0x219: {  	v1 =	vshrl.u32 @!p4 v1, $0xE;
	[tilespmem:$0x2840] =	vst @!p4 v2  }
0x21a: {  	[tilespmem:$0x28C0] =	vst @!p4 v1  }
0x21b: {  	v1 =	vld @!p4 [tilespmem:s26+$0x90];
	_ =	sdelay $0x4  }
0x21c: {  	s21 =	sadd.s32 $0x1, s25;
	v2 =	vand.u32 @!p4 $0x3FFF, v1  }
0x21d: {  	s4 =	sshrl.u32 s21, $0x1;
	v1 =	vshrl.u32 @!p4 v1, $0xE;
	[tilespmem:$0x2850] =	vst @!p4 v2  }
0x21e: {  	s4 =	smax.u32 s4, $0x1;
	[tilespmem:$0x28D0] =	vst @!p4 v1  }
0x21f: {  	s28 =	sadd.s32 $0xFFFFFFFF, s4;
	v1 =	vld @!p4 [tilespmem:s26+$0xA0]  }
0x220: {  	p3 =	sne.s32 s28, $0x0  }
.Ltmp18:
0x221: {  	_ = 	snop;
	(pc) =	sbr.rel @!p3 .LBB2_22-.Ltmp18, $4  }
0x222: {  	_ = 	snop  }
0x223: {  	s29 =	simm.s32 $0x2;
	s30 =	simm.s32 $0xC0  }
0x224: {  	s5 =	simm.s32 @!p4 $0x2800;
	s18 =	simm.s32 @!p4 $0x80;
	s8 =	simm.s32 @!p4 $0x2A00;
	v2 =	vand.u32 @!p4 $0x3FFF, v1  }
0x225: {  	s21 =	simm.s32 @!p2 $0x2;
	s4 =	simm.s32 @!p2 $0x3;
	s19 =	simm.s32 @!p2 $0x2980;
	v1 =	vshrl.u32 @!p4 v1, $0xE;
	[tilespmem:$0x2860] =	vst @!p4 v2  }
.LBB2_21:
0x226: {  	s28 =	sadd.s32 $0xFFFFFFFF, s28;
	[tilespmem:$0x28E0] =	vst @!p4 v1;
	s29 =	sadd.s32 $0x2, s29;
	s30 =	sadd.s32 $0x100, s30  }
0x227: {  	p3 =	sne.s32 s28, $0x0;
	v1 =	vld @!p4 [tilespmem:s26+$0xB0];
	s26 =	smov.u32 s30;
	_ =	sdelay $0x4  }
0x228: {  	v2 =	vand.u32 @!p4 $0x3FFF, v1;
	v1 =	vshrl.u32 @!p4 v1, $0xE  }
0x229: {  	[tilespmem:$0x2870] =	vst @!p4 v2  }
0x22a: {  	[tilespmem:$0x28F0] =	vst @!p4 v1  }
0x22b: {  	[tilespmem:s8], [sflag:$0x1] =	stream.indirect.gather @!p4 [hbm4b:s1+s18], $0x80, s5, s18, $0xb8;
	[tilespmem:$0x14780] =	vst v63  }
0x22c: {  	_ =	swait.ge @!p2 [sflag:s21], $0x4000  }
0x22d: {  	[sflag:s21] =	ssyncset.done @!p2 $0x0  }
0x22e: {  	[sflag:s21] =	ssyncadd.s32 @!p2 $0xFFFFC000  }
0x22f: {  	[spmem:s2] =	stream.indirect.scatter.add.f32 @!p2 [tilespmem:s0], [sflag:$0x3], $0x80, s19, s31, $0xb8;
	[tilespmem:$0x14780] =	vst v63  }
0x230: {  	_ =	swait.ge @!p2 [sflag:s4], $0x4000  }
0x231: {  	s0 =	sadd.s32 $0xFFFFFFFF, s29;
	[sflag:s4] =	ssyncset.done @!p2 $0x0  }
0x232: {  	[sflag:s4] =	ssyncadd.s32 @!p2 $0xFFFFC000;
	p2 =	sge.s32 s0, s25  }
0x233: {  	v1 =	vld @!p2 [tilespmem:s30+$0xFFFFFFC0];
	_ =	sdelay $0x4  }
0x234: {  	v2 =	vand.u32 @!p2 $0x3FFF, v1;
	v1 =	vshrl.u32 @!p2 v1, $0xE  }
0x235: {  	[tilespmem:$0x2900] =	vst @!p2 v2  }
0x236: {  	[tilespmem:$0x2980] =	vst @!p2 v1  }
0x237: {  	v1 =	vld @!p2 [tilespmem:s30+$0xFFFFFFD0];
	_ =	sdelay $0x4  }
0x238: {  	v2 =	vand.u32 @!p2 $0x3FFF, v1;
	v1 =	vshrl.u32 @!p2 v1, $0xE  }
0x239: {  	[tilespmem:$0x2910] =	vst @!p2 v2  }
0x23a: {  	[tilespmem:$0x2990] =	vst @!p2 v1  }
0x23b: {  	v1 =	vld @!p2 [tilespmem:s30+$0xFFFFFFE0];
	_ =	sdelay $0x4  }
0x23c: {  	v2 =	vand.u32 @!p2 $0x3FFF, v1;
	v1 =	vshrl.u32 @!p2 v1, $0xE  }
0x23d: {  	[tilespmem:$0x2920] =	vst @!p2 v2  }
0x23e: {  	[tilespmem:$0x29A0] =	vst @!p2 v1  }
0x23f: {  	v1 =	vld @!p2 [tilespmem:s30+$0xFFFFFFF0];
	_ =	sdelay $0x4  }
0x240: {  	v2 =	vand.u32 @!p2 $0x3FFF, v1;
	v1 =	vshrl.u32 @!p2 v1, $0xE  }
0x241: {  	[tilespmem:$0x2930] =	vst @!p2 v2  }
0x242: {  	[tilespmem:$0x29B0] =	vst @!p2 v1  }
0x243: {  	v1 =	vld @!p2 [tilespmem:s30+$0x0];
	_ =	sdelay $0x4  }
0x244: {  	v2 =	vand.u32 @!p2 $0x3FFF, v1;
	v1 =	vshrl.u32 @!p2 v1, $0xE  }
0x245: {  	[tilespmem:$0x2940] =	vst @!p2 v2  }
0x246: {  	[tilespmem:$0x29C0] =	vst @!p2 v1  }
0x247: {  	v1 =	vld @!p2 [tilespmem:s30+$0x10];
	_ =	sdelay $0x4  }
0x248: {  	v2 =	vand.u32 @!p2 $0x3FFF, v1;
	v1 =	vshrl.u32 @!p2 v1, $0xE  }
0x249: {  	[tilespmem:$0x2950] =	vst @!p2 v2  }
0x24a: {  	[tilespmem:$0x29D0] =	vst @!p2 v1  }
0x24b: {  	v1 =	vld @!p2 [tilespmem:s30+$0x20];
	_ =	sdelay $0x4  }
0x24c: {  	v2 =	vand.u32 @!p2 $0x3FFF, v1;
	v1 =	vshrl.u32 @!p2 v1, $0xE  }
0x24d: {  	s0 =	sadd.s32 $0xFFFFFFFE, s29;
	[tilespmem:$0x2960] =	vst @!p2 v2  }
0x24e: {  	s31 =	simm.s32 @!p2 $0x80;
	s4 =	simm.s32 @!p2 $0x2900;
	p4 =	sge.s32 s0, s25;
	[tilespmem:$0x29E0] =	vst @!p2 v1  }
0x24f: {  	s5 =	simm.s32 @!p4 $0x1;
	v1 =	vld @!p2 [tilespmem:s30+$0x30];
	_ =	sdelay $0x2  }
0x250: {  	s8 =	simm.s32 @!p4 $0x80;
	s18 =	simm.s32 @!p4 $0x2880;
	s19 =	simm.s32 @!p4 $0x2A00  }
0x251: {  	s21 =	simm.s32 @!p4 $0x4  }
0x252: {  	v2 =	vand.u32 @!p2 $0x3FFF, v1;
	v1 =	vshrl.u32 @!p2 v1, $0xE  }
0x253: {  	[tilespmem:$0x2970] =	vst @!p2 v2  }
0x254: {  	s0 =	simm.s32 @!p2 $0x6A00;
	[tilespmem:$0x29F0] =	vst @!p2 v1  }
0x255: {  	[tilespmem:s0], [sflag:$0x2] =	stream.indirect.gather @!p2 [hbm4b:s1+s31], $0x80, s4, s31, $0xb8;
	[tilespmem:$0x14780] =	vst v63  }
0x256: {  	_ =	swait.ge @!p4 [sflag:s5], $0x4000  }
0x257: {  	[sflag:s5] =	ssyncset.done @!p4 $0x0  }
0x258: {  	[sflag:s5] =	ssyncadd.s32 @!p4 $0xFFFFC000  }
0x259: {  	[spmem:s2] =	stream.indirect.scatter.add.f32 @!p4 [tilespmem:s19], [sflag:$0x4], $0x80, s18, s8, $0xb8;
	[tilespmem:$0x14780] =	vst v63  }
0x25a: {  	_ =	swait.ge @!p4 [sflag:s21], $0x4000  }
0x25b: {  	[sflag:s21] =	ssyncset.done @!p4 $0x0  }
0x25c: {  	[sflag:s21] =	ssyncadd.s32 @!p4 $0xFFFFC000;
	p4 =	sge.s32 s29, s25  }
0x25d: {  	v1 =	vld @!p4 [tilespmem:s30+$0x40];
	_ =	sdelay $0x4  }
0x25e: {  	v2 =	vand.u32 @!p4 $0x3FFF, v1;
	v1 =	vshrl.u32 @!p4 v1, $0xE  }
0x25f: {  	[tilespmem:$0x2800] =	vst @!p4 v2  }
0x260: {  	[tilespmem:$0x2880] =	vst @!p4 v1  }
0x261: {  	v1 =	vld @!p4 [tilespmem:s30+$0x50];
	_ =	sdelay $0x4  }
0x262: {  	v2 =	vand.u32 @!p4 $0x3FFF, v1;
	v1 =	vshrl.u32 @!p4 v1, $0xE  }
0x263: {  	[tilespmem:$0x2810] =	vst @!p4 v2  }
0x264: {  	[tilespmem:$0x2890] =	vst @!p4 v1  }
0x265: {  	v1 =	vld @!p4 [tilespmem:s30+$0x60];
	_ =	sdelay $0x4  }
0x266: {  	v2 =	vand.u32 @!p4 $0x3FFF, v1;
	v1 =	vshrl.u32 @!p4 v1, $0xE  }
0x267: {  	[tilespmem:$0x2820] =	vst @!p4 v2  }
0x268: {  	[tilespmem:$0x28A0] =	vst @!p4 v1  }
0x269: {  	v1 =	vld @!p4 [tilespmem:s30+$0x70];
	_ =	sdelay $0x4  }
0x26a: {  	v2 =	vand.u32 @!p4 $0x3FFF, v1;
	v1 =	vshrl.u32 @!p4 v1, $0xE  }
0x26b: {  	[tilespmem:$0x2830] =	vst @!p4 v2  }
0x26c: {  	[tilespmem:$0x28B0] =	vst @!p4 v1  }
0x26d: {  	v1 =	vld @!p4 [tilespmem:s30+$0x80];
	_ =	sdelay $0x4  }
0x26e: {  	v2 =	vand.u32 @!p4 $0x3FFF, v1;
	v1 =	vshrl.u32 @!p4 v1, $0xE  }
0x26f: {  	[tilespmem:$0x2840] =	vst @!p4 v2  }
0x270: {  	[tilespmem:$0x28C0] =	vst @!p4 v1  }
0x271: {  	v1 =	vld @!p4 [tilespmem:s30+$0x90];
	_ =	sdelay $0x4  }
0x272: {  	v2 =	vand.u32 @!p4 $0x3FFF, v1;
	v1 =	vshrl.u32 @!p4 v1, $0xE  }
0x273: {  	[tilespmem:$0x2850] =	vst @!p4 v2  }
0x274: {  	s18 =	simm.s32 @!p4 $0x80;
	s5 =	simm.s32 @!p4 $0x2800;
	s8 =	simm.s32 @!p4 $0x2A00;
	[tilespmem:$0x28D0] =	vst @!p4 v1  }
0x275: {  	s21 =	simm.s32 @!p2 $0x2;
	v1 =	vld @!p4 [tilespmem:s30+$0xA0];
	_ =	sdelay $0x1  }
.Ltmp19:
0x276: {  	(pc) =	sbr.rel @p3 .LBB2_21-.Ltmp19, $4  }
0x277: {  	s19 =	simm.s32 @!p2 $0x2980  }
0x278: {  	s4 =	simm.s32 @!p2 $0x3  }
0x279: {  	v2 =	vand.u32 @!p4 $0x3FFF, v1;
	v1 =	vshrl.u32 @!p4 v1, $0xE  }
0x27a: {  	[tilespmem:$0x2860] =	vst @!p4 v2  }
.LBB2_22:
0x27b: {  	[tilespmem:$0x28E0] =	vst @!p4 v1  }
0x27c: {  	v1 =	vld @!p4 [tilespmem:s26+$0xB0];
	_ =	sdelay $0x4  }
0x27d: {  	v2 =	vand.u32 @!p4 $0x3FFF, v1  }
0x27e: {  	v1 =	vshrl.u32 @!p4 v1, $0xE;
	[tilespmem:$0x2870] =	vst @!p4 v2  }
0x27f: {  	[tilespmem:$0x28F0] =	vst @!p4 v1  }
0x280: {  	[tilespmem:s8], [sflag:$0x1] =	stream.indirect.gather @!p4 [hbm4b:s1+s18], $0x80, s5, s18, $0xb8;
	[tilespmem:$0x14780] =	vst v63  }
0x281: {  	_ =	swait.ge @!p2 [sflag:s21], $0x4000  }
0x282: {  	[sflag:s21] =	ssyncset.done @!p2 $0x0  }
.Ltmp20:
0x283: {  	[sflag:s21] =	ssyncadd.s32 @!p2 $0xFFFFC000;
	(pc) =	sbr.rel .LBB2_23-.Ltmp20, $4  }
0x284: {  	[spmem:s2] =	stream.indirect.scatter.add.f32 @!p2 [tilespmem:s0], [sflag:$0x3], $0x80, s19, s31, $0xb8;
	[tilespmem:$0x14780] =	vst v63  }
0x285: {  	_ =	swait.ge @!p2 [sflag:s4], $0x4000  }
0x286: {  	s8 =	simm.s32 $0xAA80;
	[sflag:s4] =	ssyncset.done @!p2 $0x0;
	s19 =	rddreg [dreg:$0x5]  }
0x287: {  	s5 =	simm.s32 $0xAA00;
	s21 =	rddreg [dreg:$0x6];
	[sflag:s4] =	ssyncadd.s32 @!p2 $0xFFFFC000  }
.LBB2_24:
0x288: {  	_ =	sfence.sel $0x180000  }
0x289: {  	[bflag:$0x0] =	sbarrier.arrive $0xFFFF  }
0x28a: {  	_ =	strace $0x9000004A  }
0x28b: {  	s0 =	stileid.u32;
	[bflag:$0x2] =	sbarrier.arrive $0xFFFF  }
0x28c: {  	p0 =	sne.s32 s0, $0x0;
	s0 =	rddreg [dreg:$0x4]  }
0x28d: {  	s0 =	sadd.s32 @!p0 $0x100000, s0  }
0x28e: {  	[sflag:s0] =	ssyncadd.tile.s32 @!p0 $0x1;
	_ =	shalt  }
.Lfunc_end2:
_tile_overlayer_lowered:
.L_overlay_start_2:
0x28f: {  	(tag) =	ssettag $0x2  }
0x290: {  	s0 =	rddreg [dreg:$0x0];
	s2 =	stileid.u32  }
0x291: {  	s1 =	rddreg [dreg:$0x1];
	p0 =	sne.s32 s2, $0x0  }
0x292: {  	s3 =	rddreg [dreg:$0x2];
	[bflag:$0x3] =	sbarrier.arrive $0xFFFF;
	s2 =	simm.s32 @!p0 $0x1C03  }
0x293: {  	[timem:s3], [sflag:s2] =	dma.local @!p0 [hbm:s0], s1  }
0x294: {  	s0 =	simm.s32 @!p0 $0x3  }
0x295: {  	_ =	swait.ge @!p0 [sflag:s0], s1  }
0x296: {  	s1 =	ssub.s32 @!p0 $0x0, s1;
	[sflag:s0] =	ssyncset.done @!p0 $0x0  }
0x297: {  	[sflag:s0] =	ssyncadd.s32 @!p0 s1  }
0x298: {  	[bflag:$0x3] =	sbarrier.arrive $0xFFFF  }
0x299: {  	_ =	shalt  }

// kernel: kernel.4.cloned.1.call-start
scs
__scs_entry_jumppad:
0x0: {  	(pc) =	sbr.rel $0x88, $3  }
0x1: {  	(tag) =	ssettag $0x0;
	lr =	simm.s32 $0x1  }
0x2: {  	[smem:$0x3F99] =	sst lr;
	_ =	strace $0xD0000000  }
0x3: {  	_ = 	snop  }
0x4: {  	_ = 	snop  }
0x5: {  	_ = 	snop  }
0x6: {  	_ = 	snop  }
0x7: {  	_ = 	snop  }
__scs_overlays_trampoline_lowered:
0x8: {  	[smem:$0x3FA8] =	sst s0  }
0x9: {  	[smem:$0x3FA9] =	sst s1  }
0xa: {  	[smem:$0x3FAA] =	sst s2  }
0xb: {  	[smem:$0x3FAB] =	sst s3  }
0xc: {  	[smem:$0x3FAC] =	sst s4  }
0xd: {  	[smem:$0x3FAD] =	sst s5  }
0xe: {  	[smem:$0x3FAE] =	sst s6  }
0xf: {  	[smem:$0x3FAF] =	sst s7  }
0x10: {  	[smem:$0x3FB0] =	sst s8  }
0x11: {  	[smem:$0x3FB1] =	sst s9;
	s0 =	simm.s32 @!p0 $0x0  }
0x12: {  	s1 =	sld [smem:$0x3F97];
	s0 =	simm.s32 @p0 $0x1  }
0x13: {  	[smem:$0x3FB2] =	sst s0;
	s0 =	simm.s32 @!p1 $0x0  }
0x14: {  	s2 =	sld [smem:$0x3F96];
	s0 =	simm.s32 @p1 $0x1  }
0x15: {  	[smem:$0x3FB3] =	sst s0;
	s0 =	simm.s32 @!p2 $0x0  }
0x16: {  	s3 =	sld [smem:$0x3FDB];
	s0 =	simm.s32 @p2 $0x1  }
0x17: {  	s4 =	simm.s32 $0x1BF5;
	[smem:$0x3FB5] =	sst s0  }
0x18: {  	s0 =	sld [smem:$0x3F98];
	_ =	swait.ge [sflag:s4], $0x0  }
0x19: {  	s7 =	sld [smem:$0x3F99]  }
0x1a: {  	s8 =	sadd.s32 $0xFFFFE003, lr  }
0x1b: {  	s9 =	sadd.s32 $0xFFFFFEF7, lr;
	s5 =	simm.s32 $0xFFFFFFFF;
	p2 =	slt.u32 s8, $0xFFFFF086  }
0x1c: {  	p1 =	slt.u32 s9, $0xF7A;
	s5 =	simm.s32 @!p2 $0x0  }
0x1d: {  	s5 =	simm.s32 @p1 $0x1;
	p0 =	seq.s32 s7, s2  }
0x1e: {  	s7 =	smul.u32 @!p0 $0xF7A, s2;
	p2 =	seq.s32 @!p0 s5, $0x0  }
0x1f: {  	s9 =	smul.u32 $0xF7A, s1;
	s8 =	simm.s32 @!p0 $0x1BF5;
	p2 =	por !p2, p0  }
0x20: {  	[sflag:s8] =	ssyncset.s32 @!p0 $0xFFFFF086;
	s6 =	sadd.s32 @!p0 s3, s7;
	s7 =	simm.s32 @!p0 $0x108  }
0x21: {  	s3 =	sadd.s32 s3, s9;
	s6 =	sadd.s32 @!p0 $0x88, s6;
	s7 =	simm.s32 @p2 $0x1082  }
0x22: {  	[simem:s7], [sflag:s8] =	dma.local @!p0 [hbm:s6], $0xF7A  }
0x23: {  	s9 =	sor.u32 $0xD0000000, s2;
	s6 =	simm.s32 $0x108;
	_ =	swait.ge @!p0 [sflag:s8], $0x0  }
0x24: {  	s3 =	sadd.s32 $0x88, s3;
	s6 =	simm.s32 @!p1 $0x1082;
	[sflag:s4] =	ssyncset.s32 $0xFFFFF086  }
0x25: {  	[simem:s6], [sflag:s4] =	dma.local [hbm:s3], $0xF7A  }
0x26: {  	[smem:$0x3F99] =	sst s1;
	(tag) =	ssettag s2;
	_ =	strace s9  }
0x27: {  	s1 =	sld [smem:$0x3FA9]  }
0x28: {  	s2 =	sld [smem:$0x3FAA]  }
0x29: {  	s4 =	sld [smem:$0x3FAC]  }
0x2a: {  	p0 =	seq.s32 s5, $0x0;
	s5 =	sld [smem:$0x3FAD]  }
0x2b: {  	s6 =	sld [smem:$0x3FAE]  }
0x2c: {  	s7 =	sld [smem:$0x3FAF]  }
0x2d: {  	s3 =	simm.s32 $0x108;
	s8 =	sld [smem:$0x3FB0]  }
0x2e: {  	s3 =	simm.s32 @!p0 $0x1082;
	s9 =	sld [smem:$0x3FB1]  }
0x2f: {  	lr =	sadd.s32 s0, s3;
	s0 =	sld [smem:$0x3FA8]  }
0x30: {  	s3 =	sld [smem:$0x3FAB]  }
0x31: {  	[smem:$0x3FB4] =	sst s10  }
0x32: {  	s10 =	sld [smem:$0x3FB2];
	_ =	sdelay $0x3  }
0x33: {  	p0 =	seq.s32 s10, $0x1;
	s10 =	sld [smem:$0x3FB4];
	_ =	sdelay $0x3  }
0x34: {  	[smem:$0x3FB4] =	sst s10  }
0x35: {  	s10 =	sld [smem:$0x3FB3];
	_ =	sdelay $0x3  }
0x36: {  	p1 =	seq.s32 s10, $0x1;
	s10 =	sld [smem:$0x3FB4];
	_ =	sdelay $0x3  }
0x37: {  	[smem:$0x3FB4] =	sst s10  }
0x38: {  	s10 =	sld [smem:$0x3FB5]  }
0x39: {  	_ = 	snop;
	(pc) =	sbr.ind lr, $3  }
0x3a: {  	_ = 	snop  }
0x3b: {  	_ = 	snop  }
0x3c: {  	p2 =	seq.s32 s10, $0x1;
	s10 =	sld [smem:$0x3FB4]  }
0x3d: {  	_ =	shalt  }
0x3e: {  	_ =	shalt  }
0x3f: {  	_ =	shalt  }
0x40: {  	_ =	shalt  }
0x41: {  	_ =	shalt  }
0x42: {  	_ =	shalt  }
0x43: {  	_ =	shalt  }
0x44: {  	_ =	shalt  }
0x45: {  	_ =	shalt  }
0x46: {  	_ =	shalt  }
0x47: {  	_ =	shalt  }
0x48: {  	_ =	shalt  }
0x49: {  	_ =	shalt  }
0x4a: {  	_ =	shalt  }
0x4b: {  	_ =	shalt  }
0x4c: {  	_ =	shalt  }
0x4d: {  	_ =	shalt  }
0x4e: {  	_ =	shalt  }
0x4f: {  	_ =	shalt  }
0x50: {  	_ =	shalt  }
0x51: {  	_ =	shalt  }
0x52: {  	_ =	shalt  }
0x53: {  	_ =	shalt  }
0x54: {  	_ =	shalt  }
0x55: {  	_ =	shalt  }
0x56: {  	_ =	shalt  }
0x57: {  	_ =	shalt  }
0x58: {  	_ =	shalt  }
0x59: {  	_ =	shalt  }
0x5a: {  	_ =	shalt  }
0x5b: {  	_ =	shalt  }
0x5c: {  	_ =	shalt  }
0x5d: {  	_ =	shalt  }
0x5e: {  	_ =	shalt  }
0x5f: {  	_ =	shalt  }
0x60: {  	_ =	shalt  }
0x61: {  	_ =	shalt  }
0x62: {  	_ =	shalt  }
0x63: {  	_ =	shalt  }
0x64: {  	_ =	shalt  }
0x65: {  	_ =	shalt  }
0x66: {  	_ =	shalt  }
0x67: {  	_ =	shalt  }
0x68: {  	_ =	shalt  }
0x69: {  	_ =	shalt  }
0x6a: {  	_ =	shalt  }
0x6b: {  	_ =	shalt  }
0x6c: {  	_ =	shalt  }
0x6d: {  	_ =	shalt  }
0x6e: {  	_ =	shalt  }
0x6f: {  	_ =	shalt  }
0x70: {  	_ =	shalt  }
0x71: {  	_ =	shalt  }
0x72: {  	_ =	shalt  }
0x73: {  	_ =	shalt  }
0x74: {  	_ =	shalt  }
0x75: {  	_ =	shalt  }
0x76: {  	_ =	shalt  }
0x77: {  	_ =	shalt  }
0x78: {  	_ =	shalt  }
0x79: {  	_ =	shalt  }
0x7a: {  	_ =	shalt  }
0x7b: {  	_ =	shalt  }
0x7c: {  	_ =	shalt  }
0x7d: {  	_ =	shalt  }
0x7e: {  	_ =	shalt  }
0x7f: {  	_ =	shalt  }
0x80: {  	_ =	shalt  }
0x81: {  	_ =	shalt  }
0x82: {  	_ =	shalt  }
0x83: {  	_ =	shalt  }
0x84: {  	_ =	shalt  }
0x85: {  	_ =	shalt  }
0x86: {  	_ =	shalt  }
0x87: {  	_ =	shalt  }
.Lfunc_end0:
.L_simem_size_0:
called_computation.1_lowered:
.L_overlay_start_0:
0x88: {  	s2 =	sld [smem:$0x3FD9]  }
0x89: {  	s3 =	sld [smem:$0x3FFE];
	_ =	sdelay $0x1  }
0x8a: {  	s1 =	srdreg.scid  }
0x8b: {  	s0 =	sand.u32 $0x1, s1  }
0x8c: {  	s14 =	sshll.u32 s0, $0xA;
	s2 =	sadd.s32 s3, s2  }
0x8d: {  	s2 =	sadd.s32 s2, s14  }
0x8e: {  	[smem:$0x3FC0] =	sst s2  }
0x8f: {  	_ = 	snop  }
0x90: {  	s2 =	sld [smem:$0x3FD0];
	_ =	sdelay $0x2  }
0x91: {  	s15 =	simm.s32 $0xA;
	s4 =	simm.s32 $0x10  }
0x92: {  	[smem:s4], [sflag:s15] =	dma.local [hbm:s2], $0x1  }
0x93: {  	_ =	swait.eq [sflag:s15], $0x1  }
0x94: {  	[sflag:s15] =	ssyncset.done $0x0  }
0x95: {  	s16 =	sld [smem:$0x10];
	[sflag:s15] =	ssyncadd.s32 $0xFFFFFFFF  }
0x96: {  	s17 =	sld [smem:$0x11];
	(tm) =	ssettm $0x1  }
0x97: {  	s18 =	sld [smem:$0x3FFB];
	_ =	sdelay $0x3  }
0x98: {  	_ =	strace s18  }
0x99: {  	s4 =	sld [smem:$0x3FFC];
	_ =	sdelay $0x3  }
0x9a: {  	_ =	strace s4  }
0x9b: {  	s4 =	sld [smem:$0x3FFD];
	_ =	sdelay $0x3  }
0x9c: {  	_ =	strace s4  }
0x9d: {  	_ =	strace $0x8FFFFFFF  }
0x9e: {  	s19 =	sld [smem:$0x3FDB];
	_ =	sdelay $0x1  }
0x9f: {  	s5 =	simm.s32 $_scs_section_size  }
0xa0: {  	s6 =	simm.s32 $_size__tile_overlayer_lowered;
	s7 =	simm.s32 $_tile_overlayer_lowered  }
0xa1: {  	s22 =	simm.s32 $0x1BFF;
	s21 =	sshll.u32 s7, $0x1;
	s4 =	sadd.s32 s5, s19  }
0xa2: {  	s8 =	simm.s32 $0x0;
	s20 =	sshll.u32 s6, $0x1;
	s6 =	sadd.s32 s21, s4  }
0xa3: {  	[timem:s8], [sflag:s22] =	dma.local [hbm:s6], s20  }
0xa4: {  	_ =	swait.ge [sflag:s22], s20  }
0xa5: {  	s5 =	ssub.s32 $0x0, s20;
	[sflag:s22] =	ssyncset.done $0x0  }
0xa6: {  	[sflag:s22] =	ssyncadd.s32 s5;
	_ =	sdelay $0x1  }
0xa7: {  	s23 =	simm.s32 $0x1B8B  }
0xa8: {  	_ =	swait.ge [sflag:s23], $0x1  }
0xa9: {  	[sflag:s23] =	ssyncset.done $0x0  }
0xaa: {  	s25 =	simm.s32 $0x1B8E;
	s24 =	sld [smem:$0x3FFE];
	[sflag:s23] =	ssyncadd.s32 $0xFFFFFFFF  }
0xab: {  	s26 =	simm.s32 $execute0_lowered;
	[smem:$0x3FD2] =	sst s25  }
0xac: {  	s6 =	sshll.u32 s26, $0x1;
	_ =	strace $0x80000046;
	[dreg:$0x1] =	wrdreg $0xFFFFFFFF  }
0xad: {  	s28 =	simm.s32 $_size_execute0_lowered;
	s4 =	sadd.s32 s4, s6;
	[dreg:$0x0] =	wrdreg $0x0  }
0xae: {  	s6 =	sshll.u32 s28, $0x1;
	[dreg:$0x2] =	wrdreg s4  }
0xaf: {  	[dreg:$0x3] =	wrdreg s6  }
0xb0: {  	[dreg:$0x4] =	wrdreg $0xC0  }
0xb1: {  	_ =	task [dreg:s8], $0x5FFFF  }
0xb2: {  	[dreg:$0x1] =	wrdreg $0xFFFFFFFF  }
0xb3: {  	[dreg:$0x0] =	wrdreg $0x60  }
0xb4: {  	[dreg:$0x2] =	wrdreg s17  }
0xb5: {  	[dreg:$0x3] =	wrdreg s16  }
0xb6: {  	[dreg:$0x4] =	wrdreg s24  }
0xb7: {  	[dreg:$0x5] =	wrdreg $0x9  }
0xb8: {  	_ =	task.clear_ibuf [dreg:s8], $0x6FFFF;
	_ =	strace $0x90000046  }
0xb9: {  	s29 =	simm.s32 $0x9;
	_ =	strace $0x80000048  }
0xba: {  	_ =	swait.ge [sflag:s29], $0x1  }
0xbb: {  	[sflag:s29] =	ssyncadd.s32 $0xFFFFFFFF  }
0xbc: {  	_ =	strace $0x90000048  }
0xbd: {  	_ =	sfence  }
0xbe: {  	s30 =	sld [smem:$0x0];
	_ =	sdelay $0x2  }
0xbf: {  	s31 =	sshll.u32 s1, $0xD;
	s1 =	sshrl.u32 s1, $0x2  }
0xc0: {  	s3 =	sand.u32 $0x4000, s31;
	s1 =	sadd.s32 s1, s30  }
0xc1: {  	s0 =	sor.u32 s3, s0;
	s1 =	sshll.u32 s1, $0x11  }
0xc2: {  	s0 =	sor.u32 s1, s0  }
0xc3: {  	s0 =	sadd.s32 $0x8F2B, s0  }
0xc4: {  	[sflag:s0] =	ssyncadd.remote.s32 $0x1  }
0xc5: {  	_ =	sfence.sel $0xFFFF  }
0xc6: {  	[dreg:$0x0] =	wrdreg $0xFFFFFFFF;
	(pc) =	sbr.abs _section_cstart, $3  }
0xc7: {  	[dreg:$0x1] =	wrdreg $0xFFFFFFFF  }
0xc8: {  	_ =	task.clear_ibuf [dreg:s8], $0x2FFFF;
	_ =	strace $0x9FFFFFFF  }
0xc9: {  	(tm) =	ssettm $0x7FFFFFFF  }
tec
execute0_lowered:
.L_overlay_start_1:
0x0: {  	(tag) =	ssettag $0x1  }
0x1: {  	s3 =	rddreg [dreg:$0x0]  }
0x2: {  	s4 =	rddreg [dreg:$0x1]  }
0x3: {  	s5 =	rddreg [dreg:$0x2]  }
0x4: {  	s0 =	rddreg [dreg:$0x3];
	s6 =	srdreg.scid  }
0x5: {  	s1 =	stileid.u32;
	s2 =	simm.s32 $0x0;
	s12 =	simm.s32 $0xA800  }
0x6: {  	s13 =	simm.s32 $0xD000;
	s14 =	simm.s32 $0x0;
	s6 =	sand.u32 $0x1, s6  }
0x7: {  	s7 =	sshll.u32 s1, $0x1;
	[smem:$0x7FF] =	sst s2;
	s8 =	sadd.s32 $0x2800, s5  }
0x8: {  	s7 =	sor.u32 s6, s7;
	_ =	strace $0x80000047;
	s30 =	ssub.s32 $0x2, s6  }
0x9: {  	s9 =	sshll.u32 s7, $0x1;
	s31 =	smul.u32 $0x2790, s7;
	s10 =	sshrl.u32 s30, $0x1  }
0xa: {  	s11 =	sshll.u32 s7, $0xB;
	s7 =	smul.u32 $0x4F2, s7;
	s9 =	sadd.s32 s9, s5  }
0xb: {  	v0 =	vlaneseq.u32;
	s10 =	ssub.s32 s30, s10;
	s3 =	sadd.s32 s3, s11;
	s4 =	sadd.s32 s4, s11  }
0xc: {  	v0 =	vmul.u32 $0x241, v0;
	s11 =	simm.s32 $0x8000;
	s6 =	sshrl.u32 s31, $0x3;
	s5 =	sadd.s32 s8, s7  }
0xd: {  	v1 =	vimm.s32 $0x0;
	s7 =	sadd.s32 $0x16600, s9;
	s9 =	simm.s32 $0x1;
	s6 =	sadd.s32 s8, s6  }
0xe: {  	vm0 =	vcmask $0x300;
	vm1 =	vcmask $0x704;
	v0 =	vor.u32 $0x4E20000, v0;
	s8 =	smax.u32 s10, $0x1;
	s10 =	simm.s32 $0x4000;
	s6 =	sadd.s32 $0x9E40, s6  }
.LBB2_1:
0xf: {  	[tilespmem:s2], [sflag:$0x1] =	stream.linear.gather [hbm4b:s3+s2], $0x3E80, $0x38;
	[tilespmem:$0xD080] =	vst v63  }
0x10: {  	_ =	swait.ge [sflag:s9], $0x3E80  }
0x11: {  	[sflag:s9] =	ssyncset.done $0x0  }
0x12: {  	[sflag:s9] =	ssyncadd.s32 $0xFFFFC180  }
0x13: {  	[tilespmem:s10], [sflag:$0x1] =	stream.linear.gather [hbm4b:s4+s2], $0x3E80, $0x38;
	[tilespmem:$0xD080] =	vst v63  }
0x14: {  	_ =	swait.ge [sflag:s9], $0x3E80  }
0x15: {  	[sflag:s9] =	ssyncset.done $0x0  }
0x16: {  	s15 =	simm.s32 $0x0;
	[sflag:s9] =	ssyncadd.s32 $0xFFFFC180  }
.LBB2_2:
0x17: {  	p0 =	sne.s32 s15, $0x9E00  }
.Ltmp0:
0x18: {  	_ = 	snop;
	(pc) =	sbr.rel @p0 .LBB2_2-.Ltmp0, $4  }
0x19: {  	_ = 	snop  }
0x1a: {  	s16 =	sshra.s32 s15, $0x2  }
0x1b: {  	[tilespmem:s16+$0x8000] =	vst v0  }
0x1c: {  	s15 =	sadd.s32 $0x40, s15;
	[tilespmem:s16+$0xA800] =	vst v0  }
0x1d: {  	s15 =	simm.s32 $0x0  }
0x1e: {  	v2 =	vld [tilespmem:s15+$0x4000];
	_ =	sdelay $0x4  }
0x1f: {  	vm2 =	vlt.s32 v2, $0x1388  }
0x20: {  	vm3 =	vge.s32 v2, $0x1388;
	v3 =	vsel vm2, $0x1, v1  }
0x21: {  	v4 =	vsel vm3, $0x1, v1;
	(xrf0) =	vadd.scan.msk.s32 $0xffff, v3  }
0x22: {  	(xrf0) =	vadd.scan.msk.s32 $0xffff, v4;
	_ =	sdelay $0x3  }
0x23: {  	s16 =	simm.s32 $0x0;
	v3 =	vsel vm2, $0xFFFFFFFF, v1  }
0x24: {  	v36 =	vld [tilespmem:s15+$0x0];
	v5 =	vsel vm3, $0xFFFFFFFF, v1;
	v3 =	vadd.s32 s16, v3;
	v6, _, _ =	vpop (xrf0)  }
0x25: {  	v5 =	vadd.s32 s16, v5;
	v3 =	vadd.s32 v6, v3;
	v7, _, _ =	vpop (xrf0)  }
0x26: {  	v2 =	vshll.u32 v2, $0xE;
	v5 =	vadd.s32 v7, v5  }
0x27: {  	v37 =	vadd.s32 $0xFB1E0000, v2  }
0x28: {  	v2 =	vsel vm2, v2, v37  }
0x29: {  	v2 =	vor.u32 v36, v2  }
0x2a: {  	(v2sf) =	vpush v6, $0xF;
	[tilespmem:v3+s11+$0x0] =	vst.idx.msk vm2, v2  }
0x2b: {  	[tilespmem:v5+s12+$0x0] =	vst.idx.msk vm3, v2  }
0x2c: {  	v2 =	vld [tilespmem:s15+$0x4010];
	_ =	sdelay $0x4  }
0x2d: {  	vm2 =	vlt.s32 v2, $0x1388  }
0x2e: {  	vm3 =	vge.s32 v2, $0x1388;
	v3 =	vsel vm2, $0x1, v1  }
0x2f: {  	v38 =	vsel vm3, $0x1, v1;
	(xrf0) =	vadd.scan.msk.s32 $0xffff, v3  }
0x30: {  	(xrf0) =	vadd.scan.msk.s32 $0xffff, v38;
	_ =	sdelay $0x4  }
0x31: {  	v3 =	vsel vm2, $0xFFFFFFFF, v1;
	s26 =	spop (v2sf);
	v39, _, _ =	vpop (xrf0)  }
0x32: {  	v5 =	vld [tilespmem:s15+$0x10];
	v40 =	vsel vm3, $0xFFFFFFFF, v1;
	s17 =	ssub.s32 $0x0, s26;
	s16 =	sadd.s32 $0x0, s26;
	v3 =	vadd.s32 v3, v39;
	v41, _, _ =	vpop (xrf0)  }
0x33: {  	s18 =	sadd.s32 $0x10, s17;
	v3 =	vadd.s32 s16, v3;
	v6 =	vadd.s32 v40, v41  }
0x34: {  	v2 =	vshll.u32 v2, $0xE;
	v6 =	vadd.s32 s18, v6  }
0x35: {  	v42 =	vadd.s32 $0xFB1E0000, v2  }
0x36: {  	v2 =	vsel vm2, v2, v42  }
0x37: {  	v2 =	vor.u32 v5, v2  }
0x38: {  	(v2sf) =	vpush v39, $0xF;
	[tilespmem:v3+s11+$0x0] =	vst.idx.msk vm2, v2  }
0x39: {  	[tilespmem:v6+s12+$0x0] =	vst.idx.msk vm3, v2  }
0x3a: {  	v2 =	vld [tilespmem:s15+$0x4020];
	_ =	sdelay $0x4  }
0x3b: {  	vm2 =	vlt.s32 v2, $0x1388  }
0x3c: {  	vm3 =	vge.s32 v2, $0x1388;
	v3 =	vsel vm2, $0x1, v1  }
0x3d: {  	v43 =	vsel vm3, $0x1, v1;
	(xrf0) =	vadd.scan.msk.s32 $0xffff, v3  }
0x3e: {  	(xrf0) =	vadd.scan.msk.s32 $0xffff, v43;
	_ =	sdelay $0x4  }
0x3f: {  	s28 =	spop (v2sf);
	v3 =	vsel vm2, $0xFFFFFFFF, v1;
	v44, _, _ =	vpop (xrf0)  }
0x40: {  	v45 =	vld [tilespmem:s15+$0x20];
	v46 =	vsel vm3, $0xFFFFFFFF, v1;
	s16 =	sadd.s32 s16, s28;
	s17 =	ssub.s32 s17, s28;
	v3 =	vadd.s32 v3, v44;
	v47, _, _ =	vpop (xrf0)  }
0x41: {  	s18 =	sadd.s32 $0x20, s17;
	v3 =	vadd.s32 s16, v3;
	v6 =	vadd.s32 v46, v47  }
0x42: {  	v2 =	vshll.u32 v2, $0xE;
	v6 =	vadd.s32 s18, v6  }
0x43: {  	v48 =	vadd.s32 $0xFB1E0000, v2  }
0x44: {  	v2 =	vsel vm2, v2, v48  }
0x45: {  	v2 =	vor.u32 v45, v2  }
0x46: {  	(v2sf) =	vpush v44, $0xF;
	[tilespmem:v3+s11+$0x0] =	vst.idx.msk vm2, v2  }
0x47: {  	[tilespmem:v6+s12+$0x0] =	vst.idx.msk vm3, v2  }
0x48: {  	v2 =	vld [tilespmem:s15+$0x4030];
	_ =	sdelay $0x4  }
0x49: {  	vm2 =	vlt.s32 v2, $0x1388  }
0x4a: {  	vm3 =	vge.s32 v2, $0x1388;
	v3 =	vsel vm2, $0x1, v1  }
0x4b: {  	v49 =	vsel vm3, $0x1, v1;
	(xrf0) =	vadd.scan.msk.s32 $0xffff, v3  }
0x4c: {  	(xrf0) =	vadd.scan.msk.s32 $0xffff, v49;
	_ =	sdelay $0x4  }
0x4d: {  	s29 =	spop (v2sf);
	v3 =	vsel vm2, $0xFFFFFFFF, v1;
	v50, _, _ =	vpop (xrf0)  }
0x4e: {  	v51 =	vld [tilespmem:s15+$0x30];
	v52 =	vsel vm3, $0xFFFFFFFF, v1;
	s16 =	sadd.s32 s16, s29;
	s17 =	ssub.s32 s17, s29;
	v3 =	vadd.s32 v3, v50;
	v53, _, _ =	vpop (xrf0)  }
0x4f: {  	s18 =	sadd.s32 $0x30, s17;
	v3 =	vadd.s32 s16, v3;
	v6 =	vadd.s32 v52, v53  }
0x50: {  	v2 =	vshll.u32 v2, $0xE;
	v6 =	vadd.s32 s18, v6  }
0x51: {  	v54 =	vadd.s32 $0xFB1E0000, v2  }
0x52: {  	v2 =	vsel vm2, v2, v54  }
0x53: {  	v2 =	vor.u32 v51, v2  }
0x54: {  	(v2sf) =	vpush v50, $0xF;
	[tilespmem:v3+s11+$0x0] =	vst.idx.msk vm2, v2  }
0x55: {  	[tilespmem:v6+s12+$0x0] =	vst.idx.msk vm3, v2  }
0x56: {  	v2 =	vld [tilespmem:s15+$0x4040];
	_ =	sdelay $0x4  }
0x57: {  	vm2 =	vlt.s32 v2, $0x1388  }
0x58: {  	vm3 =	vge.s32 v2, $0x1388;
	v3 =	vsel vm2, $0x1, v1  }
0x59: {  	v55 =	vsel vm3, $0x1, v1;
	(xrf0) =	vadd.scan.msk.s32 $0xffff, v3  }
0x5a: {  	(xrf0) =	vadd.scan.msk.s32 $0xffff, v55;
	_ =	sdelay $0x4  }
0x5b: {  	s30 =	spop (v2sf);
	v3 =	vsel vm2, $0xFFFFFFFF, v1;
	v56, _, _ =	vpop (xrf0)  }
0x5c: {  	v57 =	vld [tilespmem:s15+$0x40];
	v58 =	vsel vm3, $0xFFFFFFFF, v1;
	s17 =	ssub.s32 s17, s30;
	s18 =	sadd.s32 s16, s30;
	v3 =	vadd.s32 v3, v56;
	v59, _, _ =	vpop (xrf0);
	(v2sf) =	vpush v56, $0xF  }
0x5d: {  	s31 =	sadd.s32 $0x40, s17;
	v3 =	vadd.s32 s18, v3;
	v60 =	vadd.s32 v58, v59  }
0x5e: {  	v2 =	vshll.u32 v2, $0xE;
	v4 =	vadd.s32 s31, v60  }
0x5f: {  	v61 =	vadd.s32 $0xFB1E0000, v2  }
0x60: {  	v2 =	vsel vm2, v2, v61  }
0x61: {  	v2 =	vor.u32 v57, v2  }
0x62: {  	[tilespmem:v3+s11+$0x0] =	vst.idx.msk vm2, v2  }
0x63: {  	s15 =	simm.s32 $0x80;
	[tilespmem:v4+s12+$0x0] =	vst.idx.msk vm3, v2  }
0x64: {  	v2 =	vld [tilespmem:s15+$0x4000];
	_ =	sdelay $0x4  }
0x65: {  	vm2 =	vlt.s32 v2, $0x1388  }
0x66: {  	v3 =	vshll.u32 v2, $0xE;
	vm3 =	vge.s32 v2, $0x1388;
	v2 =	vsel vm2, $0x1, v1  }
0x67: {  	v62 =	vadd.s32 $0xFB1E0000, v3;
	v63 =	vsel vm3, $0x1, v1;
	(xrf0) =	vadd.scan.msk.s32 $0xffff, v2;
	s19 =	spop (v2sf)  }
0x68: {  	s16 =	simm.s32 $0x400;
	v2 =	vsel vm2, v3, v62;
	(xrf0) =	vadd.scan.msk.s32 $0xffff, v63;
	s18 =	sadd.s32 s18, s19;
	s17 =	ssub.s32 s17, s19  }
.LBB2_4:
0x69: {  	p0 =	sne.s32 s16, $0xF800  }
0x6a: {  	s19 =	sadd.s32 $0x50, s17;
	s17 =	smov.u32 s16;
	s16 =	sadd.s32 $0x200, s16  }
0x6b: {  	_ =	sdelay $0x1  }
0x6c: {  	v3 =	vsel vm2, $0xFFFFFFFF, v1  }
0x6d: {  	v5 =	vsel vm3, $0xFFFFFFFF, v1;
	v3 =	vadd.s32 s18, v3;
	v4 =	vld [tilespmem:s15+$0x0];
	v6, _, _ =	vpop (xrf0)  }
0x6e: {  	v5 =	vadd.s32 s19, v5;
	v3 =	vadd.s32 v6, v3;
	v7, _, _ =	vpop (xrf0);
	(v2sf) =	vpush v6, $0xF  }
0x6f: {  	v5 =	vadd.s32 v7, v5;
	_ =	sdelay $0x2  }
0x70: {  	v2 =	vor.u32 v4, v2  }
0x71: {  	[tilespmem:v3+s11+$0x0] =	vst.idx.msk vm2, v2  }
0x72: {  	[tilespmem:v5+s12+$0x0] =	vst.idx.msk vm3, v2  }
0x73: {  	v2 =	vld [tilespmem:s15+$0x4010];
	_ =	sdelay $0x4  }
0x74: {  	vm2 =	vlt.s32 v2, $0x1388;
	v3 =	vshll.u32 v2, $0xE  }
0x75: {  	vm3 =	vge.s32 v2, $0x1388;
	v2 =	vsel vm2, $0x1, v1;
	v4 =	vadd.s32 $0xFB1E0000, v3  }
0x76: {  	v5 =	vsel vm3, $0x1, v1;
	v3 =	vsel vm2, v3, v4;
	(xrf0) =	vadd.scan.msk.s32 $0xffff, v2  }
0x77: {  	s20 =	spop (v2sf);
	(xrf0) =	vadd.scan.msk.s32 $0xffff, v5  }
0x78: {  	s19 =	ssub.s32 s19, s20;
	_ =	sdelay $0x3  }
0x79: {  	v2 =	vsel vm2, $0xFFFFFFFF, v1;
	v4, _, _ =	vpop (xrf0)  }
0x7a: {  	v6 =	vsel vm3, $0xFFFFFFFF, v1;
	s18 =	sadd.s32 s18, s20;
	v5 =	vld [tilespmem:s15+$0x10];
	v2 =	vadd.s32 v2, v4;
	v7, _, _ =	vpop (xrf0);
	(v2sf) =	vpush v4, $0xF  }
0x7b: {  	s20 =	sadd.s32 $0x10, s19;
	v2 =	vadd.s32 s18, v2;
	v4 =	vadd.s32 v6, v7  }
0x7c: {  	v4 =	vadd.s32 s20, v4;
	_ =	sdelay $0x2  }
0x7d: {  	v3 =	vor.u32 v5, v3  }
0x7e: {  	[tilespmem:v2+s11+$0x0] =	vst.idx.msk vm2, v3  }
0x7f: {  	[tilespmem:v4+s12+$0x0] =	vst.idx.msk vm3, v3  }
0x80: {  	v2 =	vld [tilespmem:s15+$0x4020];
	_ =	sdelay $0x4  }
0x81: {  	vm2 =	vlt.s32 v2, $0x1388;
	v3 =	vshll.u32 v2, $0xE  }
0x82: {  	vm3 =	vge.s32 v2, $0x1388;
	v2 =	vsel vm2, $0x1, v1;
	v4 =	vadd.s32 $0xFB1E0000, v3  }
0x83: {  	v5 =	vsel vm3, $0x1, v1;
	v3 =	vsel vm2, v3, v4;
	s20 =	spop (v2sf);
	(xrf0) =	vadd.scan.msk.s32 $0xffff, v2  }
0x84: {  	s18 =	sadd.s32 s18, s20;
	s19 =	ssub.s32 s19, s20;
	(xrf0) =	vadd.scan.msk.s32 $0xffff, v5;
	_ =	sdelay $0x4  }
0x85: {  	v2 =	vsel vm2, $0xFFFFFFFF, v1;
	v4, _, _ =	vpop (xrf0)  }
0x86: {  	v6 =	vsel vm3, $0xFFFFFFFF, v1;
	v5 =	vld [tilespmem:s15+$0x20];
	v2 =	vadd.s32 v2, v4;
	v7, _, _ =	vpop (xrf0);
	(v2sf) =	vpush v4, $0xF  }
0x87: {  	s20 =	sadd.s32 $0x20, s19;
	v2 =	vadd.s32 s18, v2;
	v4 =	vadd.s32 v6, v7  }
0x88: {  	v4 =	vadd.s32 s20, v4;
	_ =	sdelay $0x2  }
0x89: {  	v3 =	vor.u32 v5, v3  }
0x8a: {  	[tilespmem:v2+s11+$0x0] =	vst.idx.msk vm2, v3  }
0x8b: {  	[tilespmem:v4+s12+$0x0] =	vst.idx.msk vm3, v3  }
0x8c: {  	v2 =	vld [tilespmem:s15+$0x4030]  }
0x8d: {  	v3 =	vld [tilespmem:s15+$0x30];
	_ =	sdelay $0x3  }
0x8e: {  	vm2 =	vlt.s32 v2, $0x1388;
	v4 =	vshll.u32 v2, $0xE  }
0x8f: {  	vm3 =	vge.s32 v2, $0x1388;
	v2 =	vsel vm2, $0x1, v1;
	v5 =	vadd.s32 $0xFB1E0000, v4  }
0x90: {  	v6 =	vsel vm3, $0x1, v1;
	v4 =	vsel vm2, v4, v5;
	s20 =	spop (v2sf);
	(xrf0) =	vadd.scan.msk.s32 $0xffff, v2  }
0x91: {  	s18 =	sadd.s32 s18, s20;
	s19 =	ssub.s32 s19, s20;
	(xrf0) =	vadd.scan.msk.s32 $0xffff, v6;
	_ =	sdelay $0x4  }
0x92: {  	v2 =	vsel vm2, $0xFFFFFFFF, v1;
	v5, _, _ =	vpop (xrf0)  }
0x93: {  	v6 =	vsel vm3, $0xFFFFFFFF, v1;
	v2 =	vadd.s32 v2, v5;
	v7, _, _ =	vpop (xrf0);
	(v2sf) =	vpush v5, $0xF  }
0x94: {  	s20 =	sadd.s32 $0x30, s19;
	v2 =	vadd.s32 s18, v2;
	v5 =	vadd.s32 v6, v7  }
0x95: {  	v5 =	vadd.s32 s20, v5;
	_ =	sdelay $0x2  }
0x96: {  	v3 =	vor.u32 v3, v4  }
0x97: {  	[tilespmem:v2+s11+$0x0] =	vst.idx.msk vm2, v3  }
0x98: {  	[tilespmem:v5+s12+$0x0] =	vst.idx.msk vm3, v3  }
0x99: {  	v2 =	vld [tilespmem:s15+$0x4040]  }
0x9a: {  	v3 =	vld [tilespmem:s15+$0x40];
	_ =	sdelay $0x3  }
0x9b: {  	vm3 =	vlt.s32 v2, $0x1388;
	v4 =	vshll.u32 v2, $0xE  }
0x9c: {  	vm2 =	vge.s32 v2, $0x1388;
	v2 =	vsel vm3, $0x1, v1;
	v5 =	vadd.s32 $0xFB1E0000, v4  }
0x9d: {  	v6 =	vsel vm2, $0x1, v1;
	v4 =	vsel vm3, v4, v5;
	s15 =	spop (v2sf);
	(xrf0) =	vadd.scan.msk.s32 $0xffff, v2  }
0x9e: {  	s19 =	ssub.s32 s19, s15;
	(xrf0) =	vadd.scan.msk.s32 $0xffff, v6;
	_ =	sdelay $0x4  }
0x9f: {  	v2 =	vsel vm3, $0xFFFFFFFF, v1;
	v5, _, _ =	vpop (xrf0)  }
0xa0: {  	s18 =	sadd.s32 s18, s15;
	v6 =	vsel vm2, $0xFFFFFFFF, v1;
	v2 =	vadd.s32 v2, v5;
	v7, _, _ =	vpop (xrf0);
	(v2sf) =	vpush v5, $0xF  }
0xa1: {  	s15 =	sadd.s32 $0x40, s19;
	v2 =	vadd.s32 s18, v2;
	v5 =	vadd.s32 v6, v7  }
0xa2: {  	v5 =	vadd.s32 s15, v5;
	_ =	sdelay $0x2  }
0xa3: {  	v3 =	vor.u32 v3, v4  }
0xa4: {  	[tilespmem:v2+s11+$0x0] =	vst.idx.msk vm3, v3  }
0xa5: {  	s15 =	sshra.s32 s17, $0x2;
	[tilespmem:v5+s12+$0x0] =	vst.idx.msk vm2, v3  }
0xa6: {  	v2 =	vld [tilespmem:s15+$0x4000];
	_ =	sdelay $0x3  }
.Ltmp1:
0xa7: {  	(pc) =	sbr.rel @p0 .LBB2_4-.Ltmp1, $4  }
0xa8: {  	vm2 =	vlt.s32 v2, $0x1388;
	v3 =	vshll.u32 v2, $0xE  }
0xa9: {  	vm3 =	vge.s32 v2, $0x1388;
	v4 =	vsel vm2, $0x1, v1;
	v2 =	vadd.s32 $0xFB1E0000, v3  }
0xaa: {  	v5 =	vsel vm3, $0x1, v1;
	v2 =	vsel vm2, v3, v2;
	(xrf0) =	vadd.scan.msk.s32 $0xffff, v4;
	s17 =	spop (v2sf)  }
0xab: {  	(xrf0) =	vadd.scan.msk.s32 $0xffff, v5;
	s18 =	sadd.s32 s18, s17;
	s17 =	ssub.s32 s19, s17  }
0xac: {  	_ =	sdelay $0x2  }
0xad: {  	v3 =	vsel vm2, $0xFFFFFFFF, v1  }
0xae: {  	s16 =	sadd.s32 $0x50, s17;
	v4 =	vld [tilespmem:s15+$0x0];
	v5 =	vsel vm3, $0xFFFFFFFF, v1;
	v3 =	vadd.s32 s18, v3;
	v6, _, _ =	vpop (xrf0)  }
0xaf: {  	v5 =	vadd.s32 s16, v5;
	v3 =	vadd.s32 v6, v3;
	v7, _, _ =	vpop (xrf0)  }
0xb0: {  	v5 =	vadd.s32 v7, v5;
	_ =	sdelay $0x2  }
0xb1: {  	v2 =	vor.u32 v4, v2  }
0xb2: {  	(v2sf) =	vpush v6, $0xF;
	[tilespmem:v3+s11+$0x0] =	vst.idx.msk vm2, v2  }
0xb3: {  	[tilespmem:v5+s12+$0x0] =	vst.idx.msk vm3, v2  }
0xb4: {  	v2 =	vld [tilespmem:s15+$0x4010];
	_ =	sdelay $0x4  }
0xb5: {  	vm2 =	vlt.s32 v2, $0x1388  }
0xb6: {  	vm3 =	vge.s32 v2, $0x1388;
	v3 =	vsel vm2, $0x1, v1  }
0xb7: {  	v41 =	vsel vm3, $0x1, v1;
	(xrf0) =	vadd.scan.msk.s32 $0xffff, v3  }
0xb8: {  	(xrf0) =	vadd.scan.msk.s32 $0xffff, v41;
	_ =	sdelay $0x4  }
0xb9: {  	v3 =	vsel vm2, $0xFFFFFFFF, v1;
	s22 =	spop (v2sf);
	v42, _, _ =	vpop (xrf0)  }
0xba: {  	v5 =	vld [tilespmem:s15+$0x10];
	v43 =	vsel vm3, $0xFFFFFFFF, v1;
	s16 =	ssub.s32 s16, s22;
	s17 =	sadd.s32 s18, s22;
	v3 =	vadd.s32 v3, v42;
	v44, _, _ =	vpop (xrf0)  }
0xbb: {  	s23 =	sadd.s32 $0x10, s16;
	v3 =	vadd.s32 s17, v3;
	v6 =	vadd.s32 v43, v44  }
0xbc: {  	v2 =	vshll.u32 v2, $0xE;
	v6 =	vadd.s32 s23, v6  }
0xbd: {  	v45 =	vadd.s32 $0xFB1E0000, v2  }
0xbe: {  	v2 =	vsel vm2, v2, v45  }
0xbf: {  	v2 =	vor.u32 v5, v2  }
0xc0: {  	(v2sf) =	vpush v42, $0xF;
	[tilespmem:v3+s11+$0x0] =	vst.idx.msk vm2, v2  }
0xc1: {  	[tilespmem:v6+s12+$0x0] =	vst.idx.msk vm3, v2  }
0xc2: {  	v2 =	vld [tilespmem:s15+$0x4020];
	_ =	sdelay $0x4  }
0xc3: {  	vm2 =	vlt.s32 v2, $0x1388  }
0xc4: {  	vm3 =	vge.s32 v2, $0x1388;
	v3 =	vsel vm2, $0x1, v1  }
0xc5: {  	v46 =	vsel vm3, $0x1, v1;
	(xrf0) =	vadd.scan.msk.s32 $0xffff, v3  }
0xc6: {  	(xrf0) =	vadd.scan.msk.s32 $0xffff, v46;
	_ =	sdelay $0x4  }
0xc7: {  	s24 =	spop (v2sf);
	v3 =	vsel vm2, $0xFFFFFFFF, v1;
	v47, _, _ =	vpop (xrf0)  }
0xc8: {  	v48 =	vld [tilespmem:s15+$0x20];
	v49 =	vsel vm3, $0xFFFFFFFF, v1;
	s17 =	sadd.s32 s17, s24;
	s16 =	ssub.s32 s16, s24;
	v3 =	vadd.s32 v3, v47;
	v50, _, _ =	vpop (xrf0)  }
0xc9: {  	s18 =	sadd.s32 $0x20, s16;
	v3 =	vadd.s32 s17, v3;
	v6 =	vadd.s32 v49, v50  }
0xca: {  	v2 =	vshll.u32 v2, $0xE;
	v6 =	vadd.s32 s18, v6  }
0xcb: {  	v51 =	vadd.s32 $0xFB1E0000, v2  }
0xcc: {  	v2 =	vsel vm2, v2, v51  }
0xcd: {  	v2 =	vor.u32 v48, v2  }
0xce: {  	(v2sf) =	vpush v47, $0xF;
	[tilespmem:v3+s11+$0x0] =	vst.idx.msk vm2, v2  }
0xcf: {  	[tilespmem:v6+s12+$0x0] =	vst.idx.msk vm3, v2  }
0xd0: {  	v2 =	vld [tilespmem:s15+$0x4030];
	_ =	sdelay $0x4  }
0xd1: {  	vm2 =	vlt.s32 v2, $0x1388  }
0xd2: {  	vm3 =	vge.s32 v2, $0x1388;
	v3 =	vsel vm2, $0x1, v1  }
0xd3: {  	v52 =	vsel vm3, $0x1, v1;
	(xrf0) =	vadd.scan.msk.s32 $0xffff, v3  }
0xd4: {  	(xrf0) =	vadd.scan.msk.s32 $0xffff, v52;
	_ =	sdelay $0x4  }
0xd5: {  	s25 =	spop (v2sf);
	v3 =	vsel vm2, $0xFFFFFFFF, v1;
	v53, _, _ =	vpop (xrf0)  }
0xd6: {  	v54 =	vld [tilespmem:s15+$0x30];
	v55 =	vsel vm3, $0xFFFFFFFF, v1;
	s17 =	sadd.s32 s17, s25;
	s16 =	ssub.s32 s16, s25;
	v3 =	vadd.s32 v3, v53;
	v56, _, _ =	vpop (xrf0)  }
0xd7: {  	s18 =	sadd.s32 $0x30, s16;
	v3 =	vadd.s32 s17, v3;
	v6 =	vadd.s32 v55, v56  }
0xd8: {  	v2 =	vshll.u32 v2, $0xE;
	v6 =	vadd.s32 s18, v6  }
0xd9: {  	v57 =	vadd.s32 $0xFB1E0000, v2  }
0xda: {  	v2 =	vsel vm2, v2, v57  }
0xdb: {  	v2 =	vor.u32 v54, v2  }
0xdc: {  	[tilespmem:v3+s11+$0x0] =	vst.idx.msk vm2, v2  }
0xdd: {  	[tilespmem:v6+s12+$0x0] =	vst.idx.msk vm3, v2  }
0xde: {  	v2 =	vld [tilespmem:s15+$0x4040];
	_ =	sdelay $0x3  }
0xdf: {  	(v2sf) =	vpush v53, $0xF  }
0xe0: {  	vm2 =	vlt.s32 v2, $0x1388  }
0xe1: {  	v3 =	vsel vm2, $0x1, v1  }
0xe2: {  	(xrf0) =	vadd.scan.msk.s32 $0xffff, v3;
	_ =	sdelay $0x4  }
0xe3: {  	vm3 =	vge.s32 v2, $0x1388  }
0xe4: {  	v58 =	vsel vm3, $0x1, v1;
	v3, _, _ =	vpop (xrf0)  }
0xe5: {  	(xrf0) =	vadd.scan.msk.s32 $0xffff, v58;
	(v2sf) =	vpush v3, $0xF;
	_ =	sdelay $0x4  }
0xe6: {  	v59 =	vsel vm2, $0xFFFFFFFF, v1;
	s26 =	spop (v2sf)  }
0xe7: {  	v60 =	vld [tilespmem:s15+$0x40];
	v61 =	vsel vm3, $0xFFFFFFFF, v1;
	s28 =	ssub.s32 s16, s26;
	s29 =	sadd.s32 s17, s26;
	v3 =	vadd.s32 v59, v3;
	v62, _, _ =	vpop (xrf0)  }
0xe8: {  	s30 =	sadd.s32 $0x40, s28;
	v3 =	vadd.s32 s29, v3;
	v4 =	vadd.s32 v61, v62  }
0xe9: {  	v2 =	vshll.u32 v2, $0xE;
	v4 =	vadd.s32 s30, v4  }
0xea: {  	v63 =	vadd.s32 $0xFB1E0000, v2  }
0xeb: {  	v2 =	vsel vm2, v2, v63  }
0xec: {  	v2 =	vor.u32 v60, v2  }
0xed: {  	[tilespmem:v3+s11+$0x0] =	vst.idx.msk vm2, v2  }
0xee: {  	[tilespmem:v4+s12+$0x0] =	vst.idx.msk vm3, v2  }
0xef: {  	[hbm4b:s5+s2] =	stream.linear.scatter [tilespmem:s11], [sflag:$0x1], $0x2790, $0x38;
	[tilespmem:$0xD080] =	vst v63  }
0xf0: {  	s31 =	spop (v2sf)  }
0xf1: {  	_ =	swait.ge [sflag:s9], $0x2790  }
0xf2: {  	[sflag:s9] =	ssyncset.done $0x0  }
0xf3: {  	s16 =	sadd.s32 s29, s31;
	[sflag:s9] =	ssyncadd.s32 $0xFFFFD870  }
0xf4: {  	[hbm4b:s6+s2] =	stream.linear.scatter [tilespmem:s12], [sflag:$0x1], $0x2790, $0x38;
	[tilespmem:$0xD080] =	vst v63  }
0xf5: {  	s15 =	ssub.s32 s28, s31;
	v2 =	vmov s16;
	_ =	swait.ge [sflag:s9], $0x2790  }
0xf6: {  	s14 =	sadd.s32 $0x1, s14;
	s15 =	sadd.s32 $0x50, s15;
	v2 =	vnsel vm0, $0x0, v2;
	[sflag:s9] =	ssyncset.done $0x0  }
0xf7: {  	p0 =	sne.s32 s14, s8;
	v2 =	vsel vm1, s15, v2;
	[sflag:s9] =	ssyncadd.s32 $0xFFFFD870  }
.Ltmp2:
0xf8: {  	[tilespmem:$0xD000] =	vst v2;
	(pc) =	sbr.rel @p0 .LBB2_1-.Ltmp2, $4  }
0xf9: {  	[hbm4b:s7+s2] =	stream.linear.scatter [tilespmem:s13], [sflag:$0x1], $0x10, $0x38;
	[tilespmem:$0xD080] =	vst v63  }
0xfa: {  	_ =	swait.ge [sflag:s9], $0x10  }
0xfb: {  	[sflag:s9] =	ssyncset.done $0x0  }
0xfc: {  	[sflag:s9] =	ssyncadd.s32 $0xFFFFFFF0  }
0xfd: {  	_ =	sfence.sel $0x180000  }
0xfe: {  	[bflag:$0x0] =	sbarrier.arrive $0xFFFF  }
0xff: {  	p0 =	sne.s32 s1, $0x0;
	_ =	strace $0x90000047  }
0x100: {  	s0 =	sadd.s32 @!p0 $0x100000, s0;
	[bflag:$0x2] =	sbarrier.arrive $0xFFFF  }
0x101: {  	[sflag:s0] =	ssyncadd.tile.s32 @!p0 $0x1;
	_ =	shalt  }
.Lfunc_end2:
_tile_overlayer_lowered:
.L_overlay_start_2:
0x102: {  	(tag) =	ssettag $0x2  }
0x103: {  	s0 =	rddreg [dreg:$0x0];
	s2 =	stileid.u32  }
0x104: {  	s1 =	rddreg [dreg:$0x1];
	p0 =	sne.s32 s2, $0x0  }
0x105: {  	s3 =	rddreg [dreg:$0x2];
	[bflag:$0x3] =	sbarrier.arrive $0xFFFF;
	s2 =	simm.s32 @!p0 $0x1C01  }
0x106: {  	[timem:s3], [sflag:s2] =	dma.local @!p0 [hbm:s0], s1  }
0x107: {  	s0 =	simm.s32 @!p0 $0x1  }
0x108: {  	_ =	swait.ge @!p0 [sflag:s0], s1  }
0x109: {  	s1 =	ssub.s32 @!p0 $0x0, s1;
	[sflag:s0] =	ssyncset.done @!p0 $0x0  }
0x10a: {  	[sflag:s0] =	ssyncadd.s32 @!p0 s1  }
0x10b: {  	[bflag:$0x3] =	sbarrier.arrive $0xFFFF  }
0x10c: {  	_ =	shalt  }

</sc_bundles>
